<compile_context>
chip_gen: v7x
topology: tpu7x:2x2x1
jax: 0.10.2.dev20260603
libtpu: 0.0.44.dev20260713+nightly
codegen_flags: <defaults>
</compile_context>

<pallas_src>
import functools

import jax
import jax.numpy as jnp
from jax import lax
from jax.experimental import pallas as pl
from jax.experimental.pallas import tpu as pltpu
from jax.experimental.pallas import tpu_sc as plsc

N_NODES = 10000
N_EDGES = 320000
D_FEAT = 128
HIDDEN = 128
N_CLASSES = 16

NC = 2
NS = 16
NW = NC * NS

NP = 10240
RPT = NP // NS
EPW = N_EDGES // NW
K = 80
NCHUNK = EPW // K

KA = 128
NCHUNK_A = 157
EPT_A = NCHUNK_A * KA
HD = D_FEAT // 2

_mesh = plsc.VectorSubcoreMesh(core_axis_name="c", subcore_axis_name="s")


def _copy_row(src2d, row, dst1d, n):
    for j in range(n // 16):
        dst1d[pl.ds(j * 16, 16)] = src2d[row, pl.ds(j * 16, 16)]


def _copy_row_off(src2d, row, dst1d, n, off):
    for j in range(n // 16):
        dst1d[pl.ds(j * 16, 16)] = src2d[row, pl.ds(j * 16, 16)] + off


def _zero_vmem_2d(ref, rows, cols):
    z16 = jnp.zeros((16,), jnp.float32)

    def body(i, carry):
        for j in range(cols // 16):
            ref[i, pl.ds(j * 16, 16)] = z16
        return carry

    lax.fori_loop(0, rows, body, 0)


@functools.partial(
    pl.kernel,
    out_type=jax.ShapeDtypeStruct((NC, NP), jnp.float32),
    mesh=_mesh,
    compiler_params=pltpu.CompilerParams(use_tc_tiling_on_sc=False),
    scratch_types=[
        pltpu.VMEM((NCHUNK, K), jnp.int32),
        pltpu.VMEM((K,), jnp.int32),
        pltpu.VMEM((K,), jnp.float32),
        pltpu.VMEM((RPT,), jnp.float32),
        pltpu.VMEM_SHARED((NP,), jnp.float32),
    ],
)
def _deg_kernel(dst_hbm, out_hbm, idxd, db, ones_buf, zstage, acc):
    c = lax.axis_index("c")
    s = lax.axis_index("s")
    wid = c * NS + s
    r0 = s * RPT

    one16 = jnp.ones((16,), jnp.float32)
    z16 = jnp.zeros((16,), jnp.float32)
    for j in range(K // 16):
        ones_buf[pl.ds(j * 16, 16)] = one16

    def zb(i, carry):
        zstage[pl.ds(i * 16, 16)] = z16
        return carry

    lax.fori_loop(0, RPT // 16, zb, 0)
    pltpu.sync_copy(dst_hbm.at[wid], idxd)
    pltpu.sync_copy(zstage, acc.at[pl.ds(r0, RPT)])
    plsc.subcore_barrier()

    def body(g, carry):
        _copy_row(idxd, g, db, K)
        pltpu.sync_copy(ones_buf, acc.at[db], add=True)
        return carry

    lax.fori_loop(0, NCHUNK, body, 0)
    plsc.subcore_barrier()
    pltpu.sync_copy(acc.at[pl.ds(r0, RPT)], out_hbm.at[c, pl.ds(r0, RPT)])


_NBUF_A = 4
_NITER_A = (NCHUNK_A - _NBUF_A) // _NBUF_A
_REM_A = NCHUNK_A - _NITER_A * _NBUF_A - _NBUF_A

_scratch_a = [
    pltpu.VMEM((NCHUNK_A, KA), jnp.int32),
    pltpu.VMEM((NCHUNK_A, KA), jnp.int32),
]
_scratch_a += [pltpu.VMEM((KA,), jnp.int32) for _ in range(_NBUF_A)]
_scratch_a += [pltpu.VMEM((KA,), jnp.int32) for _ in range(_NBUF_A)]
_scratch_a += [pltpu.VMEM((KA, HD), jnp.float32) for _ in range(_NBUF_A)]
_scratch_a += [
    pltpu.VMEM((8, HD), jnp.float32),
    pltpu.VMEM_SHARED((NP, HD), jnp.float32),
]
_scratch_a += [pltpu.SemaphoreType.DMA for _ in range(2 * _NBUF_A)]


@functools.partial(
    pl.kernel,
    out_type=jax.ShapeDtypeStruct((NC, NP, HD), jnp.float32),
    mesh=_mesh,
    compiler_params=pltpu.CompilerParams(use_tc_tiling_on_sc=False),
    scratch_types=_scratch_a,
)
def _agg128(srcp_hbm, dstp_hbm, u_hbm, out_hbm, idxs, idxd, *rest):
    nbuf = _NBUF_A
    sb = rest[:nbuf]
    db = rest[nbuf:2 * nbuf]
    rows = rest[2 * nbuf:3 * nbuf]
    zbuf = rest[3 * nbuf]
    acc = rest[3 * nbuf + 1]
    semg = rest[3 * nbuf + 2:3 * nbuf + 2 + nbuf]
    sems = rest[3 * nbuf + 2 + nbuf:]

    c = lax.axis_index("c")
    s = lax.axis_index("s")
    r0 = s * RPT
    uoff = c * NP

    pltpu.sync_copy(srcp_hbm.at[s], idxs)
    pltpu.sync_copy(dstp_hbm.at[s], idxd)
    _zero_vmem_2d(zbuf, 8, HD)

    def zinit(j, carry):
        pltpu.sync_copy(zbuf, acc.at[pl.ds(r0 + j * 8, 8), :])
        return carry

    lax.fori_loop(0, RPT // 8, zinit, 0)
    plsc.subcore_barrier()

    def gather(b):
        pltpu.async_copy(u_hbm.at[sb[b]], rows[b], semg[b])

    def wait_gather(b):
        pltpu.make_async_copy(u_hbm.at[sb[b]], rows[b], semg[b]).wait()

    def scatter(b):
        pltpu.async_copy(rows[b], acc.at[db[b]], sems[b], add=True)

    def wait_scatter(b):
        pltpu.make_async_copy(rows[b], acc.at[db[b]], sems[b]).wait()

    for b in range(nbuf):
        _copy_row_off(idxs, b, sb[b], KA, uoff)
        _copy_row(idxd, b, db[b], KA)
        gather(b)

    def body(g, carry):
        c0 = nbuf * g
        for b in range(nbuf):
            wait_gather(b)
            scatter(b)
        for b in range(nbuf):
            wait_scatter(b)
            _copy_row_off(idxs, c0 + nbuf + b, sb[b], KA, uoff)
            _copy_row(idxd, c0 + nbuf + b, db[b], KA)
            gather(b)
        return carry

    lax.fori_loop(0, _NITER_A, body, 0)

    for b in range(nbuf):
        wait_gather(b)
        scatter(b)
    for b in range(nbuf):
        wait_scatter(b)
    for t in range(_REM_A):
        cc = _NITER_A * nbuf + nbuf + t
        _copy_row_off(idxs, cc, sb[0], KA, uoff)
        _copy_row(idxd, cc, db[0], KA)
        pltpu.sync_copy(u_hbm.at[sb[0]], rows[0])
        pltpu.sync_copy(rows[0], acc.at[db[0]], add=True)

    plsc.subcore_barrier()
    pltpu.sync_copy(acc.at[pl.ds(r0, RPT), :],
                    out_hbm.at[c, pl.ds(r0, RPT), :])


def _make_agg_kernel(d, nbuf):
    niter = (NCHUNK - nbuf) // nbuf
    rem = NCHUNK - niter * nbuf - nbuf

    scratch = [
        pltpu.VMEM((NCHUNK, K), jnp.int32),
        pltpu.VMEM((NCHUNK, K), jnp.int32),
    ]
    scratch += [pltpu.VMEM((K,), jnp.int32) for _ in range(nbuf)]
    scratch += [pltpu.VMEM((K,), jnp.int32) for _ in range(nbuf)]
    scratch += [pltpu.VMEM((K, d), jnp.float32) for _ in range(nbuf)]
    scratch += [
        pltpu.VMEM((8, d), jnp.float32),
        pltpu.VMEM_SHARED((NP, d), jnp.float32),
    ]
    scratch += [pltpu.SemaphoreType.DMA for _ in range(2 * nbuf)]

    @functools.partial(
        pl.kernel,
        out_type=jax.ShapeDtypeStruct((NC, NP, d), jnp.float32),
        mesh=_mesh,
        compiler_params=pltpu.CompilerParams(use_tc_tiling_on_sc=False),
        scratch_types=scratch,
    )
    def agg(src_hbm, dst_hbm, u_hbm, out_hbm, idxs, idxd, *rest):
        sb = rest[:nbuf]
        db = rest[nbuf:2 * nbuf]
        rows = rest[2 * nbuf:3 * nbuf]
        zbuf = rest[3 * nbuf]
        acc = rest[3 * nbuf + 1]
        semg = rest[3 * nbuf + 2:3 * nbuf + 2 + nbuf]
        sems = rest[3 * nbuf + 2 + nbuf:]

        c = lax.axis_index("c")
        s = lax.axis_index("s")
        wid = c * NS + s
        r0 = s * RPT

        pltpu.sync_copy(src_hbm.at[wid], idxs)
        pltpu.sync_copy(dst_hbm.at[wid], idxd)
        _zero_vmem_2d(zbuf, 8, d)

        def zinit(j, carry):
            pltpu.sync_copy(zbuf, acc.at[pl.ds(r0 + j * 8, 8), :])
            return carry

        lax.fori_loop(0, RPT // 8, zinit, 0)
        plsc.subcore_barrier()

        def gather(b, chunk):
            pltpu.async_copy(u_hbm.at[sb[b]], rows[b], semg[b])

        def wait_gather(b):
            pltpu.make_async_copy(u_hbm.at[sb[b]], rows[b], semg[b]).wait()

        def scatter(b):
            pltpu.async_copy(rows[b], acc.at[db[b]], sems[b], add=True)

        def wait_scatter(b):
            pltpu.make_async_copy(rows[b], acc.at[db[b]], sems[b]).wait()

        for b in range(nbuf):
            _copy_row(idxs, b, sb[b], K)
            _copy_row(idxd, b, db[b], K)
            gather(b, b)

        def body(g, carry):
            c0 = nbuf * g
            for b in range(nbuf):
                wait_gather(b)
                scatter(b)
            for b in range(nbuf):
                wait_scatter(b)
                _copy_row(idxs, c0 + nbuf + b, sb[b], K)
                _copy_row(idxd, c0 + nbuf + b, db[b], K)
                gather(b, c0 + nbuf + b)
            return carry

        lax.fori_loop(0, niter, body, 0)

        for b in range(nbuf):
            wait_gather(b)
            scatter(b)
        for b in range(nbuf):
            wait_scatter(b)
        for t in range(rem):
            cc = niter * nbuf + nbuf + t
            _copy_row(idxs, cc, sb[0], K)
            _copy_row(idxd, cc, db[0], K)
            pltpu.sync_copy(u_hbm.at[sb[0]], rows[0])
            pltpu.sync_copy(rows[0], acc.at[db[0]], add=True)

        plsc.subcore_barrier()
        pltpu.sync_copy(acc.at[pl.ds(r0, RPT), :],
                        out_hbm.at[c, pl.ds(r0, RPT), :])

    return agg


_agg16 = _make_agg_kernel(N_CLASSES, 4)


_R = 1024


def _u1_body(x_ref, w_ref, d0_ref, d1_ref, u_ref, dis_ref):
    deg = d0_ref[...] + d1_ref[...] + 1.0
    dis = lax.rsqrt(deg)
    h = jnp.dot(x_ref[...], w_ref[...], preferred_element_type=jnp.float32)
    u = h * dis
    u_ref[0] = u[:, :HD]
    u_ref[1] = u[:, HD:]
    dis_ref[...] = dis


def _u1_call(x, w1, deg0, deg1):
    grid = (NP // _R,)
    return pl.pallas_call(
        _u1_body,
        grid=grid,
        in_specs=[
            pl.BlockSpec((_R, D_FEAT), lambda i: (i, 0)),
            pl.BlockSpec((D_FEAT, HIDDEN), lambda i: (0, 0)),
            pl.BlockSpec((_R, 1), lambda i: (i, 0)),
            pl.BlockSpec((_R, 1), lambda i: (i, 0)),
        ],
        out_specs=[
            pl.BlockSpec((2, _R, HD), lambda i: (0, i, 0)),
            pl.BlockSpec((_R, 1), lambda i: (i, 0)),
        ],
        out_shape=[
            jax.ShapeDtypeStruct((2, NP, HD), jnp.float32),
            jax.ShapeDtypeStruct((NP, 1), jnp.float32),
        ],
    )(x, w1, deg0, deg1)


def _mid_body(s1_ref, u1_ref, dis_ref, b1_ref, w2_ref, u2_ref):
    dis = dis_ref[...]
    zlo = jnp.maximum(
        (s1_ref[0] + u1_ref[0]) * dis + b1_ref[:, :HD], 0.0)
    zhi = jnp.maximum(
        (s1_ref[1] + u1_ref[1]) * dis + b1_ref[:, HD:], 0.0)
    h2 = (jnp.dot(zlo, w2_ref[:HD], preferred_element_type=jnp.float32)
          + jnp.dot(zhi, w2_ref[HD:], preferred_element_type=jnp.float32))
    u2_ref[...] = h2 * dis


def _mid_call(s1, u1, dis, b1, w2):
    grid = (NP // _R,)
    return pl.pallas_call(
        _mid_body,
        grid=grid,
        in_specs=[
            pl.BlockSpec((NC, _R, HD), lambda i: (0, i, 0)),
            pl.BlockSpec((2, _R, HD), lambda i: (0, i, 0)),
            pl.BlockSpec((_R, 1), lambda i: (i, 0)),
            pl.BlockSpec((1, HIDDEN), lambda i: (0, 0)),
            pl.BlockSpec((HIDDEN, N_CLASSES), lambda i: (0, 0)),
        ],
        out_specs=pl.BlockSpec((_R, N_CLASSES), lambda i: (i, 0)),
        out_shape=jax.ShapeDtypeStruct((NP, N_CLASSES), jnp.float32),
    )(s1, u1, dis, b1, w2)


def _out_body(s2_ref, u2_ref, dis_ref, b2_ref, o_ref):
    logit = (s2_ref[0] + s2_ref[1] + u2_ref[...]) * dis_ref[...] + b2_ref[...]
    m = jnp.max(logit, axis=1, keepdims=True)
    e = jnp.exp(logit - m)
    lse = jnp.log(jnp.sum(e, axis=1, keepdims=True)) + m
    o_ref[...] = logit - lse


def _out_call(s2, u2, dis, b2):
    grid = (NP // _R,)
    return pl.pallas_call(
        _out_body,
        grid=grid,
        in_specs=[
            pl.BlockSpec((NC, _R, N_CLASSES), lambda i: (0, i, 0)),
            pl.BlockSpec((_R, N_CLASSES), lambda i: (i, 0)),
            pl.BlockSpec((_R, 1), lambda i: (i, 0)),
            pl.BlockSpec((1, N_CLASSES), lambda i: (0, 0)),
        ],
        out_specs=pl.BlockSpec((_R, N_CLASSES), lambda i: (i, 0)),
        out_shape=jax.ShapeDtypeStruct((NP, N_CLASSES), jnp.float32),
    )(s2, u2, dis, b2)


@jax.jit
def kernel(x, edge_index, W1, b1, W2, b2):
    src = edge_index[0].astype(jnp.int32)
    dst = edge_index[1].astype(jnp.int32)
    src32 = src.reshape(NW, NCHUNK, K)
    dst32 = dst.reshape(NW, NCHUNK, K)
    pad = ((0, 0), (0, EPT_A - N_EDGES // NS))
    srcp = jnp.pad(src.reshape(NS, -1), pad,
                   constant_values=NP - 1).reshape(NS, NCHUNK_A, KA)
    dstp = jnp.pad(dst.reshape(NS, -1), pad,
                   constant_values=NP - 1).reshape(NS, NCHUNK_A, KA)

    x_pad = jnp.zeros((NP, D_FEAT), jnp.float32).at[:N_NODES].set(x)

    degp = _deg_kernel(dst32)
    deg0 = degp[0][:, None]
    deg1 = degp[1][:, None]

    u1, dis = _u1_call(x_pad, W1, deg0, deg1)
    s1 = _agg128(srcp, dstp, u1.reshape(2 * NP, HD))
    u2 = _mid_call(s1, u1, dis, b1[None, :], W2)
    s2 = _agg16(src32, dst32, u2)
    out = _out_call(s2, u2, dis, b2[None, :])
    return out[:N_NODES]

# --- scband reference (transcript-rebuilt; emitter-appended) ---
"""Pipeline reference for scband-gcn-net-27908697489840 (READ-ONLY COPY).

The authoritative reference and input builder live on the scoring server;
editing this copy changes nothing except your own understanding.
"""

import jax, jax.numpy as jnp
import numpy as np

N_NODES = 10000
N_EDGES = 320000
D_FEAT = 128
HIDDEN = 128
N_CLASSES = 16


def _glorot(key, shape):
    lim = jnp.sqrt(6.0 / (shape[0] + shape[1]))
    return jax.random.uniform(key, shape, dtype=jnp.float32, minval=-lim, maxval=lim)


def setup_inputs(seed: int = 0) -> dict:
    key = jax.random.key(seed)
    k1, k2, k3, k4 = jax.random.split(key, 4)
    x = jax.random.normal(k1, (N_NODES, D_FEAT), dtype=jnp.float32)
    edge_index = jax.random.randint(k2, (2, N_EDGES), 0, N_NODES, dtype=jnp.int64 if jax.config.jax_enable_x64 else jnp.int32)
    W1 = _glorot(k3, (D_FEAT, HIDDEN))
    b1 = jnp.zeros((HIDDEN,), dtype=jnp.float32)
    W2 = _glorot(k4, (HIDDEN, N_CLASSES))
    b2 = jnp.zeros((N_CLASSES,), dtype=jnp.float32)
    return {"x": x, "edge_index": edge_index, "W1": W1, "b1": b1, "W2": W2, "b2": b2}


def _gcn_conv(x, edge_index, W, b):
    # GCNConv: out = D^{-1/2} (A + I) D^{-1/2} X W + b  (self-loops added)
    N = x.shape[0]
    self_loop = jnp.arange(N, dtype=edge_index.dtype)
    src = jnp.concatenate([edge_index[0], self_loop])
    dst = jnp.concatenate([edge_index[1], self_loop])
    deg = jnp.zeros((N,), dtype=x.dtype).at[dst].add(1.0)
    deg_inv_sqrt = jnp.where(deg > 0, jax.lax.rsqrt(jnp.maximum(deg, 1e-12)), 0.0)
    norm = deg_inv_sqrt[src] * deg_inv_sqrt[dst]
    h = x @ W
    msg = jnp.take(h, src, axis=0) * norm[:, None]
    out = jax.ops.segment_sum(msg, dst, num_segments=N)
    return out + b


def reference(x, edge_index, W1, b1, W2, b2):
    h = _gcn_conv(x, edge_index, W1, b1)
    h = jax.nn.relu(h)
    # dropout is identity in eval mode
    h = _gcn_conv(h, edge_index, W2, b2)
    return jax.nn.log_softmax(h, axis=1)

if __name__ == "__main__":
    import jax
    _d = setup_inputs()
    print(jax.jit(kernel)(*tuple(_d.values())))

</pallas_src>

<mosaic_0001>
#map = affine_map<(d0, d1) -> (0, 0, 0)>
#map1 = affine_map<(d0, d1) -> (0, 0)>
module attributes {stable_mosaic.version = 14 : i64} {
  func.func @_deg_kernel(%arg0: i32, %arg1: i32, %arg2: memref<32x125x80xi32, #tpu.memory_space<hbm>>, %arg3: memref<2x10240xf32, #tpu.memory_space<hbm>>, %arg4: memref<125x80xi32, #tpu.memory_space<vmem>>, %arg5: memref<80xi32, #tpu.memory_space<vmem>>, %arg6: memref<80xf32, #tpu.memory_space<vmem>>, %arg7: memref<640xf32, #tpu.memory_space<vmem>>, %arg8: memref<10240xf32, #tpu.memory_space<vmem_shared>>) attributes {dimension_semantics = [#tpu.dimension_semantics<core_parallel>, #tpu.dimension_semantics<subcore_parallel>], iteration_bounds = array<i64: 2, 16>, scalar_prefetch = 0 : i64, scratch_operands = 5 : i64, tpu.core_type = #tpu.core_type<sc_vector_subcore>, window_params = [{transform_indices = #map}, {transform_indices = #map1}]} {
    %mul3A = arith.constant 16 : i32
    %mul3A_0 = arith.muli %arg0, %mul3A : i32
    %add3A = arith.addi %mul3A_0, %arg1 : i32
    %mul3A_1 = arith.constant 640 : i32
    %mul3A_2 = arith.muli %arg1, %mul3A_1 : i32
    %broadcast_in_dim3A = arith.constant 1.000000e+00 : f32
    %broadcast_in_dim3A_3 = vector.broadcast %broadcast_in_dim3A : f32 to vector<16xf32>
    %broadcast_in_dim3A_4 = arith.constant 0.000000e+00 : f32
    %broadcast_in_dim3A_5 = vector.broadcast %broadcast_in_dim3A_4 : f32 to vector<16xf32>
    %swap3A = arith.constant 0 : index
    %swap3A_6 = tpu.vector_load %arg6[%swap3A] {strides = array<i32>} : memref<80xf32, #tpu.memory_space<vmem>>, vector<16xf32>,
    %swap3A_7 = vector.shape_cast %swap3A_6 : vector<16xf32> to vector<16xf32>
    %swap3A_8 = vector.shape_cast %broadcast_in_dim3A_3 : vector<16xf32> to vector<16xf32>
    tpu.vector_store %arg6[%swap3A], %swap3A_8 {strides = array<i32>} : memref<80xf32, #tpu.memory_space<vmem>>, vector<16xf32>,
    %swap3A_9 = arith.constant 16 : index
    %swap3A_10 = tpu.vector_load %arg6[%swap3A_9] {strides = array<i32>} : memref<80xf32, #tpu.memory_space<vmem>>, vector<16xf32>,
    %swap3A_11 = vector.shape_cast %swap3A_10 : vector<16xf32> to vector<16xf32>
    %swap3A_12 = vector.shape_cast %broadcast_in_dim3A_3 : vector<16xf32> to vector<16xf32>
    tpu.vector_store %arg6[%swap3A_9], %swap3A_12 {strides = array<i32>} : memref<80xf32, #tpu.memory_space<vmem>>, vector<16xf32>,
    %swap3A_13 = arith.constant 32 : index
    %swap3A_14 = tpu.vector_load %arg6[%swap3A_13] {strides = array<i32>} : memref<80xf32, #tpu.memory_space<vmem>>, vector<16xf32>,
    %swap3A_15 = vector.shape_cast %swap3A_14 : vector<16xf32> to vector<16xf32>
    %swap3A_16 = vector.shape_cast %broadcast_in_dim3A_3 : vector<16xf32> to vector<16xf32>
    tpu.vector_store %arg6[%swap3A_13], %swap3A_16 {strides = array<i32>} : memref<80xf32, #tpu.memory_space<vmem>>, vector<16xf32>,
    %swap3A_17 = arith.constant 48 : index
    %swap3A_18 = tpu.vector_load %arg6[%swap3A_17] {strides = array<i32>} : memref<80xf32, #tpu.memory_space<vmem>>, vector<16xf32>,
    %swap3A_19 = vector.shape_cast %swap3A_18 : vector<16xf32> to vector<16xf32>
    %swap3A_20 = vector.shape_cast %broadcast_in_dim3A_3 : vector<16xf32> to vector<16xf32>
    tpu.vector_store %arg6[%swap3A_17], %swap3A_20 {strides = array<i32>} : memref<80xf32, #tpu.memory_space<vmem>>, vector<16xf32>,
    %swap3A_21 = arith.constant 64 : index
    %swap3A_22 = tpu.vector_load %arg6[%swap3A_21] {strides = array<i32>} : memref<80xf32, #tpu.memory_space<vmem>>, vector<16xf32>,
    %swap3A_23 = vector.shape_cast %swap3A_22 : vector<16xf32> to vector<16xf32>
    %swap3A_24 = vector.shape_cast %broadcast_in_dim3A_3 : vector<16xf32> to vector<16xf32>
    tpu.vector_store %arg6[%swap3A_21], %swap3A_24 {strides = array<i32>} : memref<80xf32, #tpu.memory_space<vmem>>, vector<16xf32>,
    %scan3A = arith.constant 0 : i32
    %scan3A_25 = arith.constant 0 : i32
    %scan3A_26 = arith.constant 40 : i32
    %scan3A_27 = arith.addi %scan3A_25, %scan3A_26 : i32
    %scan3A_28 = arith.constant 1 : i32
    scf.for %scan3A_37 = %scan3A_25 to %scan3A_27 step %scan3A_28  : i32 {
      %mul3A_38 = arith.constant 16 : i32
      %mul3A_39 = arith.muli %scan3A_37, %mul3A_38 : i32
      %swap3A_40 = arith.index_cast %mul3A_39 : i32 to index
      %swap3A_41 = tpu.vector_load %arg7[%swap3A_40] {strides = array<i32>} : memref<640xf32, #tpu.memory_space<vmem>>, vector<16xf32>,
      %swap3A_42 = vector.shape_cast %swap3A_41 : vector<16xf32> to vector<16xf32>
      %swap3A_43 = vector.shape_cast %broadcast_in_dim3A_5 : vector<16xf32> to vector<16xf32>
      tpu.vector_store %arg7[%swap3A_40], %swap3A_43 {strides = array<i32>} : memref<640xf32, #tpu.memory_space<vmem>>, vector<16xf32>,
    }
    %scan3A_29 = arith.constant 40 : i32
    "tpu.region"() ({
      %run_scoped3A = tpu.sem_alloc : memref<!tpu.dma_semaphore, #tpu.memory_space<semaphore_mem>>
      %dma_start3A = arith.constant 0 : i32
      %dma_start3A_37 = arith.constant 0 : i32
      %dma_start3A_38 = tpu.memref_slice %arg2[%add3A, %dma_start3A, %dma_start3A_37] : memref<32x125x80xi32, #tpu.memory_space<hbm>> -> memref<1x125x80xi32, #tpu.memory_space<hbm>>
      %dma_start3A_39 = tpu.memref_squeeze %dma_start3A_38 : memref<1x125x80xi32, #tpu.memory_space<hbm>> -> memref<125x80xi32, #tpu.memory_space<hbm>>
      %dma_start3A_40 = arith.constant 0 : i32
      %dma_start3A_41 = arith.constant 0 : i32
      %dma_start3A_42 = tpu.memref_slice %arg2[%add3A, %dma_start3A_40, %dma_start3A_41] : memref<32x125x80xi32, #tpu.memory_space<hbm>> -> memref<1x125x80xi32, #tpu.memory_space<hbm>>
      %dma_start3A_43 = tpu.memref_squeeze %dma_start3A_42 : memref<1x125x80xi32, #tpu.memory_space<hbm>> -> memref<125x80xi32, #tpu.memory_space<hbm>>
      tpu.enqueue_dma source(%dma_start3A_43 : memref<125x80xi32, #tpu.memory_space<hbm>>) target(%arg4 : memref<125x80xi32, #tpu.memory_space<vmem>>) target_semaphore(%run_scoped3A : memref<!tpu.dma_semaphore, #tpu.memory_space<semaphore_mem>>)
      %dma_wait3A = arith.constant 0 : i32
      %dma_wait3A_44 = arith.constant 0 : i32
      %dma_wait3A_45 = tpu.memref_slice %arg2[%add3A, %dma_wait3A, %dma_wait3A_44] : memref<32x125x80xi32, #tpu.memory_space<hbm>> -> memref<1x125x80xi32, #tpu.memory_space<hbm>>
      %dma_wait3A_46 = tpu.memref_squeeze %dma_wait3A_45 : memref<1x125x80xi32, #tpu.memory_space<hbm>> -> memref<125x80xi32, #tpu.memory_space<hbm>>
      %dma_wait3A_47 = arith.constant 0 : i32
      %dma_wait3A_48 = arith.constant 0 : i32
      %dma_wait3A_49 = tpu.memref_slice %arg2[%add3A, %dma_wait3A_47, %dma_wait3A_48] : memref<32x125x80xi32, #tpu.memory_space<hbm>> -> memref<1x125x80xi32, #tpu.memory_space<hbm>>
      %dma_wait3A_50 = tpu.memref_squeeze %dma_wait3A_49 : memref<1x125x80xi32, #tpu.memory_space<hbm>> -> memref<125x80xi32, #tpu.memory_space<hbm>>
      tpu.wait_dma2 semaphore(%run_scoped3A : memref<!tpu.dma_semaphore, #tpu.memory_space<semaphore_mem>>) src(%dma_wait3A_50 : memref<125x80xi32, #tpu.memory_space<hbm>>) dst(%arg4 : memref<125x80xi32, #tpu.memory_space<vmem>>)
      tpu.yield
    }) : () -> ()
    "tpu.region"() ({
      %run_scoped3A = tpu.sem_alloc : memref<!tpu.dma_semaphore, #tpu.memory_space<semaphore_mem>>
      %dma_start3A = tpu.memref_slice %arg8[%mul3A_2] : memref<10240xf32, #tpu.memory_space<vmem_shared>> -> memref<640xf32, #tpu.memory_space<vmem_shared>>
      %dma_start3A_37 = tpu.memref_slice %arg8[%mul3A_2] : memref<10240xf32, #tpu.memory_space<vmem_shared>> -> memref<640xf32, #tpu.memory_space<vmem_shared>>
      tpu.enqueue_dma source(%arg7 : memref<640xf32, #tpu.memory_space<vmem>>) target(%dma_start3A_37 : memref<640xf32, #tpu.memory_space<vmem_shared>>) target_semaphore(%run_scoped3A : memref<!tpu.dma_semaphore, #tpu.memory_space<semaphore_mem>>)
      %dma_wait3A = tpu.memref_slice %arg8[%mul3A_2] : memref<10240xf32, #tpu.memory_space<vmem_shared>> -> memref<640xf32, #tpu.memory_space<vmem_shared>>
      %dma_wait3A_38 = tpu.memref_slice %arg8[%mul3A_2] : memref<10240xf32, #tpu.memory_space<vmem_shared>> -> memref<640xf32, #tpu.memory_space<vmem_shared>>
      tpu.wait_dma2 semaphore(%run_scoped3A : memref<!tpu.dma_semaphore, #tpu.memory_space<semaphore_mem>>) src(%arg7 : memref<640xf32, #tpu.memory_space<vmem>>) dst(%dma_wait3A_38 : memref<640xf32, #tpu.memory_space<vmem_shared>>)
      tpu.yield
    }) : () -> ()
    %barrier3A = arith.constant 0 : index
    tpu.barrier barrier_id(%barrier3A)
    %scan3A_30 = arith.constant 0 : i32
    %scan3A_31 = arith.constant 0 : i32
    %scan3A_32 = arith.constant 125 : i32
    %scan3A_33 = arith.addi %scan3A_31, %scan3A_32 : i32
    %scan3A_34 = arith.constant 1 : i32
    scf.for %scan3A_37 = %scan3A_31 to %scan3A_33 step %scan3A_34  : i32 {
      %get3A = arith.index_cast %scan3A_37 : i32 to index
      %get3A_38 = arith.constant 0 : index
      %get3A_39 = tpu.vector_load %arg4[%get3A, %get3A_38] {strides = array<i32>} : memref<125x80xi32, #tpu.memory_space<vmem>>, vector<1x16xi32>,
      %get3A_40 = vector.shape_cast %get3A_39 : vector<1x16xi32> to vector<16xi32>
      %swap3A_41 = arith.constant 0 : index
      %swap3A_42 = tpu.vector_load %arg5[%swap3A_41] {strides = array<i32>} : memref<80xi32, #tpu.memory_space<vmem>>, vector<16xi32>,
      %swap3A_43 = vector.shape_cast %swap3A_42 : vector<16xi32> to vector<16xi32>
      %swap3A_44 = vector.shape_cast %get3A_40 : vector<16xi32> to vector<16xi32>
      tpu.vector_store %arg5[%swap3A_41], %swap3A_44 {strides = array<i32>} : memref<80xi32, #tpu.memory_space<vmem>>, vector<16xi32>,
      %get3A_45 = arith.index_cast %scan3A_37 : i32 to index
      %get3A_46 = arith.constant 16 : index
      %get3A_47 = tpu.vector_load %arg4[%get3A_45, %get3A_46] {strides = array<i32>} : memref<125x80xi32, #tpu.memory_space<vmem>>, vector<1x16xi32>,
      %get3A_48 = vector.shape_cast %get3A_47 : vector<1x16xi32> to vector<16xi32>
      %swap3A_49 = arith.constant 16 : index
      %swap3A_50 = tpu.vector_load %arg5[%swap3A_49] {strides = array<i32>} : memref<80xi32, #tpu.memory_space<vmem>>, vector<16xi32>,
      %swap3A_51 = vector.shape_cast %swap3A_50 : vector<16xi32> to vector<16xi32>
      %swap3A_52 = vector.shape_cast %get3A_48 : vector<16xi32> to vector<16xi32>
      tpu.vector_store %arg5[%swap3A_49], %swap3A_52 {strides = array<i32>} : memref<80xi32, #tpu.memory_space<vmem>>, vector<16xi32>,
      %get3A_53 = arith.index_cast %scan3A_37 : i32 to index
      %get3A_54 = arith.constant 32 : index
      %get3A_55 = tpu.vector_load %arg4[%get3A_53, %get3A_54] {strides = array<i32>} : memref<125x80xi32, #tpu.memory_space<vmem>>, vector<1x16xi32>,
      %get3A_56 = vector.shape_cast %get3A_55 : vector<1x16xi32> to vector<16xi32>
      %swap3A_57 = arith.constant 32 : index
      %swap3A_58 = tpu.vector_load %arg5[%swap3A_57] {strides = array<i32>} : memref<80xi32, #tpu.memory_space<vmem>>, vector<16xi32>,
      %swap3A_59 = vector.shape_cast %swap3A_58 : vector<16xi32> to vector<16xi32>
      %swap3A_60 = vector.shape_cast %get3A_56 : vector<16xi32> to vector<16xi32>
      tpu.vector_store %arg5[%swap3A_57], %swap3A_60 {strides = array<i32>} : memref<80xi32, #tpu.memory_space<vmem>>, vector<16xi32>,
      %get3A_61 = arith.index_cast %scan3A_37 : i32 to index
      %get3A_62 = arith.constant 48 : index
      %get3A_63 = tpu.vector_load %arg4[%get3A_61, %get3A_62] {strides = array<i32>} : memref<125x80xi32, #tpu.memory_space<vmem>>, vector<1x16xi32>,
      %get3A_64 = vector.shape_cast %get3A_63 : vector<1x16xi32> to vector<16xi32>
      %swap3A_65 = arith.constant 48 : index
      %swap3A_66 = tpu.vector_load %arg5[%swap3A_65] {strides = array<i32>} : memref<80xi32, #tpu.memory_space<vmem>>, vector<16xi32>,
      %swap3A_67 = vector.shape_cast %swap3A_66 : vector<16xi32> to vector<16xi32>
      %swap3A_68 = vector.shape_cast %get3A_64 : vector<16xi32> to vector<16xi32>
      tpu.vector_store %arg5[%swap3A_65], %swap3A_68 {strides = array<i32>} : memref<80xi32, #tpu.memory_space<vmem>>, vector<16xi32>,
      %get3A_69 = arith.index_cast %scan3A_37 : i32 to index
      %get3A_70 = arith.constant 64 : index
      %get3A_71 = tpu.vector_load %arg4[%get3A_69, %get3A_70] {strides = array<i32>} : memref<125x80xi32, #tpu.memory_space<vmem>>, vector<1x16xi32>,
      %get3A_72 = vector.shape_cast %get3A_71 : vector<1x16xi32> to vector<16xi32>
      %swap3A_73 = arith.constant 64 : index
      %swap3A_74 = tpu.vector_load %arg5[%swap3A_73] {strides = array<i32>} : memref<80xi32, #tpu.memory_space<vmem>>, vector<16xi32>,
      %swap3A_75 = vector.shape_cast %swap3A_74 : vector<16xi32> to vector<16xi32>
      %swap3A_76 = vector.shape_cast %get3A_72 : vector<16xi32> to vector<16xi32>
      tpu.vector_store %arg5[%swap3A_73], %swap3A_76 {strides = array<i32>} : memref<80xi32, #tpu.memory_space<vmem>>, vector<16xi32>,
      "tpu.region"() ({
        %run_scoped3A = tpu.sem_alloc : memref<!tpu.dma_semaphore, #tpu.memory_space<semaphore_mem>>
        %dma_start3A = arith.constant 0 : i32
        %dma_start3A_77 = tpu.memref_slice %arg8[%dma_start3A] : memref<10240xf32, #tpu.memory_space<vmem_shared>> -> memref<10240xf32, #tpu.memory_space<vmem_shared>>
        tpu.enqueue_indirect_dma source(%arg6 : memref<80xf32, #tpu.memory_space<vmem>>) target(%dma_start3A_77 : memref<10240xf32, #tpu.memory_space<vmem_shared>>) offsets(%arg5 : memref<80xi32, #tpu.memory_space<vmem>>) semaphore(%run_scoped3A : memref<!tpu.dma_semaphore, #tpu.memory_space<semaphore_mem>>) {add = true}
        %dma_wait3A = arith.constant 0 : i32
        %dma_wait3A_78 = tpu.memref_slice %arg8[%dma_wait3A] : memref<10240xf32, #tpu.memory_space<vmem_shared>> -> memref<10240xf32, #tpu.memory_space<vmem_shared>>
        tpu.wait_indirect_dma semaphore(%run_scoped3A : memref<!tpu.dma_semaphore, #tpu.memory_space<semaphore_mem>>) src(%arg6 : memref<80xf32, #tpu.memory_space<vmem>>) dst(%dma_wait3A_78 : memref<10240xf32, #tpu.memory_space<vmem_shared>>)
        tpu.yield
      }) : () -> ()
    }
    %scan3A_35 = arith.constant 125 : i32
    %barrier3A_36 = arith.constant 0 : index
    tpu.barrier barrier_id(%barrier3A_36)
    "tpu.region"() ({
      %run_scoped3A = tpu.sem_alloc : memref<!tpu.dma_semaphore, #tpu.memory_space<semaphore_mem>>
      %dma_start3A = tpu.memref_slice %arg3[%arg0, %mul3A_2] : memref<2x10240xf32, #tpu.memory_space<hbm>> -> memref<1x640xf32, #tpu.memory_space<hbm>>
      %dma_start3A_37 = tpu.memref_squeeze %dma_start3A : memref<1x640xf32, #tpu.memory_space<hbm>> -> memref<640xf32, #tpu.memory_space<hbm>>
      %dma_start3A_38 = tpu.memref_slice %arg8[%mul3A_2] : memref<10240xf32, #tpu.memory_space<vmem_shared>> -> memref<640xf32, #tpu.memory_space<vmem_shared>>
      tpu.enqueue_dma source(%dma_start3A_38 : memref<640xf32, #tpu.memory_space<vmem_shared>>) target(%dma_start3A_37 : memref<640xf32, #tpu.memory_space<hbm>>) target_semaphore(%run_scoped3A : memref<!tpu.dma_semaphore, #tpu.memory_space<semaphore_mem>>)
      %dma_wait3A = tpu.memref_slice %arg3[%arg0, %mul3A_2] : memref<2x10240xf32, #tpu.memory_space<hbm>> -> memref<1x640xf32, #tpu.memory_space<hbm>>
      %dma_wait3A_39 = tpu.memref_squeeze %dma_wait3A : memref<1x640xf32, #tpu.memory_space<hbm>> -> memref<640xf32, #tpu.memory_space<hbm>>
      %dma_wait3A_40 = tpu.memref_slice %arg8[%mul3A_2] : memref<10240xf32, #tpu.memory_space<vmem_shared>> -> memref<640xf32, #tpu.memory_space<vmem_shared>>
      tpu.wait_dma2 semaphore(%run_scoped3A : memref<!tpu.dma_semaphore, #tpu.memory_space<semaphore_mem>>) src(%dma_wait3A_40 : memref<640xf32, #tpu.memory_space<vmem_shared>>) dst(%dma_wait3A_39 : memref<640xf32, #tpu.memory_space<hbm>>)
      tpu.yield
    }) : () -> ()
    return
  }
}

#map = affine_map<(d0, d1) -> (0, 0, 0)>
#map1 = affine_map<(d0, d1) -> (0, 0)>
module attributes {stable_mosaic.version = 14 : i64} {
  func.func @_agg128(%arg0: i32, %arg1: i32, %arg2: memref<16x157x128xi32, #tpu.memory_space<hbm>>, %arg3: memref<16x157x128xi32, #tpu.memory_space<hbm>>, %arg4: memref<20480x64xf32, #tpu.memory_space<hbm>>, %arg5: memref<2x10240x64xf32, #tpu.memory_space<hbm>>, %arg6: memref<157x128xi32, #tpu.memory_space<vmem>>, %arg7: memref<157x128xi32, #tpu.memory_space<vmem>>, %arg8: memref<128xi32, #tpu.memory_space<vmem>>, %arg9: memref<128xi32, #tpu.memory_space<vmem>>, %arg10: memref<128xi32, #tpu.memory_space<vmem>>, %arg11: memref<128xi32, #tpu.memory_space<vmem>>, %arg12: memref<128xi32, #tpu.memory_space<vmem>>, %arg13: memref<128xi32, #tpu.memory_space<vmem>>, %arg14: memref<128xi32, #tpu.memory_space<vmem>>, %arg15: memref<128xi32, #tpu.memory_space<vmem>>, %arg16: memref<128x64xf32, #tpu.memory_space<vmem>>, %arg17: memref<128x64xf32, #tpu.memory_space<vmem>>, %arg18: memref<128x64xf32, #tpu.memory_space<vmem>>, %arg19: memref<128x64xf32, #tpu.memory_space<vmem>>, %arg20: memref<8x64xf32, #tpu.memory_space<vmem>>, %arg21: memref<10240x64xf32, #tpu.memory_space<vmem_shared>>, %arg22: memref<!tpu.dma_semaphore, #tpu.memory_space<semaphore_mem>>, %arg23: memref<!tpu.dma_semaphore, #tpu.memory_space<semaphore_mem>>, %arg24: memref<!tpu.dma_semaphore, #tpu.memory_space<semaphore_mem>>, %arg25: memref<!tpu.dma_semaphore, #tpu.memory_space<semaphore_mem>>, %arg26: memref<!tpu.dma_semaphore, #tpu.memory_space<semaphore_mem>>, %arg27: memref<!tpu.dma_semaphore, #tpu.memory_space<semaphore_mem>>, %arg28: memref<!tpu.dma_semaphore, #tpu.memory_space<semaphore_mem>>, %arg29: memref<!tpu.dma_semaphore, #tpu.memory_space<semaphore_mem>>) attributes {dimension_semantics = [#tpu.dimension_semantics<core_parallel>, #tpu.dimension_semantics<subcore_parallel>], iteration_bounds = array<i64: 2, 16>, scalar_prefetch = 0 : i64, scratch_operands = 24 : i64, tpu.core_type = #tpu.core_type<sc_vector_subcore>, window_params = [{transform_indices = #map}, {transform_indices = #map}, {transform_indices = #map1}, {transform_indices = #map}]} {
    %mul3A = arith.constant 640 : i32
    %mul3A_0 = arith.muli %arg1, %mul3A : i32
    %mul3A_1 = arith.constant 10240 : i32
    %mul3A_2 = arith.muli %arg0, %mul3A_1 : i32
    "tpu.region"() ({
      %run_scoped3A = tpu.sem_alloc : memref<!tpu.dma_semaphore, #tpu.memory_space<semaphore_mem>>
      %dma_start3A_865 = arith.constant 0 : i32
      %dma_start3A_866 = arith.constant 0 : i32
      %dma_start3A_867 = tpu.memref_slice %arg2[%arg1, %dma_start3A_865, %dma_start3A_866] : memref<16x157x128xi32, #tpu.memory_space<hbm>> -> memref<1x157x128xi32, #tpu.memory_space<hbm>>
      %dma_start3A_868 = tpu.memref_squeeze %dma_start3A_867 : memref<1x157x128xi32, #tpu.memory_space<hbm>> -> memref<157x128xi32, #tpu.memory_space<hbm>>
      %dma_start3A_869 = arith.constant 0 : i32
      %dma_start3A_870 = arith.constant 0 : i32
      %dma_start3A_871 = tpu.memref_slice %arg2[%arg1, %dma_start3A_869, %dma_start3A_870] : memref<16x157x128xi32, #tpu.memory_space<hbm>> -> memref<1x157x128xi32, #tpu.memory_space<hbm>>
      %dma_start3A_872 = tpu.memref_squeeze %dma_start3A_871 : memref<1x157x128xi32, #tpu.memory_space<hbm>> -> memref<157x128xi32, #tpu.memory_space<hbm>>
      tpu.enqueue_dma source(%dma_start3A_872 : memref<157x128xi32, #tpu.memory_space<hbm>>) target(%arg6 : memref<157x128xi32, #tpu.memory_space<vmem>>) target_semaphore(%run_scoped3A : memref<!tpu.dma_semaphore, #tpu.memory_space<semaphore_mem>>)
      %dma_wait3A_873 = arith.constant 0 : i32
      %dma_wait3A_874 = arith.constant 0 : i32
      %dma_wait3A_875 = tpu.memref_slice %arg2[%arg1, %dma_wait3A_873, %dma_wait3A_874] : memref<16x157x128xi32, #tpu.memory_space<hbm>> -> memref<1x157x128xi32, #tpu.memory_space<hbm>>
      %dma_wait3A_876 = tpu.memref_squeeze %dma_wait3A_875 : memref<1x157x128xi32, #tpu.memory_space<hbm>> -> memref<157x128xi32, #tpu.memory_space<hbm>>
      %dma_wait3A_877 = arith.constant 0 : i32
      %dma_wait3A_878 = arith.constant 0 : i32
      %dma_wait3A_879 = tpu.memref_slice %arg2[%arg1, %dma_wait3A_877, %dma_wait3A_878] : memref<16x157x128xi32, #tpu.memory_space<hbm>> -> memref<1x157x128xi32, #tpu.memory_space<hbm>>
      %dma_wait3A_880 = tpu.memref_squeeze %dma_wait3A_879 : memref<1x157x128xi32, #tpu.memory_space<hbm>> -> memref<157x128xi32, #tpu.memory_space<hbm>>
      tpu.wait_dma2 semaphore(%run_scoped3A : memref<!tpu.dma_semaphore, #tpu.memory_space<semaphore_mem>>) src(%dma_wait3A_880 : memref<157x128xi32, #tpu.memory_space<hbm>>) dst(%arg6 : memref<157x128xi32, #tpu.memory_space<vmem>>)
      tpu.yield
    }) : () -> ()
    "tpu.region"() ({
      %run_scoped3A = tpu.sem_alloc : memref<!tpu.dma_semaphore, #tpu.memory_space<semaphore_mem>>
      %dma_start3A_865 = arith.constant 0 : i32
      %dma_start3A_866 = arith.constant 0 : i32
      %dma_start3A_867 = tpu.memref_slice %arg3[%arg1, %dma_start3A_865, %dma_start3A_866] : memref<16x157x128xi32, #tpu.memory_space<hbm>> -> memref<1x157x128xi32, #tpu.memory_space<hbm>>
      %dma_start3A_868 = tpu.memref_squeeze %dma_start3A_867 : memref<1x157x128xi32, #tpu.memory_space<hbm>> -> memref<157x128xi32, #tpu.memory_space<hbm>>
      %dma_start3A_869 = arith.constant 0 : i32
      %dma_start3A_870 = arith.constant 0 : i32
      %dma_start3A_871 = tpu.memref_slice %arg3[%arg1, %dma_start3A_869, %dma_start3A_870] : memref<16x157x128xi32, #tpu.memory_space<hbm>> -> memref<1x157x128xi32, #tpu.memory_space<hbm>>
      %dma_start3A_872 = tpu.memref_squeeze %dma_start3A_871 : memref<1x157x128xi32, #tpu.memory_space<hbm>> -> memref<157x128xi32, #tpu.memory_space<hbm>>
      tpu.enqueue_dma source(%dma_start3A_872 : memref<157x128xi32, #tpu.memory_space<hbm>>) target(%arg7 : memref<157x128xi32, #tpu.memory_space<vmem>>) target_semaphore(%run_scoped3A : memref<!tpu.dma_semaphore, #tpu.memory_space<semaphore_mem>>)
      %dma_wait3A_873 = arith.constant 0 : i32
      %dma_wait3A_874 = arith.constant 0 : i32
      %dma_wait3A_875 = tpu.memref_slice %arg3[%arg1, %dma_wait3A_873, %dma_wait3A_874] : memref<16x157x128xi32, #tpu.memory_space<hbm>> -> memref<1x157x128xi32, #tpu.memory_space<hbm>>
      %dma_wait3A_876 = tpu.memref_squeeze %dma_wait3A_875 : memref<1x157x128xi32, #tpu.memory_space<hbm>> -> memref<157x128xi32, #tpu.memory_space<hbm>>
      %dma_wait3A_877 = arith.constant 0 : i32
      %dma_wait3A_878 = arith.constant 0 : i32
      %dma_wait3A_879 = tpu.memref_slice %arg3[%arg1, %dma_wait3A_877, %dma_wait3A_878] : memref<16x157x128xi32, #tpu.memory_space<hbm>> -> memref<1x157x128xi32, #tpu.memory_space<hbm>>
      %dma_wait3A_880 = tpu.memref_squeeze %dma_wait3A_879 : memref<1x157x128xi32, #tpu.memory_space<hbm>> -> memref<157x128xi32, #tpu.memory_space<hbm>>
      tpu.wait_dma2 semaphore(%run_scoped3A : memref<!tpu.dma_semaphore, #tpu.memory_space<semaphore_mem>>) src(%dma_wait3A_880 : memref<157x128xi32, #tpu.memory_space<hbm>>) dst(%arg7 : memref<157x128xi32, #tpu.memory_space<vmem>>)
      tpu.yield
    }) : () -> ()
    %broadcast_in_dim3A = arith.constant 0.000000e+00 : f32
    %broadcast_in_dim3A_3 = vector.broadcast %broadcast_in_dim3A : f32 to vector<16xf32>
    %scan3A = arith.constant 0 : i32
    %scan3A_4 = arith.constant 0 : i32
    %scan3A_5 = arith.constant 8 : i32
    %scan3A_6 = arith.addi %scan3A_4, %scan3A_5 : i32
    %scan3A_7 = arith.constant 1 : i32
    scf.for %scan3A_865 = %scan3A_4 to %scan3A_6 step %scan3A_7  : i32 {
      %swap3A_866 = arith.index_cast %scan3A_865 : i32 to index
      %swap3A_867 = arith.constant 0 : index
      %swap3A_868 = tpu.vector_load %arg20[%swap3A_866, %swap3A_867] {strides = array<i32>} : memref<8x64xf32, #tpu.memory_space<vmem>>, vector<1x16xf32>,
      %swap3A_869 = vector.shape_cast %swap3A_868 : vector<1x16xf32> to vector<16xf32>
      %swap3A_870 = vector.shape_cast %broadcast_in_dim3A_3 : vector<16xf32> to vector<1x16xf32>
      tpu.vector_store %arg20[%swap3A_866, %swap3A_867], %swap3A_870 {strides = array<i32>} : memref<8x64xf32, #tpu.memory_space<vmem>>, vector<1x16xf32>,
      %swap3A_871 = arith.index_cast %scan3A_865 : i32 to index
      %swap3A_872 = arith.constant 16 : index
      %swap3A_873 = tpu.vector_load %arg20[%swap3A_871, %swap3A_872] {strides = array<i32>} : memref<8x64xf32, #tpu.memory_space<vmem>>, vector<1x16xf32>,
      %swap3A_874 = vector.shape_cast %swap3A_873 : vector<1x16xf32> to vector<16xf32>
      %swap3A_875 = vector.shape_cast %broadcast_in_dim3A_3 : vector<16xf32> to vector<1x16xf32>
      tpu.vector_store %arg20[%swap3A_871, %swap3A_872], %swap3A_875 {strides = array<i32>} : memref<8x64xf32, #tpu.memory_space<vmem>>, vector<1x16xf32>,
      %swap3A_876 = arith.index_cast %scan3A_865 : i32 to index
      %swap3A_877 = arith.constant 32 : index
      %swap3A_878 = tpu.vector_load %arg20[%swap3A_876, %swap3A_877] {strides = array<i32>} : memref<8x64xf32, #tpu.memory_space<vmem>>, vector<1x16xf32>,
      %swap3A_879 = vector.shape_cast %swap3A_878 : vector<1x16xf32> to vector<16xf32>
      %swap3A_880 = vector.shape_cast %broadcast_in_dim3A_3 : vector<16xf32> to vector<1x16xf32>
      tpu.vector_store %arg20[%swap3A_876, %swap3A_877], %swap3A_880 {strides = array<i32>} : memref<8x64xf32, #tpu.memory_space<vmem>>, vector<1x16xf32>,
      %swap3A_881 = arith.index_cast %scan3A_865 : i32 to index
      %swap3A_882 = arith.constant 48 : index
      %swap3A_883 = tpu.vector_load %arg20[%swap3A_881, %swap3A_882] {strides = array<i32>} : memref<8x64xf32, #tpu.memory_space<vmem>>, vector<1x16xf32>,
      %swap3A_884 = vector.shape_cast %swap3A_883 : vector<1x16xf32> to vector<16xf32>
      %swap3A_885 = vector.shape_cast %broadcast_in_dim3A_3 : vector<16xf32> to vector<1x16xf32>
      tpu.vector_store %arg20[%swap3A_881, %swap3A_882], %swap3A_885 {strides = array<i32>} : memref<8x64xf32, #tpu.memory_space<vmem>>, vector<1x16xf32>,
    }
    %scan3A_8 = arith.constant 8 : i32
    %scan3A_9 = arith.constant 0 : i32
    %scan3A_10 = arith.constant 0 : i32
    %scan3A_11 = arith.constant 80 : i32
    %scan3A_12 = arith.addi %scan3A_10, %scan3A_11 : i32
    %scan3A_13 = arith.constant 1 : i32
    scf.for %scan3A_865 = %scan3A_10 to %scan3A_12 step %scan3A_13  : i32 {
      %mul3A_866 = arith.constant 8 : i32
      %mul3A_867 = arith.muli %scan3A_865, %mul3A_866 : i32
      %add3A_868 = arith.addi %mul3A_0, %mul3A_867 : i32
      "tpu.region"() ({
        %run_scoped3A = tpu.sem_alloc : memref<!tpu.dma_semaphore, #tpu.memory_space<semaphore_mem>>
        %dma_start3A_869 = arith.constant 0 : i32
        %dma_start3A_870 = tpu.memref_slice %arg21[%add3A_868, %dma_start3A_869] : memref<10240x64xf32, #tpu.memory_space<vmem_shared>> -> memref<8x64xf32, #tpu.memory_space<vmem_shared>>
        %dma_start3A_871 = arith.constant 0 : i32
        %dma_start3A_872 = tpu.memref_slice %arg21[%add3A_868, %dma_start3A_871] : memref<10240x64xf32, #tpu.memory_space<vmem_shared>> -> memref<8x64xf32, #tpu.memory_space<vmem_shared>>
        tpu.enqueue_dma source(%arg20 : memref<8x64xf32, #tpu.memory_space<vmem>>) target(%dma_start3A_872 : memref<8x64xf32, #tpu.memory_space<vmem_shared>>) target_semaphore(%run_scoped3A : memref<!tpu.dma_semaphore, #tpu.memory_space<semaphore_mem>>)
        %dma_wait3A_873 = arith.constant 0 : i32
        %dma_wait3A_874 = tpu.memref_slice %arg21[%add3A_868, %dma_wait3A_873] : memref<10240x64xf32, #tpu.memory_space<vmem_shared>> -> memref<8x64xf32, #tpu.memory_space<vmem_shared>>
        %dma_wait3A_875 = arith.constant 0 : i32
        %dma_wait3A_876 = tpu.memref_slice %arg21[%add3A_868, %dma_wait3A_875] : memref<10240x64xf32, #tpu.memory_space<vmem_shared>> -> memref<8x64xf32, #tpu.memory_space<vmem_shared>>
        tpu.wait_dma2 semaphore(%run_scoped3A : memref<!tpu.dma_semaphore, #tpu.memory_space<semaphore_mem>>) src(%arg20 : memref<8x64xf32, #tpu.memory_space<vmem>>) dst(%dma_wait3A_876 : memref<8x64xf32, #tpu.memory_space<vmem_shared>>)
        tpu.yield
      }) : () -> ()
    }
    %scan3A_14 = arith.constant 80 : i32
    %barrier3A = arith.constant 0 : index
    tpu.barrier barrier_id(%barrier3A)
    %get3A = arith.constant 0 : i32
    %get3A_15 = arith.index_cast %get3A : i32 to index
    %get3A_16 = arith.constant 0 : index
    %get3A_17 = tpu.vector_load %arg6[%get3A_15, %get3A_16] {strides = array<i32>} : memref<157x128xi32, #tpu.memory_space<vmem>>, vector<1x16xi32>,
    %get3A_18 = vector.shape_cast %get3A_17 : vector<1x16xi32> to vector<16xi32>
    %add3A = vector.broadcast %mul3A_2 : i32 to vector<16xi32>
    %add3A_19 = arith.addi %get3A_18, %add3A : vector<16xi32>
    %swap3A = arith.constant 0 : index
    %swap3A_20 = tpu.vector_load %arg8[%swap3A] {strides = array<i32>} : memref<128xi32, #tpu.memory_space<vmem>>, vector<16xi32>,
    %swap3A_21 = vector.shape_cast %swap3A_20 : vector<16xi32> to vector<16xi32>
    %swap3A_22 = vector.shape_cast %add3A_19 : vector<16xi32> to vector<16xi32>
    tpu.vector_store %arg8[%swap3A], %swap3A_22 {strides = array<i32>} : memref<128xi32, #tpu.memory_space<vmem>>, vector<16xi32>,
    %get3A_23 = arith.constant 0 : i32
    %get3A_24 = arith.index_cast %get3A_23 : i32 to index
    %get3A_25 = arith.constant 16 : index
    %get3A_26 = tpu.vector_load %arg6[%get3A_24, %get3A_25] {strides = array<i32>} : memref<157x128xi32, #tpu.memory_space<vmem>>, vector<1x16xi32>,
    %get3A_27 = vector.shape_cast %get3A_26 : vector<1x16xi32> to vector<16xi32>
    %add3A_28 = vector.broadcast %mul3A_2 : i32 to vector<16xi32>
    %add3A_29 = arith.addi %get3A_27, %add3A_28 : vector<16xi32>
    %swap3A_30 = arith.constant 16 : index
    %swap3A_31 = tpu.vector_load %arg8[%swap3A_30] {strides = array<i32>} : memref<128xi32, #tpu.memory_space<vmem>>, vector<16xi32>,
    %swap3A_32 = vector.shape_cast %swap3A_31 : vector<16xi32> to vector<16xi32>
    %swap3A_33 = vector.shape_cast %add3A_29 : vector<16xi32> to vector<16xi32>
    tpu.vector_store %arg8[%swap3A_30], %swap3A_33 {strides = array<i32>} : memref<128xi32, #tpu.memory_space<vmem>>, vector<16xi32>,
    %get3A_34 = arith.constant 0 : i32
    %get3A_35 = arith.index_cast %get3A_34 : i32 to index
    %get3A_36 = arith.constant 32 : index
    %get3A_37 = tpu.vector_load %arg6[%get3A_35, %get3A_36] {strides = array<i32>} : memref<157x128xi32, #tpu.memory_space<vmem>>, vector<1x16xi32>,
    %get3A_38 = vector.shape_cast %get3A_37 : vector<1x16xi32> to vector<16xi32>
    %add3A_39 = vector.broadcast %mul3A_2 : i32 to vector<16xi32>
    %add3A_40 = arith.addi %get3A_38, %add3A_39 : vector<16xi32>
    %swap3A_41 = arith.constant 32 : index
    %swap3A_42 = tpu.vector_load %arg8[%swap3A_41] {strides = array<i32>} : memref<128xi32, #tpu.memory_space<vmem>>, vector<16xi32>,
    %swap3A_43 = vector.shape_cast %swap3A_42 : vector<16xi32> to vector<16xi32>
    %swap3A_44 = vector.shape_cast %add3A_40 : vector<16xi32> to vector<16xi32>
    tpu.vector_store %arg8[%swap3A_41], %swap3A_44 {strides = array<i32>} : memref<128xi32, #tpu.memory_space<vmem>>, vector<16xi32>,
    %get3A_45 = arith.constant 0 : i32
    %get3A_46 = arith.index_cast %get3A_45 : i32 to index
    %get3A_47 = arith.constant 48 : index
    %get3A_48 = tpu.vector_load %arg6[%get3A_46, %get3A_47] {strides = array<i32>} : memref<157x128xi32, #tpu.memory_space<vmem>>, vector<1x16xi32>,
    %get3A_49 = vector.shape_cast %get3A_48 : vector<1x16xi32> to vector<16xi32>
    %add3A_50 = vector.broadcast %mul3A_2 : i32 to vector<16xi32>
    %add3A_51 = arith.addi %get3A_49, %add3A_50 : vector<16xi32>
    %swap3A_52 = arith.constant 48 : index
    %swap3A_53 = tpu.vector_load %arg8[%swap3A_52] {strides = array<i32>} : memref<128xi32, #tpu.memory_space<vmem>>, vector<16xi32>,
    %swap3A_54 = vector.shape_cast %swap3A_53 : vector<16xi32> to vector<16xi32>
    %swap3A_55 = vector.shape_cast %add3A_51 : vector<16xi32> to vector<16xi32>
    tpu.vector_store %arg8[%swap3A_52], %swap3A_55 {strides = array<i32>} : memref<128xi32, #tpu.memory_space<vmem>>, vector<16xi32>,
    %get3A_56 = arith.constant 0 : i32
    %get3A_57 = arith.index_cast %get3A_56 : i32 to index
    %get3A_58 = arith.constant 64 : index
    %get3A_59 = tpu.vector_load %arg6[%get3A_57, %get3A_58] {strides = array<i32>} : memref<157x128xi32, #tpu.memory_space<vmem>>, vector<1x16xi32>,
    %get3A_60 = vector.shape_cast %get3A_59 : vector<1x16xi32> to vector<16xi32>
    %add3A_61 = vector.broadcast %mul3A_2 : i32 to vector<16xi32>
    %add3A_62 = arith.addi %get3A_60, %add3A_61 : vector<16xi32>
    %swap3A_63 = arith.constant 64 : index
    %swap3A_64 = tpu.vector_load %arg8[%swap3A_63] {strides = array<i32>} : memref<128xi32, #tpu.memory_space<vmem>>, vector<16xi32>,
    %swap3A_65 = vector.shape_cast %swap3A_64 : vector<16xi32> to vector<16xi32>
    %swap3A_66 = vector.shape_cast %add3A_62 : vector<16xi32> to vector<16xi32>
    tpu.vector_store %arg8[%swap3A_63], %swap3A_66 {strides = array<i32>} : memref<128xi32, #tpu.memory_space<vmem>>, vector<16xi32>,
    %get3A_67 = arith.constant 0 : i32
    %get3A_68 = arith.index_cast %get3A_67 : i32 to index
    %get3A_69 = arith.constant 80 : index
    %get3A_70 = tpu.vector_load %arg6[%get3A_68, %get3A_69] {strides = array<i32>} : memref<157x128xi32, #tpu.memory_space<vmem>>, vector<1x16xi32>,
    %get3A_71 = vector.shape_cast %get3A_70 : vector<1x16xi32> to vector<16xi32>
    %add3A_72 = vector.broadcast %mul3A_2 : i32 to vector<16xi32>
    %add3A_73 = arith.addi %get3A_71, %add3A_72 : vector<16xi32>
    %swap3A_74 = arith.constant 80 : index
    %swap3A_75 = tpu.vector_load %arg8[%swap3A_74] {strides = array<i32>} : memref<128xi32, #tpu.memory_space<vmem>>, vector<16xi32>,
    %swap3A_76 = vector.shape_cast %swap3A_75 : vector<16xi32> to vector<16xi32>
    %swap3A_77 = vector.shape_cast %add3A_73 : vector<16xi32> to vector<16xi32>
    tpu.vector_store %arg8[%swap3A_74], %swap3A_77 {strides = array<i32>} : memref<128xi32, #tpu.memory_space<vmem>>, vector<16xi32>,
    %get3A_78 = arith.constant 0 : i32
    %get3A_79 = arith.index_cast %get3A_78 : i32 to index
    %get3A_80 = arith.constant 96 : index
    %get3A_81 = tpu.vector_load %arg6[%get3A_79, %get3A_80] {strides = array<i32>} : memref<157x128xi32, #tpu.memory_space<vmem>>, vector<1x16xi32>,
    %get3A_82 = vector.shape_cast %get3A_81 : vector<1x16xi32> to vector<16xi32>
    %add3A_83 = vector.broadcast %mul3A_2 : i32 to vector<16xi32>
    %add3A_84 = arith.addi %get3A_82, %add3A_83 : vector<16xi32>
    %swap3A_85 = arith.constant 96 : index
    %swap3A_86 = tpu.vector_load %arg8[%swap3A_85] {strides = array<i32>} : memref<128xi32, #tpu.memory_space<vmem>>, vector<16xi32>,
    %swap3A_87 = vector.shape_cast %swap3A_86 : vector<16xi32> to vector<16xi32>
    %swap3A_88 = vector.shape_cast %add3A_84 : vector<16xi32> to vector<16xi32>
    tpu.vector_store %arg8[%swap3A_85], %swap3A_88 {strides = array<i32>} : memref<128xi32, #tpu.memory_space<vmem>>, vector<16xi32>,
    %get3A_89 = arith.constant 0 : i32
    %get3A_90 = arith.index_cast %get3A_89 : i32 to index
    %get3A_91 = arith.constant 112 : index
    %get3A_92 = tpu.vector_load %arg6[%get3A_90, %get3A_91] {strides = array<i32>} : memref<157x128xi32, #tpu.memory_space<vmem>>, vector<1x16xi32>,
    %get3A_93 = vector.shape_cast %get3A_92 : vector<1x16xi32> to vector<16xi32>
    %add3A_94 = vector.broadcast %mul3A_2 : i32 to vector<16xi32>
    %add3A_95 = arith.addi %get3A_93, %add3A_94 : vector<16xi32>
    %swap3A_96 = arith.constant 112 : index
    %swap3A_97 = tpu.vector_load %arg8[%swap3A_96] {strides = array<i32>} : memref<128xi32, #tpu.memory_space<vmem>>, vector<16xi32>,
    %swap3A_98 = vector.shape_cast %swap3A_97 : vector<16xi32> to vector<16xi32>
    %swap3A_99 = vector.shape_cast %add3A_95 : vector<16xi32> to vector<16xi32>
    tpu.vector_store %arg8[%swap3A_96], %swap3A_99 {strides = array<i32>} : memref<128xi32, #tpu.memory_space<vmem>>, vector<16xi32>,
    %get3A_100 = arith.constant 0 : i32
    %get3A_101 = arith.index_cast %get3A_100 : i32 to index
    %get3A_102 = arith.constant 0 : index
    %get3A_103 = tpu.vector_load %arg7[%get3A_101, %get3A_102] {strides = array<i32>} : memref<157x128xi32, #tpu.memory_space<vmem>>, vector<1x16xi32>,
    %get3A_104 = vector.shape_cast %get3A_103 : vector<1x16xi32> to vector<16xi32>
    %swap3A_105 = arith.constant 0 : index
    %swap3A_106 = tpu.vector_load %arg12[%swap3A_105] {strides = array<i32>} : memref<128xi32, #tpu.memory_space<vmem>>, vector<16xi32>,
    %swap3A_107 = vector.shape_cast %swap3A_106 : vector<16xi32> to vector<16xi32>
    %swap3A_108 = vector.shape_cast %get3A_104 : vector<16xi32> to vector<16xi32>
    tpu.vector_store %arg12[%swap3A_105], %swap3A_108 {strides = array<i32>} : memref<128xi32, #tpu.memory_space<vmem>>, vector<16xi32>,
    %get3A_109 = arith.constant 0 : i32
    %get3A_110 = arith.index_cast %get3A_109 : i32 to index
    %get3A_111 = arith.constant 16 : index
    %get3A_112 = tpu.vector_load %arg7[%get3A_110, %get3A_111] {strides = array<i32>} : memref<157x128xi32, #tpu.memory_space<vmem>>, vector<1x16xi32>,
    %get3A_113 = vector.shape_cast %get3A_112 : vector<1x16xi32> to vector<16xi32>
    %swap3A_114 = arith.constant 16 : index
    %swap3A_115 = tpu.vector_load %arg12[%swap3A_114] {strides = array<i32>} : memref<128xi32, #tpu.memory_space<vmem>>, vector<16xi32>,
    %swap3A_116 = vector.shape_cast %swap3A_115 : vector<16xi32> to vector<16xi32>
    %swap3A_117 = vector.shape_cast %get3A_113 : vector<16xi32> to vector<16xi32>
    tpu.vector_store %arg12[%swap3A_114], %swap3A_117 {strides = array<i32>} : memref<128xi32, #tpu.memory_space<vmem>>, vector<16xi32>,
    %get3A_118 = arith.constant 0 : i32
    %get3A_119 = arith.index_cast %get3A_118 : i32 to index
    %get3A_120 = arith.constant 32 : index
    %get3A_121 = tpu.vector_load %arg7[%get3A_119, %get3A_120] {strides = array<i32>} : memref<157x128xi32, #tpu.memory_space<vmem>>, vector<1x16xi32>,
    %get3A_122 = vector.shape_cast %get3A_121 : vector<1x16xi32> to vector<16xi32>
    %swap3A_123 = arith.constant 32 : index
    %swap3A_124 = tpu.vector_load %arg12[%swap3A_123] {strides = array<i32>} : memref<128xi32, #tpu.memory_space<vmem>>, vector<16xi32>,
    %swap3A_125 = vector.shape_cast %swap3A_124 : vector<16xi32> to vector<16xi32>
    %swap3A_126 = vector.shape_cast %get3A_122 : vector<16xi32> to vector<16xi32>
    tpu.vector_store %arg12[%swap3A_123], %swap3A_126 {strides = array<i32>} : memref<128xi32, #tpu.memory_space<vmem>>, vector<16xi32>,
    %get3A_127 = arith.constant 0 : i32
    %get3A_128 = arith.index_cast %get3A_127 : i32 to index
    %get3A_129 = arith.constant 48 : index
    %get3A_130 = tpu.vector_load %arg7[%get3A_128, %get3A_129] {strides = array<i32>} : memref<157x128xi32, #tpu.memory_space<vmem>>, vector<1x16xi32>,
    %get3A_131 = vector.shape_cast %get3A_130 : vector<1x16xi32> to vector<16xi32>
    %swap3A_132 = arith.constant 48 : index
    %swap3A_133 = tpu.vector_load %arg12[%swap3A_132] {strides = array<i32>} : memref<128xi32, #tpu.memory_space<vmem>>, vector<16xi32>,
    %swap3A_134 = vector.shape_cast %swap3A_133 : vector<16xi32> to vector<16xi32>
    %swap3A_135 = vector.shape_cast %get3A_131 : vector<16xi32> to vector<16xi32>
    tpu.vector_store %arg12[%swap3A_132], %swap3A_135 {strides = array<i32>} : memref<128xi32, #tpu.memory_space<vmem>>, vector<16xi32>,
    %get3A_136 = arith.constant 0 : i32
    %get3A_137 = arith.index_cast %get3A_136 : i32 to index
    %get3A_138 = arith.constant 64 : index
    %get3A_139 = tpu.vector_load %arg7[%get3A_137, %get3A_138] {strides = array<i32>} : memref<157x128xi32, #tpu.memory_space<vmem>>, vector<1x16xi32>,
    %get3A_140 = vector.shape_cast %get3A_139 : vector<1x16xi32> to vector<16xi32>
    %swap3A_141 = arith.constant 64 : index
    %swap3A_142 = tpu.vector_load %arg12[%swap3A_141] {strides = array<i32>} : memref<128xi32, #tpu.memory_space<vmem>>, vector<16xi32>,
    %swap3A_143 = vector.shape_cast %swap3A_142 : vector<16xi32> to vector<16xi32>
    %swap3A_144 = vector.shape_cast %get3A_140 : vector<16xi32> to vector<16xi32>
    tpu.vector_store %arg12[%swap3A_141], %swap3A_144 {strides = array<i32>} : memref<128xi32, #tpu.memory_space<vmem>>, vector<16xi32>,
    %get3A_145 = arith.constant 0 : i32
    %get3A_146 = arith.index_cast %get3A_145 : i32 to index
    %get3A_147 = arith.constant 80 : index
    %get3A_148 = tpu.vector_load %arg7[%get3A_146, %get3A_147] {strides = array<i32>} : memref<157x128xi32, #tpu.memory_space<vmem>>, vector<1x16xi32>,
    %get3A_149 = vector.shape_cast %get3A_148 : vector<1x16xi32> to vector<16xi32>
    %swap3A_150 = arith.constant 80 : index
    %swap3A_151 = tpu.vector_load %arg12[%swap3A_150] {strides = array<i32>} : memref<128xi32, #tpu.memory_space<vmem>>, vector<16xi32>,
    %swap3A_152 = vector.shape_cast %swap3A_151 : vector<16xi32> to vector<16xi32>
    %swap3A_153 = vector.shape_cast %get3A_149 : vector<16xi32> to vector<16xi32>
    tpu.vector_store %arg12[%swap3A_150], %swap3A_153 {strides = array<i32>} : memref<128xi32, #tpu.memory_space<vmem>>, vector<16xi32>,
    %get3A_154 = arith.constant 0 : i32
    %get3A_155 = arith.index_cast %get3A_154 : i32 to index
    %get3A_156 = arith.constant 96 : index
    %get3A_157 = tpu.vector_load %arg7[%get3A_155, %get3A_156] {strides = array<i32>} : memref<157x128xi32, #tpu.memory_space<vmem>>, vector<1x16xi32>,
    %get3A_158 = vector.shape_cast %get3A_157 : vector<1x16xi32> to vector<16xi32>
    %swap3A_159 = arith.constant 96 : index
    %swap3A_160 = tpu.vector_load %arg12[%swap3A_159] {strides = array<i32>} : memref<128xi32, #tpu.memory_space<vmem>>, vector<16xi32>,
    %swap3A_161 = vector.shape_cast %swap3A_160 : vector<16xi32> to vector<16xi32>
    %swap3A_162 = vector.shape_cast %get3A_158 : vector<16xi32> to vector<16xi32>
    tpu.vector_store %arg12[%swap3A_159], %swap3A_162 {strides = array<i32>} : memref<128xi32, #tpu.memory_space<vmem>>, vector<16xi32>,
    %get3A_163 = arith.constant 0 : i32
    %get3A_164 = arith.index_cast %get3A_163 : i32 to index
    %get3A_165 = arith.constant 112 : index
    %get3A_166 = tpu.vector_load %arg7[%get3A_164, %get3A_165] {strides = array<i32>} : memref<157x128xi32, #tpu.memory_space<vmem>>, vector<1x16xi32>,
    %get3A_167 = vector.shape_cast %get3A_166 : vector<1x16xi32> to vector<16xi32>
    %swap3A_168 = arith.constant 112 : index
    %swap3A_169 = tpu.vector_load %arg12[%swap3A_168] {strides = array<i32>} : memref<128xi32, #tpu.memory_space<vmem>>, vector<16xi32>,
    %swap3A_170 = vector.shape_cast %swap3A_169 : vector<16xi32> to vector<16xi32>
    %swap3A_171 = vector.shape_cast %get3A_167 : vector<16xi32> to vector<16xi32>
    tpu.vector_store %arg12[%swap3A_168], %swap3A_171 {strides = array<i32>} : memref<128xi32, #tpu.memory_space<vmem>>, vector<16xi32>,
    %dma_start3A = arith.constant 0 : i32
    %dma_start3A_172 = arith.constant 0 : i32
    %dma_start3A_173 = tpu.memref_slice %arg4[%dma_start3A, %dma_start3A_172] : memref<20480x64xf32, #tpu.memory_space<hbm>> -> memref<20480x64xf32, #tpu.memory_space<hbm>>
    tpu.enqueue_indirect_dma source(%dma_start3A_173 : memref<20480x64xf32, #tpu.memory_space<hbm>>) target(%arg16 : memref<128x64xf32, #tpu.memory_space<vmem>>) offsets(%arg8 : memref<128xi32, #tpu.memory_space<vmem>>) semaphore(%arg22 : memref<!tpu.dma_semaphore, #tpu.memory_space<semaphore_mem>>)
    %get3A_174 = arith.constant 1 : i32
    %get3A_175 = arith.index_cast %get3A_174 : i32 to index
    %get3A_176 = arith.constant 0 : index
    %get3A_177 = tpu.vector_load %arg6[%get3A_175, %get3A_176] {strides = array<i32>} : memref<157x128xi32, #tpu.memory_space<vmem>>, vector<1x16xi32>,
    %get3A_178 = vector.shape_cast %get3A_177 : vector<1x16xi32> to vector<16xi32>
    %add3A_179 = vector.broadcast %mul3A_2 : i32 to vector<16xi32>
    %add3A_180 = arith.addi %get3A_178, %add3A_179 : vector<16xi32>
    %swap3A_181 = arith.constant 0 : index
    %swap3A_182 = tpu.vector_load %arg9[%swap3A_181] {strides = array<i32>} : memref<128xi32, #tpu.memory_space<vmem>>, vector<16xi32>,
    %swap3A_183 = vector.shape_cast %swap3A_182 : vector<16xi32> to vector<16xi32>
    %swap3A_184 = vector.shape_cast %add3A_180 : vector<16xi32> to vector<16xi32>
    tpu.vector_store %arg9[%swap3A_181], %swap3A_184 {strides = array<i32>} : memref<128xi32, #tpu.memory_space<vmem>>, vector<16xi32>,
    %get3A_185 = arith.constant 1 : i32
    %get3A_186 = arith.index_cast %get3A_185 : i32 to index
    %get3A_187 = arith.constant 16 : index
    %get3A_188 = tpu.vector_load %arg6[%get3A_186, %get3A_187] {strides = array<i32>} : memref<157x128xi32, #tpu.memory_space<vmem>>, vector<1x16xi32>,
    %get3A_189 = vector.shape_cast %get3A_188 : vector<1x16xi32> to vector<16xi32>
    %add3A_190 = vector.broadcast %mul3A_2 : i32 to vector<16xi32>
    %add3A_191 = arith.addi %get3A_189, %add3A_190 : vector<16xi32>
    %swap3A_192 = arith.constant 16 : index
    %swap3A_193 = tpu.vector_load %arg9[%swap3A_192] {strides = array<i32>} : memref<128xi32, #tpu.memory_space<vmem>>, vector<16xi32>,
    %swap3A_194 = vector.shape_cast %swap3A_193 : vector<16xi32> to vector<16xi32>
    %swap3A_195 = vector.shape_cast %add3A_191 : vector<16xi32> to vector<16xi32>
    tpu.vector_store %arg9[%swap3A_192], %swap3A_195 {strides = array<i32>} : memref<128xi32, #tpu.memory_space<vmem>>, vector<16xi32>,
    %get3A_196 = arith.constant 1 : i32
    %get3A_197 = arith.index_cast %get3A_196 : i32 to index
    %get3A_198 = arith.constant 32 : index
    %get3A_199 = tpu.vector_load %arg6[%get3A_197, %get3A_198] {strides = array<i32>} : memref<157x128xi32, #tpu.memory_space<vmem>>, vector<1x16xi32>,
    %get3A_200 = vector.shape_cast %get3A_199 : vector<1x16xi32> to vector<16xi32>
    %add3A_201 = vector.broadcast %mul3A_2 : i32 to vector<16xi32>
    %add3A_202 = arith.addi %get3A_200, %add3A_201 : vector<16xi32>
    %swap3A_203 = arith.constant 32 : index
    %swap3A_204 = tpu.vector_load %arg9[%swap3A_203] {strides = array<i32>} : memref<128xi32, #tpu.memory_space<vmem>>, vector<16xi32>,
    %swap3A_205 = vector.shape_cast %swap3A_204 : vector<16xi32> to vector<16xi32>
    %swap3A_206 = vector.shape_cast %add3A_202 : vector<16xi32> to vector<16xi32>
    tpu.vector_store %arg9[%swap3A_203], %swap3A_206 {strides = array<i32>} : memref<128xi32, #tpu.memory_space<vmem>>, vector<16xi32>,
    %get3A_207 = arith.constant 1 : i32
    %get3A_208 = arith.index_cast %get3A_207 : i32 to index
    %get3A_209 = arith.constant 48 : index
    %get3A_210 = tpu.vector_load %arg6[%get3A_208, %get3A_209] {strides = array<i32>} : memref<157x128xi32, #tpu.memory_space<vmem>>, vector<1x16xi32>,
    %get3A_211 = vector.shape_cast %get3A_210 : vector<1x16xi32> to vector<16xi32>
    %add3A_212 = vector.broadcast %mul3A_2 : i32 to vector<16xi32>
    %add3A_213 = arith.addi %get3A_211, %add3A_212 : vector<16xi32>
    %swap3A_214 = arith.constant 48 : index
    %swap3A_215 = tpu.vector_load %arg9[%swap3A_214] {strides = array<i32>} : memref<128xi32, #tpu.memory_space<vmem>>, vector<16xi32>,
    %swap3A_216 = vector.shape_cast %swap3A_215 : vector<16xi32> to vector<16xi32>
    %swap3A_217 = vector.shape_cast %add3A_213 : vector<16xi32> to vector<16xi32>
    tpu.vector_store %arg9[%swap3A_214], %swap3A_217 {strides = array<i32>} : memref<128xi32, #tpu.memory_space<vmem>>, vector<16xi32>,
    %get3A_218 = arith.constant 1 : i32
    %get3A_219 = arith.index_cast %get3A_218 : i32 to index
    %get3A_220 = arith.constant 64 : index
    %get3A_221 = tpu.vector_load %arg6[%get3A_219, %get3A_220] {strides = array<i32>} : memref<157x128xi32, #tpu.memory_space<vmem>>, vector<1x16xi32>,
    %get3A_222 = vector.shape_cast %get3A_221 : vector<1x16xi32> to vector<16xi32>
    %add3A_223 = vector.broadcast %mul3A_2 : i32 to vector<16xi32>
    %add3A_224 = arith.addi %get3A_222, %add3A_223 : vector<16xi32>
    %swap3A_225 = arith.constant 64 : index
    %swap3A_226 = tpu.vector_load %arg9[%swap3A_225] {strides = array<i32>} : memref<128xi32, #tpu.memory_space<vmem>>, vector<16xi32>,
    %swap3A_227 = vector.shape_cast %swap3A_226 : vector<16xi32> to vector<16xi32>
    %swap3A_228 = vector.shape_cast %add3A_224 : vector<16xi32> to vector<16xi32>
    tpu.vector_store %arg9[%swap3A_225], %swap3A_228 {strides = array<i32>} : memref<128xi32, #tpu.memory_space<vmem>>, vector<16xi32>,
    %get3A_229 = arith.constant 1 : i32
    %get3A_230 = arith.index_cast %get3A_229 : i32 to index
    %get3A_231 = arith.constant 80 : index
    %get3A_232 = tpu.vector_load %arg6[%get3A_230, %get3A_231] {strides = array<i32>} : memref<157x128xi32, #tpu.memory_space<vmem>>, vector<1x16xi32>,
    %get3A_233 = vector.shape_cast %get3A_232 : vector<1x16xi32> to vector<16xi32>
    %add3A_234 = vector.broadcast %mul3A_2 : i32 to vector<16xi32>
    %add3A_235 = arith.addi %get3A_233, %add3A_234 : vector<16xi32>
    %swap3A_236 = arith.constant 80 : index
    %swap3A_237 = tpu.vector_load %arg9[%swap3A_236] {strides = array<i32>} : memref<128xi32, #tpu.memory_space<vmem>>, vector<16xi32>,
    %swap3A_238 = vector.shape_cast %swap3A_237 : vector<16xi32> to vector<16xi32>
    %swap3A_239 = vector.shape_cast %add3A_235 : vector<16xi32> to vector<16xi32>
    tpu.vector_store %arg9[%swap3A_236], %swap3A_239 {strides = array<i32>} : memref<128xi32, #tpu.memory_space<vmem>>, vector<16xi32>,
    %get3A_240 = arith.constant 1 : i32
    %get3A_241 = arith.index_cast %get3A_240 : i32 to index
    %get3A_242 = arith.constant 96 : index
    %get3A_243 = tpu.vector_load %arg6[%get3A_241, %get3A_242] {strides = array<i32>} : memref<157x128xi32, #tpu.memory_space<vmem>>, vector<1x16xi32>,
    %get3A_244 = vector.shape_cast %get3A_243 : vector<1x16xi32> to vector<16xi32>
    %add3A_245 = vector.broadcast %mul3A_2 : i32 to vector<16xi32>
    %add3A_246 = arith.addi %get3A_244, %add3A_245 : vector<16xi32>
    %swap3A_247 = arith.constant 96 : index
    %swap3A_248 = tpu.vector_load %arg9[%swap3A_247] {strides = array<i32>} : memref<128xi32, #tpu.memory_space<vmem>>, vector<16xi32>,
    %swap3A_249 = vector.shape_cast %swap3A_248 : vector<16xi32> to vector<16xi32>
    %swap3A_250 = vector.shape_cast %add3A_246 : vector<16xi32> to vector<16xi32>
    tpu.vector_store %arg9[%swap3A_247], %swap3A_250 {strides = array<i32>} : memref<128xi32, #tpu.memory_space<vmem>>, vector<16xi32>,
    %get3A_251 = arith.constant 1 : i32
    %get3A_252 = arith.index_cast %get3A_251 : i32 to index
    %get3A_253 = arith.constant 112 : index
    %get3A_254 = tpu.vector_load %arg6[%get3A_252, %get3A_253] {strides = array<i32>} : memref<157x128xi32, #tpu.memory_space<vmem>>, vector<1x16xi32>,
    %get3A_255 = vector.shape_cast %get3A_254 : vector<1x16xi32> to vector<16xi32>
    %add3A_256 = vector.broadcast %mul3A_2 : i32 to vector<16xi32>
    %add3A_257 = arith.addi %get3A_255, %add3A_256 : vector<16xi32>
    %swap3A_258 = arith.constant 112 : index
    %swap3A_259 = tpu.vector_load %arg9[%swap3A_258] {strides = array<i32>} : memref<128xi32, #tpu.memory_space<vmem>>, vector<16xi32>,
    %swap3A_260 = vector.shape_cast %swap3A_259 : vector<16xi32> to vector<16xi32>
    %swap3A_261 = vector.shape_cast %add3A_257 : vector<16xi32> to vector<16xi32>
    tpu.vector_store %arg9[%swap3A_258], %swap3A_261 {strides = array<i32>} : memref<128xi32, #tpu.memory_space<vmem>>, vector<16xi32>,
    %get3A_262 = arith.constant 1 : i32
    %get3A_263 = arith.index_cast %get3A_262 : i32 to index
    %get3A_264 = arith.constant 0 : index
    %get3A_265 = tpu.vector_load %arg7[%get3A_263, %get3A_264] {strides = array<i32>} : memref<157x128xi32, #tpu.memory_space<vmem>>, vector<1x16xi32>,
    %get3A_266 = vector.shape_cast %get3A_265 : vector<1x16xi32> to vector<16xi32>
    %swap3A_267 = arith.constant 0 : index
    %swap3A_268 = tpu.vector_load %arg13[%swap3A_267] {strides = array<i32>} : memref<128xi32, #tpu.memory_space<vmem>>, vector<16xi32>,
    %swap3A_269 = vector.shape_cast %swap3A_268 : vector<16xi32> to vector<16xi32>
    %swap3A_270 = vector.shape_cast %get3A_266 : vector<16xi32> to vector<16xi32>
    tpu.vector_store %arg13[%swap3A_267], %swap3A_270 {strides = array<i32>} : memref<128xi32, #tpu.memory_space<vmem>>, vector<16xi32>,
    %get3A_271 = arith.constant 1 : i32
    %get3A_272 = arith.index_cast %get3A_271 : i32 to index
    %get3A_273 = arith.constant 16 : index
    %get3A_274 = tpu.vector_load %arg7[%get3A_272, %get3A_273] {strides = array<i32>} : memref<157x128xi32, #tpu.memory_space<vmem>>, vector<1x16xi32>,
    %get3A_275 = vector.shape_cast %get3A_274 : vector<1x16xi32> to vector<16xi32>
    %swap3A_276 = arith.constant 16 : index
    %swap3A_277 = tpu.vector_load %arg13[%swap3A_276] {strides = array<i32>} : memref<128xi32, #tpu.memory_space<vmem>>, vector<16xi32>,
    %swap3A_278 = vector.shape_cast %swap3A_277 : vector<16xi32> to vector<16xi32>
    %swap3A_279 = vector.shape_cast %get3A_275 : vector<16xi32> to vector<16xi32>
    tpu.vector_store %arg13[%swap3A_276], %swap3A_279 {strides = array<i32>} : memref<128xi32, #tpu.memory_space<vmem>>, vector<16xi32>,
    %get3A_280 = arith.constant 1 : i32
    %get3A_281 = arith.index_cast %get3A_280 : i32 to index
    %get3A_282 = arith.constant 32 : index
    %get3A_283 = tpu.vector_load %arg7[%get3A_281, %get3A_282] {strides = array<i32>} : memref<157x128xi32, #tpu.memory_space<vmem>>, vector<1x16xi32>,
    %get3A_284 = vector.shape_cast %get3A_283 : vector<1x16xi32> to vector<16xi32>
    %swap3A_285 = arith.constant 32 : index
    %swap3A_286 = tpu.vector_load %arg13[%swap3A_285] {strides = array<i32>} : memref<128xi32, #tpu.memory_space<vmem>>, vector<16xi32>,
    %swap3A_287 = vector.shape_cast %swap3A_286 : vector<16xi32> to vector<16xi32>
    %swap3A_288 = vector.shape_cast %get3A_284 : vector<16xi32> to vector<16xi32>
    tpu.vector_store %arg13[%swap3A_285], %swap3A_288 {strides = array<i32>} : memref<128xi32, #tpu.memory_space<vmem>>, vector<16xi32>,
    %get3A_289 = arith.constant 1 : i32
    %get3A_290 = arith.index_cast %get3A_289 : i32 to index
    %get3A_291 = arith.constant 48 : index
    %get3A_292 = tpu.vector_load %arg7[%get3A_290, %get3A_291] {strides = array<i32>} : memref<157x128xi32, #tpu.memory_space<vmem>>, vector<1x16xi32>,
    %get3A_293 = vector.shape_cast %get3A_292 : vector<1x16xi32> to vector<16xi32>
    %swap3A_294 = arith.constant 48 : index
    %swap3A_295 = tpu.vector_load %arg13[%swap3A_294] {strides = array<i32>} : memref<128xi32, #tpu.memory_space<vmem>>, vector<16xi32>,
    %swap3A_296 = vector.shape_cast %swap3A_295 : vector<16xi32> to vector<16xi32>
    %swap3A_297 = vector.shape_cast %get3A_293 : vector<16xi32> to vector<16xi32>
    tpu.vector_store %arg13[%swap3A_294], %swap3A_297 {strides = array<i32>} : memref<128xi32, #tpu.memory_space<vmem>>, vector<16xi32>,
    %get3A_298 = arith.constant 1 : i32
    %get3A_299 = arith.index_cast %get3A_298 : i32 to index
    %get3A_300 = arith.constant 64 : index
    %get3A_301 = tpu.vector_load %arg7[%get3A_299, %get3A_300] {strides = array<i32>} : memref<157x128xi32, #tpu.memory_space<vmem>>, vector<1x16xi32>,
    %get3A_302 = vector.shape_cast %get3A_301 : vector<1x16xi32> to vector<16xi32>
    %swap3A_303 = arith.constant 64 : index
    %swap3A_304 = tpu.vector_load %arg13[%swap3A_303] {strides = array<i32>} : memref<128xi32, #tpu.memory_space<vmem>>, vector<16xi32>,
    %swap3A_305 = vector.shape_cast %swap3A_304 : vector<16xi32> to vector<16xi32>
    %swap3A_306 = vector.shape_cast %get3A_302 : vector<16xi32> to vector<16xi32>
    tpu.vector_store %arg13[%swap3A_303], %swap3A_306 {strides = array<i32>} : memref<128xi32, #tpu.memory_space<vmem>>, vector<16xi32>,
    %get3A_307 = arith.constant 1 : i32
    %get3A_308 = arith.index_cast %get3A_307 : i32 to index
    %get3A_309 = arith.constant 80 : index
    %get3A_310 = tpu.vector_load %arg7[%get3A_308, %get3A_309] {strides = array<i32>} : memref<157x128xi32, #tpu.memory_space<vmem>>, vector<1x16xi32>,
    %get3A_311 = vector.shape_cast %get3A_310 : vector<1x16xi32> to vector<16xi32>
    %swap3A_312 = arith.constant 80 : index
    %swap3A_313 = tpu.vector_load %arg13[%swap3A_312] {strides = array<i32>} : memref<128xi32, #tpu.memory_space<vmem>>, vector<16xi32>,
    %swap3A_314 = vector.shape_cast %swap3A_313 : vector<16xi32> to vector<16xi32>
    %swap3A_315 = vector.shape_cast %get3A_311 : vector<16xi32> to vector<16xi32>
    tpu.vector_store %arg13[%swap3A_312], %swap3A_315 {strides = array<i32>} : memref<128xi32, #tpu.memory_space<vmem>>, vector<16xi32>,
    %get3A_316 = arith.constant 1 : i32
    %get3A_317 = arith.index_cast %get3A_316 : i32 to index
    %get3A_318 = arith.constant 96 : index
    %get3A_319 = tpu.vector_load %arg7[%get3A_317, %get3A_318] {strides = array<i32>} : memref<157x128xi32, #tpu.memory_space<vmem>>, vector<1x16xi32>,
    %get3A_320 = vector.shape_cast %get3A_319 : vector<1x16xi32> to vector<16xi32>
    %swap3A_321 = arith.constant 96 : index
    %swap3A_322 = tpu.vector_load %arg13[%swap3A_321] {strides = array<i32>} : memref<128xi32, #tpu.memory_space<vmem>>, vector<16xi32>,
    %swap3A_323 = vector.shape_cast %swap3A_322 : vector<16xi32> to vector<16xi32>
    %swap3A_324 = vector.shape_cast %get3A_320 : vector<16xi32> to vector<16xi32>
    tpu.vector_store %arg13[%swap3A_321], %swap3A_324 {strides = array<i32>} : memref<128xi32, #tpu.memory_space<vmem>>, vector<16xi32>,
    %get3A_325 = arith.constant 1 : i32
    %get3A_326 = arith.index_cast %get3A_325 : i32 to index
    %get3A_327 = arith.constant 112 : index
    %get3A_328 = tpu.vector_load %arg7[%get3A_326, %get3A_327] {strides = array<i32>} : memref<157x128xi32, #tpu.memory_space<vmem>>, vector<1x16xi32>,
    %get3A_329 = vector.shape_cast %get3A_328 : vector<1x16xi32> to vector<16xi32>
    %swap3A_330 = arith.constant 112 : index
    %swap3A_331 = tpu.vector_load %arg13[%swap3A_330] {strides = array<i32>} : memref<128xi32, #tpu.memory_space<vmem>>, vector<16xi32>,
    %swap3A_332 = vector.shape_cast %swap3A_331 : vector<16xi32> to vector<16xi32>
    %swap3A_333 = vector.shape_cast %get3A_329 : vector<16xi32> to vector<16xi32>
    tpu.vector_store %arg13[%swap3A_330], %swap3A_333 {strides = array<i32>} : memref<128xi32, #tpu.memory_space<vmem>>, vector<16xi32>,
    %dma_start3A_334 = arith.constant 0 : i32
    %dma_start3A_335 = arith.constant 0 : i32
    %dma_start3A_336 = tpu.memref_slice %arg4[%dma_start3A_334, %dma_start3A_335] : memref<20480x64xf32, #tpu.memory_space<hbm>> -> memref<20480x64xf32, #tpu.memory_space<hbm>>
    tpu.enqueue_indirect_dma source(%dma_start3A_336 : memref<20480x64xf32, #tpu.memory_space<hbm>>) target(%arg17 : memref<128x64xf32, #tpu.memory_space<vmem>>) offsets(%arg9 : memref<128xi32, #tpu.memory_space<vmem>>) semaphore(%arg23 : memref<!tpu.dma_semaphore, #tpu.memory_space<semaphore_mem>>)
    %get3A_337 = arith.constant 2 : i32
    %get3A_338 = arith.index_cast %get3A_337 : i32 to index
    %get3A_339 = arith.constant 0 : index
    %get3A_340 = tpu.vector_load %arg6[%get3A_338, %get3A_339] {strides = array<i32>} : memref<157x128xi32, #tpu.memory_space<vmem>>, vector<1x16xi32>,
    %get3A_341 = vector.shape_cast %get3A_340 : vector<1x16xi32> to vector<16xi32>
    %add3A_342 = vector.broadcast %mul3A_2 : i32 to vector<16xi32>
    %add3A_343 = arith.addi %get3A_341, %add3A_342 : vector<16xi32>
    %swap3A_344 = arith.constant 0 : index
    %swap3A_345 = tpu.vector_load %arg10[%swap3A_344] {strides = array<i32>} : memref<128xi32, #tpu.memory_space<vmem>>, vector<16xi32>,
    %swap3A_346 = vector.shape_cast %swap3A_345 : vector<16xi32> to vector<16xi32>
    %swap3A_347 = vector.shape_cast %add3A_343 : vector<16xi32> to vector<16xi32>
    tpu.vector_store %arg10[%swap3A_344], %swap3A_347 {strides = array<i32>} : memref<128xi32, #tpu.memory_space<vmem>>, vector<16xi32>,
    %get3A_348 = arith.constant 2 : i32
    %get3A_349 = arith.index_cast %get3A_348 : i32 to index
    %get3A_350 = arith.constant 16 : index
    %get3A_351 = tpu.vector_load %arg6[%get3A_349, %get3A_350] {strides = array<i32>} : memref<157x128xi32, #tpu.memory_space<vmem>>, vector<1x16xi32>,
    %get3A_352 = vector.shape_cast %get3A_351 : vector<1x16xi32> to vector<16xi32>
    %add3A_353 = vector.broadcast %mul3A_2 : i32 to vector<16xi32>
    %add3A_354 = arith.addi %get3A_352, %add3A_353 : vector<16xi32>
    %swap3A_355 = arith.constant 16 : index
    %swap3A_356 = tpu.vector_load %arg10[%swap3A_355] {strides = array<i32>} : memref<128xi32, #tpu.memory_space<vmem>>, vector<16xi32>,
    %swap3A_357 = vector.shape_cast %swap3A_356 : vector<16xi32> to vector<16xi32>
    %swap3A_358 = vector.shape_cast %add3A_354 : vector<16xi32> to vector<16xi32>
    tpu.vector_store %arg10[%swap3A_355], %swap3A_358 {strides = array<i32>} : memref<128xi32, #tpu.memory_space<vmem>>, vector<16xi32>,
    %get3A_359 = arith.constant 2 : i32
    %get3A_360 = arith.index_cast %get3A_359 : i32 to index
    %get3A_361 = arith.constant 32 : index
    %get3A_362 = tpu.vector_load %arg6[%get3A_360, %get3A_361] {strides = array<i32>} : memref<157x128xi32, #tpu.memory_space<vmem>>, vector<1x16xi32>,
    %get3A_363 = vector.shape_cast %get3A_362 : vector<1x16xi32> to vector<16xi32>
    %add3A_364 = vector.broadcast %mul3A_2 : i32 to vector<16xi32>
    %add3A_365 = arith.addi %get3A_363, %add3A_364 : vector<16xi32>
    %swap3A_366 = arith.constant 32 : index
    %swap3A_367 = tpu.vector_load %arg10[%swap3A_366] {strides = array<i32>} : memref<128xi32, #tpu.memory_space<vmem>>, vector<16xi32>,
    %swap3A_368 = vector.shape_cast %swap3A_367 : vector<16xi32> to vector<16xi32>
    %swap3A_369 = vector.shape_cast %add3A_365 : vector<16xi32> to vector<16xi32>
    tpu.vector_store %arg10[%swap3A_366], %swap3A_369 {strides = array<i32>} : memref<128xi32, #tpu.memory_space<vmem>>, vector<16xi32>,
    %get3A_370 = arith.constant 2 : i32
    %get3A_371 = arith.index_cast %get3A_370 : i32 to index
    %get3A_372 = arith.constant 48 : index
    %get3A_373 = tpu.vector_load %arg6[%get3A_371, %get3A_372] {strides = array<i32>} : memref<157x128xi32, #tpu.memory_space<vmem>>, vector<1x16xi32>,
    %get3A_374 = vector.shape_cast %get3A_373 : vector<1x16xi32> to vector<16xi32>
    %add3A_375 = vector.broadcast %mul3A_2 : i32 to vector<16xi32>
    %add3A_376 = arith.addi %get3A_374, %add3A_375 : vector<16xi32>
    %swap3A_377 = arith.constant 48 : index
    %swap3A_378 = tpu.vector_load %arg10[%swap3A_377] {strides = array<i32>} : memref<128xi32, #tpu.memory_space<vmem>>, vector<16xi32>,
    %swap3A_379 = vector.shape_cast %swap3A_378 : vector<16xi32> to vector<16xi32>
    %swap3A_380 = vector.shape_cast %add3A_376 : vector<16xi32> to vector<16xi32>
    tpu.vector_store %arg10[%swap3A_377], %swap3A_380 {strides = array<i32>} : memref<128xi32, #tpu.memory_space<vmem>>, vector<16xi32>,
    %get3A_381 = arith.constant 2 : i32
    %get3A_382 = arith.index_cast %get3A_381 : i32 to index
    %get3A_383 = arith.constant 64 : index
    %get3A_384 = tpu.vector_load %arg6[%get3A_382, %get3A_383] {strides = array<i32>} : memref<157x128xi32, #tpu.memory_space<vmem>>, vector<1x16xi32>,
    %get3A_385 = vector.shape_cast %get3A_384 : vector<1x16xi32> to vector<16xi32>
    %add3A_386 = vector.broadcast %mul3A_2 : i32 to vector<16xi32>
    %add3A_387 = arith.addi %get3A_385, %add3A_386 : vector<16xi32>
    %swap3A_388 = arith.constant 64 : index
    %swap3A_389 = tpu.vector_load %arg10[%swap3A_388] {strides = array<i32>} : memref<128xi32, #tpu.memory_space<vmem>>, vector<16xi32>,
    %swap3A_390 = vector.shape_cast %swap3A_389 : vector<16xi32> to vector<16xi32>
    %swap3A_391 = vector.shape_cast %add3A_387 : vector<16xi32> to vector<16xi32>
    tpu.vector_store %arg10[%swap3A_388], %swap3A_391 {strides = array<i32>} : memref<128xi32, #tpu.memory_space<vmem>>, vector<16xi32>,
    %get3A_392 = arith.constant 2 : i32
    %get3A_393 = arith.index_cast %get3A_392 : i32 to index
    %get3A_394 = arith.constant 80 : index
    %get3A_395 = tpu.vector_load %arg6[%get3A_393, %get3A_394] {strides = array<i32>} : memref<157x128xi32, #tpu.memory_space<vmem>>, vector<1x16xi32>,
    %get3A_396 = vector.shape_cast %get3A_395 : vector<1x16xi32> to vector<16xi32>
    %add3A_397 = vector.broadcast %mul3A_2 : i32 to vector<16xi32>
    %add3A_398 = arith.addi %get3A_396, %add3A_397 : vector<16xi32>
    %swap3A_399 = arith.constant 80 : index
    %swap3A_400 = tpu.vector_load %arg10[%swap3A_399] {strides = array<i32>} : memref<128xi32, #tpu.memory_space<vmem>>, vector<16xi32>,
    %swap3A_401 = vector.shape_cast %swap3A_400 : vector<16xi32> to vector<16xi32>
    %swap3A_402 = vector.shape_cast %add3A_398 : vector<16xi32> to vector<16xi32>
    tpu.vector_store %arg10[%swap3A_399], %swap3A_402 {strides = array<i32>} : memref<128xi32, #tpu.memory_space<vmem>>, vector<16xi32>,
    %get3A_403 = arith.constant 2 : i32
    %get3A_404 = arith.index_cast %get3A_403 : i32 to index
    %get3A_405 = arith.constant 96 : index
    %get3A_406 = tpu.vector_load %arg6[%get3A_404, %get3A_405] {strides = array<i32>} : memref<157x128xi32, #tpu.memory_space<vmem>>, vector<1x16xi32>,
    %get3A_407 = vector.shape_cast %get3A_406 : vector<1x16xi32> to vector<16xi32>
    %add3A_408 = vector.broadcast %mul3A_2 : i32 to vector<16xi32>
    %add3A_409 = arith.addi %get3A_407, %add3A_408 : vector<16xi32>
    %swap3A_410 = arith.constant 96 : index
    %swap3A_411 = tpu.vector_load %arg10[%swap3A_410] {strides = array<i32>} : memref<128xi32, #tpu.memory_space<vmem>>, vector<16xi32>,
    %swap3A_412 = vector.shape_cast %swap3A_411 : vector<16xi32> to vector<16xi32>
    %swap3A_413 = vector.shape_cast %add3A_409 : vector<16xi32> to vector<16xi32>
    tpu.vector_store %arg10[%swap3A_410], %swap3A_413 {strides = array<i32>} : memref<128xi32, #tpu.memory_space<vmem>>, vector<16xi32>,
    %get3A_414 = arith.constant 2 : i32
    %get3A_415 = arith.index_cast %get3A_414 : i32 to index
    %get3A_416 = arith.constant 112 : index
    %get3A_417 = tpu.vector_load %arg6[%get3A_415, %get3A_416] {strides = array<i32>} : memref<157x128xi32, #tpu.memory_space<vmem>>, vector<1x16xi32>,
    %get3A_418 = vector.shape_cast %get3A_417 : vector<1x16xi32> to vector<16xi32>
    %add3A_419 = vector.broadcast %mul3A_2 : i32 to vector<16xi32>
    %add3A_420 = arith.addi %get3A_418, %add3A_419 : vector<16xi32>
    %swap3A_421 = arith.constant 112 : index
    %swap3A_422 = tpu.vector_load %arg10[%swap3A_421] {strides = array<i32>} : memref<128xi32, #tpu.memory_space<vmem>>, vector<16xi32>,
    %swap3A_423 = vector.shape_cast %swap3A_422 : vector<16xi32> to vector<16xi32>
    %swap3A_424 = vector.shape_cast %add3A_420 : vector<16xi32> to vector<16xi32>
    tpu.vector_store %arg10[%swap3A_421], %swap3A_424 {strides = array<i32>} : memref<128xi32, #tpu.memory_space<vmem>>, vector<16xi32>,
    %get3A_425 = arith.constant 2 : i32
    %get3A_426 = arith.index_cast %get3A_425 : i32 to index
    %get3A_427 = arith.constant 0 : index
    %get3A_428 = tpu.vector_load %arg7[%get3A_426, %get3A_427] {strides = array<i32>} : memref<157x128xi32, #tpu.memory_space<vmem>>, vector<1x16xi32>,
    %get3A_429 = vector.shape_cast %get3A_428 : vector<1x16xi32> to vector<16xi32>
    %swap3A_430 = arith.constant 0 : index
    %swap3A_431 = tpu.vector_load %arg14[%swap3A_430] {strides = array<i32>} : memref<128xi32, #tpu.memory_space<vmem>>, vector<16xi32>,
    %swap3A_432 = vector.shape_cast %swap3A_431 : vector<16xi32> to vector<16xi32>
    %swap3A_433 = vector.shape_cast %get3A_429 : vector<16xi32> to vector<16xi32>
    tpu.vector_store %arg14[%swap3A_430], %swap3A_433 {strides = array<i32>} : memref<128xi32, #tpu.memory_space<vmem>>, vector<16xi32>,
    %get3A_434 = arith.constant 2 : i32
    %get3A_435 = arith.index_cast %get3A_434 : i32 to index
    %get3A_436 = arith.constant 16 : index
    %get3A_437 = tpu.vector_load %arg7[%get3A_435, %get3A_436] {strides = array<i32>} : memref<157x128xi32, #tpu.memory_space<vmem>>, vector<1x16xi32>,
    %get3A_438 = vector.shape_cast %get3A_437 : vector<1x16xi32> to vector<16xi32>
    %swap3A_439 = arith.constant 16 : index
    %swap3A_440 = tpu.vector_load %arg14[%swap3A_439] {strides = array<i32>} : memref<128xi32, #tpu.memory_space<vmem>>, vector<16xi32>,
    %swap3A_441 = vector.shape_cast %swap3A_440 : vector<16xi32> to vector<16xi32>
    %swap3A_442 = vector.shape_cast %get3A_438 : vector<16xi32> to vector<16xi32>
    tpu.vector_store %arg14[%swap3A_439], %swap3A_442 {strides = array<i32>} : memref<128xi32, #tpu.memory_space<vmem>>, vector<16xi32>,
    %get3A_443 = arith.constant 2 : i32
    %get3A_444 = arith.index_cast %get3A_443 : i32 to index
    %get3A_445 = arith.constant 32 : index
    %get3A_446 = tpu.vector_load %arg7[%get3A_444, %get3A_445] {strides = array<i32>} : memref<157x128xi32, #tpu.memory_space<vmem>>, vector<1x16xi32>,
    %get3A_447 = vector.shape_cast %get3A_446 : vector<1x16xi32> to vector<16xi32>
    %swap3A_448 = arith.constant 32 : index
    %swap3A_449 = tpu.vector_load %arg14[%swap3A_448] {strides = array<i32>} : memref<128xi32, #tpu.memory_space<vmem>>, vector<16xi32>,
    %swap3A_450 = vector.shape_cast %swap3A_449 : vector<16xi32> to vector<16xi32>
    %swap3A_451 = vector.shape_cast %get3A_447 : vector<16xi32> to vector<16xi32>
    tpu.vector_store %arg14[%swap3A_448], %swap3A_451 {strides = array<i32>} : memref<128xi32, #tpu.memory_space<vmem>>, vector<16xi32>,
    %get3A_452 = arith.constant 2 : i32
    %get3A_453 = arith.index_cast %get3A_452 : i32 to index
    %get3A_454 = arith.constant 48 : index
    %get3A_455 = tpu.vector_load %arg7[%get3A_453, %get3A_454] {strides = array<i32>} : memref<157x128xi32, #tpu.memory_space<vmem>>, vector<1x16xi32>,
    %get3A_456 = vector.shape_cast %get3A_455 : vector<1x16xi32> to vector<16xi32>
    %swap3A_457 = arith.constant 48 : index
    %swap3A_458 = tpu.vector_load %arg14[%swap3A_457] {strides = array<i32>} : memref<128xi32, #tpu.memory_space<vmem>>, vector<16xi32>,
    %swap3A_459 = vector.shape_cast %swap3A_458 : vector<16xi32> to vector<16xi32>
    %swap3A_460 = vector.shape_cast %get3A_456 : vector<16xi32> to vector<16xi32>
    tpu.vector_store %arg14[%swap3A_457], %swap3A_460 {strides = array<i32>} : memref<128xi32, #tpu.memory_space<vmem>>, vector<16xi32>,
    %get3A_461 = arith.constant 2 : i32
    %get3A_462 = arith.index_cast %get3A_461 : i32 to index
    %get3A_463 = arith.constant 64 : index
    %get3A_464 = tpu.vector_load %arg7[%get3A_462, %get3A_463] {strides = array<i32>} : memref<157x128xi32, #tpu.memory_space<vmem>>, vector<1x16xi32>,
    %get3A_465 = vector.shape_cast %get3A_464 : vector<1x16xi32> to vector<16xi32>
    %swap3A_466 = arith.constant 64 : index
    %swap3A_467 = tpu.vector_load %arg14[%swap3A_466] {strides = array<i32>} : memref<128xi32, #tpu.memory_space<vmem>>, vector<16xi32>,
    %swap3A_468 = vector.shape_cast %swap3A_467 : vector<16xi32> to vector<16xi32>
    %swap3A_469 = vector.shape_cast %get3A_465 : vector<16xi32> to vector<16xi32>
    tpu.vector_store %arg14[%swap3A_466], %swap3A_469 {strides = array<i32>} : memref<128xi32, #tpu.memory_space<vmem>>, vector<16xi32>,
    %get3A_470 = arith.constant 2 : i32
    %get3A_471 = arith.index_cast %get3A_470 : i32 to index
    %get3A_472 = arith.constant 80 : index
    %get3A_473 = tpu.vector_load %arg7[%get3A_471, %get3A_472] {strides = array<i32>} : memref<157x128xi32, #tpu.memory_space<vmem>>, vector<1x16xi32>,
    %get3A_474 = vector.shape_cast %get3A_473 : vector<1x16xi32> to vector<16xi32>
    %swap3A_475 = arith.constant 80 : index
    %swap3A_476 = tpu.vector_load %arg14[%swap3A_475] {strides = array<i32>} : memref<128xi32, #tpu.memory_space<vmem>>, vector<16xi32>,
    %swap3A_477 = vector.shape_cast %swap3A_476 : vector<16xi32> to vector<16xi32>
    %swap3A_478 = vector.shape_cast %get3A_474 : vector<16xi32> to vector<16xi32>
    tpu.vector_store %arg14[%swap3A_475], %swap3A_478 {strides = array<i32>} : memref<128xi32, #tpu.memory_space<vmem>>, vector<16xi32>,
    %get3A_479 = arith.constant 2 : i32
    %get3A_480 = arith.index_cast %get3A_479 : i32 to index
    %get3A_481 = arith.constant 96 : index
    %get3A_482 = tpu.vector_load %arg7[%get3A_480, %get3A_481] {strides = array<i32>} : memref<157x128xi32, #tpu.memory_space<vmem>>, vector<1x16xi32>,
    %get3A_483 = vector.shape_cast %get3A_482 : vector<1x16xi32> to vector<16xi32>
    %swap3A_484 = arith.constant 96 : index
    %swap3A_485 = tpu.vector_load %arg14[%swap3A_484] {strides = array<i32>} : memref<128xi32, #tpu.memory_space<vmem>>, vector<16xi32>,
    %swap3A_486 = vector.shape_cast %swap3A_485 : vector<16xi32> to vector<16xi32>
    %swap3A_487 = vector.shape_cast %get3A_483 : vector<16xi32> to vector<16xi32>
    tpu.vector_store %arg14[%swap3A_484], %swap3A_487 {strides = array<i32>} : memref<128xi32, #tpu.memory_space<vmem>>, vector<16xi32>,
    %get3A_488 = arith.constant 2 : i32
    %get3A_489 = arith.index_cast %get3A_488 : i32 to index
    %get3A_490 = arith.constant 112 : index
    %get3A_491 = tpu.vector_load %arg7[%get3A_489, %get3A_490] {strides = array<i32>} : memref<157x128xi32, #tpu.memory_space<vmem>>, vector<1x16xi32>,
    %get3A_492 = vector.shape_cast %get3A_491 : vector<1x16xi32> to vector<16xi32>
    %swap3A_493 = arith.constant 112 : index
    %swap3A_494 = tpu.vector_load %arg14[%swap3A_493] {strides = array<i32>} : memref<128xi32, #tpu.memory_space<vmem>>, vector<16xi32>,
    %swap3A_495 = vector.shape_cast %swap3A_494 : vector<16xi32> to vector<16xi32>
    %swap3A_496 = vector.shape_cast %get3A_492 : vector<16xi32> to vector<16xi32>
    tpu.vector_store %arg14[%swap3A_493], %swap3A_496 {strides = array<i32>} : memref<128xi32, #tpu.memory_space<vmem>>, vector<16xi32>,
    %dma_start3A_497 = arith.constant 0 : i32
    %dma_start3A_498 = arith.constant 0 : i32
    %dma_start3A_499 = tpu.memref_slice %arg4[%dma_start3A_497, %dma_start3A_498] : memref<20480x64xf32, #tpu.memory_space<hbm>> -> memref<20480x64xf32, #tpu.memory_space<hbm>>
    tpu.enqueue_indirect_dma source(%dma_start3A_499 : memref<20480x64xf32, #tpu.memory_space<hbm>>) target(%arg18 : memref<128x64xf32, #tpu.memory_space<vmem>>) offsets(%arg10 : memref<128xi32, #tpu.memory_space<vmem>>) semaphore(%arg24 : memref<!tpu.dma_semaphore, #tpu.memory_space<semaphore_mem>>)
    %get3A_500 = arith.constant 3 : i32
    %get3A_501 = arith.index_cast %get3A_500 : i32 to index
    %get3A_502 = arith.constant 0 : index
    %get3A_503 = tpu.vector_load %arg6[%get3A_501, %get3A_502] {strides = array<i32>} : memref<157x128xi32, #tpu.memory_space<vmem>>, vector<1x16xi32>,
    %get3A_504 = vector.shape_cast %get3A_503 : vector<1x16xi32> to vector<16xi32>
    %add3A_505 = vector.broadcast %mul3A_2 : i32 to vector<16xi32>
    %add3A_506 = arith.addi %get3A_504, %add3A_505 : vector<16xi32>
    %swap3A_507 = arith.constant 0 : index
    %swap3A_508 = tpu.vector_load %arg11[%swap3A_507] {strides = array<i32>} : memref<128xi32, #tpu.memory_space<vmem>>, vector<16xi32>,
    %swap3A_509 = vector.shape_cast %swap3A_508 : vector<16xi32> to vector<16xi32>
    %swap3A_510 = vector.shape_cast %add3A_506 : vector<16xi32> to vector<16xi32>
    tpu.vector_store %arg11[%swap3A_507], %swap3A_510 {strides = array<i32>} : memref<128xi32, #tpu.memory_space<vmem>>, vector<16xi32>,
    %get3A_511 = arith.constant 3 : i32
    %get3A_512 = arith.index_cast %get3A_511 : i32 to index
    %get3A_513 = arith.constant 16 : index
    %get3A_514 = tpu.vector_load %arg6[%get3A_512, %get3A_513] {strides = array<i32>} : memref<157x128xi32, #tpu.memory_space<vmem>>, vector<1x16xi32>,
    %get3A_515 = vector.shape_cast %get3A_514 : vector<1x16xi32> to vector<16xi32>
    %add3A_516 = vector.broadcast %mul3A_2 : i32 to vector<16xi32>
    %add3A_517 = arith.addi %get3A_515, %add3A_516 : vector<16xi32>
    %swap3A_518 = arith.constant 16 : index
    %swap3A_519 = tpu.vector_load %arg11[%swap3A_518] {strides = array<i32>} : memref<128xi32, #tpu.memory_space<vmem>>, vector<16xi32>,
    %swap3A_520 = vector.shape_cast %swap3A_519 : vector<16xi32> to vector<16xi32>
    %swap3A_521 = vector.shape_cast %add3A_517 : vector<16xi32> to vector<16xi32>
    tpu.vector_store %arg11[%swap3A_518], %swap3A_521 {strides = array<i32>} : memref<128xi32, #tpu.memory_space<vmem>>, vector<16xi32>,
    %get3A_522 = arith.constant 3 : i32
    %get3A_523 = arith.index_cast %get3A_522 : i32 to index
    %get3A_524 = arith.constant 32 : index
    %get3A_525 = tpu.vector_load %arg6[%get3A_523, %get3A_524] {strides = array<i32>} : memref<157x128xi32, #tpu.memory_space<vmem>>, vector<1x16xi32>,
    %get3A_526 = vector.shape_cast %get3A_525 : vector<1x16xi32> to vector<16xi32>
    %add3A_527 = vector.broadcast %mul3A_2 : i32 to vector<16xi32>
    %add3A_528 = arith.addi %get3A_526, %add3A_527 : vector<16xi32>
    %swap3A_529 = arith.constant 32 : index
    %swap3A_530 = tpu.vector_load %arg11[%swap3A_529] {strides = array<i32>} : memref<128xi32, #tpu.memory_space<vmem>>, vector<16xi32>,
    %swap3A_531 = vector.shape_cast %swap3A_530 : vector<16xi32> to vector<16xi32>
    %swap3A_532 = vector.shape_cast %add3A_528 : vector<16xi32> to vector<16xi32>
    tpu.vector_store %arg11[%swap3A_529], %swap3A_532 {strides = array<i32>} : memref<128xi32, #tpu.memory_space<vmem>>, vector<16xi32>,
    %get3A_533 = arith.constant 3 : i32
    %get3A_534 = arith.index_cast %get3A_533 : i32 to index
    %get3A_535 = arith.constant 48 : index
    %get3A_536 = tpu.vector_load %arg6[%get3A_534, %get3A_535] {strides = array<i32>} : memref<157x128xi32, #tpu.memory_space<vmem>>, vector<1x16xi32>,
    %get3A_537 = vector.shape_cast %get3A_536 : vector<1x16xi32> to vector<16xi32>
    %add3A_538 = vector.broadcast %mul3A_2 : i32 to vector<16xi32>
    %add3A_539 = arith.addi %get3A_537, %add3A_538 : vector<16xi32>
    %swap3A_540 = arith.constant 48 : index
    %swap3A_541 = tpu.vector_load %arg11[%swap3A_540] {strides = array<i32>} : memref<128xi32, #tpu.memory_space<vmem>>, vector<16xi32>,
    %swap3A_542 = vector.shape_cast %swap3A_541 : vector<16xi32> to vector<16xi32>
    %swap3A_543 = vector.shape_cast %add3A_539 : vector<16xi32> to vector<16xi32>
    tpu.vector_store %arg11[%swap3A_540], %swap3A_543 {strides = array<i32>} : memref<128xi32, #tpu.memory_space<vmem>>, vector<16xi32>,
    %get3A_544 = arith.constant 3 : i32
    %get3A_545 = arith.index_cast %get3A_544 : i32 to index
    %get3A_546 = arith.constant 64 : index
    %get3A_547 = tpu.vector_load %arg6[%get3A_545, %get3A_546] {strides = array<i32>} : memref<157x128xi32, #tpu.memory_space<vmem>>, vector<1x16xi32>,
    %get3A_548 = vector.shape_cast %get3A_547 : vector<1x16xi32> to vector<16xi32>
    %add3A_549 = vector.broadcast %mul3A_2 : i32 to vector<16xi32>
    %add3A_550 = arith.addi %get3A_548, %add3A_549 : vector<16xi32>
    %swap3A_551 = arith.constant 64 : index
    %swap3A_552 = tpu.vector_load %arg11[%swap3A_551] {strides = array<i32>} : memref<128xi32, #tpu.memory_space<vmem>>, vector<16xi32>,
    %swap3A_553 = vector.shape_cast %swap3A_552 : vector<16xi32> to vector<16xi32>
    %swap3A_554 = vector.shape_cast %add3A_550 : vector<16xi32> to vector<16xi32>
    tpu.vector_store %arg11[%swap3A_551], %swap3A_554 {strides = array<i32>} : memref<128xi32, #tpu.memory_space<vmem>>, vector<16xi32>,
    %get3A_555 = arith.constant 3 : i32
    %get3A_556 = arith.index_cast %get3A_555 : i32 to index
    %get3A_557 = arith.constant 80 : index
    %get3A_558 = tpu.vector_load %arg6[%get3A_556, %get3A_557] {strides = array<i32>} : memref<157x128xi32, #tpu.memory_space<vmem>>, vector<1x16xi32>,
    %get3A_559 = vector.shape_cast %get3A_558 : vector<1x16xi32> to vector<16xi32>
    %add3A_560 = vector.broadcast %mul3A_2 : i32 to vector<16xi32>
    %add3A_561 = arith.addi %get3A_559, %add3A_560 : vector<16xi32>
    %swap3A_562 = arith.constant 80 : index
    %swap3A_563 = tpu.vector_load %arg11[%swap3A_562] {strides = array<i32>} : memref<128xi32, #tpu.memory_space<vmem>>, vector<16xi32>,
    %swap3A_564 = vector.shape_cast %swap3A_563 : vector<16xi32> to vector<16xi32>
    %swap3A_565 = vector.shape_cast %add3A_561 : vector<16xi32> to vector<16xi32>
    tpu.vector_store %arg11[%swap3A_562], %swap3A_565 {strides = array<i32>} : memref<128xi32, #tpu.memory_space<vmem>>, vector<16xi32>,
    %get3A_566 = arith.constant 3 : i32
    %get3A_567 = arith.index_cast %get3A_566 : i32 to index
    %get3A_568 = arith.constant 96 : index
    %get3A_569 = tpu.vector_load %arg6[%get3A_567, %get3A_568] {strides = array<i32>} : memref<157x128xi32, #tpu.memory_space<vmem>>, vector<1x16xi32>,
    %get3A_570 = vector.shape_cast %get3A_569 : vector<1x16xi32> to vector<16xi32>
    %add3A_571 = vector.broadcast %mul3A_2 : i32 to vector<16xi32>
    %add3A_572 = arith.addi %get3A_570, %add3A_571 : vector<16xi32>
    %swap3A_573 = arith.constant 96 : index
    %swap3A_574 = tpu.vector_load %arg11[%swap3A_573] {strides = array<i32>} : memref<128xi32, #tpu.memory_space<vmem>>, vector<16xi32>,
    %swap3A_575 = vector.shape_cast %swap3A_574 : vector<16xi32> to vector<16xi32>
    %swap3A_576 = vector.shape_cast %add3A_572 : vector<16xi32> to vector<16xi32>
    tpu.vector_store %arg11[%swap3A_573], %swap3A_576 {strides = array<i32>} : memref<128xi32, #tpu.memory_space<vmem>>, vector<16xi32>,
    %get3A_577 = arith.constant 3 : i32
    %get3A_578 = arith.index_cast %get3A_577 : i32 to index
    %get3A_579 = arith.constant 112 : index
    %get3A_580 = tpu.vector_load %arg6[%get3A_578, %get3A_579] {strides = array<i32>} : memref<157x128xi32, #tpu.memory_space<vmem>>, vector<1x16xi32>,
    %get3A_581 = vector.shape_cast %get3A_580 : vector<1x16xi32> to vector<16xi32>
    %add3A_582 = vector.broadcast %mul3A_2 : i32 to vector<16xi32>
    %add3A_583 = arith.addi %get3A_581, %add3A_582 : vector<16xi32>
    %swap3A_584 = arith.constant 112 : index
    %swap3A_585 = tpu.vector_load %arg11[%swap3A_584] {strides = array<i32>} : memref<128xi32, #tpu.memory_space<vmem>>, vector<16xi32>,
    %swap3A_586 = vector.shape_cast %swap3A_585 : vector<16xi32> to vector<16xi32>
    %swap3A_587 = vector.shape_cast %add3A_583 : vector<16xi32> to vector<16xi32>
    tpu.vector_store %arg11[%swap3A_584], %swap3A_587 {strides = array<i32>} : memref<128xi32, #tpu.memory_space<vmem>>, vector<16xi32>,
    %get3A_588 = arith.constant 3 : i32
    %get3A_589 = arith.index_cast %get3A_588 : i32 to index
    %get3A_590 = arith.constant 0 : index
    %get3A_591 = tpu.vector_load %arg7[%get3A_589, %get3A_590] {strides = array<i32>} : memref<157x128xi32, #tpu.memory_space<vmem>>, vector<1x16xi32>,
    %get3A_592 = vector.shape_cast %get3A_591 : vector<1x16xi32> to vector<16xi32>
    %swap3A_593 = arith.constant 0 : index
    %swap3A_594 = tpu.vector_load %arg15[%swap3A_593] {strides = array<i32>} : memref<128xi32, #tpu.memory_space<vmem>>, vector<16xi32>,
    %swap3A_595 = vector.shape_cast %swap3A_594 : vector<16xi32> to vector<16xi32>
    %swap3A_596 = vector.shape_cast %get3A_592 : vector<16xi32> to vector<16xi32>
    tpu.vector_store %arg15[%swap3A_593], %swap3A_596 {strides = array<i32>} : memref<128xi32, #tpu.memory_space<vmem>>, vector<16xi32>,
    %get3A_597 = arith.constant 3 : i32
    %get3A_598 = arith.index_cast %get3A_597 : i32 to index
    %get3A_599 = arith.constant 16 : index
    %get3A_600 = tpu.vector_load %arg7[%get3A_598, %get3A_599] {strides = array<i32>} : memref<157x128xi32, #tpu.memory_space<vmem>>, vector<1x16xi32>,
    %get3A_601 = vector.shape_cast %get3A_600 : vector<1x16xi32> to vector<16xi32>
    %swap3A_602 = arith.constant 16 : index
    %swap3A_603 = tpu.vector_load %arg15[%swap3A_602] {strides = array<i32>} : memref<128xi32, #tpu.memory_space<vmem>>, vector<16xi32>,
    %swap3A_604 = vector.shape_cast %swap3A_603 : vector<16xi32> to vector<16xi32>
    %swap3A_605 = vector.shape_cast %get3A_601 : vector<16xi32> to vector<16xi32>
    tpu.vector_store %arg15[%swap3A_602], %swap3A_605 {strides = array<i32>} : memref<128xi32, #tpu.memory_space<vmem>>, vector<16xi32>,
    %get3A_606 = arith.constant 3 : i32
    %get3A_607 = arith.index_cast %get3A_606 : i32 to index
    %get3A_608 = arith.constant 32 : index
    %get3A_609 = tpu.vector_load %arg7[%get3A_607, %get3A_608] {strides = array<i32>} : memref<157x128xi32, #tpu.memory_space<vmem>>, vector<1x16xi32>,
    %get3A_610 = vector.shape_cast %get3A_609 : vector<1x16xi32> to vector<16xi32>
    %swap3A_611 = arith.constant 32 : index
    %swap3A_612 = tpu.vector_load %arg15[%swap3A_611] {strides = array<i32>} : memref<128xi32, #tpu.memory_space<vmem>>, vector<16xi32>,
    %swap3A_613 = vector.shape_cast %swap3A_612 : vector<16xi32> to vector<16xi32>
    %swap3A_614 = vector.shape_cast %get3A_610 : vector<16xi32> to vector<16xi32>
    tpu.vector_store %arg15[%swap3A_611], %swap3A_614 {strides = array<i32>} : memref<128xi32, #tpu.memory_space<vmem>>, vector<16xi32>,
    %get3A_615 = arith.constant 3 : i32
    %get3A_616 = arith.index_cast %get3A_615 : i32 to index
    %get3A_617 = arith.constant 48 : index
    %get3A_618 = tpu.vector_load %arg7[%get3A_616, %get3A_617] {strides = array<i32>} : memref<157x128xi32, #tpu.memory_space<vmem>>, vector<1x16xi32>,
    %get3A_619 = vector.shape_cast %get3A_618 : vector<1x16xi32> to vector<16xi32>
    %swap3A_620 = arith.constant 48 : index
    %swap3A_621 = tpu.vector_load %arg15[%swap3A_620] {strides = array<i32>} : memref<128xi32, #tpu.memory_space<vmem>>, vector<16xi32>,
    %swap3A_622 = vector.shape_cast %swap3A_621 : vector<16xi32> to vector<16xi32>
    %swap3A_623 = vector.shape_cast %get3A_619 : vector<16xi32> to vector<16xi32>
    tpu.vector_store %arg15[%swap3A_620], %swap3A_623 {strides = array<i32>} : memref<128xi32, #tpu.memory_space<vmem>>, vector<16xi32>,
    %get3A_624 = arith.constant 3 : i32
    %get3A_625 = arith.index_cast %get3A_624 : i32 to index
    %get3A_626 = arith.constant 64 : index
    %get3A_627 = tpu.vector_load %arg7[%get3A_625, %get3A_626] {strides = array<i32>} : memref<157x128xi32, #tpu.memory_space<vmem>>, vector<1x16xi32>,
    %get3A_628 = vector.shape_cast %get3A_627 : vector<1x16xi32> to vector<16xi32>
    %swap3A_629 = arith.constant 64 : index
    %swap3A_630 = tpu.vector_load %arg15[%swap3A_629] {strides = array<i32>} : memref<128xi32, #tpu.memory_space<vmem>>, vector<16xi32>,
    %swap3A_631 = vector.shape_cast %swap3A_630 : vector<16xi32> to vector<16xi32>
    %swap3A_632 = vector.shape_cast %get3A_628 : vector<16xi32> to vector<16xi32>
    tpu.vector_store %arg15[%swap3A_629], %swap3A_632 {strides = array<i32>} : memref<128xi32, #tpu.memory_space<vmem>>, vector<16xi32>,
    %get3A_633 = arith.constant 3 : i32
    %get3A_634 = arith.index_cast %get3A_633 : i32 to index
    %get3A_635 = arith.constant 80 : index
    %get3A_636 = tpu.vector_load %arg7[%get3A_634, %get3A_635] {strides = array<i32>} : memref<157x128xi32, #tpu.memory_space<vmem>>, vector<1x16xi32>,
    %get3A_637 = vector.shape_cast %get3A_636 : vector<1x16xi32> to vector<16xi32>
    %swap3A_638 = arith.constant 80 : index
    %swap3A_639 = tpu.vector_load %arg15[%swap3A_638] {strides = array<i32>} : memref<128xi32, #tpu.memory_space<vmem>>, vector<16xi32>,
    %swap3A_640 = vector.shape_cast %swap3A_639 : vector<16xi32> to vector<16xi32>
    %swap3A_641 = vector.shape_cast %get3A_637 : vector<16xi32> to vector<16xi32>
    tpu.vector_store %arg15[%swap3A_638], %swap3A_641 {strides = array<i32>} : memref<128xi32, #tpu.memory_space<vmem>>, vector<16xi32>,
    %get3A_642 = arith.constant 3 : i32
    %get3A_643 = arith.index_cast %get3A_642 : i32 to index
    %get3A_644 = arith.constant 96 : index
    %get3A_645 = tpu.vector_load %arg7[%get3A_643, %get3A_644] {strides = array<i32>} : memref<157x128xi32, #tpu.memory_space<vmem>>, vector<1x16xi32>,
    %get3A_646 = vector.shape_cast %get3A_645 : vector<1x16xi32> to vector<16xi32>
    %swap3A_647 = arith.constant 96 : index
    %swap3A_648 = tpu.vector_load %arg15[%swap3A_647] {strides = array<i32>} : memref<128xi32, #tpu.memory_space<vmem>>, vector<16xi32>,
    %swap3A_649 = vector.shape_cast %swap3A_648 : vector<16xi32> to vector<16xi32>
    %swap3A_650 = vector.shape_cast %get3A_646 : vector<16xi32> to vector<16xi32>
    tpu.vector_store %arg15[%swap3A_647], %swap3A_650 {strides = array<i32>} : memref<128xi32, #tpu.memory_space<vmem>>, vector<16xi32>,
    %get3A_651 = arith.constant 3 : i32
    %get3A_652 = arith.index_cast %get3A_651 : i32 to index
    %get3A_653 = arith.constant 112 : index
    %get3A_654 = tpu.vector_load %arg7[%get3A_652, %get3A_653] {strides = array<i32>} : memref<157x128xi32, #tpu.memory_space<vmem>>, vector<1x16xi32>,
    %get3A_655 = vector.shape_cast %get3A_654 : vector<1x16xi32> to vector<16xi32>
    %swap3A_656 = arith.constant 112 : index
    %swap3A_657 = tpu.vector_load %arg15[%swap3A_656] {strides = array<i32>} : memref<128xi32, #tpu.memory_space<vmem>>, vector<16xi32>,
    %swap3A_658 = vector.shape_cast %swap3A_657 : vector<16xi32> to vector<16xi32>
    %swap3A_659 = vector.shape_cast %get3A_655 : vector<16xi32> to vector<16xi32>
    tpu.vector_store %arg15[%swap3A_656], %swap3A_659 {strides = array<i32>} : memref<128xi32, #tpu.memory_space<vmem>>, vector<16xi32>,
    %dma_start3A_660 = arith.constant 0 : i32
    %dma_start3A_661 = arith.constant 0 : i32
    %dma_start3A_662 = tpu.memref_slice %arg4[%dma_start3A_660, %dma_start3A_661] : memref<20480x64xf32, #tpu.memory_space<hbm>> -> memref<20480x64xf32, #tpu.memory_space<hbm>>
    tpu.enqueue_indirect_dma source(%dma_start3A_662 : memref<20480x64xf32, #tpu.memory_space<hbm>>) target(%arg19 : memref<128x64xf32, #tpu.memory_space<vmem>>) offsets(%arg11 : memref<128xi32, #tpu.memory_space<vmem>>) semaphore(%arg25 : memref<!tpu.dma_semaphore, #tpu.memory_space<semaphore_mem>>)
    %scan3A_663 = arith.constant 0 : i32
    %scan3A_664 = arith.constant 0 : i32
    %scan3A_665 = arith.constant 38 : i32
    %scan3A_666 = arith.addi %scan3A_664, %scan3A_665 : i32
    %scan3A_667 = arith.constant 1 : i32
    scf.for %scan3A_865 = %scan3A_664 to %scan3A_666 step %scan3A_667  : i32 {
      %mul3A_866 = arith.constant 4 : i32
      %mul3A_867 = arith.muli %mul3A_866, %scan3A_865 : i32
      %dma_wait3A_868 = arith.constant 0 : i32
      %dma_wait3A_869 = arith.constant 0 : i32
      %dma_wait3A_870 = tpu.memref_slice %arg4[%dma_wait3A_868, %dma_wait3A_869] : memref<20480x64xf32, #tpu.memory_space<hbm>> -> memref<20480x64xf32, #tpu.memory_space<hbm>>
      tpu.wait_indirect_dma semaphore(%arg22 : memref<!tpu.dma_semaphore, #tpu.memory_space<semaphore_mem>>) src(%dma_wait3A_870 : memref<20480x64xf32, #tpu.memory_space<hbm>>) dst(%arg16 : memref<128x64xf32, #tpu.memory_space<vmem>>)
      %dma_start3A_871 = arith.constant 0 : i32
      %dma_start3A_872 = arith.constant 0 : i32
      %dma_start3A_873 = tpu.memref_slice %arg21[%dma_start3A_871, %dma_start3A_872] : memref<10240x64xf32, #tpu.memory_space<vmem_shared>> -> memref<10240x64xf32, #tpu.memory_space<vmem_shared>>
      tpu.enqueue_indirect_dma source(%arg16 : memref<128x64xf32, #tpu.memory_space<vmem>>) target(%dma_start3A_873 : memref<10240x64xf32, #tpu.memory_space<vmem_shared>>) offsets(%arg12 : memref<128xi32, #tpu.memory_space<vmem>>) semaphore(%arg26 : memref<!tpu.dma_semaphore, #tpu.memory_space<semaphore_mem>>) {add = true}
      %dma_wait3A_874 = arith.constant 0 : i32
      %dma_wait3A_875 = arith.constant 0 : i32
      %dma_wait3A_876 = tpu.memref_slice %arg4[%dma_wait3A_874, %dma_wait3A_875] : memref<20480x64xf32, #tpu.memory_space<hbm>> -> memref<20480x64xf32, #tpu.memory_space<hbm>>
      tpu.wait_indirect_dma semaphore(%arg23 : memref<!tpu.dma_semaphore, #tpu.memory_space<semaphore_mem>>) src(%dma_wait3A_876 : memref<20480x64xf32, #tpu.memory_space<hbm>>) dst(%arg17 : memref<128x64xf32, #tpu.memory_space<vmem>>)
      %dma_start3A_877 = arith.constant 0 : i32
      %dma_start3A_878 = arith.constant 0 : i32
      %dma_start3A_879 = tpu.memref_slice %arg21[%dma_start3A_877, %dma_start3A_878] : memref<10240x64xf32, #tpu.memory_space<vmem_shared>> -> memref<10240x64xf32, #tpu.memory_space<vmem_shared>>
      tpu.enqueue_indirect_dma source(%arg17 : memref<128x64xf32, #tpu.memory_space<vmem>>) target(%dma_start3A_879 : memref<10240x64xf32, #tpu.memory_space<vmem_shared>>) offsets(%arg13 : memref<128xi32, #tpu.memory_space<vmem>>) semaphore(%arg27 : memref<!tpu.dma_semaphore, #tpu.memory_space<semaphore_mem>>) {add = true}
      %dma_wait3A_880 = arith.constant 0 : i32
      %dma_wait3A_881 = arith.constant 0 : i32
      %dma_wait3A_882 = tpu.memref_slice %arg4[%dma_wait3A_880, %dma_wait3A_881] : memref<20480x64xf32, #tpu.memory_space<hbm>> -> memref<20480x64xf32, #tpu.memory_space<hbm>>
      tpu.wait_indirect_dma semaphore(%arg24 : memref<!tpu.dma_semaphore, #tpu.memory_space<semaphore_mem>>) src(%dma_wait3A_882 : memref<20480x64xf32, #tpu.memory_space<hbm>>) dst(%arg18 : memref<128x64xf32, #tpu.memory_space<vmem>>)
      %dma_start3A_883 = arith.constant 0 : i32
      %dma_start3A_884 = arith.constant 0 : i32
      %dma_start3A_885 = tpu.memref_slice %arg21[%dma_start3A_883, %dma_start3A_884] : memref<10240x64xf32, #tpu.memory_space<vmem_shared>> -> memref<10240x64xf32, #tpu.memory_space<vmem_shared>>
      tpu.enqueue_indirect_dma source(%arg18 : memref<128x64xf32, #tpu.memory_space<vmem>>) target(%dma_start3A_885 : memref<10240x64xf32, #tpu.memory_space<vmem_shared>>) offsets(%arg14 : memref<128xi32, #tpu.memory_space<vmem>>) semaphore(%arg28 : memref<!tpu.dma_semaphore, #tpu.memory_space<semaphore_mem>>) {add = true}
      %dma_wait3A_886 = arith.constant 0 : i32
      %dma_wait3A_887 = arith.constant 0 : i32
      %dma_wait3A_888 = tpu.memref_slice %arg4[%dma_wait3A_886, %dma_wait3A_887] : memref<20480x64xf32, #tpu.memory_space<hbm>> -> memref<20480x64xf32, #tpu.memory_space<hbm>>
      tpu.wait_indirect_dma semaphore(%arg25 : memref<!tpu.dma_semaphore, #tpu.memory_space<semaphore_mem>>) src(%dma_wait3A_888 : memref<20480x64xf32, #tpu.memory_space<hbm>>) dst(%arg19 : memref<128x64xf32, #tpu.memory_space<vmem>>)
      %dma_start3A_889 = arith.constant 0 : i32
      %dma_start3A_890 = arith.constant 0 : i32
      %dma_start3A_891 = tpu.memref_slice %arg21[%dma_start3A_889, %dma_start3A_890] : memref<10240x64xf32, #tpu.memory_space<vmem_shared>> -> memref<10240x64xf32, #tpu.memory_space<vmem_shared>>
      tpu.enqueue_indirect_dma source(%arg19 : memref<128x64xf32, #tpu.memory_space<vmem>>) target(%dma_start3A_891 : memref<10240x64xf32, #tpu.memory_space<vmem_shared>>) offsets(%arg15 : memref<128xi32, #tpu.memory_space<vmem>>) semaphore(%arg29 : memref<!tpu.dma_semaphore, #tpu.memory_space<semaphore_mem>>) {add = true}
      %dma_wait3A_892 = arith.constant 0 : i32
      %dma_wait3A_893 = arith.constant 0 : i32
      %dma_wait3A_894 = tpu.memref_slice %arg21[%dma_wait3A_892, %dma_wait3A_893] : memref<10240x64xf32, #tpu.memory_space<vmem_shared>> -> memref<10240x64xf32, #tpu.memory_space<vmem_shared>>
      tpu.wait_indirect_dma semaphore(%arg26 : memref<!tpu.dma_semaphore, #tpu.memory_space<semaphore_mem>>) src(%arg16 : memref<128x64xf32, #tpu.memory_space<vmem>>) dst(%dma_wait3A_894 : memref<10240x64xf32, #tpu.memory_space<vmem_shared>>)
      %add3A_895 = arith.constant 4 : i32
      %add3A_896 = arith.addi %mul3A_867, %add3A_895 : i32
      %add3A_897 = arith.constant 0 : i32
      %add3A_898 = arith.addi %add3A_896, %add3A_897 : i32
      %get3A_899 = arith.index_cast %add3A_898 : i32 to index
      %get3A_900 = arith.constant 0 : index
      %get3A_901 = tpu.vector_load %arg6[%get3A_899, %get3A_900] {strides = array<i32>} : memref<157x128xi32, #tpu.memory_space<vmem>>, vector<1x16xi32>,
      %get3A_902 = vector.shape_cast %get3A_901 : vector<1x16xi32> to vector<16xi32>
      %add3A_903 = vector.broadcast %mul3A_2 : i32 to vector<16xi32>
      %add3A_904 = arith.addi %get3A_902, %add3A_903 : vector<16xi32>
      %swap3A_905 = arith.constant 0 : index
      %swap3A_906 = tpu.vector_load %arg8[%swap3A_905] {strides = array<i32>} : memref<128xi32, #tpu.memory_space<vmem>>, vector<16xi32>,
      %swap3A_907 = vector.shape_cast %swap3A_906 : vector<16xi32> to vector<16xi32>
      %swap3A_908 = vector.shape_cast %add3A_904 : vector<16xi32> to vector<16xi32>
      tpu.vector_store %arg8[%swap3A_905], %swap3A_908 {strides = array<i32>} : memref<128xi32, #tpu.memory_space<vmem>>, vector<16xi32>,
      %get3A_909 = arith.index_cast %add3A_898 : i32 to index
      %get3A_910 = arith.constant 16 : index
      %get3A_911 = tpu.vector_load %arg6[%get3A_909, %get3A_910] {strides = array<i32>} : memref<157x128xi32, #tpu.memory_space<vmem>>, vector<1x16xi32>,
      %get3A_912 = vector.shape_cast %get3A_911 : vector<1x16xi32> to vector<16xi32>
      %add3A_913 = vector.broadcast %mul3A_2 : i32 to vector<16xi32>
      %add3A_914 = arith.addi %get3A_912, %add3A_913 : vector<16xi32>
      %swap3A_915 = arith.constant 16 : index
      %swap3A_916 = tpu.vector_load %arg8[%swap3A_915] {strides = array<i32>} : memref<128xi32, #tpu.memory_space<vmem>>, vector<16xi32>,
      %swap3A_917 = vector.shape_cast %swap3A_916 : vector<16xi32> to vector<16xi32>
      %swap3A_918 = vector.shape_cast %add3A_914 : vector<16xi32> to vector<16xi32>
      tpu.vector_store %arg8[%swap3A_915], %swap3A_918 {strides = array<i32>} : memref<128xi32, #tpu.memory_space<vmem>>, vector<16xi32>,
      %get3A_919 = arith.index_cast %add3A_898 : i32 to index
      %get3A_920 = arith.constant 32 : index
      %get3A_921 = tpu.vector_load %arg6[%get3A_919, %get3A_920] {strides = array<i32>} : memref<157x128xi32, #tpu.memory_space<vmem>>, vector<1x16xi32>,
      %get3A_922 = vector.shape_cast %get3A_921 : vector<1x16xi32> to vector<16xi32>
      %add3A_923 = vector.broadcast %mul3A_2 : i32 to vector<16xi32>
      %add3A_924 = arith.addi %get3A_922, %add3A_923 : vector<16xi32>
      %swap3A_925 = arith.constant 32 : index
      %swap3A_926 = tpu.vector_load %arg8[%swap3A_925] {strides = array<i32>} : memref<128xi32, #tpu.memory_space<vmem>>, vector<16xi32>,
      %swap3A_927 = vector.shape_cast %swap3A_926 : vector<16xi32> to vector<16xi32>
      %swap3A_928 = vector.shape_cast %add3A_924 : vector<16xi32> to vector<16xi32>
      tpu.vector_store %arg8[%swap3A_925], %swap3A_928 {strides = array<i32>} : memref<128xi32, #tpu.memory_space<vmem>>, vector<16xi32>,
      %get3A_929 = arith.index_cast %add3A_898 : i32 to index
      %get3A_930 = arith.constant 48 : index
      %get3A_931 = tpu.vector_load %arg6[%get3A_929, %get3A_930] {strides = array<i32>} : memref<157x128xi32, #tpu.memory_space<vmem>>, vector<1x16xi32>,
      %get3A_932 = vector.shape_cast %get3A_931 : vector<1x16xi32> to vector<16xi32>
      %add3A_933 = vector.broadcast %mul3A_2 : i32 to vector<16xi32>
      %add3A_934 = arith.addi %get3A_932, %add3A_933 : vector<16xi32>
      %swap3A_935 = arith.constant 48 : index
      %swap3A_936 = tpu.vector_load %arg8[%swap3A_935] {strides = array<i32>} : memref<128xi32, #tpu.memory_space<vmem>>, vector<16xi32>,
      %swap3A_937 = vector.shape_cast %swap3A_936 : vector<16xi32> to vector<16xi32>
      %swap3A_938 = vector.shape_cast %add3A_934 : vector<16xi32> to vector<16xi32>
      tpu.vector_store %arg8[%swap3A_935], %swap3A_938 {strides = array<i32>} : memref<128xi32, #tpu.memory_space<vmem>>, vector<16xi32>,
      %get3A_939 = arith.index_cast %add3A_898 : i32 to index
      %get3A_940 = arith.constant 64 : index
      %get3A_941 = tpu.vector_load %arg6[%get3A_939, %get3A_940] {strides = array<i32>} : memref<157x128xi32, #tpu.memory_space<vmem>>, vector<1x16xi32>,
      %get3A_942 = vector.shape_cast %get3A_941 : vector<1x16xi32> to vector<16xi32>
      %add3A_943 = vector.broadcast %mul3A_2 : i32 to vector<16xi32>
      %add3A_944 = arith.addi %get3A_942, %add3A_943 : vector<16xi32>
      %swap3A_945 = arith.constant 64 : index
      %swap3A_946 = tpu.vector_load %arg8[%swap3A_945] {strides = array<i32>} : memref<128xi32, #tpu.memory_space<vmem>>, vector<16xi32>,
      %swap3A_947 = vector.shape_cast %swap3A_946 : vector<16xi32> to vector<16xi32>
      %swap3A_948 = vector.shape_cast %add3A_944 : vector<16xi32> to vector<16xi32>
      tpu.vector_store %arg8[%swap3A_945], %swap3A_948 {strides = array<i32>} : memref<128xi32, #tpu.memory_space<vmem>>, vector<16xi32>,
      %get3A_949 = arith.index_cast %add3A_898 : i32 to index
      %get3A_950 = arith.constant 80 : index
      %get3A_951 = tpu.vector_load %arg6[%get3A_949, %get3A_950] {strides = array<i32>} : memref<157x128xi32, #tpu.memory_space<vmem>>, vector<1x16xi32>,
      %get3A_952 = vector.shape_cast %get3A_951 : vector<1x16xi32> to vector<16xi32>
      %add3A_953 = vector.broadcast %mul3A_2 : i32 to vector<16xi32>
      %add3A_954 = arith.addi %get3A_952, %add3A_953 : vector<16xi32>
      %swap3A_955 = arith.constant 80 : index
      %swap3A_956 = tpu.vector_load %arg8[%swap3A_955] {strides = array<i32>} : memref<128xi32, #tpu.memory_space<vmem>>, vector<16xi32>,
      %swap3A_957 = vector.shape_cast %swap3A_956 : vector<16xi32> to vector<16xi32>
      %swap3A_958 = vector.shape_cast %add3A_954 : vector<16xi32> to vector<16xi32>
      tpu.vector_store %arg8[%swap3A_955], %swap3A_958 {strides = array<i32>} : memref<128xi32, #tpu.memory_space<vmem>>, vector<16xi32>,
      %get3A_959 = arith.index_cast %add3A_898 : i32 to index
      %get3A_960 = arith.constant 96 : index
      %get3A_961 = tpu.vector_load %arg6[%get3A_959, %get3A_960] {strides = array<i32>} : memref<157x128xi32, #tpu.memory_space<vmem>>, vector<1x16xi32>,
      %get3A_962 = vector.shape_cast %get3A_961 : vector<1x16xi32> to vector<16xi32>
      %add3A_963 = vector.broadcast %mul3A_2 : i32 to vector<16xi32>
      %add3A_964 = arith.addi %get3A_962, %add3A_963 : vector<16xi32>
      %swap3A_965 = arith.constant 96 : index
      %swap3A_966 = tpu.vector_load %arg8[%swap3A_965] {strides = array<i32>} : memref<128xi32, #tpu.memory_space<vmem>>, vector<16xi32>,
      %swap3A_967 = vector.shape_cast %swap3A_966 : vector<16xi32> to vector<16xi32>
      %swap3A_968 = vector.shape_cast %add3A_964 : vector<16xi32> to vector<16xi32>
      tpu.vector_store %arg8[%swap3A_965], %swap3A_968 {strides = array<i32>} : memref<128xi32, #tpu.memory_space<vmem>>, vector<16xi32>,
      %get3A_969 = arith.index_cast %add3A_898 : i32 to index
      %get3A_970 = arith.constant 112 : index
      %get3A_971 = tpu.vector_load %arg6[%get3A_969, %get3A_970] {strides = array<i32>} : memref<157x128xi32, #tpu.memory_space<vmem>>, vector<1x16xi32>,
      %get3A_972 = vector.shape_cast %get3A_971 : vector<1x16xi32> to vector<16xi32>
      %add3A_973 = vector.broadcast %mul3A_2 : i32 to vector<16xi32>
      %add3A_974 = arith.addi %get3A_972, %add3A_973 : vector<16xi32>
      %swap3A_975 = arith.constant 112 : index
      %swap3A_976 = tpu.vector_load %arg8[%swap3A_975] {strides = array<i32>} : memref<128xi32, #tpu.memory_space<vmem>>, vector<16xi32>,
      %swap3A_977 = vector.shape_cast %swap3A_976 : vector<16xi32> to vector<16xi32>
      %swap3A_978 = vector.shape_cast %add3A_974 : vector<16xi32> to vector<16xi32>
      tpu.vector_store %arg8[%swap3A_975], %swap3A_978 {strides = array<i32>} : memref<128xi32, #tpu.memory_space<vmem>>, vector<16xi32>,
      %add3A_979 = arith.constant 4 : i32
      %add3A_980 = arith.addi %mul3A_867, %add3A_979 : i32
      %add3A_981 = arith.constant 0 : i32
      %add3A_982 = arith.addi %add3A_980, %add3A_981 : i32
      %get3A_983 = arith.index_cast %add3A_982 : i32 to index
      %get3A_984 = arith.constant 0 : index
      %get3A_985 = tpu.vector_load %arg7[%get3A_983, %get3A_984] {strides = array<i32>} : memref<157x128xi32, #tpu.memory_space<vmem>>, vector<1x16xi32>,
      %get3A_986 = vector.shape_cast %get3A_985 : vector<1x16xi32> to vector<16xi32>
      %swap3A_987 = arith.constant 0 : index
      %swap3A_988 = tpu.vector_load %arg12[%swap3A_987] {strides = array<i32>} : memref<128xi32, #tpu.memory_space<vmem>>, vector<16xi32>,
      %swap3A_989 = vector.shape_cast %swap3A_988 : vector<16xi32> to vector<16xi32>
      %swap3A_990 = vector.shape_cast %get3A_986 : vector<16xi32> to vector<16xi32>
      tpu.vector_store %arg12[%swap3A_987], %swap3A_990 {strides = array<i32>} : memref<128xi32, #tpu.memory_space<vmem>>, vector<16xi32>,
      %get3A_991 = arith.index_cast %add3A_982 : i32 to index
      %get3A_992 = arith.constant 16 : index
      %get3A_993 = tpu.vector_load %arg7[%get3A_991, %get3A_992] {strides = array<i32>} : memref<157x128xi32, #tpu.memory_space<vmem>>, vector<1x16xi32>,
      %get3A_994 = vector.shape_cast %get3A_993 : vector<1x16xi32> to vector<16xi32>
      %swap3A_995 = arith.constant 16 : index
      %swap3A_996 = tpu.vector_load %arg12[%swap3A_995] {strides = array<i32>} : memref<128xi32, #tpu.memory_space<vmem>>, vector<16xi32>,
      %swap3A_997 = vector.shape_cast %swap3A_996 : vector<16xi32> to vector<16xi32>
      %swap3A_998 = vector.shape_cast %get3A_994 : vector<16xi32> to vector<16xi32>
      tpu.vector_store %arg12[%swap3A_995], %swap3A_998 {strides = array<i32>} : memref<128xi32, #tpu.memory_space<vmem>>, vector<16xi32>,
      %get3A_999 = arith.index_cast %add3A_982 : i32 to index
      %get3A_1000 = arith.constant 32 : index
      %get3A_1001 = tpu.vector_load %arg7[%get3A_999, %get3A_1000] {strides = array<i32>} : memref<157x128xi32, #tpu.memory_space<vmem>>, vector<1x16xi32>,
      %get3A_1002 = vector.shape_cast %get3A_1001 : vector<1x16xi32> to vector<16xi32>
      %swap3A_1003 = arith.constant 32 : index
      %swap3A_1004 = tpu.vector_load %arg12[%swap3A_1003] {strides = array<i32>} : memref<128xi32, #tpu.memory_space<vmem>>, vector<16xi32>,
      %swap3A_1005 = vector.shape_cast %swap3A_1004 : vector<16xi32> to vector<16xi32>
      %swap3A_1006 = vector.shape_cast %get3A_1002 : vector<16xi32> to vector<16xi32>
      tpu.vector_store %arg12[%swap3A_1003], %swap3A_1006 {strides = array<i32>} : memref<128xi32, #tpu.memory_space<vmem>>, vector<16xi32>,
      %get3A_1007 = arith.index_cast %add3A_982 : i32 to index
      %get3A_1008 = arith.constant 48 : index
      %get3A_1009 = tpu.vector_load %arg7[%get3A_1007, %get3A_1008] {strides = array<i32>} : memref<157x128xi32, #tpu.memory_space<vmem>>, vector<1x16xi32>,
      %get3A_1010 = vector.shape_cast %get3A_1009 : vector<1x16xi32> to vector<16xi32>
      %swap3A_1011 = arith.constant 48 : index
      %swap3A_1012 = tpu.vector_load %arg12[%swap3A_1011] {strides = array<i32>} : memref<128xi32, #tpu.memory_space<vmem>>, vector<16xi32>,
      %swap3A_1013 = vector.shape_cast %swap3A_1012 : vector<16xi32> to vector<16xi32>
      %swap3A_1014 = vector.shape_cast %get3A_1010 : vector<16xi32> to vector<16xi32>
      tpu.vector_store %arg12[%swap3A_1011], %swap3A_1014 {strides = array<i32>} : memref<128xi32, #tpu.memory_space<vmem>>, vector<16xi32>,
      %get3A_1015 = arith.index_cast %add3A_982 : i32 to index
      %get3A_1016 = arith.constant 64 : index
      %get3A_1017 = tpu.vector_load %arg7[%get3A_1015, %get3A_1016] {strides = array<i32>} : memref<157x128xi32, #tpu.memory_space<vmem>>, vector<1x16xi32>,
      %get3A_1018 = vector.shape_cast %get3A_1017 : vector<1x16xi32> to vector<16xi32>
      %swap3A_1019 = arith.constant 64 : index
      %swap3A_1020 = tpu.vector_load %arg12[%swap3A_1019] {strides = array<i32>} : memref<128xi32, #tpu.memory_space<vmem>>, vector<16xi32>,
      %swap3A_1021 = vector.shape_cast %swap3A_1020 : vector<16xi32> to vector<16xi32>
      %swap3A_1022 = vector.shape_cast %get3A_1018 : vector<16xi32> to vector<16xi32>
      tpu.vector_store %arg12[%swap3A_1019], %swap3A_1022 {strides = array<i32>} : memref<128xi32, #tpu.memory_space<vmem>>, vector<16xi32>,
      %get3A_1023 = arith.index_cast %add3A_982 : i32 to index
      %get3A_1024 = arith.constant 80 : index
      %get3A_1025 = tpu.vector_load %arg7[%get3A_1023, %get3A_1024] {strides = array<i32>} : memref<157x128xi32, #tpu.memory_space<vmem>>, vector<1x16xi32>,
      %get3A_1026 = vector.shape_cast %get3A_1025 : vector<1x16xi32> to vector<16xi32>
      %swap3A_1027 = arith.constant 80 : index
      %swap3A_1028 = tpu.vector_load %arg12[%swap3A_1027] {strides = array<i32>} : memref<128xi32, #tpu.memory_space<vmem>>, vector<16xi32>,
      %swap3A_1029 = vector.shape_cast %swap3A_1028 : vector<16xi32> to vector<16xi32>
      %swap3A_1030 = vector.shape_cast %get3A_1026 : vector<16xi32> to vector<16xi32>
      tpu.vector_store %arg12[%swap3A_1027], %swap3A_1030 {strides = array<i32>} : memref<128xi32, #tpu.memory_space<vmem>>, vector<16xi32>,
      %get3A_1031 = arith.index_cast %add3A_982 : i32 to index
      %get3A_1032 = arith.constant 96 : index
      %get3A_1033 = tpu.vector_load %arg7[%get3A_1031, %get3A_1032] {strides = array<i32>} : memref<157x128xi32, #tpu.memory_space<vmem>>, vector<1x16xi32>,
      %get3A_1034 = vector.shape_cast %get3A_1033 : vector<1x16xi32> to vector<16xi32>
      %swap3A_1035 = arith.constant 96 : index
      %swap3A_1036 = tpu.vector_load %arg12[%swap3A_1035] {strides = array<i32>} : memref<128xi32, #tpu.memory_space<vmem>>, vector<16xi32>,
      %swap3A_1037 = vector.shape_cast %swap3A_1036 : vector<16xi32> to vector<16xi32>
      %swap3A_1038 = vector.shape_cast %get3A_1034 : vector<16xi32> to vector<16xi32>
      tpu.vector_store %arg12[%swap3A_1035], %swap3A_1038 {strides = array<i32>} : memref<128xi32, #tpu.memory_space<vmem>>, vector<16xi32>,
      %get3A_1039 = arith.index_cast %add3A_982 : i32 to index
      %get3A_1040 = arith.constant 112 : index
      %get3A_1041 = tpu.vector_load %arg7[%get3A_1039, %get3A_1040] {strides = array<i32>} : memref<157x128xi32, #tpu.memory_space<vmem>>, vector<1x16xi32>,
      %get3A_1042 = vector.shape_cast %get3A_1041 : vector<1x16xi32> to vector<16xi32>
      %swap3A_1043 = arith.constant 112 : index
      %swap3A_1044 = tpu.vector_load %arg12[%swap3A_1043] {strides = array<i32>} : memref<128xi32, #tpu.memory_space<vmem>>, vector<16xi32>,
      %swap3A_1045 = vector.shape_cast %swap3A_1044 : vector<16xi32> to vector<16xi32>
      %swap3A_1046 = vector.shape_cast %get3A_1042 : vector<16xi32> to vector<16xi32>
      tpu.vector_store %arg12[%swap3A_1043], %swap3A_1046 {strides = array<i32>} : memref<128xi32, #tpu.memory_space<vmem>>, vector<16xi32>,
      %dma_start3A_1047 = arith.constant 0 : i32
      %dma_start3A_1048 = arith.constant 0 : i32
      %dma_start3A_1049 = tpu.memref_slice %arg4[%dma_start3A_1047, %dma_start3A_1048] : memref<20480x64xf32, #tpu.memory_space<hbm>> -> memref<20480x64xf32, #tpu.memory_space<hbm>>
      tpu.enqueue_indirect_dma source(%dma_start3A_1049 : memref<20480x64xf32, #tpu.memory_space<hbm>>) target(%arg16 : memref<128x64xf32, #tpu.memory_space<vmem>>) offsets(%arg8 : memref<128xi32, #tpu.memory_space<vmem>>) semaphore(%arg22 : memref<!tpu.dma_semaphore, #tpu.memory_space<semaphore_mem>>)
      %dma_wait3A_1050 = arith.constant 0 : i32
      %dma_wait3A_1051 = arith.constant 0 : i32
      %dma_wait3A_1052 = tpu.memref_slice %arg21[%dma_wait3A_1050, %dma_wait3A_1051] : memref<10240x64xf32, #tpu.memory_space<vmem_shared>> -> memref<10240x64xf32, #tpu.memory_space<vmem_shared>>
      tpu.wait_indirect_dma semaphore(%arg27 : memref<!tpu.dma_semaphore, #tpu.memory_space<semaphore_mem>>) src(%arg17 : memref<128x64xf32, #tpu.memory_space<vmem>>) dst(%dma_wait3A_1052 : memref<10240x64xf32, #tpu.memory_space<vmem_shared>>)
      %add3A_1053 = arith.constant 4 : i32
      %add3A_1054 = arith.addi %mul3A_867, %add3A_1053 : i32
      %add3A_1055 = arith.constant 1 : i32
      %add3A_1056 = arith.addi %add3A_1054, %add3A_1055 : i32
      %get3A_1057 = arith.index_cast %add3A_1056 : i32 to index
      %get3A_1058 = arith.constant 0 : index
      %get3A_1059 = tpu.vector_load %arg6[%get3A_1057, %get3A_1058] {strides = array<i32>} : memref<157x128xi32, #tpu.memory_space<vmem>>, vector<1x16xi32>,
      %get3A_1060 = vector.shape_cast %get3A_1059 : vector<1x16xi32> to vector<16xi32>
      %add3A_1061 = vector.broadcast %mul3A_2 : i32 to vector<16xi32>
      %add3A_1062 = arith.addi %get3A_1060, %add3A_1061 : vector<16xi32>
      %swap3A_1063 = arith.constant 0 : index
      %swap3A_1064 = tpu.vector_load %arg9[%swap3A_1063] {strides = array<i32>} : memref<128xi32, #tpu.memory_space<vmem>>, vector<16xi32>,
      %swap3A_1065 = vector.shape_cast %swap3A_1064 : vector<16xi32> to vector<16xi32>
      %swap3A_1066 = vector.shape_cast %add3A_1062 : vector<16xi32> to vector<16xi32>
      tpu.vector_store %arg9[%swap3A_1063], %swap3A_1066 {strides = array<i32>} : memref<128xi32, #tpu.memory_space<vmem>>, vector<16xi32>,
      %get3A_1067 = arith.index_cast %add3A_1056 : i32 to index
      %get3A_1068 = arith.constant 16 : index
      %get3A_1069 = tpu.vector_load %arg6[%get3A_1067, %get3A_1068] {strides = array<i32>} : memref<157x128xi32, #tpu.memory_space<vmem>>, vector<1x16xi32>,
      %get3A_1070 = vector.shape_cast %get3A_1069 : vector<1x16xi32> to vector<16xi32>
      %add3A_1071 = vector.broadcast %mul3A_2 : i32 to vector<16xi32>
      %add3A_1072 = arith.addi %get3A_1070, %add3A_1071 : vector<16xi32>
      %swap3A_1073 = arith.constant 16 : index
      %swap3A_1074 = tpu.vector_load %arg9[%swap3A_1073] {strides = array<i32>} : memref<128xi32, #tpu.memory_space<vmem>>, vector<16xi32>,
      %swap3A_1075 = vector.shape_cast %swap3A_1074 : vector<16xi32> to vector<16xi32>
      %swap3A_1076 = vector.shape_cast %add3A_1072 : vector<16xi32> to vector<16xi32>
      tpu.vector_store %arg9[%swap3A_1073], %swap3A_1076 {strides = array<i32>} : memref<128xi32, #tpu.memory_space<vmem>>, vector<16xi32>,
      %get3A_1077 = arith.index_cast %add3A_1056 : i32 to index
      %get3A_1078 = arith.constant 32 : index
      %get3A_1079 = tpu.vector_load %arg6[%get3A_1077, %get3A_1078] {strides = array<i32>} : memref<157x128xi32, #tpu.memory_space<vmem>>, vector<1x16xi32>,
      %get3A_1080 = vector.shape_cast %get3A_1079 : vector<1x16xi32> to vector<16xi32>
      %add3A_1081 = vector.broadcast %mul3A_2 : i32 to vector<16xi32>
      %add3A_1082 = arith.addi %get3A_1080, %add3A_1081 : vector<16xi32>
      %swap3A_1083 = arith.constant 32 : index
      %swap3A_1084 = tpu.vector_load %arg9[%swap3A_1083] {strides = array<i32>} : memref<128xi32, #tpu.memory_space<vmem>>, vector<16xi32>,
      %swap3A_1085 = vector.shape_cast %swap3A_1084 : vector<16xi32> to vector<16xi32>
      %swap3A_1086 = vector.shape_cast %add3A_1082 : vector<16xi32> to vector<16xi32>
      tpu.vector_store %arg9[%swap3A_1083], %swap3A_1086 {strides = array<i32>} : memref<128xi32, #tpu.memory_space<vmem>>, vector<16xi32>,
      %get3A_1087 = arith.index_cast %add3A_1056 : i32 to index
      %get3A_1088 = arith.constant 48 : index
      %get3A_1089 = tpu.vector_load %arg6[%get3A_1087, %get3A_1088] {strides = array<i32>} : memref<157x128xi32, #tpu.memory_space<vmem>>, vector<1x16xi32>,
      %get3A_1090 = vector.shape_cast %get3A_1089 : vector<1x16xi32> to vector<16xi32>
      %add3A_1091 = vector.broadcast %mul3A_2 : i32 to vector<16xi32>
      %add3A_1092 = arith.addi %get3A_1090, %add3A_1091 : vector<16xi32>
      %swap3A_1093 = arith.constant 48 : index
      %swap3A_1094 = tpu.vector_load %arg9[%swap3A_1093] {strides = array<i32>} : memref<128xi32, #tpu.memory_space<vmem>>, vector<16xi32>,
      %swap3A_1095 = vector.shape_cast %swap3A_1094 : vector<16xi32> to vector<16xi32>
      %swap3A_1096 = vector.shape_cast %add3A_1092 : vector<16xi32> to vector<16xi32>
      tpu.vector_store %arg9[%swap3A_1093], %swap3A_1096 {strides = array<i32>} : memref<128xi32, #tpu.memory_space<vmem>>, vector<16xi32>,
      %get3A_1097 = arith.index_cast %add3A_1056 : i32 to index
      %get3A_1098 = arith.constant 64 : index
      %get3A_1099 = tpu.vector_load %arg6[%get3A_1097, %get3A_1098] {strides = array<i32>} : memref<157x128xi32, #tpu.memory_space<vmem>>, vector<1x16xi32>,
      %get3A_1100 = vector.shape_cast %get3A_1099 : vector<1x16xi32> to vector<16xi32>
      %add3A_1101 = vector.broadcast %mul3A_2 : i32 to vector<16xi32>
      %add3A_1102 = arith.addi %get3A_1100, %add3A_1101 : vector<16xi32>
      %swap3A_1103 = arith.constant 64 : index
      %swap3A_1104 = tpu.vector_load %arg9[%swap3A_1103] {strides = array<i32>} : memref<128xi32, #tpu.memory_space<vmem>>, vector<16xi32>,
      %swap3A_1105 = vector.shape_cast %swap3A_1104 : vector<16xi32> to vector<16xi32>
      %swap3A_1106 = vector.shape_cast %add3A_1102 : vector<16xi32> to vector<16xi32>
      tpu.vector_store %arg9[%swap3A_1103], %swap3A_1106 {strides = array<i32>} : memref<128xi32, #tpu.memory_space<vmem>>, vector<16xi32>,
      %get3A_1107 = arith.index_cast %add3A_1056 : i32 to index
      %get3A_1108 = arith.constant 80 : index
      %get3A_1109 = tpu.vector_load %arg6[%get3A_1107, %get3A_1108] {strides = array<i32>} : memref<157x128xi32, #tpu.memory_space<vmem>>, vector<1x16xi32>,
      %get3A_1110 = vector.shape_cast %get3A_1109 : vector<1x16xi32> to vector<16xi32>
      %add3A_1111 = vector.broadcast %mul3A_2 : i32 to vector<16xi32>
      %add3A_1112 = arith.addi %get3A_1110, %add3A_1111 : vector<16xi32>
      %swap3A_1113 = arith.constant 80 : index
      %swap3A_1114 = tpu.vector_load %arg9[%swap3A_1113] {strides = array<i32>} : memref<128xi32, #tpu.memory_space<vmem>>, vector<16xi32>,
      %swap3A_1115 = vector.shape_cast %swap3A_1114 : vector<16xi32> to vector<16xi32>
      %swap3A_1116 = vector.shape_cast %add3A_1112 : vector<16xi32> to vector<16xi32>
      tpu.vector_store %arg9[%swap3A_1113], %swap3A_1116 {strides = array<i32>} : memref<128xi32, #tpu.memory_space<vmem>>, vector<16xi32>,
      %get3A_1117 = arith.index_cast %add3A_1056 : i32 to index
      %get3A_1118 = arith.constant 96 : index
      %get3A_1119 = tpu.vector_load %arg6[%get3A_1117, %get3A_1118] {strides = array<i32>} : memref<157x128xi32, #tpu.memory_space<vmem>>, vector<1x16xi32>,
      %get3A_1120 = vector.shape_cast %get3A_1119 : vector<1x16xi32> to vector<16xi32>
      %add3A_1121 = vector.broadcast %mul3A_2 : i32 to vector<16xi32>
      %add3A_1122 = arith.addi %get3A_1120, %add3A_1121 : vector<16xi32>
      %swap3A_1123 = arith.constant 96 : index
      %swap3A_1124 = tpu.vector_load %arg9[%swap3A_1123] {strides = array<i32>} : memref<128xi32, #tpu.memory_space<vmem>>, vector<16xi32>,
      %swap3A_1125 = vector.shape_cast %swap3A_1124 : vector<16xi32> to vector<16xi32>
      %swap3A_1126 = vector.shape_cast %add3A_1122 : vector<16xi32> to vector<16xi32>
      tpu.vector_store %arg9[%swap3A_1123], %swap3A_1126 {strides = array<i32>} : memref<128xi32, #tpu.memory_space<vmem>>, vector<16xi32>,
      %get3A_1127 = arith.index_cast %add3A_1056 : i32 to index
      %get3A_1128 = arith.constant 112 : index
      %get3A_1129 = tpu.vector_load %arg6[%get3A_1127, %get3A_1128] {strides = array<i32>} : memref<157x128xi32, #tpu.memory_space<vmem>>, vector<1x16xi32>,
      %get3A_1130 = vector.shape_cast %get3A_1129 : vector<1x16xi32> to vector<16xi32>
      %add3A_1131 = vector.broadcast %mul3A_2 : i32 to vector<16xi32>
      %add3A_1132 = arith.addi %get3A_1130, %add3A_1131 : vector<16xi32>
      %swap3A_1133 = arith.constant 112 : index
      %swap3A_1134 = tpu.vector_load %arg9[%swap3A_1133] {strides = array<i32>} : memref<128xi32, #tpu.memory_space<vmem>>, vector<16xi32>,
      %swap3A_1135 = vector.shape_cast %swap3A_1134 : vector<16xi32> to vector<16xi32>
      %swap3A_1136 = vector.shape_cast %add3A_1132 : vector<16xi32> to vector<16xi32>
      tpu.vector_store %arg9[%swap3A_1133], %swap3A_1136 {strides = array<i32>} : memref<128xi32, #tpu.memory_space<vmem>>, vector<16xi32>,
      %add3A_1137 = arith.constant 4 : i32
      %add3A_1138 = arith.addi %mul3A_867, %add3A_1137 : i32
      %add3A_1139 = arith.constant 1 : i32
      %add3A_1140 = arith.addi %add3A_1138, %add3A_1139 : i32
      %get3A_1141 = arith.index_cast %add3A_1140 : i32 to index
      %get3A_1142 = arith.constant 0 : index
      %get3A_1143 = tpu.vector_load %arg7[%get3A_1141, %get3A_1142] {strides = array<i32>} : memref<157x128xi32, #tpu.memory_space<vmem>>, vector<1x16xi32>,
      %get3A_1144 = vector.shape_cast %get3A_1143 : vector<1x16xi32> to vector<16xi32>
      %swap3A_1145 = arith.constant 0 : index
      %swap3A_1146 = tpu.vector_load %arg13[%swap3A_1145] {strides = array<i32>} : memref<128xi32, #tpu.memory_space<vmem>>, vector<16xi32>,
      %swap3A_1147 = vector.shape_cast %swap3A_1146 : vector<16xi32> to vector<16xi32>
      %swap3A_1148 = vector.shape_cast %get3A_1144 : vector<16xi32> to vector<16xi32>
      tpu.vector_store %arg13[%swap3A_1145], %swap3A_1148 {strides = array<i32>} : memref<128xi32, #tpu.memory_space<vmem>>, vector<16xi32>,
      %get3A_1149 = arith.index_cast %add3A_1140 : i32 to index
      %get3A_1150 = arith.constant 16 : index
      %get3A_1151 = tpu.vector_load %arg7[%get3A_1149, %get3A_1150] {strides = array<i32>} : memref<157x128xi32, #tpu.memory_space<vmem>>, vector<1x16xi32>,
      %get3A_1152 = vector.shape_cast %get3A_1151 : vector<1x16xi32> to vector<16xi32>
      %swap3A_1153 = arith.constant 16 : index
      %swap3A_1154 = tpu.vector_load %arg13[%swap3A_1153] {strides = array<i32>} : memref<128xi32, #tpu.memory_space<vmem>>, vector<16xi32>,
      %swap3A_1155 = vector.shape_cast %swap3A_1154 : vector<16xi32> to vector<16xi32>
      %swap3A_1156 = vector.shape_cast %get3A_1152 : vector<16xi32> to vector<16xi32>
      tpu.vector_store %arg13[%swap3A_1153], %swap3A_1156 {strides = array<i32>} : memref<128xi32, #tpu.memory_space<vmem>>, vector<16xi32>,
      %get3A_1157 = arith.index_cast %add3A_1140 : i32 to index
      %get3A_1158 = arith.constant 32 : index
      %get3A_1159 = tpu.vector_load %arg7[%get3A_1157, %get3A_1158] {strides = array<i32>} : memref<157x128xi32, #tpu.memory_space<vmem>>, vector<1x16xi32>,
      %get3A_1160 = vector.shape_cast %get3A_1159 : vector<1x16xi32> to vector<16xi32>
      %swap3A_1161 = arith.constant 32 : index
      %swap3A_1162 = tpu.vector_load %arg13[%swap3A_1161] {strides = array<i32>} : memref<128xi32, #tpu.memory_space<vmem>>, vector<16xi32>,
      %swap3A_1163 = vector.shape_cast %swap3A_1162 : vector<16xi32> to vector<16xi32>
      %swap3A_1164 = vector.shape_cast %get3A_1160 : vector<16xi32> to vector<16xi32>
      tpu.vector_store %arg13[%swap3A_1161], %swap3A_1164 {strides = array<i32>} : memref<128xi32, #tpu.memory_space<vmem>>, vector<16xi32>,
      %get3A_1165 = arith.index_cast %add3A_1140 : i32 to index
      %get3A_1166 = arith.constant 48 : index
      %get3A_1167 = tpu.vector_load %arg7[%get3A_1165, %get3A_1166] {strides = array<i32>} : memref<157x128xi32, #tpu.memory_space<vmem>>, vector<1x16xi32>,
      %get3A_1168 = vector.shape_cast %get3A_1167 : vector<1x16xi32> to vector<16xi32>
      %swap3A_1169 = arith.constant 48 : index
      %swap3A_1170 = tpu.vector_load %arg13[%swap3A_1169] {strides = array<i32>} : memref<128xi32, #tpu.memory_space<vmem>>, vector<16xi32>,
      %swap3A_1171 = vector.shape_cast %swap3A_1170 : vector<16xi32> to vector<16xi32>
      %swap3A_1172 = vector.shape_cast %get3A_1168 : vector<16xi32> to vector<16xi32>
      tpu.vector_store %arg13[%swap3A_1169], %swap3A_1172 {strides = array<i32>} : memref<128xi32, #tpu.memory_space<vmem>>, vector<16xi32>,
      %get3A_1173 = arith.index_cast %add3A_1140 : i32 to index
      %get3A_1174 = arith.constant 64 : index
      %get3A_1175 = tpu.vector_load %arg7[%get3A_1173, %get3A_1174] {strides = array<i32>} : memref<157x128xi32, #tpu.memory_space<vmem>>, vector<1x16xi32>,
      %get3A_1176 = vector.shape_cast %get3A_1175 : vector<1x16xi32> to vector<16xi32>
      %swap3A_1177 = arith.constant 64 : index
      %swap3A_1178 = tpu.vector_load %arg13[%swap3A_1177] {strides = array<i32>} : memref<128xi32, #tpu.memory_space<vmem>>, vector<16xi32>,
      %swap3A_1179 = vector.shape_cast %swap3A_1178 : vector<16xi32> to vector<16xi32>
      %swap3A_1180 = vector.shape_cast %get3A_1176 : vector<16xi32> to vector<16xi32>
      tpu.vector_store %arg13[%swap3A_1177], %swap3A_1180 {strides = array<i32>} : memref<128xi32, #tpu.memory_space<vmem>>, vector<16xi32>,
      %get3A_1181 = arith.index_cast %add3A_1140 : i32 to index
      %get3A_1182 = arith.constant 80 : index
      %get3A_1183 = tpu.vector_load %arg7[%get3A_1181, %get3A_1182] {strides = array<i32>} : memref<157x128xi32, #tpu.memory_space<vmem>>, vector<1x16xi32>,
      %get3A_1184 = vector.shape_cast %get3A_1183 : vector<1x16xi32> to vector<16xi32>
      %swap3A_1185 = arith.constant 80 : index
      %swap3A_1186 = tpu.vector_load %arg13[%swap3A_1185] {strides = array<i32>} : memref<128xi32, #tpu.memory_space<vmem>>, vector<16xi32>,
      %swap3A_1187 = vector.shape_cast %swap3A_1186 : vector<16xi32> to vector<16xi32>
      %swap3A_1188 = vector.shape_cast %get3A_1184 : vector<16xi32> to vector<16xi32>
      tpu.vector_store %arg13[%swap3A_1185], %swap3A_1188 {strides = array<i32>} : memref<128xi32, #tpu.memory_space<vmem>>, vector<16xi32>,
      %get3A_1189 = arith.index_cast %add3A_1140 : i32 to index
      %get3A_1190 = arith.constant 96 : index
      %get3A_1191 = tpu.vector_load %arg7[%get3A_1189, %get3A_1190] {strides = array<i32>} : memref<157x128xi32, #tpu.memory_space<vmem>>, vector<1x16xi32>,
      %get3A_1192 = vector.shape_cast %get3A_1191 : vector<1x16xi32> to vector<16xi32>
      %swap3A_1193 = arith.constant 96 : index
      %swap3A_1194 = tpu.vector_load %arg13[%swap3A_1193] {strides = array<i32>} : memref<128xi32, #tpu.memory_space<vmem>>, vector<16xi32>,
      %swap3A_1195 = vector.shape_cast %swap3A_1194 : vector<16xi32> to vector<16xi32>
      %swap3A_1196 = vector.shape_cast %get3A_1192 : vector<16xi32> to vector<16xi32>
      tpu.vector_store %arg13[%swap3A_1193], %swap3A_1196 {strides = array<i32>} : memref<128xi32, #tpu.memory_space<vmem>>, vector<16xi32>,
      %get3A_1197 = arith.index_cast %add3A_1140 : i32 to index
      %get3A_1198 = arith.constant 112 : index
      %get3A_1199 = tpu.vector_load %arg7[%get3A_1197, %get3A_1198] {strides = array<i32>} : memref<157x128xi32, #tpu.memory_space<vmem>>, vector<1x16xi32>,
      %get3A_1200 = vector.shape_cast %get3A_1199 : vector<1x16xi32> to vector<16xi32>
      %swap3A_1201 = arith.constant 112 : index
      %swap3A_1202 = tpu.vector_load %arg13[%swap3A_1201] {strides = array<i32>} : memref<128xi32, #tpu.memory_space<vmem>>, vector<16xi32>,
      %swap3A_1203 = vector.shape_cast %swap3A_1202 : vector<16xi32> to vector<16xi32>
      %swap3A_1204 = vector.shape_cast %get3A_1200 : vector<16xi32> to vector<16xi32>
      tpu.vector_store %arg13[%swap3A_1201], %swap3A_1204 {strides = array<i32>} : memref<128xi32, #tpu.memory_space<vmem>>, vector<16xi32>,
      %dma_start3A_1205 = arith.constant 0 : i32
      %dma_start3A_1206 = arith.constant 0 : i32
      %dma_start3A_1207 = tpu.memref_slice %arg4[%dma_start3A_1205, %dma_start3A_1206] : memref<20480x64xf32, #tpu.memory_space<hbm>> -> memref<20480x64xf32, #tpu.memory_space<hbm>>
      tpu.enqueue_indirect_dma source(%dma_start3A_1207 : memref<20480x64xf32, #tpu.memory_space<hbm>>) target(%arg17 : memref<128x64xf32, #tpu.memory_space<vmem>>) offsets(%arg9 : memref<128xi32, #tpu.memory_space<vmem>>) semaphore(%arg23 : memref<!tpu.dma_semaphore, #tpu.memory_space<semaphore_mem>>)
      %dma_wait3A_1208 = arith.constant 0 : i32
      %dma_wait3A_1209 = arith.constant 0 : i32
      %dma_wait3A_1210 = tpu.memref_slice %arg21[%dma_wait3A_1208, %dma_wait3A_1209] : memref<10240x64xf32, #tpu.memory_space<vmem_shared>> -> memref<10240x64xf32, #tpu.memory_space<vmem_shared>>
      tpu.wait_indirect_dma semaphore(%arg28 : memref<!tpu.dma_semaphore, #tpu.memory_space<semaphore_mem>>) src(%arg18 : memref<128x64xf32, #tpu.memory_space<vmem>>) dst(%dma_wait3A_1210 : memref<10240x64xf32, #tpu.memory_space<vmem_shared>>)
      %add3A_1211 = arith.constant 4 : i32
      %add3A_1212 = arith.addi %mul3A_867, %add3A_1211 : i32
      %add3A_1213 = arith.constant 2 : i32
      %add3A_1214 = arith.addi %add3A_1212, %add3A_1213 : i32
      %get3A_1215 = arith.index_cast %add3A_1214 : i32 to index
      %get3A_1216 = arith.constant 0 : index
      %get3A_1217 = tpu.vector_load %arg6[%get3A_1215, %get3A_1216] {strides = array<i32>} : memref<157x128xi32, #tpu.memory_space<vmem>>, vector<1x16xi32>,
      %get3A_1218 = vector.shape_cast %get3A_1217 : vector<1x16xi32> to vector<16xi32>
      %add3A_1219 = vector.broadcast %mul3A_2 : i32 to vector<16xi32>
      %add3A_1220 = arith.addi %get3A_1218, %add3A_1219 : vector<16xi32>
      %swap3A_1221 = arith.constant 0 : index
      %swap3A_1222 = tpu.vector_load %arg10[%swap3A_1221] {strides = array<i32>} : memref<128xi32, #tpu.memory_space<vmem>>, vector<16xi32>,
      %swap3A_1223 = vector.shape_cast %swap3A_1222 : vector<16xi32> to vector<16xi32>
      %swap3A_1224 = vector.shape_cast %add3A_1220 : vector<16xi32> to vector<16xi32>
      tpu.vector_store %arg10[%swap3A_1221], %swap3A_1224 {strides = array<i32>} : memref<128xi32, #tpu.memory_space<vmem>>, vector<16xi32>,
      %get3A_1225 = arith.index_cast %add3A_1214 : i32 to index
      %get3A_1226 = arith.constant 16 : index
      %get3A_1227 = tpu.vector_load %arg6[%get3A_1225, %get3A_1226] {strides = array<i32>} : memref<157x128xi32, #tpu.memory_space<vmem>>, vector<1x16xi32>,
      %get3A_1228 = vector.shape_cast %get3A_1227 : vector<1x16xi32> to vector<16xi32>
      %add3A_1229 = vector.broadcast %mul3A_2 : i32 to vector<16xi32>
      %add3A_1230 = arith.addi %get3A_1228, %add3A_1229 : vector<16xi32>
      %swap3A_1231 = arith.constant 16 : index
      %swap3A_1232 = tpu.vector_load %arg10[%swap3A_1231] {strides = array<i32>} : memref<128xi32, #tpu.memory_space<vmem>>, vector<16xi32>,
      %swap3A_1233 = vector.shape_cast %swap3A_1232 : vector<16xi32> to vector<16xi32>
      %swap3A_1234 = vector.shape_cast %add3A_1230 : vector<16xi32> to vector<16xi32>
      tpu.vector_store %arg10[%swap3A_1231], %swap3A_1234 {strides = array<i32>} : memref<128xi32, #tpu.memory_space<vmem>>, vector<16xi32>,
      %get3A_1235 = arith.index_cast %add3A_1214 : i32 to index
      %get3A_1236 = arith.constant 32 : index
      %get3A_1237 = tpu.vector_load %arg6[%get3A_1235, %get3A_1236] {strides = array<i32>} : memref<157x128xi32, #tpu.memory_space<vmem>>, vector<1x16xi32>,
      %get3A_1238 = vector.shape_cast %get3A_1237 : vector<1x16xi32> to vector<16xi32>
      %add3A_1239 = vector.broadcast %mul3A_2 : i32 to vector<16xi32>
      %add3A_1240 = arith.addi %get3A_1238, %add3A_1239 : vector<16xi32>
      %swap3A_1241 = arith.constant 32 : index
      %swap3A_1242 = tpu.vector_load %arg10[%swap3A_1241] {strides = array<i32>} : memref<128xi32, #tpu.memory_space<vmem>>, vector<16xi32>,
      %swap3A_1243 = vector.shape_cast %swap3A_1242 : vector<16xi32> to vector<16xi32>
      %swap3A_1244 = vector.shape_cast %add3A_1240 : vector<16xi32> to vector<16xi32>
      tpu.vector_store %arg10[%swap3A_1241], %swap3A_1244 {strides = array<i32>} : memref<128xi32, #tpu.memory_space<vmem>>, vector<16xi32>,
      %get3A_1245 = arith.index_cast %add3A_1214 : i32 to index
      %get3A_1246 = arith.constant 48 : index
      %get3A_1247 = tpu.vector_load %arg6[%get3A_1245, %get3A_1246] {strides = array<i32>} : memref<157x128xi32, #tpu.memory_space<vmem>>, vector<1x16xi32>,
      %get3A_1248 = vector.shape_cast %get3A_1247 : vector<1x16xi32> to vector<16xi32>
      %add3A_1249 = vector.broadcast %mul3A_2 : i32 to vector<16xi32>
      %add3A_1250 = arith.addi %get3A_1248, %add3A_1249 : vector<16xi32>
      %swap3A_1251 = arith.constant 48 : index
      %swap3A_1252 = tpu.vector_load %arg10[%swap3A_1251] {strides = array<i32>} : memref<128xi32, #tpu.memory_space<vmem>>, vector<16xi32>,
      %swap3A_1253 = vector.shape_cast %swap3A_1252 : vector<16xi32> to vector<16xi32>
      %swap3A_1254 = vector.shape_cast %add3A_1250 : vector<16xi32> to vector<16xi32>
      tpu.vector_store %arg10[%swap3A_1251], %swap3A_1254 {strides = array<i32>} : memref<128xi32, #tpu.memory_space<vmem>>, vector<16xi32>,
      %get3A_1255 = arith.index_cast %add3A_1214 : i32 to index
      %get3A_1256 = arith.constant 64 : index
      %get3A_1257 = tpu.vector_load %arg6[%get3A_1255, %get3A_1256] {strides = array<i32>} : memref<157x128xi32, #tpu.memory_space<vmem>>, vector<1x16xi32>,
      %get3A_1258 = vector.shape_cast %get3A_1257 : vector<1x16xi32> to vector<16xi32>
      %add3A_1259 = vector.broadcast %mul3A_2 : i32 to vector<16xi32>
      %add3A_1260 = arith.addi %get3A_1258, %add3A_1259 : vector<16xi32>
      %swap3A_1261 = arith.constant 64 : index
      %swap3A_1262 = tpu.vector_load %arg10[%swap3A_1261] {strides = array<i32>} : memref<128xi32, #tpu.memory_space<vmem>>, vector<16xi32>,
      %swap3A_1263 = vector.shape_cast %swap3A_1262 : vector<16xi32> to vector<16xi32>
      %swap3A_1264 = vector.shape_cast %add3A_1260 : vector<16xi32> to vector<16xi32>
      tpu.vector_store %arg10[%swap3A_1261], %swap3A_1264 {strides = array<i32>} : memref<128xi32, #tpu.memory_space<vmem>>, vector<16xi32>,
      %get3A_1265 = arith.index_cast %add3A_1214 : i32 to index
      %get3A_1266 = arith.constant 80 : index
      %get3A_1267 = tpu.vector_load %arg6[%get3A_1265, %get3A_1266] {strides = array<i32>} : memref<157x128xi32, #tpu.memory_space<vmem>>, vector<1x16xi32>,
      %get3A_1268 = vector.shape_cast %get3A_1267 : vector<1x16xi32> to vector<16xi32>
      %add3A_1269 = vector.broadcast %mul3A_2 : i32 to vector<16xi32>
      %add3A_1270 = arith.addi %get3A_1268, %add3A_1269 : vector<16xi32>
      %swap3A_1271 = arith.constant 80 : index
      %swap3A_1272 = tpu.vector_load %arg10[%swap3A_1271] {strides = array<i32>} : memref<128xi32, #tpu.memory_space<vmem>>, vector<16xi32>,
      %swap3A_1273 = vector.shape_cast %swap3A_1272 : vector<16xi32> to vector<16xi32>
      %swap3A_1274 = vector.shape_cast %add3A_1270 : vector<16xi32> to vector<16xi32>
      tpu.vector_store %arg10[%swap3A_1271], %swap3A_1274 {strides = array<i32>} : memref<128xi32, #tpu.memory_space<vmem>>, vector<16xi32>,
      %get3A_1275 = arith.index_cast %add3A_1214 : i32 to index
      %get3A_1276 = arith.constant 96 : index
      %get3A_1277 = tpu.vector_load %arg6[%get3A_1275, %get3A_1276] {strides = array<i32>} : memref<157x128xi32, #tpu.memory_space<vmem>>, vector<1x16xi32>,
      %get3A_1278 = vector.shape_cast %get3A_1277 : vector<1x16xi32> to vector<16xi32>
      %add3A_1279 = vector.broadcast %mul3A_2 : i32 to vector<16xi32>
      %add3A_1280 = arith.addi %get3A_1278, %add3A_1279 : vector<16xi32>
      %swap3A_1281 = arith.constant 96 : index
      %swap3A_1282 = tpu.vector_load %arg10[%swap3A_1281] {strides = array<i32>} : memref<128xi32, #tpu.memory_space<vmem>>, vector<16xi32>,
      %swap3A_1283 = vector.shape_cast %swap3A_1282 : vector<16xi32> to vector<16xi32>
      %swap3A_1284 = vector.shape_cast %add3A_1280 : vector<16xi32> to vector<16xi32>
      tpu.vector_store %arg10[%swap3A_1281], %swap3A_1284 {strides = array<i32>} : memref<128xi32, #tpu.memory_space<vmem>>, vector<16xi32>,
      %get3A_1285 = arith.index_cast %add3A_1214 : i32 to index
      %get3A_1286 = arith.constant 112 : index
      %get3A_1287 = tpu.vector_load %arg6[%get3A_1285, %get3A_1286] {strides = array<i32>} : memref<157x128xi32, #tpu.memory_space<vmem>>, vector<1x16xi32>,
      %get3A_1288 = vector.shape_cast %get3A_1287 : vector<1x16xi32> to vector<16xi32>
      %add3A_1289 = vector.broadcast %mul3A_2 : i32 to vector<16xi32>
      %add3A_1290 = arith.addi %get3A_1288, %add3A_1289 : vector<16xi32>
      %swap3A_1291 = arith.constant 112 : index
      %swap3A_1292 = tpu.vector_load %arg10[%swap3A_1291] {strides = array<i32>} : memref<128xi32, #tpu.memory_space<vmem>>, vector<16xi32>,
      %swap3A_1293 = vector.shape_cast %swap3A_1292 : vector<16xi32> to vector<16xi32>
      %swap3A_1294 = vector.shape_cast %add3A_1290 : vector<16xi32> to vector<16xi32>
      tpu.vector_store %arg10[%swap3A_1291], %swap3A_1294 {strides = array<i32>} : memref<128xi32, #tpu.memory_space<vmem>>, vector<16xi32>,
      %add3A_1295 = arith.constant 4 : i32
      %add3A_1296 = arith.addi %mul3A_867, %add3A_1295 : i32
      %add3A_1297 = arith.constant 2 : i32
      %add3A_1298 = arith.addi %add3A_1296, %add3A_1297 : i32
      %get3A_1299 = arith.index_cast %add3A_1298 : i32 to index
      %get3A_1300 = arith.constant 0 : index
      %get3A_1301 = tpu.vector_load %arg7[%get3A_1299, %get3A_1300] {strides = array<i32>} : memref<157x128xi32, #tpu.memory_space<vmem>>, vector<1x16xi32>,
      %get3A_1302 = vector.shape_cast %get3A_1301 : vector<1x16xi32> to vector<16xi32>
      %swap3A_1303 = arith.constant 0 : index
      %swap3A_1304 = tpu.vector_load %arg14[%swap3A_1303] {strides = array<i32>} : memref<128xi32, #tpu.memory_space<vmem>>, vector<16xi32>,
      %swap3A_1305 = vector.shape_cast %swap3A_1304 : vector<16xi32> to vector<16xi32>
      %swap3A_1306 = vector.shape_cast %get3A_1302 : vector<16xi32> to vector<16xi32>
      tpu.vector_store %arg14[%swap3A_1303], %swap3A_1306 {strides = array<i32>} : memref<128xi32, #tpu.memory_space<vmem>>, vector<16xi32>,
      %get3A_1307 = arith.index_cast %add3A_1298 : i32 to index
      %get3A_1308 = arith.constant 16 : index
      %get3A_1309 = tpu.vector_load %arg7[%get3A_1307, %get3A_1308] {strides = array<i32>} : memref<157x128xi32, #tpu.memory_space<vmem>>, vector<1x16xi32>,
      %get3A_1310 = vector.shape_cast %get3A_1309 : vector<1x16xi32> to vector<16xi32>
      %swap3A_1311 = arith.constant 16 : index
      %swap3A_1312 = tpu.vector_load %arg14[%swap3A_1311] {strides = array<i32>} : memref<128xi32, #tpu.memory_space<vmem>>, vector<16xi32>,
      %swap3A_1313 = vector.shape_cast %swap3A_1312 : vector<16xi32> to vector<16xi32>
      %swap3A_1314 = vector.shape_cast %get3A_1310 : vector<16xi32> to vector<16xi32>
      tpu.vector_store %arg14[%swap3A_1311], %swap3A_1314 {strides = array<i32>} : memref<128xi32, #tpu.memory_space<vmem>>, vector<16xi32>,
      %get3A_1315 = arith.index_cast %add3A_1298 : i32 to index
      %get3A_1316 = arith.constant 32 : index
      %get3A_1317 = tpu.vector_load %arg7[%get3A_1315, %get3A_1316] {strides = array<i32>} : memref<157x128xi32, #tpu.memory_space<vmem>>, vector<1x16xi32>,
      %get3A_1318 = vector.shape_cast %get3A_1317 : vector<1x16xi32> to vector<16xi32>
      %swap3A_1319 = arith.constant 32 : index
      %swap3A_1320 = tpu.vector_load %arg14[%swap3A_1319] {strides = array<i32>} : memref<128xi32, #tpu.memory_space<vmem>>, vector<16xi32>,
      %swap3A_1321 = vector.shape_cast %swap3A_1320 : vector<16xi32> to vector<16xi32>
      %swap3A_1322 = vector.shape_cast %get3A_1318 : vector<16xi32> to vector<16xi32>
      tpu.vector_store %arg14[%swap3A_1319], %swap3A_1322 {strides = array<i32>} : memref<128xi32, #tpu.memory_space<vmem>>, vector<16xi32>,
      %get3A_1323 = arith.index_cast %add3A_1298 : i32 to index
      %get3A_1324 = arith.constant 48 : index
      %get3A_1325 = tpu.vector_load %arg7[%get3A_1323, %get3A_1324] {strides = array<i32>} : memref<157x128xi32, #tpu.memory_space<vmem>>, vector<1x16xi32>,
      %get3A_1326 = vector.shape_cast %get3A_1325 : vector<1x16xi32> to vector<16xi32>
      %swap3A_1327 = arith.constant 48 : index
      %swap3A_1328 = tpu.vector_load %arg14[%swap3A_1327] {strides = array<i32>} : memref<128xi32, #tpu.memory_space<vmem>>, vector<16xi32>,
      %swap3A_1329 = vector.shape_cast %swap3A_1328 : vector<16xi32> to vector<16xi32>
      %swap3A_1330 = vector.shape_cast %get3A_1326 : vector<16xi32> to vector<16xi32>
      tpu.vector_store %arg14[%swap3A_1327], %swap3A_1330 {strides = array<i32>} : memref<128xi32, #tpu.memory_space<vmem>>, vector<16xi32>,
      %get3A_1331 = arith.index_cast %add3A_1298 : i32 to index
      %get3A_1332 = arith.constant 64 : index
      %get3A_1333 = tpu.vector_load %arg7[%get3A_1331, %get3A_1332] {strides = array<i32>} : memref<157x128xi32, #tpu.memory_space<vmem>>, vector<1x16xi32>,
      %get3A_1334 = vector.shape_cast %get3A_1333 : vector<1x16xi32> to vector<16xi32>
      %swap3A_1335 = arith.constant 64 : index
      %swap3A_1336 = tpu.vector_load %arg14[%swap3A_1335] {strides = array<i32>} : memref<128xi32, #tpu.memory_space<vmem>>, vector<16xi32>,
      %swap3A_1337 = vector.shape_cast %swap3A_1336 : vector<16xi32> to vector<16xi32>
      %swap3A_1338 = vector.shape_cast %get3A_1334 : vector<16xi32> to vector<16xi32>
      tpu.vector_store %arg14[%swap3A_1335], %swap3A_1338 {strides = array<i32>} : memref<128xi32, #tpu.memory_space<vmem>>, vector<16xi32>,
      %get3A_1339 = arith.index_cast %add3A_1298 : i32 to index
      %get3A_1340 = arith.constant 80 : index
      %get3A_1341 = tpu.vector_load %arg7[%get3A_1339, %get3A_1340] {strides = array<i32>} : memref<157x128xi32, #tpu.memory_space<vmem>>, vector<1x16xi32>,
      %get3A_1342 = vector.shape_cast %get3A_1341 : vector<1x16xi32> to vector<16xi32>
      %swap3A_1343 = arith.constant 80 : index
      %swap3A_1344 = tpu.vector_load %arg14[%swap3A_1343] {strides = array<i32>} : memref<128xi32, #tpu.memory_space<vmem>>, vector<16xi32>,
      %swap3A_1345 = vector.shape_cast %swap3A_1344 : vector<16xi32> to vector<16xi32>
      %swap3A_1346 = vector.shape_cast %get3A_1342 : vector<16xi32> to vector<16xi32>
      tpu.vector_store %arg14[%swap3A_1343], %swap3A_1346 {strides = array<i32>} : memref<128xi32, #tpu.memory_space<vmem>>, vector<16xi32>,
      %get3A_1347 = arith.index_cast %add3A_1298 : i32 to index
      %get3A_1348 = arith.constant 96 : index
      %get3A_1349 = tpu.vector_load %arg7[%get3A_1347, %get3A_1348] {strides = array<i32>} : memref<157x128xi32, #tpu.memory_space<vmem>>, vector<1x16xi32>,
      %get3A_1350 = vector.shape_cast %get3A_1349 : vector<1x16xi32> to vector<16xi32>
      %swap3A_1351 = arith.constant 96 : index
      %swap3A_1352 = tpu.vector_load %arg14[%swap3A_1351] {strides = array<i32>} : memref<128xi32, #tpu.memory_space<vmem>>, vector<16xi32>,
      %swap3A_1353 = vector.shape_cast %swap3A_1352 : vector<16xi32> to vector<16xi32>
      %swap3A_1354 = vector.shape_cast %get3A_1350 : vector<16xi32> to vector<16xi32>
      tpu.vector_store %arg14[%swap3A_1351], %swap3A_1354 {strides = array<i32>} : memref<128xi32, #tpu.memory_space<vmem>>, vector<16xi32>,
      %get3A_1355 = arith.index_cast %add3A_1298 : i32 to index
      %get3A_1356 = arith.constant 112 : index
      %get3A_1357 = tpu.vector_load %arg7[%get3A_1355, %get3A_1356] {strides = array<i32>} : memref<157x128xi32, #tpu.memory_space<vmem>>, vector<1x16xi32>,
      %get3A_1358 = vector.shape_cast %get3A_1357 : vector<1x16xi32> to vector<16xi32>
      %swap3A_1359 = arith.constant 112 : index
      %swap3A_1360 = tpu.vector_load %arg14[%swap3A_1359] {strides = array<i32>} : memref<128xi32, #tpu.memory_space<vmem>>, vector<16xi32>,
      %swap3A_1361 = vector.shape_cast %swap3A_1360 : vector<16xi32> to vector<16xi32>
      %swap3A_1362 = vector.shape_cast %get3A_1358 : vector<16xi32> to vector<16xi32>
      tpu.vector_store %arg14[%swap3A_1359], %swap3A_1362 {strides = array<i32>} : memref<128xi32, #tpu.memory_space<vmem>>, vector<16xi32>,
      %dma_start3A_1363 = arith.constant 0 : i32
      %dma_start3A_1364 = arith.constant 0 : i32
      %dma_start3A_1365 = tpu.memref_slice %arg4[%dma_start3A_1363, %dma_start3A_1364] : memref<20480x64xf32, #tpu.memory_space<hbm>> -> memref<20480x64xf32, #tpu.memory_space<hbm>>
      tpu.enqueue_indirect_dma source(%dma_start3A_1365 : memref<20480x64xf32, #tpu.memory_space<hbm>>) target(%arg18 : memref<128x64xf32, #tpu.memory_space<vmem>>) offsets(%arg10 : memref<128xi32, #tpu.memory_space<vmem>>) semaphore(%arg24 : memref<!tpu.dma_semaphore, #tpu.memory_space<semaphore_mem>>)
      %dma_wait3A_1366 = arith.constant 0 : i32
      %dma_wait3A_1367 = arith.constant 0 : i32
      %dma_wait3A_1368 = tpu.memref_slice %arg21[%dma_wait3A_1366, %dma_wait3A_1367] : memref<10240x64xf32, #tpu.memory_space<vmem_shared>> -> memref<10240x64xf32, #tpu.memory_space<vmem_shared>>
      tpu.wait_indirect_dma semaphore(%arg29 : memref<!tpu.dma_semaphore, #tpu.memory_space<semaphore_mem>>) src(%arg19 : memref<128x64xf32, #tpu.memory_space<vmem>>) dst(%dma_wait3A_1368 : memref<10240x64xf32, #tpu.memory_space<vmem_shared>>)
      %add3A_1369 = arith.constant 4 : i32
      %add3A_1370 = arith.addi %mul3A_867, %add3A_1369 : i32
      %add3A_1371 = arith.constant 3 : i32
      %add3A_1372 = arith.addi %add3A_1370, %add3A_1371 : i32
      %get3A_1373 = arith.index_cast %add3A_1372 : i32 to index
      %get3A_1374 = arith.constant 0 : index
      %get3A_1375 = tpu.vector_load %arg6[%get3A_1373, %get3A_1374] {strides = array<i32>} : memref<157x128xi32, #tpu.memory_space<vmem>>, vector<1x16xi32>,
      %get3A_1376 = vector.shape_cast %get3A_1375 : vector<1x16xi32> to vector<16xi32>
      %add3A_1377 = vector.broadcast %mul3A_2 : i32 to vector<16xi32>
      %add3A_1378 = arith.addi %get3A_1376, %add3A_1377 : vector<16xi32>
      %swap3A_1379 = arith.constant 0 : index
      %swap3A_1380 = tpu.vector_load %arg11[%swap3A_1379] {strides = array<i32>} : memref<128xi32, #tpu.memory_space<vmem>>, vector<16xi32>,
      %swap3A_1381 = vector.shape_cast %swap3A_1380 : vector<16xi32> to vector<16xi32>
      %swap3A_1382 = vector.shape_cast %add3A_1378 : vector<16xi32> to vector<16xi32>
      tpu.vector_store %arg11[%swap3A_1379], %swap3A_1382 {strides = array<i32>} : memref<128xi32, #tpu.memory_space<vmem>>, vector<16xi32>,
      %get3A_1383 = arith.index_cast %add3A_1372 : i32 to index
      %get3A_1384 = arith.constant 16 : index
      %get3A_1385 = tpu.vector_load %arg6[%get3A_1383, %get3A_1384] {strides = array<i32>} : memref<157x128xi32, #tpu.memory_space<vmem>>, vector<1x16xi32>,
      %get3A_1386 = vector.shape_cast %get3A_1385 : vector<1x16xi32> to vector<16xi32>
      %add3A_1387 = vector.broadcast %mul3A_2 : i32 to vector<16xi32>
      %add3A_1388 = arith.addi %get3A_1386, %add3A_1387 : vector<16xi32>
      %swap3A_1389 = arith.constant 16 : index
      %swap3A_1390 = tpu.vector_load %arg11[%swap3A_1389] {strides = array<i32>} : memref<128xi32, #tpu.memory_space<vmem>>, vector<16xi32>,
      %swap3A_1391 = vector.shape_cast %swap3A_1390 : vector<16xi32> to vector<16xi32>
      %swap3A_1392 = vector.shape_cast %add3A_1388 : vector<16xi32> to vector<16xi32>
      tpu.vector_store %arg11[%swap3A_1389], %swap3A_1392 {strides = array<i32>} : memref<128xi32, #tpu.memory_space<vmem>>, vector<16xi32>,
      %get3A_1393 = arith.index_cast %add3A_1372 : i32 to index
      %get3A_1394 = arith.constant 32 : index
      %get3A_1395 = tpu.vector_load %arg6[%get3A_1393, %get3A_1394] {strides = array<i32>} : memref<157x128xi32, #tpu.memory_space<vmem>>, vector<1x16xi32>,
      %get3A_1396 = vector.shape_cast %get3A_1395 : vector<1x16xi32> to vector<16xi32>
      %add3A_1397 = vector.broadcast %mul3A_2 : i32 to vector<16xi32>
      %add3A_1398 = arith.addi %get3A_1396, %add3A_1397 : vector<16xi32>
      %swap3A_1399 = arith.constant 32 : index
      %swap3A_1400 = tpu.vector_load %arg11[%swap3A_1399] {strides = array<i32>} : memref<128xi32, #tpu.memory_space<vmem>>, vector<16xi32>,
      %swap3A_1401 = vector.shape_cast %swap3A_1400 : vector<16xi32> to vector<16xi32>
      %swap3A_1402 = vector.shape_cast %add3A_1398 : vector<16xi32> to vector<16xi32>
      tpu.vector_store %arg11[%swap3A_1399], %swap3A_1402 {strides = array<i32>} : memref<128xi32, #tpu.memory_space<vmem>>, vector<16xi32>,
      %get3A_1403 = arith.index_cast %add3A_1372 : i32 to index
      %get3A_1404 = arith.constant 48 : index
      %get3A_1405 = tpu.vector_load %arg6[%get3A_1403, %get3A_1404] {strides = array<i32>} : memref<157x128xi32, #tpu.memory_space<vmem>>, vector<1x16xi32>,
      %get3A_1406 = vector.shape_cast %get3A_1405 : vector<1x16xi32> to vector<16xi32>
      %add3A_1407 = vector.broadcast %mul3A_2 : i32 to vector<16xi32>
      %add3A_1408 = arith.addi %get3A_1406, %add3A_1407 : vector<16xi32>
      %swap3A_1409 = arith.constant 48 : index
      %swap3A_1410 = tpu.vector_load %arg11[%swap3A_1409] {strides = array<i32>} : memref<128xi32, #tpu.memory_space<vmem>>, vector<16xi32>,
      %swap3A_1411 = vector.shape_cast %swap3A_1410 : vector<16xi32> to vector<16xi32>
      %swap3A_1412 = vector.shape_cast %add3A_1408 : vector<16xi32> to vector<16xi32>
      tpu.vector_store %arg11[%swap3A_1409], %swap3A_1412 {strides = array<i32>} : memref<128xi32, #tpu.memory_space<vmem>>, vector<16xi32>,
      %get3A_1413 = arith.index_cast %add3A_1372 : i32 to index
      %get3A_1414 = arith.constant 64 : index
      %get3A_1415 = tpu.vector_load %arg6[%get3A_1413, %get3A_1414] {strides = array<i32>} : memref<157x128xi32, #tpu.memory_space<vmem>>, vector<1x16xi32>,
      %get3A_1416 = vector.shape_cast %get3A_1415 : vector<1x16xi32> to vector<16xi32>
      %add3A_1417 = vector.broadcast %mul3A_2 : i32 to vector<16xi32>
      %add3A_1418 = arith.addi %get3A_1416, %add3A_1417 : vector<16xi32>
      %swap3A_1419 = arith.constant 64 : index
      %swap3A_1420 = tpu.vector_load %arg11[%swap3A_1419] {strides = array<i32>} : memref<128xi32, #tpu.memory_space<vmem>>, vector<16xi32>,
      %swap3A_1421 = vector.shape_cast %swap3A_1420 : vector<16xi32> to vector<16xi32>
      %swap3A_1422 = vector.shape_cast %add3A_1418 : vector<16xi32> to vector<16xi32>
      tpu.vector_store %arg11[%swap3A_1419], %swap3A_1422 {strides = array<i32>} : memref<128xi32, #tpu.memory_space<vmem>>, vector<16xi32>,
      %get3A_1423 = arith.index_cast %add3A_1372 : i32 to index
      %get3A_1424 = arith.constant 80 : index
      %get3A_1425 = tpu.vector_load %arg6[%get3A_1423, %get3A_1424] {strides = array<i32>} : memref<157x128xi32, #tpu.memory_space<vmem>>, vector<1x16xi32>,
      %get3A_1426 = vector.shape_cast %get3A_1425 : vector<1x16xi32> to vector<16xi32>
      %add3A_1427 = vector.broadcast %mul3A_2 : i32 to vector<16xi32>
      %add3A_1428 = arith.addi %get3A_1426, %add3A_1427 : vector<16xi32>
      %swap3A_1429 = arith.constant 80 : index
      %swap3A_1430 = tpu.vector_load %arg11[%swap3A_1429] {strides = array<i32>} : memref<128xi32, #tpu.memory_space<vmem>>, vector<16xi32>,
      %swap3A_1431 = vector.shape_cast %swap3A_1430 : vector<16xi32> to vector<16xi32>
      %swap3A_1432 = vector.shape_cast %add3A_1428 : vector<16xi32> to vector<16xi32>
      tpu.vector_store %arg11[%swap3A_1429], %swap3A_1432 {strides = array<i32>} : memref<128xi32, #tpu.memory_space<vmem>>, vector<16xi32>,
      %get3A_1433 = arith.index_cast %add3A_1372 : i32 to index
      %get3A_1434 = arith.constant 96 : index
      %get3A_1435 = tpu.vector_load %arg6[%get3A_1433, %get3A_1434] {strides = array<i32>} : memref<157x128xi32, #tpu.memory_space<vmem>>, vector<1x16xi32>,
      %get3A_1436 = vector.shape_cast %get3A_1435 : vector<1x16xi32> to vector<16xi32>
      %add3A_1437 = vector.broadcast %mul3A_2 : i32 to vector<16xi32>
      %add3A_1438 = arith.addi %get3A_1436, %add3A_1437 : vector<16xi32>
      %swap3A_1439 = arith.constant 96 : index
      %swap3A_1440 = tpu.vector_load %arg11[%swap3A_1439] {strides = array<i32>} : memref<128xi32, #tpu.memory_space<vmem>>, vector<16xi32>,
      %swap3A_1441 = vector.shape_cast %swap3A_1440 : vector<16xi32> to vector<16xi32>
      %swap3A_1442 = vector.shape_cast %add3A_1438 : vector<16xi32> to vector<16xi32>
      tpu.vector_store %arg11[%swap3A_1439], %swap3A_1442 {strides = array<i32>} : memref<128xi32, #tpu.memory_space<vmem>>, vector<16xi32>,
      %get3A_1443 = arith.index_cast %add3A_1372 : i32 to index
      %get3A_1444 = arith.constant 112 : index
      %get3A_1445 = tpu.vector_load %arg6[%get3A_1443, %get3A_1444] {strides = array<i32>} : memref<157x128xi32, #tpu.memory_space<vmem>>, vector<1x16xi32>,
      %get3A_1446 = vector.shape_cast %get3A_1445 : vector<1x16xi32> to vector<16xi32>
      %add3A_1447 = vector.broadcast %mul3A_2 : i32 to vector<16xi32>
      %add3A_1448 = arith.addi %get3A_1446, %add3A_1447 : vector<16xi32>
      %swap3A_1449 = arith.constant 112 : index
      %swap3A_1450 = tpu.vector_load %arg11[%swap3A_1449] {strides = array<i32>} : memref<128xi32, #tpu.memory_space<vmem>>, vector<16xi32>,
      %swap3A_1451 = vector.shape_cast %swap3A_1450 : vector<16xi32> to vector<16xi32>
      %swap3A_1452 = vector.shape_cast %add3A_1448 : vector<16xi32> to vector<16xi32>
      tpu.vector_store %arg11[%swap3A_1449], %swap3A_1452 {strides = array<i32>} : memref<128xi32, #tpu.memory_space<vmem>>, vector<16xi32>,
      %add3A_1453 = arith.constant 4 : i32
      %add3A_1454 = arith.addi %mul3A_867, %add3A_1453 : i32
      %add3A_1455 = arith.constant 3 : i32
      %add3A_1456 = arith.addi %add3A_1454, %add3A_1455 : i32
      %get3A_1457 = arith.index_cast %add3A_1456 : i32 to index
      %get3A_1458 = arith.constant 0 : index
      %get3A_1459 = tpu.vector_load %arg7[%get3A_1457, %get3A_1458] {strides = array<i32>} : memref<157x128xi32, #tpu.memory_space<vmem>>, vector<1x16xi32>,
      %get3A_1460 = vector.shape_cast %get3A_1459 : vector<1x16xi32> to vector<16xi32>
      %swap3A_1461 = arith.constant 0 : index
      %swap3A_1462 = tpu.vector_load %arg15[%swap3A_1461] {strides = array<i32>} : memref<128xi32, #tpu.memory_space<vmem>>, vector<16xi32>,
      %swap3A_1463 = vector.shape_cast %swap3A_1462 : vector<16xi32> to vector<16xi32>
      %swap3A_1464 = vector.shape_cast %get3A_1460 : vector<16xi32> to vector<16xi32>
      tpu.vector_store %arg15[%swap3A_1461], %swap3A_1464 {strides = array<i32>} : memref<128xi32, #tpu.memory_space<vmem>>, vector<16xi32>,
      %get3A_1465 = arith.index_cast %add3A_1456 : i32 to index
      %get3A_1466 = arith.constant 16 : index
      %get3A_1467 = tpu.vector_load %arg7[%get3A_1465, %get3A_1466] {strides = array<i32>} : memref<157x128xi32, #tpu.memory_space<vmem>>, vector<1x16xi32>,
      %get3A_1468 = vector.shape_cast %get3A_1467 : vector<1x16xi32> to vector<16xi32>
      %swap3A_1469 = arith.constant 16 : index
      %swap3A_1470 = tpu.vector_load %arg15[%swap3A_1469] {strides = array<i32>} : memref<128xi32, #tpu.memory_space<vmem>>, vector<16xi32>,
      %swap3A_1471 = vector.shape_cast %swap3A_1470 : vector<16xi32> to vector<16xi32>
      %swap3A_1472 = vector.shape_cast %get3A_1468 : vector<16xi32> to vector<16xi32>
      tpu.vector_store %arg15[%swap3A_1469], %swap3A_1472 {strides = array<i32>} : memref<128xi32, #tpu.memory_space<vmem>>, vector<16xi32>,
      %get3A_1473 = arith.index_cast %add3A_1456 : i32 to index
      %get3A_1474 = arith.constant 32 : index
      %get3A_1475 = tpu.vector_load %arg7[%get3A_1473, %get3A_1474] {strides = array<i32>} : memref<157x128xi32, #tpu.memory_space<vmem>>, vector<1x16xi32>,
      %get3A_1476 = vector.shape_cast %get3A_1475 : vector<1x16xi32> to vector<16xi32>
      %swap3A_1477 = arith.constant 32 : index
      %swap3A_1478 = tpu.vector_load %arg15[%swap3A_1477] {strides = array<i32>} : memref<128xi32, #tpu.memory_space<vmem>>, vector<16xi32>,
      %swap3A_1479 = vector.shape_cast %swap3A_1478 : vector<16xi32> to vector<16xi32>
      %swap3A_1480 = vector.shape_cast %get3A_1476 : vector<16xi32> to vector<16xi32>
      tpu.vector_store %arg15[%swap3A_1477], %swap3A_1480 {strides = array<i32>} : memref<128xi32, #tpu.memory_space<vmem>>, vector<16xi32>,
      %get3A_1481 = arith.index_cast %add3A_1456 : i32 to index
      %get3A_1482 = arith.constant 48 : index
      %get3A_1483 = tpu.vector_load %arg7[%get3A_1481, %get3A_1482] {strides = array<i32>} : memref<157x128xi32, #tpu.memory_space<vmem>>, vector<1x16xi32>,
      %get3A_1484 = vector.shape_cast %get3A_1483 : vector<1x16xi32> to vector<16xi32>
      %swap3A_1485 = arith.constant 48 : index
      %swap3A_1486 = tpu.vector_load %arg15[%swap3A_1485] {strides = array<i32>} : memref<128xi32, #tpu.memory_space<vmem>>, vector<16xi32>,
      %swap3A_1487 = vector.shape_cast %swap3A_1486 : vector<16xi32> to vector<16xi32>
      %swap3A_1488 = vector.shape_cast %get3A_1484 : vector<16xi32> to vector<16xi32>
      tpu.vector_store %arg15[%swap3A_1485], %swap3A_1488 {strides = array<i32>} : memref<128xi32, #tpu.memory_space<vmem>>, vector<16xi32>,
      %get3A_1489 = arith.index_cast %add3A_1456 : i32 to index
      %get3A_1490 = arith.constant 64 : index
      %get3A_1491 = tpu.vector_load %arg7[%get3A_1489, %get3A_1490] {strides = array<i32>} : memref<157x128xi32, #tpu.memory_space<vmem>>, vector<1x16xi32>,
      %get3A_1492 = vector.shape_cast %get3A_1491 : vector<1x16xi32> to vector<16xi32>
      %swap3A_1493 = arith.constant 64 : index
      %swap3A_1494 = tpu.vector_load %arg15[%swap3A_1493] {strides = array<i32>} : memref<128xi32, #tpu.memory_space<vmem>>, vector<16xi32>,
      %swap3A_1495 = vector.shape_cast %swap3A_1494 : vector<16xi32> to vector<16xi32>
      %swap3A_1496 = vector.shape_cast %get3A_1492 : vector<16xi32> to vector<16xi32>
      tpu.vector_store %arg15[%swap3A_1493], %swap3A_1496 {strides = array<i32>} : memref<128xi32, #tpu.memory_space<vmem>>, vector<16xi32>,
      %get3A_1497 = arith.index_cast %add3A_1456 : i32 to index
      %get3A_1498 = arith.constant 80 : index
      %get3A_1499 = tpu.vector_load %arg7[%get3A_1497, %get3A_1498] {strides = array<i32>} : memref<157x128xi32, #tpu.memory_space<vmem>>, vector<1x16xi32>,
      %get3A_1500 = vector.shape_cast %get3A_1499 : vector<1x16xi32> to vector<16xi32>
      %swap3A_1501 = arith.constant 80 : index
      %swap3A_1502 = tpu.vector_load %arg15[%swap3A_1501] {strides = array<i32>} : memref<128xi32, #tpu.memory_space<vmem>>, vector<16xi32>,
      %swap3A_1503 = vector.shape_cast %swap3A_1502 : vector<16xi32> to vector<16xi32>
      %swap3A_1504 = vector.shape_cast %get3A_1500 : vector<16xi32> to vector<16xi32>
      tpu.vector_store %arg15[%swap3A_1501], %swap3A_1504 {strides = array<i32>} : memref<128xi32, #tpu.memory_space<vmem>>, vector<16xi32>,
      %get3A_1505 = arith.index_cast %add3A_1456 : i32 to index
      %get3A_1506 = arith.constant 96 : index
      %get3A_1507 = tpu.vector_load %arg7[%get3A_1505, %get3A_1506] {strides = array<i32>} : memref<157x128xi32, #tpu.memory_space<vmem>>, vector<1x16xi32>,
      %get3A_1508 = vector.shape_cast %get3A_1507 : vector<1x16xi32> to vector<16xi32>
      %swap3A_1509 = arith.constant 96 : index
      %swap3A_1510 = tpu.vector_load %arg15[%swap3A_1509] {strides = array<i32>} : memref<128xi32, #tpu.memory_space<vmem>>, vector<16xi32>,
      %swap3A_1511 = vector.shape_cast %swap3A_1510 : vector<16xi32> to vector<16xi32>
      %swap3A_1512 = vector.shape_cast %get3A_1508 : vector<16xi32> to vector<16xi32>
      tpu.vector_store %arg15[%swap3A_1509], %swap3A_1512 {strides = array<i32>} : memref<128xi32, #tpu.memory_space<vmem>>, vector<16xi32>,
      %get3A_1513 = arith.index_cast %add3A_1456 : i32 to index
      %get3A_1514 = arith.constant 112 : index
      %get3A_1515 = tpu.vector_load %arg7[%get3A_1513, %get3A_1514] {strides = array<i32>} : memref<157x128xi32, #tpu.memory_space<vmem>>, vector<1x16xi32>,
      %get3A_1516 = vector.shape_cast %get3A_1515 : vector<1x16xi32> to vector<16xi32>
      %swap3A_1517 = arith.constant 112 : index
      %swap3A_1518 = tpu.vector_load %arg15[%swap3A_1517] {strides = array<i32>} : memref<128xi32, #tpu.memory_space<vmem>>, vector<16xi32>,
      %swap3A_1519 = vector.shape_cast %swap3A_1518 : vector<16xi32> to vector<16xi32>
      %swap3A_1520 = vector.shape_cast %get3A_1516 : vector<16xi32> to vector<16xi32>
      tpu.vector_store %arg15[%swap3A_1517], %swap3A_1520 {strides = array<i32>} : memref<128xi32, #tpu.memory_space<vmem>>, vector<16xi32>,
      %dma_start3A_1521 = arith.constant 0 : i32
      %dma_start3A_1522 = arith.constant 0 : i32
      %dma_start3A_1523 = tpu.memref_slice %arg4[%dma_start3A_1521, %dma_start3A_1522] : memref<20480x64xf32, #tpu.memory_space<hbm>> -> memref<20480x64xf32, #tpu.memory_space<hbm>>
      tpu.enqueue_indirect_dma source(%dma_start3A_1523 : memref<20480x64xf32, #tpu.memory_space<hbm>>) target(%arg19 : memref<128x64xf32, #tpu.memory_space<vmem>>) offsets(%arg11 : memref<128xi32, #tpu.memory_space<vmem>>) semaphore(%arg25 : memref<!tpu.dma_semaphore, #tpu.memory_space<semaphore_mem>>)
    }
    %scan3A_668 = arith.constant 38 : i32
    %dma_wait3A = arith.constant 0 : i32
    %dma_wait3A_669 = arith.constant 0 : i32
    %dma_wait3A_670 = tpu.memref_slice %arg4[%dma_wait3A, %dma_wait3A_669] : memref<20480x64xf32, #tpu.memory_space<hbm>> -> memref<20480x64xf32, #tpu.memory_space<hbm>>
    tpu.wait_indirect_dma semaphore(%arg22 : memref<!tpu.dma_semaphore, #tpu.memory_space<semaphore_mem>>) src(%dma_wait3A_670 : memref<20480x64xf32, #tpu.memory_space<hbm>>) dst(%arg16 : memref<128x64xf32, #tpu.memory_space<vmem>>)
    %dma_start3A_671 = arith.constant 0 : i32
    %dma_start3A_672 = arith.constant 0 : i32
    %dma_start3A_673 = tpu.memref_slice %arg21[%dma_start3A_671, %dma_start3A_672] : memref<10240x64xf32, #tpu.memory_space<vmem_shared>> -> memref<10240x64xf32, #tpu.memory_space<vmem_shared>>
    tpu.enqueue_indirect_dma source(%arg16 : memref<128x64xf32, #tpu.memory_space<vmem>>) target(%dma_start3A_673 : memref<10240x64xf32, #tpu.memory_space<vmem_shared>>) offsets(%arg12 : memref<128xi32, #tpu.memory_space<vmem>>) semaphore(%arg26 : memref<!tpu.dma_semaphore, #tpu.memory_space<semaphore_mem>>) {add = true}
    %dma_wait3A_674 = arith.constant 0 : i32
    %dma_wait3A_675 = arith.constant 0 : i32
    %dma_wait3A_676 = tpu.memref_slice %arg4[%dma_wait3A_674, %dma_wait3A_675] : memref<20480x64xf32, #tpu.memory_space<hbm>> -> memref<20480x64xf32, #tpu.memory_space<hbm>>
    tpu.wait_indirect_dma semaphore(%arg23 : memref<!tpu.dma_semaphore, #tpu.memory_space<semaphore_mem>>) src(%dma_wait3A_676 : memref<20480x64xf32, #tpu.memory_space<hbm>>) dst(%arg17 : memref<128x64xf32, #tpu.memory_space<vmem>>)
    %dma_start3A_677 = arith.constant 0 : i32
    %dma_start3A_678 = arith.constant 0 : i32
    %dma_start3A_679 = tpu.memref_slice %arg21[%dma_start3A_677, %dma_start3A_678] : memref<10240x64xf32, #tpu.memory_space<vmem_shared>> -> memref<10240x64xf32, #tpu.memory_space<vmem_shared>>
    tpu.enqueue_indirect_dma source(%arg17 : memref<128x64xf32, #tpu.memory_space<vmem>>) target(%dma_start3A_679 : memref<10240x64xf32, #tpu.memory_space<vmem_shared>>) offsets(%arg13 : memref<128xi32, #tpu.memory_space<vmem>>) semaphore(%arg27 : memref<!tpu.dma_semaphore, #tpu.memory_space<semaphore_mem>>) {add = true}
    %dma_wait3A_680 = arith.constant 0 : i32
    %dma_wait3A_681 = arith.constant 0 : i32
    %dma_wait3A_682 = tpu.memref_slice %arg4[%dma_wait3A_680, %dma_wait3A_681] : memref<20480x64xf32, #tpu.memory_space<hbm>> -> memref<20480x64xf32, #tpu.memory_space<hbm>>
    tpu.wait_indirect_dma semaphore(%arg24 : memref<!tpu.dma_semaphore, #tpu.memory_space<semaphore_mem>>) src(%dma_wait3A_682 : memref<20480x64xf32, #tpu.memory_space<hbm>>) dst(%arg18 : memref<128x64xf32, #tpu.memory_space<vmem>>)
    %dma_start3A_683 = arith.constant 0 : i32
    %dma_start3A_684 = arith.constant 0 : i32
    %dma_start3A_685 = tpu.memref_slice %arg21[%dma_start3A_683, %dma_start3A_684] : memref<10240x64xf32, #tpu.memory_space<vmem_shared>> -> memref<10240x64xf32, #tpu.memory_space<vmem_shared>>
    tpu.enqueue_indirect_dma source(%arg18 : memref<128x64xf32, #tpu.memory_space<vmem>>) target(%dma_start3A_685 : memref<10240x64xf32, #tpu.memory_space<vmem_shared>>) offsets(%arg14 : memref<128xi32, #tpu.memory_space<vmem>>) semaphore(%arg28 : memref<!tpu.dma_semaphore, #tpu.memory_space<semaphore_mem>>) {add = true}
    %dma_wait3A_686 = arith.constant 0 : i32
    %dma_wait3A_687 = arith.constant 0 : i32
    %dma_wait3A_688 = tpu.memref_slice %arg4[%dma_wait3A_686, %dma_wait3A_687] : memref<20480x64xf32, #tpu.memory_space<hbm>> -> memref<20480x64xf32, #tpu.memory_space<hbm>>
    tpu.wait_indirect_dma semaphore(%arg25 : memref<!tpu.dma_semaphore, #tpu.memory_space<semaphore_mem>>) src(%dma_wait3A_688 : memref<20480x64xf32, #tpu.memory_space<hbm>>) dst(%arg19 : memref<128x64xf32, #tpu.memory_space<vmem>>)
    %dma_start3A_689 = arith.constant 0 : i32
    %dma_start3A_690 = arith.constant 0 : i32
    %dma_start3A_691 = tpu.memref_slice %arg21[%dma_start3A_689, %dma_start3A_690] : memref<10240x64xf32, #tpu.memory_space<vmem_shared>> -> memref<10240x64xf32, #tpu.memory_space<vmem_shared>>
    tpu.enqueue_indirect_dma source(%arg19 : memref<128x64xf32, #tpu.memory_space<vmem>>) target(%dma_start3A_691 : memref<10240x64xf32, #tpu.memory_space<vmem_shared>>) offsets(%arg15 : memref<128xi32, #tpu.memory_space<vmem>>) semaphore(%arg29 : memref<!tpu.dma_semaphore, #tpu.memory_space<semaphore_mem>>) {add = true}
    %dma_wait3A_692 = arith.constant 0 : i32
    %dma_wait3A_693 = arith.constant 0 : i32
    %dma_wait3A_694 = tpu.memref_slice %arg21[%dma_wait3A_692, %dma_wait3A_693] : memref<10240x64xf32, #tpu.memory_space<vmem_shared>> -> memref<10240x64xf32, #tpu.memory_space<vmem_shared>>
    tpu.wait_indirect_dma semaphore(%arg26 : memref<!tpu.dma_semaphore, #tpu.memory_space<semaphore_mem>>) src(%arg16 : memref<128x64xf32, #tpu.memory_space<vmem>>) dst(%dma_wait3A_694 : memref<10240x64xf32, #tpu.memory_space<vmem_shared>>)
    %dma_wait3A_695 = arith.constant 0 : i32
    %dma_wait3A_696 = arith.constant 0 : i32
    %dma_wait3A_697 = tpu.memref_slice %arg21[%dma_wait3A_695, %dma_wait3A_696] : memref<10240x64xf32, #tpu.memory_space<vmem_shared>> -> memref<10240x64xf32, #tpu.memory_space<vmem_shared>>
    tpu.wait_indirect_dma semaphore(%arg27 : memref<!tpu.dma_semaphore, #tpu.memory_space<semaphore_mem>>) src(%arg17 : memref<128x64xf32, #tpu.memory_space<vmem>>) dst(%dma_wait3A_697 : memref<10240x64xf32, #tpu.memory_space<vmem_shared>>)
    %dma_wait3A_698 = arith.constant 0 : i32
    %dma_wait3A_699 = arith.constant 0 : i32
    %dma_wait3A_700 = tpu.memref_slice %arg21[%dma_wait3A_698, %dma_wait3A_699] : memref<10240x64xf32, #tpu.memory_space<vmem_shared>> -> memref<10240x64xf32, #tpu.memory_space<vmem_shared>>
    tpu.wait_indirect_dma semaphore(%arg28 : memref<!tpu.dma_semaphore, #tpu.memory_space<semaphore_mem>>) src(%arg18 : memref<128x64xf32, #tpu.memory_space<vmem>>) dst(%dma_wait3A_700 : memref<10240x64xf32, #tpu.memory_space<vmem_shared>>)
    %dma_wait3A_701 = arith.constant 0 : i32
    %dma_wait3A_702 = arith.constant 0 : i32
    %dma_wait3A_703 = tpu.memref_slice %arg21[%dma_wait3A_701, %dma_wait3A_702] : memref<10240x64xf32, #tpu.memory_space<vmem_shared>> -> memref<10240x64xf32, #tpu.memory_space<vmem_shared>>
    tpu.wait_indirect_dma semaphore(%arg29 : memref<!tpu.dma_semaphore, #tpu.memory_space<semaphore_mem>>) src(%arg19 : memref<128x64xf32, #tpu.memory_space<vmem>>) dst(%dma_wait3A_703 : memref<10240x64xf32, #tpu.memory_space<vmem_shared>>)
    %get3A_704 = arith.constant 156 : i32
    %get3A_705 = arith.index_cast %get3A_704 : i32 to index
    %get3A_706 = arith.constant 0 : index
    %get3A_707 = tpu.vector_load %arg6[%get3A_705, %get3A_706] {strides = array<i32>} : memref<157x128xi32, #tpu.memory_space<vmem>>, vector<1x16xi32>,
    %get3A_708 = vector.shape_cast %get3A_707 : vector<1x16xi32> to vector<16xi32>
    %add3A_709 = vector.broadcast %mul3A_2 : i32 to vector<16xi32>
    %add3A_710 = arith.addi %get3A_708, %add3A_709 : vector<16xi32>
    %swap3A_711 = arith.constant 0 : index
    %swap3A_712 = tpu.vector_load %arg8[%swap3A_711] {strides = array<i32>} : memref<128xi32, #tpu.memory_space<vmem>>, vector<16xi32>,
    %swap3A_713 = vector.shape_cast %swap3A_712 : vector<16xi32> to vector<16xi32>
    %swap3A_714 = vector.shape_cast %add3A_710 : vector<16xi32> to vector<16xi32>
    tpu.vector_store %arg8[%swap3A_711], %swap3A_714 {strides = array<i32>} : memref<128xi32, #tpu.memory_space<vmem>>, vector<16xi32>,
    %get3A_715 = arith.constant 156 : i32
    %get3A_716 = arith.index_cast %get3A_715 : i32 to index
    %get3A_717 = arith.constant 16 : index
    %get3A_718 = tpu.vector_load %arg6[%get3A_716, %get3A_717] {strides = array<i32>} : memref<157x128xi32, #tpu.memory_space<vmem>>, vector<1x16xi32>,
    %get3A_719 = vector.shape_cast %get3A_718 : vector<1x16xi32> to vector<16xi32>
    %add3A_720 = vector.broadcast %mul3A_2 : i32 to vector<16xi32>
    %add3A_721 = arith.addi %get3A_719, %add3A_720 : vector<16xi32>
    %swap3A_722 = arith.constant 16 : index
    %swap3A_723 = tpu.vector_load %arg8[%swap3A_722] {strides = array<i32>} : memref<128xi32, #tpu.memory_space<vmem>>, vector<16xi32>,
    %swap3A_724 = vector.shape_cast %swap3A_723 : vector<16xi32> to vector<16xi32>
    %swap3A_725 = vector.shape_cast %add3A_721 : vector<16xi32> to vector<16xi32>
    tpu.vector_store %arg8[%swap3A_722], %swap3A_725 {strides = array<i32>} : memref<128xi32, #tpu.memory_space<vmem>>, vector<16xi32>,
    %get3A_726 = arith.constant 156 : i32
    %get3A_727 = arith.index_cast %get3A_726 : i32 to index
    %get3A_728 = arith.constant 32 : index
    %get3A_729 = tpu.vector_load %arg6[%get3A_727, %get3A_728] {strides = array<i32>} : memref<157x128xi32, #tpu.memory_space<vmem>>, vector<1x16xi32>,
    %get3A_730 = vector.shape_cast %get3A_729 : vector<1x16xi32> to vector<16xi32>
    %add3A_731 = vector.broadcast %mul3A_2 : i32 to vector<16xi32>
    %add3A_732 = arith.addi %get3A_730, %add3A_731 : vector<16xi32>
    %swap3A_733 = arith.constant 32 : index
    %swap3A_734 = tpu.vector_load %arg8[%swap3A_733] {strides = array<i32>} : memref<128xi32, #tpu.memory_space<vmem>>, vector<16xi32>,
    %swap3A_735 = vector.shape_cast %swap3A_734 : vector<16xi32> to vector<16xi32>
    %swap3A_736 = vector.shape_cast %add3A_732 : vector<16xi32> to vector<16xi32>
    tpu.vector_store %arg8[%swap3A_733], %swap3A_736 {strides = array<i32>} : memref<128xi32, #tpu.memory_space<vmem>>, vector<16xi32>,
    %get3A_737 = arith.constant 156 : i32
    %get3A_738 = arith.index_cast %get3A_737 : i32 to index
    %get3A_739 = arith.constant 48 : index
    %get3A_740 = tpu.vector_load %arg6[%get3A_738, %get3A_739] {strides = array<i32>} : memref<157x128xi32, #tpu.memory_space<vmem>>, vector<1x16xi32>,
    %get3A_741 = vector.shape_cast %get3A_740 : vector<1x16xi32> to vector<16xi32>
    %add3A_742 = vector.broadcast %mul3A_2 : i32 to vector<16xi32>
    %add3A_743 = arith.addi %get3A_741, %add3A_742 : vector<16xi32>
    %swap3A_744 = arith.constant 48 : index
    %swap3A_745 = tpu.vector_load %arg8[%swap3A_744] {strides = array<i32>} : memref<128xi32, #tpu.memory_space<vmem>>, vector<16xi32>,
    %swap3A_746 = vector.shape_cast %swap3A_745 : vector<16xi32> to vector<16xi32>
    %swap3A_747 = vector.shape_cast %add3A_743 : vector<16xi32> to vector<16xi32>
    tpu.vector_store %arg8[%swap3A_744], %swap3A_747 {strides = array<i32>} : memref<128xi32, #tpu.memory_space<vmem>>, vector<16xi32>,
    %get3A_748 = arith.constant 156 : i32
    %get3A_749 = arith.index_cast %get3A_748 : i32 to index
    %get3A_750 = arith.constant 64 : index
    %get3A_751 = tpu.vector_load %arg6[%get3A_749, %get3A_750] {strides = array<i32>} : memref<157x128xi32, #tpu.memory_space<vmem>>, vector<1x16xi32>,
    %get3A_752 = vector.shape_cast %get3A_751 : vector<1x16xi32> to vector<16xi32>
    %add3A_753 = vector.broadcast %mul3A_2 : i32 to vector<16xi32>
    %add3A_754 = arith.addi %get3A_752, %add3A_753 : vector<16xi32>
    %swap3A_755 = arith.constant 64 : index
    %swap3A_756 = tpu.vector_load %arg8[%swap3A_755] {strides = array<i32>} : memref<128xi32, #tpu.memory_space<vmem>>, vector<16xi32>,
    %swap3A_757 = vector.shape_cast %swap3A_756 : vector<16xi32> to vector<16xi32>
    %swap3A_758 = vector.shape_cast %add3A_754 : vector<16xi32> to vector<16xi32>
    tpu.vector_store %arg8[%swap3A_755], %swap3A_758 {strides = array<i32>} : memref<128xi32, #tpu.memory_space<vmem>>, vector<16xi32>,
    %get3A_759 = arith.constant 156 : i32
    %get3A_760 = arith.index_cast %get3A_759 : i32 to index
    %get3A_761 = arith.constant 80 : index
    %get3A_762 = tpu.vector_load %arg6[%get3A_760, %get3A_761] {strides = array<i32>} : memref<157x128xi32, #tpu.memory_space<vmem>>, vector<1x16xi32>,
    %get3A_763 = vector.shape_cast %get3A_762 : vector<1x16xi32> to vector<16xi32>
    %add3A_764 = vector.broadcast %mul3A_2 : i32 to vector<16xi32>
    %add3A_765 = arith.addi %get3A_763, %add3A_764 : vector<16xi32>
    %swap3A_766 = arith.constant 80 : index
    %swap3A_767 = tpu.vector_load %arg8[%swap3A_766] {strides = array<i32>} : memref<128xi32, #tpu.memory_space<vmem>>, vector<16xi32>,
    %swap3A_768 = vector.shape_cast %swap3A_767 : vector<16xi32> to vector<16xi32>
    %swap3A_769 = vector.shape_cast %add3A_765 : vector<16xi32> to vector<16xi32>
    tpu.vector_store %arg8[%swap3A_766], %swap3A_769 {strides = array<i32>} : memref<128xi32, #tpu.memory_space<vmem>>, vector<16xi32>,
    %get3A_770 = arith.constant 156 : i32
    %get3A_771 = arith.index_cast %get3A_770 : i32 to index
    %get3A_772 = arith.constant 96 : index
    %get3A_773 = tpu.vector_load %arg6[%get3A_771, %get3A_772] {strides = array<i32>} : memref<157x128xi32, #tpu.memory_space<vmem>>, vector<1x16xi32>,
    %get3A_774 = vector.shape_cast %get3A_773 : vector<1x16xi32> to vector<16xi32>
    %add3A_775 = vector.broadcast %mul3A_2 : i32 to vector<16xi32>
    %add3A_776 = arith.addi %get3A_774, %add3A_775 : vector<16xi32>
    %swap3A_777 = arith.constant 96 : index
    %swap3A_778 = tpu.vector_load %arg8[%swap3A_777] {strides = array<i32>} : memref<128xi32, #tpu.memory_space<vmem>>, vector<16xi32>,
    %swap3A_779 = vector.shape_cast %swap3A_778 : vector<16xi32> to vector<16xi32>
    %swap3A_780 = vector.shape_cast %add3A_776 : vector<16xi32> to vector<16xi32>
    tpu.vector_store %arg8[%swap3A_777], %swap3A_780 {strides = array<i32>} : memref<128xi32, #tpu.memory_space<vmem>>, vector<16xi32>,
    %get3A_781 = arith.constant 156 : i32
    %get3A_782 = arith.index_cast %get3A_781 : i32 to index
    %get3A_783 = arith.constant 112 : index
    %get3A_784 = tpu.vector_load %arg6[%get3A_782, %get3A_783] {strides = array<i32>} : memref<157x128xi32, #tpu.memory_space<vmem>>, vector<1x16xi32>,
    %get3A_785 = vector.shape_cast %get3A_784 : vector<1x16xi32> to vector<16xi32>
    %add3A_786 = vector.broadcast %mul3A_2 : i32 to vector<16xi32>
    %add3A_787 = arith.addi %get3A_785, %add3A_786 : vector<16xi32>
    %swap3A_788 = arith.constant 112 : index
    %swap3A_789 = tpu.vector_load %arg8[%swap3A_788] {strides = array<i32>} : memref<128xi32, #tpu.memory_space<vmem>>, vector<16xi32>,
    %swap3A_790 = vector.shape_cast %swap3A_789 : vector<16xi32> to vector<16xi32>
    %swap3A_791 = vector.shape_cast %add3A_787 : vector<16xi32> to vector<16xi32>
    tpu.vector_store %arg8[%swap3A_788], %swap3A_791 {strides = array<i32>} : memref<128xi32, #tpu.memory_space<vmem>>, vector<16xi32>,
    %get3A_792 = arith.constant 156 : i32
    %get3A_793 = arith.index_cast %get3A_792 : i32 to index
    %get3A_794 = arith.constant 0 : index
    %get3A_795 = tpu.vector_load %arg7[%get3A_793, %get3A_794] {strides = array<i32>} : memref<157x128xi32, #tpu.memory_space<vmem>>, vector<1x16xi32>,
    %get3A_796 = vector.shape_cast %get3A_795 : vector<1x16xi32> to vector<16xi32>
    %swap3A_797 = arith.constant 0 : index
    %swap3A_798 = tpu.vector_load %arg12[%swap3A_797] {strides = array<i32>} : memref<128xi32, #tpu.memory_space<vmem>>, vector<16xi32>,
    %swap3A_799 = vector.shape_cast %swap3A_798 : vector<16xi32> to vector<16xi32>
    %swap3A_800 = vector.shape_cast %get3A_796 : vector<16xi32> to vector<16xi32>
    tpu.vector_store %arg12[%swap3A_797], %swap3A_800 {strides = array<i32>} : memref<128xi32, #tpu.memory_space<vmem>>, vector<16xi32>,
    %get3A_801 = arith.constant 156 : i32
    %get3A_802 = arith.index_cast %get3A_801 : i32 to index
    %get3A_803 = arith.constant 16 : index
    %get3A_804 = tpu.vector_load %arg7[%get3A_802, %get3A_803] {strides = array<i32>} : memref<157x128xi32, #tpu.memory_space<vmem>>, vector<1x16xi32>,
    %get3A_805 = vector.shape_cast %get3A_804 : vector<1x16xi32> to vector<16xi32>
    %swap3A_806 = arith.constant 16 : index
    %swap3A_807 = tpu.vector_load %arg12[%swap3A_806] {strides = array<i32>} : memref<128xi32, #tpu.memory_space<vmem>>, vector<16xi32>,
    %swap3A_808 = vector.shape_cast %swap3A_807 : vector<16xi32> to vector<16xi32>
    %swap3A_809 = vector.shape_cast %get3A_805 : vector<16xi32> to vector<16xi32>
    tpu.vector_store %arg12[%swap3A_806], %swap3A_809 {strides = array<i32>} : memref<128xi32, #tpu.memory_space<vmem>>, vector<16xi32>,
    %get3A_810 = arith.constant 156 : i32
    %get3A_811 = arith.index_cast %get3A_810 : i32 to index
    %get3A_812 = arith.constant 32 : index
    %get3A_813 = tpu.vector_load %arg7[%get3A_811, %get3A_812] {strides = array<i32>} : memref<157x128xi32, #tpu.memory_space<vmem>>, vector<1x16xi32>,
    %get3A_814 = vector.shape_cast %get3A_813 : vector<1x16xi32> to vector<16xi32>
    %swap3A_815 = arith.constant 32 : index
    %swap3A_816 = tpu.vector_load %arg12[%swap3A_815] {strides = array<i32>} : memref<128xi32, #tpu.memory_space<vmem>>, vector<16xi32>,
    %swap3A_817 = vector.shape_cast %swap3A_816 : vector<16xi32> to vector<16xi32>
    %swap3A_818 = vector.shape_cast %get3A_814 : vector<16xi32> to vector<16xi32>
    tpu.vector_store %arg12[%swap3A_815], %swap3A_818 {strides = array<i32>} : memref<128xi32, #tpu.memory_space<vmem>>, vector<16xi32>,
    %get3A_819 = arith.constant 156 : i32
    %get3A_820 = arith.index_cast %get3A_819 : i32 to index
    %get3A_821 = arith.constant 48 : index
    %get3A_822 = tpu.vector_load %arg7[%get3A_820, %get3A_821] {strides = array<i32>} : memref<157x128xi32, #tpu.memory_space<vmem>>, vector<1x16xi32>,
    %get3A_823 = vector.shape_cast %get3A_822 : vector<1x16xi32> to vector<16xi32>
    %swap3A_824 = arith.constant 48 : index
    %swap3A_825 = tpu.vector_load %arg12[%swap3A_824] {strides = array<i32>} : memref<128xi32, #tpu.memory_space<vmem>>, vector<16xi32>,
    %swap3A_826 = vector.shape_cast %swap3A_825 : vector<16xi32> to vector<16xi32>
    %swap3A_827 = vector.shape_cast %get3A_823 : vector<16xi32> to vector<16xi32>
    tpu.vector_store %arg12[%swap3A_824], %swap3A_827 {strides = array<i32>} : memref<128xi32, #tpu.memory_space<vmem>>, vector<16xi32>,
    %get3A_828 = arith.constant 156 : i32
    %get3A_829 = arith.index_cast %get3A_828 : i32 to index
    %get3A_830 = arith.constant 64 : index
    %get3A_831 = tpu.vector_load %arg7[%get3A_829, %get3A_830] {strides = array<i32>} : memref<157x128xi32, #tpu.memory_space<vmem>>, vector<1x16xi32>,
    %get3A_832 = vector.shape_cast %get3A_831 : vector<1x16xi32> to vector<16xi32>
    %swap3A_833 = arith.constant 64 : index
    %swap3A_834 = tpu.vector_load %arg12[%swap3A_833] {strides = array<i32>} : memref<128xi32, #tpu.memory_space<vmem>>, vector<16xi32>,
    %swap3A_835 = vector.shape_cast %swap3A_834 : vector<16xi32> to vector<16xi32>
    %swap3A_836 = vector.shape_cast %get3A_832 : vector<16xi32> to vector<16xi32>
    tpu.vector_store %arg12[%swap3A_833], %swap3A_836 {strides = array<i32>} : memref<128xi32, #tpu.memory_space<vmem>>, vector<16xi32>,
    %get3A_837 = arith.constant 156 : i32
    %get3A_838 = arith.index_cast %get3A_837 : i32 to index
    %get3A_839 = arith.constant 80 : index
    %get3A_840 = tpu.vector_load %arg7[%get3A_838, %get3A_839] {strides = array<i32>} : memref<157x128xi32, #tpu.memory_space<vmem>>, vector<1x16xi32>,
    %get3A_841 = vector.shape_cast %get3A_840 : vector<1x16xi32> to vector<16xi32>
    %swap3A_842 = arith.constant 80 : index
    %swap3A_843 = tpu.vector_load %arg12[%swap3A_842] {strides = array<i32>} : memref<128xi32, #tpu.memory_space<vmem>>, vector<16xi32>,
    %swap3A_844 = vector.shape_cast %swap3A_843 : vector<16xi32> to vector<16xi32>
    %swap3A_845 = vector.shape_cast %get3A_841 : vector<16xi32> to vector<16xi32>
    tpu.vector_store %arg12[%swap3A_842], %swap3A_845 {strides = array<i32>} : memref<128xi32, #tpu.memory_space<vmem>>, vector<16xi32>,
    %get3A_846 = arith.constant 156 : i32
    %get3A_847 = arith.index_cast %get3A_846 : i32 to index
    %get3A_848 = arith.constant 96 : index
    %get3A_849 = tpu.vector_load %arg7[%get3A_847, %get3A_848] {strides = array<i32>} : memref<157x128xi32, #tpu.memory_space<vmem>>, vector<1x16xi32>,
    %get3A_850 = vector.shape_cast %get3A_849 : vector<1x16xi32> to vector<16xi32>
    %swap3A_851 = arith.constant 96 : index
    %swap3A_852 = tpu.vector_load %arg12[%swap3A_851] {strides = array<i32>} : memref<128xi32, #tpu.memory_space<vmem>>, vector<16xi32>,
    %swap3A_853 = vector.shape_cast %swap3A_852 : vector<16xi32> to vector<16xi32>
    %swap3A_854 = vector.shape_cast %get3A_850 : vector<16xi32> to vector<16xi32>
    tpu.vector_store %arg12[%swap3A_851], %swap3A_854 {strides = array<i32>} : memref<128xi32, #tpu.memory_space<vmem>>, vector<16xi32>,
    %get3A_855 = arith.constant 156 : i32
    %get3A_856 = arith.index_cast %get3A_855 : i32 to index
    %get3A_857 = arith.constant 112 : index
    %get3A_858 = tpu.vector_load %arg7[%get3A_856, %get3A_857] {strides = array<i32>} : memref<157x128xi32, #tpu.memory_space<vmem>>, vector<1x16xi32>,
    %get3A_859 = vector.shape_cast %get3A_858 : vector<1x16xi32> to vector<16xi32>
    %swap3A_860 = arith.constant 112 : index
    %swap3A_861 = tpu.vector_load %arg12[%swap3A_860] {strides = array<i32>} : memref<128xi32, #tpu.memory_space<vmem>>, vector<16xi32>,
    %swap3A_862 = vector.shape_cast %swap3A_861 : vector<16xi32> to vector<16xi32>
    %swap3A_863 = vector.shape_cast %get3A_859 : vector<16xi32> to vector<16xi32>
    tpu.vector_store %arg12[%swap3A_860], %swap3A_863 {strides = array<i32>} : memref<128xi32, #tpu.memory_space<vmem>>, vector<16xi32>,
    "tpu.region"() ({
      %run_scoped3A = tpu.sem_alloc : memref<!tpu.dma_semaphore, #tpu.memory_space<semaphore_mem>>
      %dma_start3A_865 = arith.constant 0 : i32
      %dma_start3A_866 = arith.constant 0 : i32
      %dma_start3A_867 = tpu.memref_slice %arg4[%dma_start3A_865, %dma_start3A_866] : memref<20480x64xf32, #tpu.memory_space<hbm>> -> memref<20480x64xf32, #tpu.memory_space<hbm>>
      tpu.enqueue_indirect_dma source(%dma_start3A_867 : memref<20480x64xf32, #tpu.memory_space<hbm>>) target(%arg16 : memref<128x64xf32, #tpu.memory_space<vmem>>) offsets(%arg8 : memref<128xi32, #tpu.memory_space<vmem>>) semaphore(%run_scoped3A : memref<!tpu.dma_semaphore, #tpu.memory_space<semaphore_mem>>)
      %dma_wait3A_868 = arith.constant 0 : i32
      %dma_wait3A_869 = arith.constant 0 : i32
      %dma_wait3A_870 = tpu.memref_slice %arg4[%dma_wait3A_868, %dma_wait3A_869] : memref<20480x64xf32, #tpu.memory_space<hbm>> -> memref<20480x64xf32, #tpu.memory_space<hbm>>
      tpu.wait_indirect_dma semaphore(%run_scoped3A : memref<!tpu.dma_semaphore, #tpu.memory_space<semaphore_mem>>) src(%dma_wait3A_870 : memref<20480x64xf32, #tpu.memory_space<hbm>>) dst(%arg16 : memref<128x64xf32, #tpu.memory_space<vmem>>)
      tpu.yield
    }) : () -> ()
    "tpu.region"() ({
      %run_scoped3A = tpu.sem_alloc : memref<!tpu.dma_semaphore, #tpu.memory_space<semaphore_mem>>
      %dma_start3A_865 = arith.constant 0 : i32
      %dma_start3A_866 = arith.constant 0 : i32
      %dma_start3A_867 = tpu.memref_slice %arg21[%dma_start3A_865, %dma_start3A_866] : memref<10240x64xf32, #tpu.memory_space<vmem_shared>> -> memref<10240x64xf32, #tpu.memory_space<vmem_shared>>
      tpu.enqueue_indirect_dma source(%arg16 : memref<128x64xf32, #tpu.memory_space<vmem>>) target(%dma_start3A_867 : memref<10240x64xf32, #tpu.memory_space<vmem_shared>>) offsets(%arg12 : memref<128xi32, #tpu.memory_space<vmem>>) semaphore(%run_scoped3A : memref<!tpu.dma_semaphore, #tpu.memory_space<semaphore_mem>>) {add = true}
      %dma_wait3A_868 = arith.constant 0 : i32
      %dma_wait3A_869 = arith.constant 0 : i32
      %dma_wait3A_870 = tpu.memref_slice %arg21[%dma_wait3A_868, %dma_wait3A_869] : memref<10240x64xf32, #tpu.memory_space<vmem_shared>> -> memref<10240x64xf32, #tpu.memory_space<vmem_shared>>
      tpu.wait_indirect_dma semaphore(%run_scoped3A : memref<!tpu.dma_semaphore, #tpu.memory_space<semaphore_mem>>) src(%arg16 : memref<128x64xf32, #tpu.memory_space<vmem>>) dst(%dma_wait3A_870 : memref<10240x64xf32, #tpu.memory_space<vmem_shared>>)
      tpu.yield
    }) : () -> ()
    %barrier3A_864 = arith.constant 0 : index
    tpu.barrier barrier_id(%barrier3A_864)
    "tpu.region"() ({
      %run_scoped3A = tpu.sem_alloc : memref<!tpu.dma_semaphore, #tpu.memory_space<semaphore_mem>>
      %dma_start3A_865 = arith.constant 0 : i32
      %dma_start3A_866 = tpu.memref_slice %arg5[%arg0, %mul3A_0, %dma_start3A_865] : memref<2x10240x64xf32, #tpu.memory_space<hbm>> -> memref<1x640x64xf32, #tpu.memory_space<hbm>>
      %dma_start3A_867 = tpu.memref_squeeze %dma_start3A_866 : memref<1x640x64xf32, #tpu.memory_space<hbm>> -> memref<640x64xf32, #tpu.memory_space<hbm>>
      %dma_start3A_868 = arith.constant 0 : i32
      %dma_start3A_869 = tpu.memref_slice %arg21[%mul3A_0, %dma_start3A_868] : memref<10240x64xf32, #tpu.memory_space<vmem_shared>> -> memref<640x64xf32, #tpu.memory_space<vmem_shared>>
      tpu.enqueue_dma source(%dma_start3A_869 : memref<640x64xf32, #tpu.memory_space<vmem_shared>>) target(%dma_start3A_867 : memref<640x64xf32, #tpu.memory_space<hbm>>) target_semaphore(%run_scoped3A : memref<!tpu.dma_semaphore, #tpu.memory_space<semaphore_mem>>)
      %dma_wait3A_870 = arith.constant 0 : i32
      %dma_wait3A_871 = tpu.memref_slice %arg5[%arg0, %mul3A_0, %dma_wait3A_870] : memref<2x10240x64xf32, #tpu.memory_space<hbm>> -> memref<1x640x64xf32, #tpu.memory_space<hbm>>
      %dma_wait3A_872 = tpu.memref_squeeze %dma_wait3A_871 : memref<1x640x64xf32, #tpu.memory_space<hbm>> -> memref<640x64xf32, #tpu.memory_space<hbm>>
      %dma_wait3A_873 = arith.constant 0 : i32
      %dma_wait3A_874 = tpu.memref_slice %arg21[%mul3A_0, %dma_wait3A_873] : memref<10240x64xf32, #tpu.memory_space<vmem_shared>> -> memref<640x64xf32, #tpu.memory_space<vmem_shared>>
      tpu.wait_dma2 semaphore(%run_scoped3A : memref<!tpu.dma_semaphore, #tpu.memory_space<semaphore_mem>>) src(%dma_wait3A_874 : memref<640x64xf32, #tpu.memory_space<vmem_shared>>) dst(%dma_wait3A_872 : memref<640x64xf32, #tpu.memory_space<hbm>>)
      tpu.yield
    }) : () -> ()
    return
  }
}

#map = affine_map<(d0, d1) -> (0, 0, 0)>
#map1 = affine_map<(d0, d1) -> (0, 0)>
module attributes {stable_mosaic.version = 14 : i64} {
  func.func @agg(%arg0: i32, %arg1: i32, %arg2: memref<32x125x80xi32, #tpu.memory_space<hbm>>, %arg3: memref<32x125x80xi32, #tpu.memory_space<hbm>>, %arg4: memref<10240x16xf32, #tpu.memory_space<hbm>>, %arg5: memref<2x10240x16xf32, #tpu.memory_space<hbm>>, %arg6: memref<125x80xi32, #tpu.memory_space<vmem>>, %arg7: memref<125x80xi32, #tpu.memory_space<vmem>>, %arg8: memref<80xi32, #tpu.memory_space<vmem>>, %arg9: memref<80xi32, #tpu.memory_space<vmem>>, %arg10: memref<80xi32, #tpu.memory_space<vmem>>, %arg11: memref<80xi32, #tpu.memory_space<vmem>>, %arg12: memref<80xi32, #tpu.memory_space<vmem>>, %arg13: memref<80xi32, #tpu.memory_space<vmem>>, %arg14: memref<80xi32, #tpu.memory_space<vmem>>, %arg15: memref<80xi32, #tpu.memory_space<vmem>>, %arg16: memref<80x16xf32, #tpu.memory_space<vmem>>, %arg17: memref<80x16xf32, #tpu.memory_space<vmem>>, %arg18: memref<80x16xf32, #tpu.memory_space<vmem>>, %arg19: memref<80x16xf32, #tpu.memory_space<vmem>>, %arg20: memref<8x16xf32, #tpu.memory_space<vmem>>, %arg21: memref<10240x16xf32, #tpu.memory_space<vmem_shared>>, %arg22: memref<!tpu.dma_semaphore, #tpu.memory_space<semaphore_mem>>, %arg23: memref<!tpu.dma_semaphore, #tpu.memory_space<semaphore_mem>>, %arg24: memref<!tpu.dma_semaphore, #tpu.memory_space<semaphore_mem>>, %arg25: memref<!tpu.dma_semaphore, #tpu.memory_space<semaphore_mem>>, %arg26: memref<!tpu.dma_semaphore, #tpu.memory_space<semaphore_mem>>, %arg27: memref<!tpu.dma_semaphore, #tpu.memory_space<semaphore_mem>>, %arg28: memref<!tpu.dma_semaphore, #tpu.memory_space<semaphore_mem>>, %arg29: memref<!tpu.dma_semaphore, #tpu.memory_space<semaphore_mem>>) attributes {dimension_semantics = [#tpu.dimension_semantics<core_parallel>, #tpu.dimension_semantics<subcore_parallel>], iteration_bounds = array<i64: 2, 16>, scalar_prefetch = 0 : i64, scratch_operands = 24 : i64, tpu.core_type = #tpu.core_type<sc_vector_subcore>, window_params = [{transform_indices = #map}, {transform_indices = #map}, {transform_indices = #map1}, {transform_indices = #map}]} {
    %mul3A = arith.constant 16 : i32
    %mul3A_0 = arith.muli %arg0, %mul3A : i32
    %add3A = arith.addi %mul3A_0, %arg1 : i32
    %mul3A_1 = arith.constant 640 : i32
    %mul3A_2 = arith.muli %arg1, %mul3A_1 : i32
    "tpu.region"() ({
      %run_scoped3A = tpu.sem_alloc : memref<!tpu.dma_semaphore, #tpu.memory_space<semaphore_mem>>
      %dma_start3A_516 = arith.constant 0 : i32
      %dma_start3A_517 = arith.constant 0 : i32
      %dma_start3A_518 = tpu.memref_slice %arg2[%add3A, %dma_start3A_516, %dma_start3A_517] : memref<32x125x80xi32, #tpu.memory_space<hbm>> -> memref<1x125x80xi32, #tpu.memory_space<hbm>>
      %dma_start3A_519 = tpu.memref_squeeze %dma_start3A_518 : memref<1x125x80xi32, #tpu.memory_space<hbm>> -> memref<125x80xi32, #tpu.memory_space<hbm>>
      %dma_start3A_520 = arith.constant 0 : i32
      %dma_start3A_521 = arith.constant 0 : i32
      %dma_start3A_522 = tpu.memref_slice %arg2[%add3A, %dma_start3A_520, %dma_start3A_521] : memref<32x125x80xi32, #tpu.memory_space<hbm>> -> memref<1x125x80xi32, #tpu.memory_space<hbm>>
      %dma_start3A_523 = tpu.memref_squeeze %dma_start3A_522 : memref<1x125x80xi32, #tpu.memory_space<hbm>> -> memref<125x80xi32, #tpu.memory_space<hbm>>
      tpu.enqueue_dma source(%dma_start3A_523 : memref<125x80xi32, #tpu.memory_space<hbm>>) target(%arg6 : memref<125x80xi32, #tpu.memory_space<vmem>>) target_semaphore(%run_scoped3A : memref<!tpu.dma_semaphore, #tpu.memory_space<semaphore_mem>>)
      %dma_wait3A_524 = arith.constant 0 : i32
      %dma_wait3A_525 = arith.constant 0 : i32
      %dma_wait3A_526 = tpu.memref_slice %arg2[%add3A, %dma_wait3A_524, %dma_wait3A_525] : memref<32x125x80xi32, #tpu.memory_space<hbm>> -> memref<1x125x80xi32, #tpu.memory_space<hbm>>
      %dma_wait3A_527 = tpu.memref_squeeze %dma_wait3A_526 : memref<1x125x80xi32, #tpu.memory_space<hbm>> -> memref<125x80xi32, #tpu.memory_space<hbm>>
      %dma_wait3A_528 = arith.constant 0 : i32
      %dma_wait3A_529 = arith.constant 0 : i32
      %dma_wait3A_530 = tpu.memref_slice %arg2[%add3A, %dma_wait3A_528, %dma_wait3A_529] : memref<32x125x80xi32, #tpu.memory_space<hbm>> -> memref<1x125x80xi32, #tpu.memory_space<hbm>>
      %dma_wait3A_531 = tpu.memref_squeeze %dma_wait3A_530 : memref<1x125x80xi32, #tpu.memory_space<hbm>> -> memref<125x80xi32, #tpu.memory_space<hbm>>
      tpu.wait_dma2 semaphore(%run_scoped3A : memref<!tpu.dma_semaphore, #tpu.memory_space<semaphore_mem>>) src(%dma_wait3A_531 : memref<125x80xi32, #tpu.memory_space<hbm>>) dst(%arg6 : memref<125x80xi32, #tpu.memory_space<vmem>>)
      tpu.yield
    }) : () -> ()
    "tpu.region"() ({
      %run_scoped3A = tpu.sem_alloc : memref<!tpu.dma_semaphore, #tpu.memory_space<semaphore_mem>>
      %dma_start3A_516 = arith.constant 0 : i32
      %dma_start3A_517 = arith.constant 0 : i32
      %dma_start3A_518 = tpu.memref_slice %arg3[%add3A, %dma_start3A_516, %dma_start3A_517] : memref<32x125x80xi32, #tpu.memory_space<hbm>> -> memref<1x125x80xi32, #tpu.memory_space<hbm>>
      %dma_start3A_519 = tpu.memref_squeeze %dma_start3A_518 : memref<1x125x80xi32, #tpu.memory_space<hbm>> -> memref<125x80xi32, #tpu.memory_space<hbm>>
      %dma_start3A_520 = arith.constant 0 : i32
      %dma_start3A_521 = arith.constant 0 : i32
      %dma_start3A_522 = tpu.memref_slice %arg3[%add3A, %dma_start3A_520, %dma_start3A_521] : memref<32x125x80xi32, #tpu.memory_space<hbm>> -> memref<1x125x80xi32, #tpu.memory_space<hbm>>
      %dma_start3A_523 = tpu.memref_squeeze %dma_start3A_522 : memref<1x125x80xi32, #tpu.memory_space<hbm>> -> memref<125x80xi32, #tpu.memory_space<hbm>>
      tpu.enqueue_dma source(%dma_start3A_523 : memref<125x80xi32, #tpu.memory_space<hbm>>) target(%arg7 : memref<125x80xi32, #tpu.memory_space<vmem>>) target_semaphore(%run_scoped3A : memref<!tpu.dma_semaphore, #tpu.memory_space<semaphore_mem>>)
      %dma_wait3A_524 = arith.constant 0 : i32
      %dma_wait3A_525 = arith.constant 0 : i32
      %dma_wait3A_526 = tpu.memref_slice %arg3[%add3A, %dma_wait3A_524, %dma_wait3A_525] : memref<32x125x80xi32, #tpu.memory_space<hbm>> -> memref<1x125x80xi32, #tpu.memory_space<hbm>>
      %dma_wait3A_527 = tpu.memref_squeeze %dma_wait3A_526 : memref<1x125x80xi32, #tpu.memory_space<hbm>> -> memref<125x80xi32, #tpu.memory_space<hbm>>
      %dma_wait3A_528 = arith.constant 0 : i32
      %dma_wait3A_529 = arith.constant 0 : i32
      %dma_wait3A_530 = tpu.memref_slice %arg3[%add3A, %dma_wait3A_528, %dma_wait3A_529] : memref<32x125x80xi32, #tpu.memory_space<hbm>> -> memref<1x125x80xi32, #tpu.memory_space<hbm>>
      %dma_wait3A_531 = tpu.memref_squeeze %dma_wait3A_530 : memref<1x125x80xi32, #tpu.memory_space<hbm>> -> memref<125x80xi32, #tpu.memory_space<hbm>>
      tpu.wait_dma2 semaphore(%run_scoped3A : memref<!tpu.dma_semaphore, #tpu.memory_space<semaphore_mem>>) src(%dma_wait3A_531 : memref<125x80xi32, #tpu.memory_space<hbm>>) dst(%arg7 : memref<125x80xi32, #tpu.memory_space<vmem>>)
      tpu.yield
    }) : () -> ()
    %broadcast_in_dim3A = arith.constant 0.000000e+00 : f32
    %broadcast_in_dim3A_3 = vector.broadcast %broadcast_in_dim3A : f32 to vector<16xf32>
    %scan3A = arith.constant 0 : i32
    %scan3A_4 = arith.constant 0 : i32
    %scan3A_5 = arith.constant 8 : i32
    %scan3A_6 = arith.addi %scan3A_4, %scan3A_5 : i32
    %scan3A_7 = arith.constant 1 : i32
    scf.for %scan3A_516 = %scan3A_4 to %scan3A_6 step %scan3A_7  : i32 {
      %swap3A_517 = arith.index_cast %scan3A_516 : i32 to index
      %swap3A_518 = arith.constant 0 : index
      %swap3A_519 = tpu.vector_load %arg20[%swap3A_517, %swap3A_518] {strides = array<i32>} : memref<8x16xf32, #tpu.memory_space<vmem>>, vector<1x16xf32>,
      %swap3A_520 = vector.shape_cast %swap3A_519 : vector<1x16xf32> to vector<16xf32>
      %swap3A_521 = vector.shape_cast %broadcast_in_dim3A_3 : vector<16xf32> to vector<1x16xf32>
      tpu.vector_store %arg20[%swap3A_517, %swap3A_518], %swap3A_521 {strides = array<i32>} : memref<8x16xf32, #tpu.memory_space<vmem>>, vector<1x16xf32>,
    }
    %scan3A_8 = arith.constant 8 : i32
    %scan3A_9 = arith.constant 0 : i32
    %scan3A_10 = arith.constant 0 : i32
    %scan3A_11 = arith.constant 80 : i32
    %scan3A_12 = arith.addi %scan3A_10, %scan3A_11 : i32
    %scan3A_13 = arith.constant 1 : i32
    scf.for %scan3A_516 = %scan3A_10 to %scan3A_12 step %scan3A_13  : i32 {
      %mul3A_517 = arith.constant 8 : i32
      %mul3A_518 = arith.muli %scan3A_516, %mul3A_517 : i32
      %add3A_519 = arith.addi %mul3A_2, %mul3A_518 : i32
      "tpu.region"() ({
        %run_scoped3A = tpu.sem_alloc : memref<!tpu.dma_semaphore, #tpu.memory_space<semaphore_mem>>
        %dma_start3A_520 = arith.constant 0 : i32
        %dma_start3A_521 = tpu.memref_slice %arg21[%add3A_519, %dma_start3A_520] : memref<10240x16xf32, #tpu.memory_space<vmem_shared>> -> memref<8x16xf32, #tpu.memory_space<vmem_shared>>
        %dma_start3A_522 = arith.constant 0 : i32
        %dma_start3A_523 = tpu.memref_slice %arg21[%add3A_519, %dma_start3A_522] : memref<10240x16xf32, #tpu.memory_space<vmem_shared>> -> memref<8x16xf32, #tpu.memory_space<vmem_shared>>
        tpu.enqueue_dma source(%arg20 : memref<8x16xf32, #tpu.memory_space<vmem>>) target(%dma_start3A_523 : memref<8x16xf32, #tpu.memory_space<vmem_shared>>) target_semaphore(%run_scoped3A : memref<!tpu.dma_semaphore, #tpu.memory_space<semaphore_mem>>)
        %dma_wait3A_524 = arith.constant 0 : i32
        %dma_wait3A_525 = tpu.memref_slice %arg21[%add3A_519, %dma_wait3A_524] : memref<10240x16xf32, #tpu.memory_space<vmem_shared>> -> memref<8x16xf32, #tpu.memory_space<vmem_shared>>
        %dma_wait3A_526 = arith.constant 0 : i32
        %dma_wait3A_527 = tpu.memref_slice %arg21[%add3A_519, %dma_wait3A_526] : memref<10240x16xf32, #tpu.memory_space<vmem_shared>> -> memref<8x16xf32, #tpu.memory_space<vmem_shared>>
        tpu.wait_dma2 semaphore(%run_scoped3A : memref<!tpu.dma_semaphore, #tpu.memory_space<semaphore_mem>>) src(%arg20 : memref<8x16xf32, #tpu.memory_space<vmem>>) dst(%dma_wait3A_527 : memref<8x16xf32, #tpu.memory_space<vmem_shared>>)
        tpu.yield
      }) : () -> ()
    }
    %scan3A_14 = arith.constant 80 : i32
    %barrier3A = arith.constant 0 : index
    tpu.barrier barrier_id(%barrier3A)
    %get3A = arith.constant 0 : i32
    %get3A_15 = arith.index_cast %get3A : i32 to index
    %get3A_16 = arith.constant 0 : index
    %get3A_17 = tpu.vector_load %arg6[%get3A_15, %get3A_16] {strides = array<i32>} : memref<125x80xi32, #tpu.memory_space<vmem>>, vector<1x16xi32>,
    %get3A_18 = vector.shape_cast %get3A_17 : vector<1x16xi32> to vector<16xi32>
    %swap3A = arith.constant 0 : index
    %swap3A_19 = tpu.vector_load %arg8[%swap3A] {strides = array<i32>} : memref<80xi32, #tpu.memory_space<vmem>>, vector<16xi32>,
    %swap3A_20 = vector.shape_cast %swap3A_19 : vector<16xi32> to vector<16xi32>
    %swap3A_21 = vector.shape_cast %get3A_18 : vector<16xi32> to vector<16xi32>
    tpu.vector_store %arg8[%swap3A], %swap3A_21 {strides = array<i32>} : memref<80xi32, #tpu.memory_space<vmem>>, vector<16xi32>,
    %get3A_22 = arith.constant 0 : i32
    %get3A_23 = arith.index_cast %get3A_22 : i32 to index
    %get3A_24 = arith.constant 16 : index
    %get3A_25 = tpu.vector_load %arg6[%get3A_23, %get3A_24] {strides = array<i32>} : memref<125x80xi32, #tpu.memory_space<vmem>>, vector<1x16xi32>,
    %get3A_26 = vector.shape_cast %get3A_25 : vector<1x16xi32> to vector<16xi32>
    %swap3A_27 = arith.constant 16 : index
    %swap3A_28 = tpu.vector_load %arg8[%swap3A_27] {strides = array<i32>} : memref<80xi32, #tpu.memory_space<vmem>>, vector<16xi32>,
    %swap3A_29 = vector.shape_cast %swap3A_28 : vector<16xi32> to vector<16xi32>
    %swap3A_30 = vector.shape_cast %get3A_26 : vector<16xi32> to vector<16xi32>
    tpu.vector_store %arg8[%swap3A_27], %swap3A_30 {strides = array<i32>} : memref<80xi32, #tpu.memory_space<vmem>>, vector<16xi32>,
    %get3A_31 = arith.constant 0 : i32
    %get3A_32 = arith.index_cast %get3A_31 : i32 to index
    %get3A_33 = arith.constant 32 : index
    %get3A_34 = tpu.vector_load %arg6[%get3A_32, %get3A_33] {strides = array<i32>} : memref<125x80xi32, #tpu.memory_space<vmem>>, vector<1x16xi32>,
    %get3A_35 = vector.shape_cast %get3A_34 : vector<1x16xi32> to vector<16xi32>
    %swap3A_36 = arith.constant 32 : index
    %swap3A_37 = tpu.vector_load %arg8[%swap3A_36] {strides = array<i32>} : memref<80xi32, #tpu.memory_space<vmem>>, vector<16xi32>,
    %swap3A_38 = vector.shape_cast %swap3A_37 : vector<16xi32> to vector<16xi32>
    %swap3A_39 = vector.shape_cast %get3A_35 : vector<16xi32> to vector<16xi32>
    tpu.vector_store %arg8[%swap3A_36], %swap3A_39 {strides = array<i32>} : memref<80xi32, #tpu.memory_space<vmem>>, vector<16xi32>,
    %get3A_40 = arith.constant 0 : i32
    %get3A_41 = arith.index_cast %get3A_40 : i32 to index
    %get3A_42 = arith.constant 48 : index
    %get3A_43 = tpu.vector_load %arg6[%get3A_41, %get3A_42] {strides = array<i32>} : memref<125x80xi32, #tpu.memory_space<vmem>>, vector<1x16xi32>,
    %get3A_44 = vector.shape_cast %get3A_43 : vector<1x16xi32> to vector<16xi32>
    %swap3A_45 = arith.constant 48 : index
    %swap3A_46 = tpu.vector_load %arg8[%swap3A_45] {strides = array<i32>} : memref<80xi32, #tpu.memory_space<vmem>>, vector<16xi32>,
    %swap3A_47 = vector.shape_cast %swap3A_46 : vector<16xi32> to vector<16xi32>
    %swap3A_48 = vector.shape_cast %get3A_44 : vector<16xi32> to vector<16xi32>
    tpu.vector_store %arg8[%swap3A_45], %swap3A_48 {strides = array<i32>} : memref<80xi32, #tpu.memory_space<vmem>>, vector<16xi32>,
    %get3A_49 = arith.constant 0 : i32
    %get3A_50 = arith.index_cast %get3A_49 : i32 to index
    %get3A_51 = arith.constant 64 : index
    %get3A_52 = tpu.vector_load %arg6[%get3A_50, %get3A_51] {strides = array<i32>} : memref<125x80xi32, #tpu.memory_space<vmem>>, vector<1x16xi32>,
    %get3A_53 = vector.shape_cast %get3A_52 : vector<1x16xi32> to vector<16xi32>
    %swap3A_54 = arith.constant 64 : index
    %swap3A_55 = tpu.vector_load %arg8[%swap3A_54] {strides = array<i32>} : memref<80xi32, #tpu.memory_space<vmem>>, vector<16xi32>,
    %swap3A_56 = vector.shape_cast %swap3A_55 : vector<16xi32> to vector<16xi32>
    %swap3A_57 = vector.shape_cast %get3A_53 : vector<16xi32> to vector<16xi32>
    tpu.vector_store %arg8[%swap3A_54], %swap3A_57 {strides = array<i32>} : memref<80xi32, #tpu.memory_space<vmem>>, vector<16xi32>,
    %get3A_58 = arith.constant 0 : i32
    %get3A_59 = arith.index_cast %get3A_58 : i32 to index
    %get3A_60 = arith.constant 0 : index
    %get3A_61 = tpu.vector_load %arg7[%get3A_59, %get3A_60] {strides = array<i32>} : memref<125x80xi32, #tpu.memory_space<vmem>>, vector<1x16xi32>,
    %get3A_62 = vector.shape_cast %get3A_61 : vector<1x16xi32> to vector<16xi32>
    %swap3A_63 = arith.constant 0 : index
    %swap3A_64 = tpu.vector_load %arg12[%swap3A_63] {strides = array<i32>} : memref<80xi32, #tpu.memory_space<vmem>>, vector<16xi32>,
    %swap3A_65 = vector.shape_cast %swap3A_64 : vector<16xi32> to vector<16xi32>
    %swap3A_66 = vector.shape_cast %get3A_62 : vector<16xi32> to vector<16xi32>
    tpu.vector_store %arg12[%swap3A_63], %swap3A_66 {strides = array<i32>} : memref<80xi32, #tpu.memory_space<vmem>>, vector<16xi32>,
    %get3A_67 = arith.constant 0 : i32
    %get3A_68 = arith.index_cast %get3A_67 : i32 to index
    %get3A_69 = arith.constant 16 : index
    %get3A_70 = tpu.vector_load %arg7[%get3A_68, %get3A_69] {strides = array<i32>} : memref<125x80xi32, #tpu.memory_space<vmem>>, vector<1x16xi32>,
    %get3A_71 = vector.shape_cast %get3A_70 : vector<1x16xi32> to vector<16xi32>
    %swap3A_72 = arith.constant 16 : index
    %swap3A_73 = tpu.vector_load %arg12[%swap3A_72] {strides = array<i32>} : memref<80xi32, #tpu.memory_space<vmem>>, vector<16xi32>,
    %swap3A_74 = vector.shape_cast %swap3A_73 : vector<16xi32> to vector<16xi32>
    %swap3A_75 = vector.shape_cast %get3A_71 : vector<16xi32> to vector<16xi32>
    tpu.vector_store %arg12[%swap3A_72], %swap3A_75 {strides = array<i32>} : memref<80xi32, #tpu.memory_space<vmem>>, vector<16xi32>,
    %get3A_76 = arith.constant 0 : i32
    %get3A_77 = arith.index_cast %get3A_76 : i32 to index
    %get3A_78 = arith.constant 32 : index
    %get3A_79 = tpu.vector_load %arg7[%get3A_77, %get3A_78] {strides = array<i32>} : memref<125x80xi32, #tpu.memory_space<vmem>>, vector<1x16xi32>,
    %get3A_80 = vector.shape_cast %get3A_79 : vector<1x16xi32> to vector<16xi32>
    %swap3A_81 = arith.constant 32 : index
    %swap3A_82 = tpu.vector_load %arg12[%swap3A_81] {strides = array<i32>} : memref<80xi32, #tpu.memory_space<vmem>>, vector<16xi32>,
    %swap3A_83 = vector.shape_cast %swap3A_82 : vector<16xi32> to vector<16xi32>
    %swap3A_84 = vector.shape_cast %get3A_80 : vector<16xi32> to vector<16xi32>
    tpu.vector_store %arg12[%swap3A_81], %swap3A_84 {strides = array<i32>} : memref<80xi32, #tpu.memory_space<vmem>>, vector<16xi32>,
    %get3A_85 = arith.constant 0 : i32
    %get3A_86 = arith.index_cast %get3A_85 : i32 to index
    %get3A_87 = arith.constant 48 : index
    %get3A_88 = tpu.vector_load %arg7[%get3A_86, %get3A_87] {strides = array<i32>} : memref<125x80xi32, #tpu.memory_space<vmem>>, vector<1x16xi32>,
    %get3A_89 = vector.shape_cast %get3A_88 : vector<1x16xi32> to vector<16xi32>
    %swap3A_90 = arith.constant 48 : index
    %swap3A_91 = tpu.vector_load %arg12[%swap3A_90] {strides = array<i32>} : memref<80xi32, #tpu.memory_space<vmem>>, vector<16xi32>,
    %swap3A_92 = vector.shape_cast %swap3A_91 : vector<16xi32> to vector<16xi32>
    %swap3A_93 = vector.shape_cast %get3A_89 : vector<16xi32> to vector<16xi32>
    tpu.vector_store %arg12[%swap3A_90], %swap3A_93 {strides = array<i32>} : memref<80xi32, #tpu.memory_space<vmem>>, vector<16xi32>,
    %get3A_94 = arith.constant 0 : i32
    %get3A_95 = arith.index_cast %get3A_94 : i32 to index
    %get3A_96 = arith.constant 64 : index
    %get3A_97 = tpu.vector_load %arg7[%get3A_95, %get3A_96] {strides = array<i32>} : memref<125x80xi32, #tpu.memory_space<vmem>>, vector<1x16xi32>,
    %get3A_98 = vector.shape_cast %get3A_97 : vector<1x16xi32> to vector<16xi32>
    %swap3A_99 = arith.constant 64 : index
    %swap3A_100 = tpu.vector_load %arg12[%swap3A_99] {strides = array<i32>} : memref<80xi32, #tpu.memory_space<vmem>>, vector<16xi32>,
    %swap3A_101 = vector.shape_cast %swap3A_100 : vector<16xi32> to vector<16xi32>
    %swap3A_102 = vector.shape_cast %get3A_98 : vector<16xi32> to vector<16xi32>
    tpu.vector_store %arg12[%swap3A_99], %swap3A_102 {strides = array<i32>} : memref<80xi32, #tpu.memory_space<vmem>>, vector<16xi32>,
    %dma_start3A = arith.constant 0 : i32
    %dma_start3A_103 = arith.constant 0 : i32
    %dma_start3A_104 = tpu.memref_slice %arg4[%dma_start3A, %dma_start3A_103] : memref<10240x16xf32, #tpu.memory_space<hbm>> -> memref<10240x16xf32, #tpu.memory_space<hbm>>
    tpu.enqueue_indirect_dma source(%dma_start3A_104 : memref<10240x16xf32, #tpu.memory_space<hbm>>) target(%arg16 : memref<80x16xf32, #tpu.memory_space<vmem>>) offsets(%arg8 : memref<80xi32, #tpu.memory_space<vmem>>) semaphore(%arg22 : memref<!tpu.dma_semaphore, #tpu.memory_space<semaphore_mem>>)
    %get3A_105 = arith.constant 1 : i32
    %get3A_106 = arith.index_cast %get3A_105 : i32 to index
    %get3A_107 = arith.constant 0 : index
    %get3A_108 = tpu.vector_load %arg6[%get3A_106, %get3A_107] {strides = array<i32>} : memref<125x80xi32, #tpu.memory_space<vmem>>, vector<1x16xi32>,
    %get3A_109 = vector.shape_cast %get3A_108 : vector<1x16xi32> to vector<16xi32>
    %swap3A_110 = arith.constant 0 : index
    %swap3A_111 = tpu.vector_load %arg9[%swap3A_110] {strides = array<i32>} : memref<80xi32, #tpu.memory_space<vmem>>, vector<16xi32>,
    %swap3A_112 = vector.shape_cast %swap3A_111 : vector<16xi32> to vector<16xi32>
    %swap3A_113 = vector.shape_cast %get3A_109 : vector<16xi32> to vector<16xi32>
    tpu.vector_store %arg9[%swap3A_110], %swap3A_113 {strides = array<i32>} : memref<80xi32, #tpu.memory_space<vmem>>, vector<16xi32>,
    %get3A_114 = arith.constant 1 : i32
    %get3A_115 = arith.index_cast %get3A_114 : i32 to index
    %get3A_116 = arith.constant 16 : index
    %get3A_117 = tpu.vector_load %arg6[%get3A_115, %get3A_116] {strides = array<i32>} : memref<125x80xi32, #tpu.memory_space<vmem>>, vector<1x16xi32>,
    %get3A_118 = vector.shape_cast %get3A_117 : vector<1x16xi32> to vector<16xi32>
    %swap3A_119 = arith.constant 16 : index
    %swap3A_120 = tpu.vector_load %arg9[%swap3A_119] {strides = array<i32>} : memref<80xi32, #tpu.memory_space<vmem>>, vector<16xi32>,
    %swap3A_121 = vector.shape_cast %swap3A_120 : vector<16xi32> to vector<16xi32>
    %swap3A_122 = vector.shape_cast %get3A_118 : vector<16xi32> to vector<16xi32>
    tpu.vector_store %arg9[%swap3A_119], %swap3A_122 {strides = array<i32>} : memref<80xi32, #tpu.memory_space<vmem>>, vector<16xi32>,
    %get3A_123 = arith.constant 1 : i32
    %get3A_124 = arith.index_cast %get3A_123 : i32 to index
    %get3A_125 = arith.constant 32 : index
    %get3A_126 = tpu.vector_load %arg6[%get3A_124, %get3A_125] {strides = array<i32>} : memref<125x80xi32, #tpu.memory_space<vmem>>, vector<1x16xi32>,
    %get3A_127 = vector.shape_cast %get3A_126 : vector<1x16xi32> to vector<16xi32>
    %swap3A_128 = arith.constant 32 : index
    %swap3A_129 = tpu.vector_load %arg9[%swap3A_128] {strides = array<i32>} : memref<80xi32, #tpu.memory_space<vmem>>, vector<16xi32>,
    %swap3A_130 = vector.shape_cast %swap3A_129 : vector<16xi32> to vector<16xi32>
    %swap3A_131 = vector.shape_cast %get3A_127 : vector<16xi32> to vector<16xi32>
    tpu.vector_store %arg9[%swap3A_128], %swap3A_131 {strides = array<i32>} : memref<80xi32, #tpu.memory_space<vmem>>, vector<16xi32>,
    %get3A_132 = arith.constant 1 : i32
    %get3A_133 = arith.index_cast %get3A_132 : i32 to index
    %get3A_134 = arith.constant 48 : index
    %get3A_135 = tpu.vector_load %arg6[%get3A_133, %get3A_134] {strides = array<i32>} : memref<125x80xi32, #tpu.memory_space<vmem>>, vector<1x16xi32>,
    %get3A_136 = vector.shape_cast %get3A_135 : vector<1x16xi32> to vector<16xi32>
    %swap3A_137 = arith.constant 48 : index
    %swap3A_138 = tpu.vector_load %arg9[%swap3A_137] {strides = array<i32>} : memref<80xi32, #tpu.memory_space<vmem>>, vector<16xi32>,
    %swap3A_139 = vector.shape_cast %swap3A_138 : vector<16xi32> to vector<16xi32>
    %swap3A_140 = vector.shape_cast %get3A_136 : vector<16xi32> to vector<16xi32>
    tpu.vector_store %arg9[%swap3A_137], %swap3A_140 {strides = array<i32>} : memref<80xi32, #tpu.memory_space<vmem>>, vector<16xi32>,
    %get3A_141 = arith.constant 1 : i32
    %get3A_142 = arith.index_cast %get3A_141 : i32 to index
    %get3A_143 = arith.constant 64 : index
    %get3A_144 = tpu.vector_load %arg6[%get3A_142, %get3A_143] {strides = array<i32>} : memref<125x80xi32, #tpu.memory_space<vmem>>, vector<1x16xi32>,
    %get3A_145 = vector.shape_cast %get3A_144 : vector<1x16xi32> to vector<16xi32>
    %swap3A_146 = arith.constant 64 : index
    %swap3A_147 = tpu.vector_load %arg9[%swap3A_146] {strides = array<i32>} : memref<80xi32, #tpu.memory_space<vmem>>, vector<16xi32>,
    %swap3A_148 = vector.shape_cast %swap3A_147 : vector<16xi32> to vector<16xi32>
    %swap3A_149 = vector.shape_cast %get3A_145 : vector<16xi32> to vector<16xi32>
    tpu.vector_store %arg9[%swap3A_146], %swap3A_149 {strides = array<i32>} : memref<80xi32, #tpu.memory_space<vmem>>, vector<16xi32>,
    %get3A_150 = arith.constant 1 : i32
    %get3A_151 = arith.index_cast %get3A_150 : i32 to index
    %get3A_152 = arith.constant 0 : index
    %get3A_153 = tpu.vector_load %arg7[%get3A_151, %get3A_152] {strides = array<i32>} : memref<125x80xi32, #tpu.memory_space<vmem>>, vector<1x16xi32>,
    %get3A_154 = vector.shape_cast %get3A_153 : vector<1x16xi32> to vector<16xi32>
    %swap3A_155 = arith.constant 0 : index
    %swap3A_156 = tpu.vector_load %arg13[%swap3A_155] {strides = array<i32>} : memref<80xi32, #tpu.memory_space<vmem>>, vector<16xi32>,
    %swap3A_157 = vector.shape_cast %swap3A_156 : vector<16xi32> to vector<16xi32>
    %swap3A_158 = vector.shape_cast %get3A_154 : vector<16xi32> to vector<16xi32>
    tpu.vector_store %arg13[%swap3A_155], %swap3A_158 {strides = array<i32>} : memref<80xi32, #tpu.memory_space<vmem>>, vector<16xi32>,
    %get3A_159 = arith.constant 1 : i32
    %get3A_160 = arith.index_cast %get3A_159 : i32 to index
    %get3A_161 = arith.constant 16 : index
    %get3A_162 = tpu.vector_load %arg7[%get3A_160, %get3A_161] {strides = array<i32>} : memref<125x80xi32, #tpu.memory_space<vmem>>, vector<1x16xi32>,
    %get3A_163 = vector.shape_cast %get3A_162 : vector<1x16xi32> to vector<16xi32>
    %swap3A_164 = arith.constant 16 : index
    %swap3A_165 = tpu.vector_load %arg13[%swap3A_164] {strides = array<i32>} : memref<80xi32, #tpu.memory_space<vmem>>, vector<16xi32>,
    %swap3A_166 = vector.shape_cast %swap3A_165 : vector<16xi32> to vector<16xi32>
    %swap3A_167 = vector.shape_cast %get3A_163 : vector<16xi32> to vector<16xi32>
    tpu.vector_store %arg13[%swap3A_164], %swap3A_167 {strides = array<i32>} : memref<80xi32, #tpu.memory_space<vmem>>, vector<16xi32>,
    %get3A_168 = arith.constant 1 : i32
    %get3A_169 = arith.index_cast %get3A_168 : i32 to index
    %get3A_170 = arith.constant 32 : index
    %get3A_171 = tpu.vector_load %arg7[%get3A_169, %get3A_170] {strides = array<i32>} : memref<125x80xi32, #tpu.memory_space<vmem>>, vector<1x16xi32>,
    %get3A_172 = vector.shape_cast %get3A_171 : vector<1x16xi32> to vector<16xi32>
    %swap3A_173 = arith.constant 32 : index
    %swap3A_174 = tpu.vector_load %arg13[%swap3A_173] {strides = array<i32>} : memref<80xi32, #tpu.memory_space<vmem>>, vector<16xi32>,
    %swap3A_175 = vector.shape_cast %swap3A_174 : vector<16xi32> to vector<16xi32>
    %swap3A_176 = vector.shape_cast %get3A_172 : vector<16xi32> to vector<16xi32>
    tpu.vector_store %arg13[%swap3A_173], %swap3A_176 {strides = array<i32>} : memref<80xi32, #tpu.memory_space<vmem>>, vector<16xi32>,
    %get3A_177 = arith.constant 1 : i32
    %get3A_178 = arith.index_cast %get3A_177 : i32 to index
    %get3A_179 = arith.constant 48 : index
    %get3A_180 = tpu.vector_load %arg7[%get3A_178, %get3A_179] {strides = array<i32>} : memref<125x80xi32, #tpu.memory_space<vmem>>, vector<1x16xi32>,
    %get3A_181 = vector.shape_cast %get3A_180 : vector<1x16xi32> to vector<16xi32>
    %swap3A_182 = arith.constant 48 : index
    %swap3A_183 = tpu.vector_load %arg13[%swap3A_182] {strides = array<i32>} : memref<80xi32, #tpu.memory_space<vmem>>, vector<16xi32>,
    %swap3A_184 = vector.shape_cast %swap3A_183 : vector<16xi32> to vector<16xi32>
    %swap3A_185 = vector.shape_cast %get3A_181 : vector<16xi32> to vector<16xi32>
    tpu.vector_store %arg13[%swap3A_182], %swap3A_185 {strides = array<i32>} : memref<80xi32, #tpu.memory_space<vmem>>, vector<16xi32>,
    %get3A_186 = arith.constant 1 : i32
    %get3A_187 = arith.index_cast %get3A_186 : i32 to index
    %get3A_188 = arith.constant 64 : index
    %get3A_189 = tpu.vector_load %arg7[%get3A_187, %get3A_188] {strides = array<i32>} : memref<125x80xi32, #tpu.memory_space<vmem>>, vector<1x16xi32>,
    %get3A_190 = vector.shape_cast %get3A_189 : vector<1x16xi32> to vector<16xi32>
    %swap3A_191 = arith.constant 64 : index
    %swap3A_192 = tpu.vector_load %arg13[%swap3A_191] {strides = array<i32>} : memref<80xi32, #tpu.memory_space<vmem>>, vector<16xi32>,
    %swap3A_193 = vector.shape_cast %swap3A_192 : vector<16xi32> to vector<16xi32>
    %swap3A_194 = vector.shape_cast %get3A_190 : vector<16xi32> to vector<16xi32>
    tpu.vector_store %arg13[%swap3A_191], %swap3A_194 {strides = array<i32>} : memref<80xi32, #tpu.memory_space<vmem>>, vector<16xi32>,
    %dma_start3A_195 = arith.constant 0 : i32
    %dma_start3A_196 = arith.constant 0 : i32
    %dma_start3A_197 = tpu.memref_slice %arg4[%dma_start3A_195, %dma_start3A_196] : memref<10240x16xf32, #tpu.memory_space<hbm>> -> memref<10240x16xf32, #tpu.memory_space<hbm>>
    tpu.enqueue_indirect_dma source(%dma_start3A_197 : memref<10240x16xf32, #tpu.memory_space<hbm>>) target(%arg17 : memref<80x16xf32, #tpu.memory_space<vmem>>) offsets(%arg9 : memref<80xi32, #tpu.memory_space<vmem>>) semaphore(%arg23 : memref<!tpu.dma_semaphore, #tpu.memory_space<semaphore_mem>>)
    %get3A_198 = arith.constant 2 : i32
    %get3A_199 = arith.index_cast %get3A_198 : i32 to index
    %get3A_200 = arith.constant 0 : index
    %get3A_201 = tpu.vector_load %arg6[%get3A_199, %get3A_200] {strides = array<i32>} : memref<125x80xi32, #tpu.memory_space<vmem>>, vector<1x16xi32>,
    %get3A_202 = vector.shape_cast %get3A_201 : vector<1x16xi32> to vector<16xi32>
    %swap3A_203 = arith.constant 0 : index
    %swap3A_204 = tpu.vector_load %arg10[%swap3A_203] {strides = array<i32>} : memref<80xi32, #tpu.memory_space<vmem>>, vector<16xi32>,
    %swap3A_205 = vector.shape_cast %swap3A_204 : vector<16xi32> to vector<16xi32>
    %swap3A_206 = vector.shape_cast %get3A_202 : vector<16xi32> to vector<16xi32>
    tpu.vector_store %arg10[%swap3A_203], %swap3A_206 {strides = array<i32>} : memref<80xi32, #tpu.memory_space<vmem>>, vector<16xi32>,
    %get3A_207 = arith.constant 2 : i32
    %get3A_208 = arith.index_cast %get3A_207 : i32 to index
    %get3A_209 = arith.constant 16 : index
    %get3A_210 = tpu.vector_load %arg6[%get3A_208, %get3A_209] {strides = array<i32>} : memref<125x80xi32, #tpu.memory_space<vmem>>, vector<1x16xi32>,
    %get3A_211 = vector.shape_cast %get3A_210 : vector<1x16xi32> to vector<16xi32>
    %swap3A_212 = arith.constant 16 : index
    %swap3A_213 = tpu.vector_load %arg10[%swap3A_212] {strides = array<i32>} : memref<80xi32, #tpu.memory_space<vmem>>, vector<16xi32>,
    %swap3A_214 = vector.shape_cast %swap3A_213 : vector<16xi32> to vector<16xi32>
    %swap3A_215 = vector.shape_cast %get3A_211 : vector<16xi32> to vector<16xi32>
    tpu.vector_store %arg10[%swap3A_212], %swap3A_215 {strides = array<i32>} : memref<80xi32, #tpu.memory_space<vmem>>, vector<16xi32>,
    %get3A_216 = arith.constant 2 : i32
    %get3A_217 = arith.index_cast %get3A_216 : i32 to index
    %get3A_218 = arith.constant 32 : index
    %get3A_219 = tpu.vector_load %arg6[%get3A_217, %get3A_218] {strides = array<i32>} : memref<125x80xi32, #tpu.memory_space<vmem>>, vector<1x16xi32>,
    %get3A_220 = vector.shape_cast %get3A_219 : vector<1x16xi32> to vector<16xi32>
    %swap3A_221 = arith.constant 32 : index
    %swap3A_222 = tpu.vector_load %arg10[%swap3A_221] {strides = array<i32>} : memref<80xi32, #tpu.memory_space<vmem>>, vector<16xi32>,
    %swap3A_223 = vector.shape_cast %swap3A_222 : vector<16xi32> to vector<16xi32>
    %swap3A_224 = vector.shape_cast %get3A_220 : vector<16xi32> to vector<16xi32>
    tpu.vector_store %arg10[%swap3A_221], %swap3A_224 {strides = array<i32>} : memref<80xi32, #tpu.memory_space<vmem>>, vector<16xi32>,
    %get3A_225 = arith.constant 2 : i32
    %get3A_226 = arith.index_cast %get3A_225 : i32 to index
    %get3A_227 = arith.constant 48 : index
    %get3A_228 = tpu.vector_load %arg6[%get3A_226, %get3A_227] {strides = array<i32>} : memref<125x80xi32, #tpu.memory_space<vmem>>, vector<1x16xi32>,
    %get3A_229 = vector.shape_cast %get3A_228 : vector<1x16xi32> to vector<16xi32>
    %swap3A_230 = arith.constant 48 : index
    %swap3A_231 = tpu.vector_load %arg10[%swap3A_230] {strides = array<i32>} : memref<80xi32, #tpu.memory_space<vmem>>, vector<16xi32>,
    %swap3A_232 = vector.shape_cast %swap3A_231 : vector<16xi32> to vector<16xi32>
    %swap3A_233 = vector.shape_cast %get3A_229 : vector<16xi32> to vector<16xi32>
    tpu.vector_store %arg10[%swap3A_230], %swap3A_233 {strides = array<i32>} : memref<80xi32, #tpu.memory_space<vmem>>, vector<16xi32>,
    %get3A_234 = arith.constant 2 : i32
    %get3A_235 = arith.index_cast %get3A_234 : i32 to index
    %get3A_236 = arith.constant 64 : index
    %get3A_237 = tpu.vector_load %arg6[%get3A_235, %get3A_236] {strides = array<i32>} : memref<125x80xi32, #tpu.memory_space<vmem>>, vector<1x16xi32>,
    %get3A_238 = vector.shape_cast %get3A_237 : vector<1x16xi32> to vector<16xi32>
    %swap3A_239 = arith.constant 64 : index
    %swap3A_240 = tpu.vector_load %arg10[%swap3A_239] {strides = array<i32>} : memref<80xi32, #tpu.memory_space<vmem>>, vector<16xi32>,
    %swap3A_241 = vector.shape_cast %swap3A_240 : vector<16xi32> to vector<16xi32>
    %swap3A_242 = vector.shape_cast %get3A_238 : vector<16xi32> to vector<16xi32>
    tpu.vector_store %arg10[%swap3A_239], %swap3A_242 {strides = array<i32>} : memref<80xi32, #tpu.memory_space<vmem>>, vector<16xi32>,
    %get3A_243 = arith.constant 2 : i32
    %get3A_244 = arith.index_cast %get3A_243 : i32 to index
    %get3A_245 = arith.constant 0 : index
    %get3A_246 = tpu.vector_load %arg7[%get3A_244, %get3A_245] {strides = array<i32>} : memref<125x80xi32, #tpu.memory_space<vmem>>, vector<1x16xi32>,
    %get3A_247 = vector.shape_cast %get3A_246 : vector<1x16xi32> to vector<16xi32>
    %swap3A_248 = arith.constant 0 : index
    %swap3A_249 = tpu.vector_load %arg14[%swap3A_248] {strides = array<i32>} : memref<80xi32, #tpu.memory_space<vmem>>, vector<16xi32>,
    %swap3A_250 = vector.shape_cast %swap3A_249 : vector<16xi32> to vector<16xi32>
    %swap3A_251 = vector.shape_cast %get3A_247 : vector<16xi32> to vector<16xi32>
    tpu.vector_store %arg14[%swap3A_248], %swap3A_251 {strides = array<i32>} : memref<80xi32, #tpu.memory_space<vmem>>, vector<16xi32>,
    %get3A_252 = arith.constant 2 : i32
    %get3A_253 = arith.index_cast %get3A_252 : i32 to index
    %get3A_254 = arith.constant 16 : index
    %get3A_255 = tpu.vector_load %arg7[%get3A_253, %get3A_254] {strides = array<i32>} : memref<125x80xi32, #tpu.memory_space<vmem>>, vector<1x16xi32>,
    %get3A_256 = vector.shape_cast %get3A_255 : vector<1x16xi32> to vector<16xi32>
    %swap3A_257 = arith.constant 16 : index
    %swap3A_258 = tpu.vector_load %arg14[%swap3A_257] {strides = array<i32>} : memref<80xi32, #tpu.memory_space<vmem>>, vector<16xi32>,
    %swap3A_259 = vector.shape_cast %swap3A_258 : vector<16xi32> to vector<16xi32>
    %swap3A_260 = vector.shape_cast %get3A_256 : vector<16xi32> to vector<16xi32>
    tpu.vector_store %arg14[%swap3A_257], %swap3A_260 {strides = array<i32>} : memref<80xi32, #tpu.memory_space<vmem>>, vector<16xi32>,
    %get3A_261 = arith.constant 2 : i32
    %get3A_262 = arith.index_cast %get3A_261 : i32 to index
    %get3A_263 = arith.constant 32 : index
    %get3A_264 = tpu.vector_load %arg7[%get3A_262, %get3A_263] {strides = array<i32>} : memref<125x80xi32, #tpu.memory_space<vmem>>, vector<1x16xi32>,
    %get3A_265 = vector.shape_cast %get3A_264 : vector<1x16xi32> to vector<16xi32>
    %swap3A_266 = arith.constant 32 : index
    %swap3A_267 = tpu.vector_load %arg14[%swap3A_266] {strides = array<i32>} : memref<80xi32, #tpu.memory_space<vmem>>, vector<16xi32>,
    %swap3A_268 = vector.shape_cast %swap3A_267 : vector<16xi32> to vector<16xi32>
    %swap3A_269 = vector.shape_cast %get3A_265 : vector<16xi32> to vector<16xi32>
    tpu.vector_store %arg14[%swap3A_266], %swap3A_269 {strides = array<i32>} : memref<80xi32, #tpu.memory_space<vmem>>, vector<16xi32>,
    %get3A_270 = arith.constant 2 : i32
    %get3A_271 = arith.index_cast %get3A_270 : i32 to index
    %get3A_272 = arith.constant 48 : index
    %get3A_273 = tpu.vector_load %arg7[%get3A_271, %get3A_272] {strides = array<i32>} : memref<125x80xi32, #tpu.memory_space<vmem>>, vector<1x16xi32>,
    %get3A_274 = vector.shape_cast %get3A_273 : vector<1x16xi32> to vector<16xi32>
    %swap3A_275 = arith.constant 48 : index
    %swap3A_276 = tpu.vector_load %arg14[%swap3A_275] {strides = array<i32>} : memref<80xi32, #tpu.memory_space<vmem>>, vector<16xi32>,
    %swap3A_277 = vector.shape_cast %swap3A_276 : vector<16xi32> to vector<16xi32>
    %swap3A_278 = vector.shape_cast %get3A_274 : vector<16xi32> to vector<16xi32>
    tpu.vector_store %arg14[%swap3A_275], %swap3A_278 {strides = array<i32>} : memref<80xi32, #tpu.memory_space<vmem>>, vector<16xi32>,
    %get3A_279 = arith.constant 2 : i32
    %get3A_280 = arith.index_cast %get3A_279 : i32 to index
    %get3A_281 = arith.constant 64 : index
    %get3A_282 = tpu.vector_load %arg7[%get3A_280, %get3A_281] {strides = array<i32>} : memref<125x80xi32, #tpu.memory_space<vmem>>, vector<1x16xi32>,
    %get3A_283 = vector.shape_cast %get3A_282 : vector<1x16xi32> to vector<16xi32>
    %swap3A_284 = arith.constant 64 : index
    %swap3A_285 = tpu.vector_load %arg14[%swap3A_284] {strides = array<i32>} : memref<80xi32, #tpu.memory_space<vmem>>, vector<16xi32>,
    %swap3A_286 = vector.shape_cast %swap3A_285 : vector<16xi32> to vector<16xi32>
    %swap3A_287 = vector.shape_cast %get3A_283 : vector<16xi32> to vector<16xi32>
    tpu.vector_store %arg14[%swap3A_284], %swap3A_287 {strides = array<i32>} : memref<80xi32, #tpu.memory_space<vmem>>, vector<16xi32>,
    %dma_start3A_288 = arith.constant 0 : i32
    %dma_start3A_289 = arith.constant 0 : i32
    %dma_start3A_290 = tpu.memref_slice %arg4[%dma_start3A_288, %dma_start3A_289] : memref<10240x16xf32, #tpu.memory_space<hbm>> -> memref<10240x16xf32, #tpu.memory_space<hbm>>
    tpu.enqueue_indirect_dma source(%dma_start3A_290 : memref<10240x16xf32, #tpu.memory_space<hbm>>) target(%arg18 : memref<80x16xf32, #tpu.memory_space<vmem>>) offsets(%arg10 : memref<80xi32, #tpu.memory_space<vmem>>) semaphore(%arg24 : memref<!tpu.dma_semaphore, #tpu.memory_space<semaphore_mem>>)
    %get3A_291 = arith.constant 3 : i32
    %get3A_292 = arith.index_cast %get3A_291 : i32 to index
    %get3A_293 = arith.constant 0 : index
    %get3A_294 = tpu.vector_load %arg6[%get3A_292, %get3A_293] {strides = array<i32>} : memref<125x80xi32, #tpu.memory_space<vmem>>, vector<1x16xi32>,
    %get3A_295 = vector.shape_cast %get3A_294 : vector<1x16xi32> to vector<16xi32>
    %swap3A_296 = arith.constant 0 : index
    %swap3A_297 = tpu.vector_load %arg11[%swap3A_296] {strides = array<i32>} : memref<80xi32, #tpu.memory_space<vmem>>, vector<16xi32>,
    %swap3A_298 = vector.shape_cast %swap3A_297 : vector<16xi32> to vector<16xi32>
    %swap3A_299 = vector.shape_cast %get3A_295 : vector<16xi32> to vector<16xi32>
    tpu.vector_store %arg11[%swap3A_296], %swap3A_299 {strides = array<i32>} : memref<80xi32, #tpu.memory_space<vmem>>, vector<16xi32>,
    %get3A_300 = arith.constant 3 : i32
    %get3A_301 = arith.index_cast %get3A_300 : i32 to index
    %get3A_302 = arith.constant 16 : index
    %get3A_303 = tpu.vector_load %arg6[%get3A_301, %get3A_302] {strides = array<i32>} : memref<125x80xi32, #tpu.memory_space<vmem>>, vector<1x16xi32>,
    %get3A_304 = vector.shape_cast %get3A_303 : vector<1x16xi32> to vector<16xi32>
    %swap3A_305 = arith.constant 16 : index
    %swap3A_306 = tpu.vector_load %arg11[%swap3A_305] {strides = array<i32>} : memref<80xi32, #tpu.memory_space<vmem>>, vector<16xi32>,
    %swap3A_307 = vector.shape_cast %swap3A_306 : vector<16xi32> to vector<16xi32>
    %swap3A_308 = vector.shape_cast %get3A_304 : vector<16xi32> to vector<16xi32>
    tpu.vector_store %arg11[%swap3A_305], %swap3A_308 {strides = array<i32>} : memref<80xi32, #tpu.memory_space<vmem>>, vector<16xi32>,
    %get3A_309 = arith.constant 3 : i32
    %get3A_310 = arith.index_cast %get3A_309 : i32 to index
    %get3A_311 = arith.constant 32 : index
    %get3A_312 = tpu.vector_load %arg6[%get3A_310, %get3A_311] {strides = array<i32>} : memref<125x80xi32, #tpu.memory_space<vmem>>, vector<1x16xi32>,
    %get3A_313 = vector.shape_cast %get3A_312 : vector<1x16xi32> to vector<16xi32>
    %swap3A_314 = arith.constant 32 : index
    %swap3A_315 = tpu.vector_load %arg11[%swap3A_314] {strides = array<i32>} : memref<80xi32, #tpu.memory_space<vmem>>, vector<16xi32>,
    %swap3A_316 = vector.shape_cast %swap3A_315 : vector<16xi32> to vector<16xi32>
    %swap3A_317 = vector.shape_cast %get3A_313 : vector<16xi32> to vector<16xi32>
    tpu.vector_store %arg11[%swap3A_314], %swap3A_317 {strides = array<i32>} : memref<80xi32, #tpu.memory_space<vmem>>, vector<16xi32>,
    %get3A_318 = arith.constant 3 : i32
    %get3A_319 = arith.index_cast %get3A_318 : i32 to index
    %get3A_320 = arith.constant 48 : index
    %get3A_321 = tpu.vector_load %arg6[%get3A_319, %get3A_320] {strides = array<i32>} : memref<125x80xi32, #tpu.memory_space<vmem>>, vector<1x16xi32>,
    %get3A_322 = vector.shape_cast %get3A_321 : vector<1x16xi32> to vector<16xi32>
    %swap3A_323 = arith.constant 48 : index
    %swap3A_324 = tpu.vector_load %arg11[%swap3A_323] {strides = array<i32>} : memref<80xi32, #tpu.memory_space<vmem>>, vector<16xi32>,
    %swap3A_325 = vector.shape_cast %swap3A_324 : vector<16xi32> to vector<16xi32>
    %swap3A_326 = vector.shape_cast %get3A_322 : vector<16xi32> to vector<16xi32>
    tpu.vector_store %arg11[%swap3A_323], %swap3A_326 {strides = array<i32>} : memref<80xi32, #tpu.memory_space<vmem>>, vector<16xi32>,
    %get3A_327 = arith.constant 3 : i32
    %get3A_328 = arith.index_cast %get3A_327 : i32 to index
    %get3A_329 = arith.constant 64 : index
    %get3A_330 = tpu.vector_load %arg6[%get3A_328, %get3A_329] {strides = array<i32>} : memref<125x80xi32, #tpu.memory_space<vmem>>, vector<1x16xi32>,
    %get3A_331 = vector.shape_cast %get3A_330 : vector<1x16xi32> to vector<16xi32>
    %swap3A_332 = arith.constant 64 : index
    %swap3A_333 = tpu.vector_load %arg11[%swap3A_332] {strides = array<i32>} : memref<80xi32, #tpu.memory_space<vmem>>, vector<16xi32>,
    %swap3A_334 = vector.shape_cast %swap3A_333 : vector<16xi32> to vector<16xi32>
    %swap3A_335 = vector.shape_cast %get3A_331 : vector<16xi32> to vector<16xi32>
    tpu.vector_store %arg11[%swap3A_332], %swap3A_335 {strides = array<i32>} : memref<80xi32, #tpu.memory_space<vmem>>, vector<16xi32>,
    %get3A_336 = arith.constant 3 : i32
    %get3A_337 = arith.index_cast %get3A_336 : i32 to index
    %get3A_338 = arith.constant 0 : index
    %get3A_339 = tpu.vector_load %arg7[%get3A_337, %get3A_338] {strides = array<i32>} : memref<125x80xi32, #tpu.memory_space<vmem>>, vector<1x16xi32>,
    %get3A_340 = vector.shape_cast %get3A_339 : vector<1x16xi32> to vector<16xi32>
    %swap3A_341 = arith.constant 0 : index
    %swap3A_342 = tpu.vector_load %arg15[%swap3A_341] {strides = array<i32>} : memref<80xi32, #tpu.memory_space<vmem>>, vector<16xi32>,
    %swap3A_343 = vector.shape_cast %swap3A_342 : vector<16xi32> to vector<16xi32>
    %swap3A_344 = vector.shape_cast %get3A_340 : vector<16xi32> to vector<16xi32>
    tpu.vector_store %arg15[%swap3A_341], %swap3A_344 {strides = array<i32>} : memref<80xi32, #tpu.memory_space<vmem>>, vector<16xi32>,
    %get3A_345 = arith.constant 3 : i32
    %get3A_346 = arith.index_cast %get3A_345 : i32 to index
    %get3A_347 = arith.constant 16 : index
    %get3A_348 = tpu.vector_load %arg7[%get3A_346, %get3A_347] {strides = array<i32>} : memref<125x80xi32, #tpu.memory_space<vmem>>, vector<1x16xi32>,
    %get3A_349 = vector.shape_cast %get3A_348 : vector<1x16xi32> to vector<16xi32>
    %swap3A_350 = arith.constant 16 : index
    %swap3A_351 = tpu.vector_load %arg15[%swap3A_350] {strides = array<i32>} : memref<80xi32, #tpu.memory_space<vmem>>, vector<16xi32>,
    %swap3A_352 = vector.shape_cast %swap3A_351 : vector<16xi32> to vector<16xi32>
    %swap3A_353 = vector.shape_cast %get3A_349 : vector<16xi32> to vector<16xi32>
    tpu.vector_store %arg15[%swap3A_350], %swap3A_353 {strides = array<i32>} : memref<80xi32, #tpu.memory_space<vmem>>, vector<16xi32>,
    %get3A_354 = arith.constant 3 : i32
    %get3A_355 = arith.index_cast %get3A_354 : i32 to index
    %get3A_356 = arith.constant 32 : index
    %get3A_357 = tpu.vector_load %arg7[%get3A_355, %get3A_356] {strides = array<i32>} : memref<125x80xi32, #tpu.memory_space<vmem>>, vector<1x16xi32>,
    %get3A_358 = vector.shape_cast %get3A_357 : vector<1x16xi32> to vector<16xi32>
    %swap3A_359 = arith.constant 32 : index
    %swap3A_360 = tpu.vector_load %arg15[%swap3A_359] {strides = array<i32>} : memref<80xi32, #tpu.memory_space<vmem>>, vector<16xi32>,
    %swap3A_361 = vector.shape_cast %swap3A_360 : vector<16xi32> to vector<16xi32>
    %swap3A_362 = vector.shape_cast %get3A_358 : vector<16xi32> to vector<16xi32>
    tpu.vector_store %arg15[%swap3A_359], %swap3A_362 {strides = array<i32>} : memref<80xi32, #tpu.memory_space<vmem>>, vector<16xi32>,
    %get3A_363 = arith.constant 3 : i32
    %get3A_364 = arith.index_cast %get3A_363 : i32 to index
    %get3A_365 = arith.constant 48 : index
    %get3A_366 = tpu.vector_load %arg7[%get3A_364, %get3A_365] {strides = array<i32>} : memref<125x80xi32, #tpu.memory_space<vmem>>, vector<1x16xi32>,
    %get3A_367 = vector.shape_cast %get3A_366 : vector<1x16xi32> to vector<16xi32>
    %swap3A_368 = arith.constant 48 : index
    %swap3A_369 = tpu.vector_load %arg15[%swap3A_368] {strides = array<i32>} : memref<80xi32, #tpu.memory_space<vmem>>, vector<16xi32>,
    %swap3A_370 = vector.shape_cast %swap3A_369 : vector<16xi32> to vector<16xi32>
    %swap3A_371 = vector.shape_cast %get3A_367 : vector<16xi32> to vector<16xi32>
    tpu.vector_store %arg15[%swap3A_368], %swap3A_371 {strides = array<i32>} : memref<80xi32, #tpu.memory_space<vmem>>, vector<16xi32>,
    %get3A_372 = arith.constant 3 : i32
    %get3A_373 = arith.index_cast %get3A_372 : i32 to index
    %get3A_374 = arith.constant 64 : index
    %get3A_375 = tpu.vector_load %arg7[%get3A_373, %get3A_374] {strides = array<i32>} : memref<125x80xi32, #tpu.memory_space<vmem>>, vector<1x16xi32>,
    %get3A_376 = vector.shape_cast %get3A_375 : vector<1x16xi32> to vector<16xi32>
    %swap3A_377 = arith.constant 64 : index
    %swap3A_378 = tpu.vector_load %arg15[%swap3A_377] {strides = array<i32>} : memref<80xi32, #tpu.memory_space<vmem>>, vector<16xi32>,
    %swap3A_379 = vector.shape_cast %swap3A_378 : vector<16xi32> to vector<16xi32>
    %swap3A_380 = vector.shape_cast %get3A_376 : vector<16xi32> to vector<16xi32>
    tpu.vector_store %arg15[%swap3A_377], %swap3A_380 {strides = array<i32>} : memref<80xi32, #tpu.memory_space<vmem>>, vector<16xi32>,
    %dma_start3A_381 = arith.constant 0 : i32
    %dma_start3A_382 = arith.constant 0 : i32
    %dma_start3A_383 = tpu.memref_slice %arg4[%dma_start3A_381, %dma_start3A_382] : memref<10240x16xf32, #tpu.memory_space<hbm>> -> memref<10240x16xf32, #tpu.memory_space<hbm>>
    tpu.enqueue_indirect_dma source(%dma_start3A_383 : memref<10240x16xf32, #tpu.memory_space<hbm>>) target(%arg19 : memref<80x16xf32, #tpu.memory_space<vmem>>) offsets(%arg11 : memref<80xi32, #tpu.memory_space<vmem>>) semaphore(%arg25 : memref<!tpu.dma_semaphore, #tpu.memory_space<semaphore_mem>>)
    %scan3A_384 = arith.constant 0 : i32
    %scan3A_385 = arith.constant 0 : i32
    %scan3A_386 = arith.constant 30 : i32
    %scan3A_387 = arith.addi %scan3A_385, %scan3A_386 : i32
    %scan3A_388 = arith.constant 1 : i32
    scf.for %scan3A_516 = %scan3A_385 to %scan3A_387 step %scan3A_388  : i32 {
      %mul3A_517 = arith.constant 4 : i32
      %mul3A_518 = arith.muli %mul3A_517, %scan3A_516 : i32
      %dma_wait3A_519 = arith.constant 0 : i32
      %dma_wait3A_520 = arith.constant 0 : i32
      %dma_wait3A_521 = tpu.memref_slice %arg4[%dma_wait3A_519, %dma_wait3A_520] : memref<10240x16xf32, #tpu.memory_space<hbm>> -> memref<10240x16xf32, #tpu.memory_space<hbm>>
      tpu.wait_indirect_dma semaphore(%arg22 : memref<!tpu.dma_semaphore, #tpu.memory_space<semaphore_mem>>) src(%dma_wait3A_521 : memref<10240x16xf32, #tpu.memory_space<hbm>>) dst(%arg16 : memref<80x16xf32, #tpu.memory_space<vmem>>)
      %dma_start3A_522 = arith.constant 0 : i32
      %dma_start3A_523 = arith.constant 0 : i32
      %dma_start3A_524 = tpu.memref_slice %arg21[%dma_start3A_522, %dma_start3A_523] : memref<10240x16xf32, #tpu.memory_space<vmem_shared>> -> memref<10240x16xf32, #tpu.memory_space<vmem_shared>>
      tpu.enqueue_indirect_dma source(%arg16 : memref<80x16xf32, #tpu.memory_space<vmem>>) target(%dma_start3A_524 : memref<10240x16xf32, #tpu.memory_space<vmem_shared>>) offsets(%arg12 : memref<80xi32, #tpu.memory_space<vmem>>) semaphore(%arg26 : memref<!tpu.dma_semaphore, #tpu.memory_space<semaphore_mem>>) {add = true}
      %dma_wait3A_525 = arith.constant 0 : i32
      %dma_wait3A_526 = arith.constant 0 : i32
      %dma_wait3A_527 = tpu.memref_slice %arg4[%dma_wait3A_525, %dma_wait3A_526] : memref<10240x16xf32, #tpu.memory_space<hbm>> -> memref<10240x16xf32, #tpu.memory_space<hbm>>
      tpu.wait_indirect_dma semaphore(%arg23 : memref<!tpu.dma_semaphore, #tpu.memory_space<semaphore_mem>>) src(%dma_wait3A_527 : memref<10240x16xf32, #tpu.memory_space<hbm>>) dst(%arg17 : memref<80x16xf32, #tpu.memory_space<vmem>>)
      %dma_start3A_528 = arith.constant 0 : i32
      %dma_start3A_529 = arith.constant 0 : i32
      %dma_start3A_530 = tpu.memref_slice %arg21[%dma_start3A_528, %dma_start3A_529] : memref<10240x16xf32, #tpu.memory_space<vmem_shared>> -> memref<10240x16xf32, #tpu.memory_space<vmem_shared>>
      tpu.enqueue_indirect_dma source(%arg17 : memref<80x16xf32, #tpu.memory_space<vmem>>) target(%dma_start3A_530 : memref<10240x16xf32, #tpu.memory_space<vmem_shared>>) offsets(%arg13 : memref<80xi32, #tpu.memory_space<vmem>>) semaphore(%arg27 : memref<!tpu.dma_semaphore, #tpu.memory_space<semaphore_mem>>) {add = true}
      %dma_wait3A_531 = arith.constant 0 : i32
      %dma_wait3A_532 = arith.constant 0 : i32
      %dma_wait3A_533 = tpu.memref_slice %arg4[%dma_wait3A_531, %dma_wait3A_532] : memref<10240x16xf32, #tpu.memory_space<hbm>> -> memref<10240x16xf32, #tpu.memory_space<hbm>>
      tpu.wait_indirect_dma semaphore(%arg24 : memref<!tpu.dma_semaphore, #tpu.memory_space<semaphore_mem>>) src(%dma_wait3A_533 : memref<10240x16xf32, #tpu.memory_space<hbm>>) dst(%arg18 : memref<80x16xf32, #tpu.memory_space<vmem>>)
      %dma_start3A_534 = arith.constant 0 : i32
      %dma_start3A_535 = arith.constant 0 : i32
      %dma_start3A_536 = tpu.memref_slice %arg21[%dma_start3A_534, %dma_start3A_535] : memref<10240x16xf32, #tpu.memory_space<vmem_shared>> -> memref<10240x16xf32, #tpu.memory_space<vmem_shared>>
      tpu.enqueue_indirect_dma source(%arg18 : memref<80x16xf32, #tpu.memory_space<vmem>>) target(%dma_start3A_536 : memref<10240x16xf32, #tpu.memory_space<vmem_shared>>) offsets(%arg14 : memref<80xi32, #tpu.memory_space<vmem>>) semaphore(%arg28 : memref<!tpu.dma_semaphore, #tpu.memory_space<semaphore_mem>>) {add = true}
      %dma_wait3A_537 = arith.constant 0 : i32
      %dma_wait3A_538 = arith.constant 0 : i32
      %dma_wait3A_539 = tpu.memref_slice %arg4[%dma_wait3A_537, %dma_wait3A_538] : memref<10240x16xf32, #tpu.memory_space<hbm>> -> memref<10240x16xf32, #tpu.memory_space<hbm>>
      tpu.wait_indirect_dma semaphore(%arg25 : memref<!tpu.dma_semaphore, #tpu.memory_space<semaphore_mem>>) src(%dma_wait3A_539 : memref<10240x16xf32, #tpu.memory_space<hbm>>) dst(%arg19 : memref<80x16xf32, #tpu.memory_space<vmem>>)
      %dma_start3A_540 = arith.constant 0 : i32
      %dma_start3A_541 = arith.constant 0 : i32
      %dma_start3A_542 = tpu.memref_slice %arg21[%dma_start3A_540, %dma_start3A_541] : memref<10240x16xf32, #tpu.memory_space<vmem_shared>> -> memref<10240x16xf32, #tpu.memory_space<vmem_shared>>
      tpu.enqueue_indirect_dma source(%arg19 : memref<80x16xf32, #tpu.memory_space<vmem>>) target(%dma_start3A_542 : memref<10240x16xf32, #tpu.memory_space<vmem_shared>>) offsets(%arg15 : memref<80xi32, #tpu.memory_space<vmem>>) semaphore(%arg29 : memref<!tpu.dma_semaphore, #tpu.memory_space<semaphore_mem>>) {add = true}
      %dma_wait3A_543 = arith.constant 0 : i32
      %dma_wait3A_544 = arith.constant 0 : i32
      %dma_wait3A_545 = tpu.memref_slice %arg21[%dma_wait3A_543, %dma_wait3A_544] : memref<10240x16xf32, #tpu.memory_space<vmem_shared>> -> memref<10240x16xf32, #tpu.memory_space<vmem_shared>>
      tpu.wait_indirect_dma semaphore(%arg26 : memref<!tpu.dma_semaphore, #tpu.memory_space<semaphore_mem>>) src(%arg16 : memref<80x16xf32, #tpu.memory_space<vmem>>) dst(%dma_wait3A_545 : memref<10240x16xf32, #tpu.memory_space<vmem_shared>>)
      %add3A_546 = arith.constant 4 : i32
      %add3A_547 = arith.addi %mul3A_518, %add3A_546 : i32
      %add3A_548 = arith.constant 0 : i32
      %add3A_549 = arith.addi %add3A_547, %add3A_548 : i32
      %get3A_550 = arith.index_cast %add3A_549 : i32 to index
      %get3A_551 = arith.constant 0 : index
      %get3A_552 = tpu.vector_load %arg6[%get3A_550, %get3A_551] {strides = array<i32>} : memref<125x80xi32, #tpu.memory_space<vmem>>, vector<1x16xi32>,
      %get3A_553 = vector.shape_cast %get3A_552 : vector<1x16xi32> to vector<16xi32>
      %swap3A_554 = arith.constant 0 : index
      %swap3A_555 = tpu.vector_load %arg8[%swap3A_554] {strides = array<i32>} : memref<80xi32, #tpu.memory_space<vmem>>, vector<16xi32>,
      %swap3A_556 = vector.shape_cast %swap3A_555 : vector<16xi32> to vector<16xi32>
      %swap3A_557 = vector.shape_cast %get3A_553 : vector<16xi32> to vector<16xi32>
      tpu.vector_store %arg8[%swap3A_554], %swap3A_557 {strides = array<i32>} : memref<80xi32, #tpu.memory_space<vmem>>, vector<16xi32>,
      %get3A_558 = arith.index_cast %add3A_549 : i32 to index
      %get3A_559 = arith.constant 16 : index
      %get3A_560 = tpu.vector_load %arg6[%get3A_558, %get3A_559] {strides = array<i32>} : memref<125x80xi32, #tpu.memory_space<vmem>>, vector<1x16xi32>,
      %get3A_561 = vector.shape_cast %get3A_560 : vector<1x16xi32> to vector<16xi32>
      %swap3A_562 = arith.constant 16 : index
      %swap3A_563 = tpu.vector_load %arg8[%swap3A_562] {strides = array<i32>} : memref<80xi32, #tpu.memory_space<vmem>>, vector<16xi32>,
      %swap3A_564 = vector.shape_cast %swap3A_563 : vector<16xi32> to vector<16xi32>
      %swap3A_565 = vector.shape_cast %get3A_561 : vector<16xi32> to vector<16xi32>
      tpu.vector_store %arg8[%swap3A_562], %swap3A_565 {strides = array<i32>} : memref<80xi32, #tpu.memory_space<vmem>>, vector<16xi32>,
      %get3A_566 = arith.index_cast %add3A_549 : i32 to index
      %get3A_567 = arith.constant 32 : index
      %get3A_568 = tpu.vector_load %arg6[%get3A_566, %get3A_567] {strides = array<i32>} : memref<125x80xi32, #tpu.memory_space<vmem>>, vector<1x16xi32>,
      %get3A_569 = vector.shape_cast %get3A_568 : vector<1x16xi32> to vector<16xi32>
      %swap3A_570 = arith.constant 32 : index
      %swap3A_571 = tpu.vector_load %arg8[%swap3A_570] {strides = array<i32>} : memref<80xi32, #tpu.memory_space<vmem>>, vector<16xi32>,
      %swap3A_572 = vector.shape_cast %swap3A_571 : vector<16xi32> to vector<16xi32>
      %swap3A_573 = vector.shape_cast %get3A_569 : vector<16xi32> to vector<16xi32>
      tpu.vector_store %arg8[%swap3A_570], %swap3A_573 {strides = array<i32>} : memref<80xi32, #tpu.memory_space<vmem>>, vector<16xi32>,
      %get3A_574 = arith.index_cast %add3A_549 : i32 to index
      %get3A_575 = arith.constant 48 : index
      %get3A_576 = tpu.vector_load %arg6[%get3A_574, %get3A_575] {strides = array<i32>} : memref<125x80xi32, #tpu.memory_space<vmem>>, vector<1x16xi32>,
      %get3A_577 = vector.shape_cast %get3A_576 : vector<1x16xi32> to vector<16xi32>
      %swap3A_578 = arith.constant 48 : index
      %swap3A_579 = tpu.vector_load %arg8[%swap3A_578] {strides = array<i32>} : memref<80xi32, #tpu.memory_space<vmem>>, vector<16xi32>,
      %swap3A_580 = vector.shape_cast %swap3A_579 : vector<16xi32> to vector<16xi32>
      %swap3A_581 = vector.shape_cast %get3A_577 : vector<16xi32> to vector<16xi32>
      tpu.vector_store %arg8[%swap3A_578], %swap3A_581 {strides = array<i32>} : memref<80xi32, #tpu.memory_space<vmem>>, vector<16xi32>,
      %get3A_582 = arith.index_cast %add3A_549 : i32 to index
      %get3A_583 = arith.constant 64 : index
      %get3A_584 = tpu.vector_load %arg6[%get3A_582, %get3A_583] {strides = array<i32>} : memref<125x80xi32, #tpu.memory_space<vmem>>, vector<1x16xi32>,
      %get3A_585 = vector.shape_cast %get3A_584 : vector<1x16xi32> to vector<16xi32>
      %swap3A_586 = arith.constant 64 : index
      %swap3A_587 = tpu.vector_load %arg8[%swap3A_586] {strides = array<i32>} : memref<80xi32, #tpu.memory_space<vmem>>, vector<16xi32>,
      %swap3A_588 = vector.shape_cast %swap3A_587 : vector<16xi32> to vector<16xi32>
      %swap3A_589 = vector.shape_cast %get3A_585 : vector<16xi32> to vector<16xi32>
      tpu.vector_store %arg8[%swap3A_586], %swap3A_589 {strides = array<i32>} : memref<80xi32, #tpu.memory_space<vmem>>, vector<16xi32>,
      %add3A_590 = arith.constant 4 : i32
      %add3A_591 = arith.addi %mul3A_518, %add3A_590 : i32
      %add3A_592 = arith.constant 0 : i32
      %add3A_593 = arith.addi %add3A_591, %add3A_592 : i32
      %get3A_594 = arith.index_cast %add3A_593 : i32 to index
      %get3A_595 = arith.constant 0 : index
      %get3A_596 = tpu.vector_load %arg7[%get3A_594, %get3A_595] {strides = array<i32>} : memref<125x80xi32, #tpu.memory_space<vmem>>, vector<1x16xi32>,
      %get3A_597 = vector.shape_cast %get3A_596 : vector<1x16xi32> to vector<16xi32>
      %swap3A_598 = arith.constant 0 : index
      %swap3A_599 = tpu.vector_load %arg12[%swap3A_598] {strides = array<i32>} : memref<80xi32, #tpu.memory_space<vmem>>, vector<16xi32>,
      %swap3A_600 = vector.shape_cast %swap3A_599 : vector<16xi32> to vector<16xi32>
      %swap3A_601 = vector.shape_cast %get3A_597 : vector<16xi32> to vector<16xi32>
      tpu.vector_store %arg12[%swap3A_598], %swap3A_601 {strides = array<i32>} : memref<80xi32, #tpu.memory_space<vmem>>, vector<16xi32>,
      %get3A_602 = arith.index_cast %add3A_593 : i32 to index
      %get3A_603 = arith.constant 16 : index
      %get3A_604 = tpu.vector_load %arg7[%get3A_602, %get3A_603] {strides = array<i32>} : memref<125x80xi32, #tpu.memory_space<vmem>>, vector<1x16xi32>,
      %get3A_605 = vector.shape_cast %get3A_604 : vector<1x16xi32> to vector<16xi32>
      %swap3A_606 = arith.constant 16 : index
      %swap3A_607 = tpu.vector_load %arg12[%swap3A_606] {strides = array<i32>} : memref<80xi32, #tpu.memory_space<vmem>>, vector<16xi32>,
      %swap3A_608 = vector.shape_cast %swap3A_607 : vector<16xi32> to vector<16xi32>
      %swap3A_609 = vector.shape_cast %get3A_605 : vector<16xi32> to vector<16xi32>
      tpu.vector_store %arg12[%swap3A_606], %swap3A_609 {strides = array<i32>} : memref<80xi32, #tpu.memory_space<vmem>>, vector<16xi32>,
      %get3A_610 = arith.index_cast %add3A_593 : i32 to index
      %get3A_611 = arith.constant 32 : index
      %get3A_612 = tpu.vector_load %arg7[%get3A_610, %get3A_611] {strides = array<i32>} : memref<125x80xi32, #tpu.memory_space<vmem>>, vector<1x16xi32>,
      %get3A_613 = vector.shape_cast %get3A_612 : vector<1x16xi32> to vector<16xi32>
      %swap3A_614 = arith.constant 32 : index
      %swap3A_615 = tpu.vector_load %arg12[%swap3A_614] {strides = array<i32>} : memref<80xi32, #tpu.memory_space<vmem>>, vector<16xi32>,
      %swap3A_616 = vector.shape_cast %swap3A_615 : vector<16xi32> to vector<16xi32>
      %swap3A_617 = vector.shape_cast %get3A_613 : vector<16xi32> to vector<16xi32>
      tpu.vector_store %arg12[%swap3A_614], %swap3A_617 {strides = array<i32>} : memref<80xi32, #tpu.memory_space<vmem>>, vector<16xi32>,
      %get3A_618 = arith.index_cast %add3A_593 : i32 to index
      %get3A_619 = arith.constant 48 : index
      %get3A_620 = tpu.vector_load %arg7[%get3A_618, %get3A_619] {strides = array<i32>} : memref<125x80xi32, #tpu.memory_space<vmem>>, vector<1x16xi32>,
      %get3A_621 = vector.shape_cast %get3A_620 : vector<1x16xi32> to vector<16xi32>
      %swap3A_622 = arith.constant 48 : index
      %swap3A_623 = tpu.vector_load %arg12[%swap3A_622] {strides = array<i32>} : memref<80xi32, #tpu.memory_space<vmem>>, vector<16xi32>,
      %swap3A_624 = vector.shape_cast %swap3A_623 : vector<16xi32> to vector<16xi32>
      %swap3A_625 = vector.shape_cast %get3A_621 : vector<16xi32> to vector<16xi32>
      tpu.vector_store %arg12[%swap3A_622], %swap3A_625 {strides = array<i32>} : memref<80xi32, #tpu.memory_space<vmem>>, vector<16xi32>,
      %get3A_626 = arith.index_cast %add3A_593 : i32 to index
      %get3A_627 = arith.constant 64 : index
      %get3A_628 = tpu.vector_load %arg7[%get3A_626, %get3A_627] {strides = array<i32>} : memref<125x80xi32, #tpu.memory_space<vmem>>, vector<1x16xi32>,
      %get3A_629 = vector.shape_cast %get3A_628 : vector<1x16xi32> to vector<16xi32>
      %swap3A_630 = arith.constant 64 : index
      %swap3A_631 = tpu.vector_load %arg12[%swap3A_630] {strides = array<i32>} : memref<80xi32, #tpu.memory_space<vmem>>, vector<16xi32>,
      %swap3A_632 = vector.shape_cast %swap3A_631 : vector<16xi32> to vector<16xi32>
      %swap3A_633 = vector.shape_cast %get3A_629 : vector<16xi32> to vector<16xi32>
      tpu.vector_store %arg12[%swap3A_630], %swap3A_633 {strides = array<i32>} : memref<80xi32, #tpu.memory_space<vmem>>, vector<16xi32>,
      %add3A_634 = arith.constant 4 : i32
      %add3A_635 = arith.addi %mul3A_518, %add3A_634 : i32
      %add3A_636 = arith.constant 0 : i32
      %add3A_637 = arith.addi %add3A_635, %add3A_636 : i32
      %dma_start3A_638 = arith.constant 0 : i32
      %dma_start3A_639 = arith.constant 0 : i32
      %dma_start3A_640 = tpu.memref_slice %arg4[%dma_start3A_638, %dma_start3A_639] : memref<10240x16xf32, #tpu.memory_space<hbm>> -> memref<10240x16xf32, #tpu.memory_space<hbm>>
      tpu.enqueue_indirect_dma source(%dma_start3A_640 : memref<10240x16xf32, #tpu.memory_space<hbm>>) target(%arg16 : memref<80x16xf32, #tpu.memory_space<vmem>>) offsets(%arg8 : memref<80xi32, #tpu.memory_space<vmem>>) semaphore(%arg22 : memref<!tpu.dma_semaphore, #tpu.memory_space<semaphore_mem>>)
      %dma_wait3A_641 = arith.constant 0 : i32
      %dma_wait3A_642 = arith.constant 0 : i32
      %dma_wait3A_643 = tpu.memref_slice %arg21[%dma_wait3A_641, %dma_wait3A_642] : memref<10240x16xf32, #tpu.memory_space<vmem_shared>> -> memref<10240x16xf32, #tpu.memory_space<vmem_shared>>
      tpu.wait_indirect_dma semaphore(%arg27 : memref<!tpu.dma_semaphore, #tpu.memory_space<semaphore_mem>>) src(%arg17 : memref<80x16xf32, #tpu.memory_space<vmem>>) dst(%dma_wait3A_643 : memref<10240x16xf32, #tpu.memory_space<vmem_shared>>)
      %add3A_644 = arith.constant 4 : i32
      %add3A_645 = arith.addi %mul3A_518, %add3A_644 : i32
      %add3A_646 = arith.constant 1 : i32
      %add3A_647 = arith.addi %add3A_645, %add3A_646 : i32
      %get3A_648 = arith.index_cast %add3A_647 : i32 to index
      %get3A_649 = arith.constant 0 : index
      %get3A_650 = tpu.vector_load %arg6[%get3A_648, %get3A_649] {strides = array<i32>} : memref<125x80xi32, #tpu.memory_space<vmem>>, vector<1x16xi32>,
      %get3A_651 = vector.shape_cast %get3A_650 : vector<1x16xi32> to vector<16xi32>
      %swap3A_652 = arith.constant 0 : index
      %swap3A_653 = tpu.vector_load %arg9[%swap3A_652] {strides = array<i32>} : memref<80xi32, #tpu.memory_space<vmem>>, vector<16xi32>,
      %swap3A_654 = vector.shape_cast %swap3A_653 : vector<16xi32> to vector<16xi32>
      %swap3A_655 = vector.shape_cast %get3A_651 : vector<16xi32> to vector<16xi32>
      tpu.vector_store %arg9[%swap3A_652], %swap3A_655 {strides = array<i32>} : memref<80xi32, #tpu.memory_space<vmem>>, vector<16xi32>,
      %get3A_656 = arith.index_cast %add3A_647 : i32 to index
      %get3A_657 = arith.constant 16 : index
      %get3A_658 = tpu.vector_load %arg6[%get3A_656, %get3A_657] {strides = array<i32>} : memref<125x80xi32, #tpu.memory_space<vmem>>, vector<1x16xi32>,
      %get3A_659 = vector.shape_cast %get3A_658 : vector<1x16xi32> to vector<16xi32>
      %swap3A_660 = arith.constant 16 : index
      %swap3A_661 = tpu.vector_load %arg9[%swap3A_660] {strides = array<i32>} : memref<80xi32, #tpu.memory_space<vmem>>, vector<16xi32>,
      %swap3A_662 = vector.shape_cast %swap3A_661 : vector<16xi32> to vector<16xi32>
      %swap3A_663 = vector.shape_cast %get3A_659 : vector<16xi32> to vector<16xi32>
      tpu.vector_store %arg9[%swap3A_660], %swap3A_663 {strides = array<i32>} : memref<80xi32, #tpu.memory_space<vmem>>, vector<16xi32>,
      %get3A_664 = arith.index_cast %add3A_647 : i32 to index
      %get3A_665 = arith.constant 32 : index
      %get3A_666 = tpu.vector_load %arg6[%get3A_664, %get3A_665] {strides = array<i32>} : memref<125x80xi32, #tpu.memory_space<vmem>>, vector<1x16xi32>,
      %get3A_667 = vector.shape_cast %get3A_666 : vector<1x16xi32> to vector<16xi32>
      %swap3A_668 = arith.constant 32 : index
      %swap3A_669 = tpu.vector_load %arg9[%swap3A_668] {strides = array<i32>} : memref<80xi32, #tpu.memory_space<vmem>>, vector<16xi32>,
      %swap3A_670 = vector.shape_cast %swap3A_669 : vector<16xi32> to vector<16xi32>
      %swap3A_671 = vector.shape_cast %get3A_667 : vector<16xi32> to vector<16xi32>
      tpu.vector_store %arg9[%swap3A_668], %swap3A_671 {strides = array<i32>} : memref<80xi32, #tpu.memory_space<vmem>>, vector<16xi32>,
      %get3A_672 = arith.index_cast %add3A_647 : i32 to index
      %get3A_673 = arith.constant 48 : index
      %get3A_674 = tpu.vector_load %arg6[%get3A_672, %get3A_673] {strides = array<i32>} : memref<125x80xi32, #tpu.memory_space<vmem>>, vector<1x16xi32>,
      %get3A_675 = vector.shape_cast %get3A_674 : vector<1x16xi32> to vector<16xi32>
      %swap3A_676 = arith.constant 48 : index
      %swap3A_677 = tpu.vector_load %arg9[%swap3A_676] {strides = array<i32>} : memref<80xi32, #tpu.memory_space<vmem>>, vector<16xi32>,
      %swap3A_678 = vector.shape_cast %swap3A_677 : vector<16xi32> to vector<16xi32>
      %swap3A_679 = vector.shape_cast %get3A_675 : vector<16xi32> to vector<16xi32>
      tpu.vector_store %arg9[%swap3A_676], %swap3A_679 {strides = array<i32>} : memref<80xi32, #tpu.memory_space<vmem>>, vector<16xi32>,
      %get3A_680 = arith.index_cast %add3A_647 : i32 to index
      %get3A_681 = arith.constant 64 : index
      %get3A_682 = tpu.vector_load %arg6[%get3A_680, %get3A_681] {strides = array<i32>} : memref<125x80xi32, #tpu.memory_space<vmem>>, vector<1x16xi32>,
      %get3A_683 = vector.shape_cast %get3A_682 : vector<1x16xi32> to vector<16xi32>
      %swap3A_684 = arith.constant 64 : index
      %swap3A_685 = tpu.vector_load %arg9[%swap3A_684] {strides = array<i32>} : memref<80xi32, #tpu.memory_space<vmem>>, vector<16xi32>,
      %swap3A_686 = vector.shape_cast %swap3A_685 : vector<16xi32> to vector<16xi32>
      %swap3A_687 = vector.shape_cast %get3A_683 : vector<16xi32> to vector<16xi32>
      tpu.vector_store %arg9[%swap3A_684], %swap3A_687 {strides = array<i32>} : memref<80xi32, #tpu.memory_space<vmem>>, vector<16xi32>,
      %add3A_688 = arith.constant 4 : i32
      %add3A_689 = arith.addi %mul3A_518, %add3A_688 : i32
      %add3A_690 = arith.constant 1 : i32
      %add3A_691 = arith.addi %add3A_689, %add3A_690 : i32
      %get3A_692 = arith.index_cast %add3A_691 : i32 to index
      %get3A_693 = arith.constant 0 : index
      %get3A_694 = tpu.vector_load %arg7[%get3A_692, %get3A_693] {strides = array<i32>} : memref<125x80xi32, #tpu.memory_space<vmem>>, vector<1x16xi32>,
      %get3A_695 = vector.shape_cast %get3A_694 : vector<1x16xi32> to vector<16xi32>
      %swap3A_696 = arith.constant 0 : index
      %swap3A_697 = tpu.vector_load %arg13[%swap3A_696] {strides = array<i32>} : memref<80xi32, #tpu.memory_space<vmem>>, vector<16xi32>,
      %swap3A_698 = vector.shape_cast %swap3A_697 : vector<16xi32> to vector<16xi32>
      %swap3A_699 = vector.shape_cast %get3A_695 : vector<16xi32> to vector<16xi32>
      tpu.vector_store %arg13[%swap3A_696], %swap3A_699 {strides = array<i32>} : memref<80xi32, #tpu.memory_space<vmem>>, vector<16xi32>,
      %get3A_700 = arith.index_cast %add3A_691 : i32 to index
      %get3A_701 = arith.constant 16 : index
      %get3A_702 = tpu.vector_load %arg7[%get3A_700, %get3A_701] {strides = array<i32>} : memref<125x80xi32, #tpu.memory_space<vmem>>, vector<1x16xi32>,
      %get3A_703 = vector.shape_cast %get3A_702 : vector<1x16xi32> to vector<16xi32>
      %swap3A_704 = arith.constant 16 : index
      %swap3A_705 = tpu.vector_load %arg13[%swap3A_704] {strides = array<i32>} : memref<80xi32, #tpu.memory_space<vmem>>, vector<16xi32>,
      %swap3A_706 = vector.shape_cast %swap3A_705 : vector<16xi32> to vector<16xi32>
      %swap3A_707 = vector.shape_cast %get3A_703 : vector<16xi32> to vector<16xi32>
      tpu.vector_store %arg13[%swap3A_704], %swap3A_707 {strides = array<i32>} : memref<80xi32, #tpu.memory_space<vmem>>, vector<16xi32>,
      %get3A_708 = arith.index_cast %add3A_691 : i32 to index
      %get3A_709 = arith.constant 32 : index
      %get3A_710 = tpu.vector_load %arg7[%get3A_708, %get3A_709] {strides = array<i32>} : memref<125x80xi32, #tpu.memory_space<vmem>>, vector<1x16xi32>,
      %get3A_711 = vector.shape_cast %get3A_710 : vector<1x16xi32> to vector<16xi32>
      %swap3A_712 = arith.constant 32 : index
      %swap3A_713 = tpu.vector_load %arg13[%swap3A_712] {strides = array<i32>} : memref<80xi32, #tpu.memory_space<vmem>>, vector<16xi32>,
      %swap3A_714 = vector.shape_cast %swap3A_713 : vector<16xi32> to vector<16xi32>
      %swap3A_715 = vector.shape_cast %get3A_711 : vector<16xi32> to vector<16xi32>
      tpu.vector_store %arg13[%swap3A_712], %swap3A_715 {strides = array<i32>} : memref<80xi32, #tpu.memory_space<vmem>>, vector<16xi32>,
      %get3A_716 = arith.index_cast %add3A_691 : i32 to index
      %get3A_717 = arith.constant 48 : index
      %get3A_718 = tpu.vector_load %arg7[%get3A_716, %get3A_717] {strides = array<i32>} : memref<125x80xi32, #tpu.memory_space<vmem>>, vector<1x16xi32>,
      %get3A_719 = vector.shape_cast %get3A_718 : vector<1x16xi32> to vector<16xi32>
      %swap3A_720 = arith.constant 48 : index
      %swap3A_721 = tpu.vector_load %arg13[%swap3A_720] {strides = array<i32>} : memref<80xi32, #tpu.memory_space<vmem>>, vector<16xi32>,
      %swap3A_722 = vector.shape_cast %swap3A_721 : vector<16xi32> to vector<16xi32>
      %swap3A_723 = vector.shape_cast %get3A_719 : vector<16xi32> to vector<16xi32>
      tpu.vector_store %arg13[%swap3A_720], %swap3A_723 {strides = array<i32>} : memref<80xi32, #tpu.memory_space<vmem>>, vector<16xi32>,
      %get3A_724 = arith.index_cast %add3A_691 : i32 to index
      %get3A_725 = arith.constant 64 : index
      %get3A_726 = tpu.vector_load %arg7[%get3A_724, %get3A_725] {strides = array<i32>} : memref<125x80xi32, #tpu.memory_space<vmem>>, vector<1x16xi32>,
      %get3A_727 = vector.shape_cast %get3A_726 : vector<1x16xi32> to vector<16xi32>
      %swap3A_728 = arith.constant 64 : index
      %swap3A_729 = tpu.vector_load %arg13[%swap3A_728] {strides = array<i32>} : memref<80xi32, #tpu.memory_space<vmem>>, vector<16xi32>,
      %swap3A_730 = vector.shape_cast %swap3A_729 : vector<16xi32> to vector<16xi32>
      %swap3A_731 = vector.shape_cast %get3A_727 : vector<16xi32> to vector<16xi32>
      tpu.vector_store %arg13[%swap3A_728], %swap3A_731 {strides = array<i32>} : memref<80xi32, #tpu.memory_space<vmem>>, vector<16xi32>,
      %add3A_732 = arith.constant 4 : i32
      %add3A_733 = arith.addi %mul3A_518, %add3A_732 : i32
      %add3A_734 = arith.constant 1 : i32
      %add3A_735 = arith.addi %add3A_733, %add3A_734 : i32
      %dma_start3A_736 = arith.constant 0 : i32
      %dma_start3A_737 = arith.constant 0 : i32
      %dma_start3A_738 = tpu.memref_slice %arg4[%dma_start3A_736, %dma_start3A_737] : memref<10240x16xf32, #tpu.memory_space<hbm>> -> memref<10240x16xf32, #tpu.memory_space<hbm>>
      tpu.enqueue_indirect_dma source(%dma_start3A_738 : memref<10240x16xf32, #tpu.memory_space<hbm>>) target(%arg17 : memref<80x16xf32, #tpu.memory_space<vmem>>) offsets(%arg9 : memref<80xi32, #tpu.memory_space<vmem>>) semaphore(%arg23 : memref<!tpu.dma_semaphore, #tpu.memory_space<semaphore_mem>>)
      %dma_wait3A_739 = arith.constant 0 : i32
      %dma_wait3A_740 = arith.constant 0 : i32
      %dma_wait3A_741 = tpu.memref_slice %arg21[%dma_wait3A_739, %dma_wait3A_740] : memref<10240x16xf32, #tpu.memory_space<vmem_shared>> -> memref<10240x16xf32, #tpu.memory_space<vmem_shared>>
      tpu.wait_indirect_dma semaphore(%arg28 : memref<!tpu.dma_semaphore, #tpu.memory_space<semaphore_mem>>) src(%arg18 : memref<80x16xf32, #tpu.memory_space<vmem>>) dst(%dma_wait3A_741 : memref<10240x16xf32, #tpu.memory_space<vmem_shared>>)
      %add3A_742 = arith.constant 4 : i32
      %add3A_743 = arith.addi %mul3A_518, %add3A_742 : i32
      %add3A_744 = arith.constant 2 : i32
      %add3A_745 = arith.addi %add3A_743, %add3A_744 : i32
      %get3A_746 = arith.index_cast %add3A_745 : i32 to index
      %get3A_747 = arith.constant 0 : index
      %get3A_748 = tpu.vector_load %arg6[%get3A_746, %get3A_747] {strides = array<i32>} : memref<125x80xi32, #tpu.memory_space<vmem>>, vector<1x16xi32>,
      %get3A_749 = vector.shape_cast %get3A_748 : vector<1x16xi32> to vector<16xi32>
      %swap3A_750 = arith.constant 0 : index
      %swap3A_751 = tpu.vector_load %arg10[%swap3A_750] {strides = array<i32>} : memref<80xi32, #tpu.memory_space<vmem>>, vector<16xi32>,
      %swap3A_752 = vector.shape_cast %swap3A_751 : vector<16xi32> to vector<16xi32>
      %swap3A_753 = vector.shape_cast %get3A_749 : vector<16xi32> to vector<16xi32>
      tpu.vector_store %arg10[%swap3A_750], %swap3A_753 {strides = array<i32>} : memref<80xi32, #tpu.memory_space<vmem>>, vector<16xi32>,
      %get3A_754 = arith.index_cast %add3A_745 : i32 to index
      %get3A_755 = arith.constant 16 : index
      %get3A_756 = tpu.vector_load %arg6[%get3A_754, %get3A_755] {strides = array<i32>} : memref<125x80xi32, #tpu.memory_space<vmem>>, vector<1x16xi32>,
      %get3A_757 = vector.shape_cast %get3A_756 : vector<1x16xi32> to vector<16xi32>
      %swap3A_758 = arith.constant 16 : index
      %swap3A_759 = tpu.vector_load %arg10[%swap3A_758] {strides = array<i32>} : memref<80xi32, #tpu.memory_space<vmem>>, vector<16xi32>,
      %swap3A_760 = vector.shape_cast %swap3A_759 : vector<16xi32> to vector<16xi32>
      %swap3A_761 = vector.shape_cast %get3A_757 : vector<16xi32> to vector<16xi32>
      tpu.vector_store %arg10[%swap3A_758], %swap3A_761 {strides = array<i32>} : memref<80xi32, #tpu.memory_space<vmem>>, vector<16xi32>,
      %get3A_762 = arith.index_cast %add3A_745 : i32 to index
      %get3A_763 = arith.constant 32 : index
      %get3A_764 = tpu.vector_load %arg6[%get3A_762, %get3A_763] {strides = array<i32>} : memref<125x80xi32, #tpu.memory_space<vmem>>, vector<1x16xi32>,
      %get3A_765 = vector.shape_cast %get3A_764 : vector<1x16xi32> to vector<16xi32>
      %swap3A_766 = arith.constant 32 : index
      %swap3A_767 = tpu.vector_load %arg10[%swap3A_766] {strides = array<i32>} : memref<80xi32, #tpu.memory_space<vmem>>, vector<16xi32>,
      %swap3A_768 = vector.shape_cast %swap3A_767 : vector<16xi32> to vector<16xi32>
      %swap3A_769 = vector.shape_cast %get3A_765 : vector<16xi32> to vector<16xi32>
      tpu.vector_store %arg10[%swap3A_766], %swap3A_769 {strides = array<i32>} : memref<80xi32, #tpu.memory_space<vmem>>, vector<16xi32>,
      %get3A_770 = arith.index_cast %add3A_745 : i32 to index
      %get3A_771 = arith.constant 48 : index
      %get3A_772 = tpu.vector_load %arg6[%get3A_770, %get3A_771] {strides = array<i32>} : memref<125x80xi32, #tpu.memory_space<vmem>>, vector<1x16xi32>,
      %get3A_773 = vector.shape_cast %get3A_772 : vector<1x16xi32> to vector<16xi32>
      %swap3A_774 = arith.constant 48 : index
      %swap3A_775 = tpu.vector_load %arg10[%swap3A_774] {strides = array<i32>} : memref<80xi32, #tpu.memory_space<vmem>>, vector<16xi32>,
      %swap3A_776 = vector.shape_cast %swap3A_775 : vector<16xi32> to vector<16xi32>
      %swap3A_777 = vector.shape_cast %get3A_773 : vector<16xi32> to vector<16xi32>
      tpu.vector_store %arg10[%swap3A_774], %swap3A_777 {strides = array<i32>} : memref<80xi32, #tpu.memory_space<vmem>>, vector<16xi32>,
      %get3A_778 = arith.index_cast %add3A_745 : i32 to index
      %get3A_779 = arith.constant 64 : index
      %get3A_780 = tpu.vector_load %arg6[%get3A_778, %get3A_779] {strides = array<i32>} : memref<125x80xi32, #tpu.memory_space<vmem>>, vector<1x16xi32>,
      %get3A_781 = vector.shape_cast %get3A_780 : vector<1x16xi32> to vector<16xi32>
      %swap3A_782 = arith.constant 64 : index
      %swap3A_783 = tpu.vector_load %arg10[%swap3A_782] {strides = array<i32>} : memref<80xi32, #tpu.memory_space<vmem>>, vector<16xi32>,
      %swap3A_784 = vector.shape_cast %swap3A_783 : vector<16xi32> to vector<16xi32>
      %swap3A_785 = vector.shape_cast %get3A_781 : vector<16xi32> to vector<16xi32>
      tpu.vector_store %arg10[%swap3A_782], %swap3A_785 {strides = array<i32>} : memref<80xi32, #tpu.memory_space<vmem>>, vector<16xi32>,
      %add3A_786 = arith.constant 4 : i32
      %add3A_787 = arith.addi %mul3A_518, %add3A_786 : i32
      %add3A_788 = arith.constant 2 : i32
      %add3A_789 = arith.addi %add3A_787, %add3A_788 : i32
      %get3A_790 = arith.index_cast %add3A_789 : i32 to index
      %get3A_791 = arith.constant 0 : index
      %get3A_792 = tpu.vector_load %arg7[%get3A_790, %get3A_791] {strides = array<i32>} : memref<125x80xi32, #tpu.memory_space<vmem>>, vector<1x16xi32>,
      %get3A_793 = vector.shape_cast %get3A_792 : vector<1x16xi32> to vector<16xi32>
      %swap3A_794 = arith.constant 0 : index
      %swap3A_795 = tpu.vector_load %arg14[%swap3A_794] {strides = array<i32>} : memref<80xi32, #tpu.memory_space<vmem>>, vector<16xi32>,
      %swap3A_796 = vector.shape_cast %swap3A_795 : vector<16xi32> to vector<16xi32>
      %swap3A_797 = vector.shape_cast %get3A_793 : vector<16xi32> to vector<16xi32>
      tpu.vector_store %arg14[%swap3A_794], %swap3A_797 {strides = array<i32>} : memref<80xi32, #tpu.memory_space<vmem>>, vector<16xi32>,
      %get3A_798 = arith.index_cast %add3A_789 : i32 to index
      %get3A_799 = arith.constant 16 : index
      %get3A_800 = tpu.vector_load %arg7[%get3A_798, %get3A_799] {strides = array<i32>} : memref<125x80xi32, #tpu.memory_space<vmem>>, vector<1x16xi32>,
      %get3A_801 = vector.shape_cast %get3A_800 : vector<1x16xi32> to vector<16xi32>
      %swap3A_802 = arith.constant 16 : index
      %swap3A_803 = tpu.vector_load %arg14[%swap3A_802] {strides = array<i32>} : memref<80xi32, #tpu.memory_space<vmem>>, vector<16xi32>,
      %swap3A_804 = vector.shape_cast %swap3A_803 : vector<16xi32> to vector<16xi32>
      %swap3A_805 = vector.shape_cast %get3A_801 : vector<16xi32> to vector<16xi32>
      tpu.vector_store %arg14[%swap3A_802], %swap3A_805 {strides = array<i32>} : memref<80xi32, #tpu.memory_space<vmem>>, vector<16xi32>,
      %get3A_806 = arith.index_cast %add3A_789 : i32 to index
      %get3A_807 = arith.constant 32 : index
      %get3A_808 = tpu.vector_load %arg7[%get3A_806, %get3A_807] {strides = array<i32>} : memref<125x80xi32, #tpu.memory_space<vmem>>, vector<1x16xi32>,
      %get3A_809 = vector.shape_cast %get3A_808 : vector<1x16xi32> to vector<16xi32>
      %swap3A_810 = arith.constant 32 : index
      %swap3A_811 = tpu.vector_load %arg14[%swap3A_810] {strides = array<i32>} : memref<80xi32, #tpu.memory_space<vmem>>, vector<16xi32>,
      %swap3A_812 = vector.shape_cast %swap3A_811 : vector<16xi32> to vector<16xi32>
      %swap3A_813 = vector.shape_cast %get3A_809 : vector<16xi32> to vector<16xi32>
      tpu.vector_store %arg14[%swap3A_810], %swap3A_813 {strides = array<i32>} : memref<80xi32, #tpu.memory_space<vmem>>, vector<16xi32>,
      %get3A_814 = arith.index_cast %add3A_789 : i32 to index
      %get3A_815 = arith.constant 48 : index
      %get3A_816 = tpu.vector_load %arg7[%get3A_814, %get3A_815] {strides = array<i32>} : memref<125x80xi32, #tpu.memory_space<vmem>>, vector<1x16xi32>,
      %get3A_817 = vector.shape_cast %get3A_816 : vector<1x16xi32> to vector<16xi32>
      %swap3A_818 = arith.constant 48 : index
      %swap3A_819 = tpu.vector_load %arg14[%swap3A_818] {strides = array<i32>} : memref<80xi32, #tpu.memory_space<vmem>>, vector<16xi32>,
      %swap3A_820 = vector.shape_cast %swap3A_819 : vector<16xi32> to vector<16xi32>
      %swap3A_821 = vector.shape_cast %get3A_817 : vector<16xi32> to vector<16xi32>
      tpu.vector_store %arg14[%swap3A_818], %swap3A_821 {strides = array<i32>} : memref<80xi32, #tpu.memory_space<vmem>>, vector<16xi32>,
      %get3A_822 = arith.index_cast %add3A_789 : i32 to index
      %get3A_823 = arith.constant 64 : index
      %get3A_824 = tpu.vector_load %arg7[%get3A_822, %get3A_823] {strides = array<i32>} : memref<125x80xi32, #tpu.memory_space<vmem>>, vector<1x16xi32>,
      %get3A_825 = vector.shape_cast %get3A_824 : vector<1x16xi32> to vector<16xi32>
      %swap3A_826 = arith.constant 64 : index
      %swap3A_827 = tpu.vector_load %arg14[%swap3A_826] {strides = array<i32>} : memref<80xi32, #tpu.memory_space<vmem>>, vector<16xi32>,
      %swap3A_828 = vector.shape_cast %swap3A_827 : vector<16xi32> to vector<16xi32>
      %swap3A_829 = vector.shape_cast %get3A_825 : vector<16xi32> to vector<16xi32>
      tpu.vector_store %arg14[%swap3A_826], %swap3A_829 {strides = array<i32>} : memref<80xi32, #tpu.memory_space<vmem>>, vector<16xi32>,
      %add3A_830 = arith.constant 4 : i32
      %add3A_831 = arith.addi %mul3A_518, %add3A_830 : i32
      %add3A_832 = arith.constant 2 : i32
      %add3A_833 = arith.addi %add3A_831, %add3A_832 : i32
      %dma_start3A_834 = arith.constant 0 : i32
      %dma_start3A_835 = arith.constant 0 : i32
      %dma_start3A_836 = tpu.memref_slice %arg4[%dma_start3A_834, %dma_start3A_835] : memref<10240x16xf32, #tpu.memory_space<hbm>> -> memref<10240x16xf32, #tpu.memory_space<hbm>>
      tpu.enqueue_indirect_dma source(%dma_start3A_836 : memref<10240x16xf32, #tpu.memory_space<hbm>>) target(%arg18 : memref<80x16xf32, #tpu.memory_space<vmem>>) offsets(%arg10 : memref<80xi32, #tpu.memory_space<vmem>>) semaphore(%arg24 : memref<!tpu.dma_semaphore, #tpu.memory_space<semaphore_mem>>)
      %dma_wait3A_837 = arith.constant 0 : i32
      %dma_wait3A_838 = arith.constant 0 : i32
      %dma_wait3A_839 = tpu.memref_slice %arg21[%dma_wait3A_837, %dma_wait3A_838] : memref<10240x16xf32, #tpu.memory_space<vmem_shared>> -> memref<10240x16xf32, #tpu.memory_space<vmem_shared>>
      tpu.wait_indirect_dma semaphore(%arg29 : memref<!tpu.dma_semaphore, #tpu.memory_space<semaphore_mem>>) src(%arg19 : memref<80x16xf32, #tpu.memory_space<vmem>>) dst(%dma_wait3A_839 : memref<10240x16xf32, #tpu.memory_space<vmem_shared>>)
      %add3A_840 = arith.constant 4 : i32
      %add3A_841 = arith.addi %mul3A_518, %add3A_840 : i32
      %add3A_842 = arith.constant 3 : i32
      %add3A_843 = arith.addi %add3A_841, %add3A_842 : i32
      %get3A_844 = arith.index_cast %add3A_843 : i32 to index
      %get3A_845 = arith.constant 0 : index
      %get3A_846 = tpu.vector_load %arg6[%get3A_844, %get3A_845] {strides = array<i32>} : memref<125x80xi32, #tpu.memory_space<vmem>>, vector<1x16xi32>,
      %get3A_847 = vector.shape_cast %get3A_846 : vector<1x16xi32> to vector<16xi32>
      %swap3A_848 = arith.constant 0 : index
      %swap3A_849 = tpu.vector_load %arg11[%swap3A_848] {strides = array<i32>} : memref<80xi32, #tpu.memory_space<vmem>>, vector<16xi32>,
      %swap3A_850 = vector.shape_cast %swap3A_849 : vector<16xi32> to vector<16xi32>
      %swap3A_851 = vector.shape_cast %get3A_847 : vector<16xi32> to vector<16xi32>
      tpu.vector_store %arg11[%swap3A_848], %swap3A_851 {strides = array<i32>} : memref<80xi32, #tpu.memory_space<vmem>>, vector<16xi32>,
      %get3A_852 = arith.index_cast %add3A_843 : i32 to index
      %get3A_853 = arith.constant 16 : index
      %get3A_854 = tpu.vector_load %arg6[%get3A_852, %get3A_853] {strides = array<i32>} : memref<125x80xi32, #tpu.memory_space<vmem>>, vector<1x16xi32>,
      %get3A_855 = vector.shape_cast %get3A_854 : vector<1x16xi32> to vector<16xi32>
      %swap3A_856 = arith.constant 16 : index
      %swap3A_857 = tpu.vector_load %arg11[%swap3A_856] {strides = array<i32>} : memref<80xi32, #tpu.memory_space<vmem>>, vector<16xi32>,
      %swap3A_858 = vector.shape_cast %swap3A_857 : vector<16xi32> to vector<16xi32>
      %swap3A_859 = vector.shape_cast %get3A_855 : vector<16xi32> to vector<16xi32>
      tpu.vector_store %arg11[%swap3A_856], %swap3A_859 {strides = array<i32>} : memref<80xi32, #tpu.memory_space<vmem>>, vector<16xi32>,
      %get3A_860 = arith.index_cast %add3A_843 : i32 to index
      %get3A_861 = arith.constant 32 : index
      %get3A_862 = tpu.vector_load %arg6[%get3A_860, %get3A_861] {strides = array<i32>} : memref<125x80xi32, #tpu.memory_space<vmem>>, vector<1x16xi32>,
      %get3A_863 = vector.shape_cast %get3A_862 : vector<1x16xi32> to vector<16xi32>
      %swap3A_864 = arith.constant 32 : index
      %swap3A_865 = tpu.vector_load %arg11[%swap3A_864] {strides = array<i32>} : memref<80xi32, #tpu.memory_space<vmem>>, vector<16xi32>,
      %swap3A_866 = vector.shape_cast %swap3A_865 : vector<16xi32> to vector<16xi32>
      %swap3A_867 = vector.shape_cast %get3A_863 : vector<16xi32> to vector<16xi32>
      tpu.vector_store %arg11[%swap3A_864], %swap3A_867 {strides = array<i32>} : memref<80xi32, #tpu.memory_space<vmem>>, vector<16xi32>,
      %get3A_868 = arith.index_cast %add3A_843 : i32 to index
      %get3A_869 = arith.constant 48 : index
      %get3A_870 = tpu.vector_load %arg6[%get3A_868, %get3A_869] {strides = array<i32>} : memref<125x80xi32, #tpu.memory_space<vmem>>, vector<1x16xi32>,
      %get3A_871 = vector.shape_cast %get3A_870 : vector<1x16xi32> to vector<16xi32>
      %swap3A_872 = arith.constant 48 : index
      %swap3A_873 = tpu.vector_load %arg11[%swap3A_872] {strides = array<i32>} : memref<80xi32, #tpu.memory_space<vmem>>, vector<16xi32>,
      %swap3A_874 = vector.shape_cast %swap3A_873 : vector<16xi32> to vector<16xi32>
      %swap3A_875 = vector.shape_cast %get3A_871 : vector<16xi32> to vector<16xi32>
      tpu.vector_store %arg11[%swap3A_872], %swap3A_875 {strides = array<i32>} : memref<80xi32, #tpu.memory_space<vmem>>, vector<16xi32>,
      %get3A_876 = arith.index_cast %add3A_843 : i32 to index
      %get3A_877 = arith.constant 64 : index
      %get3A_878 = tpu.vector_load %arg6[%get3A_876, %get3A_877] {strides = array<i32>} : memref<125x80xi32, #tpu.memory_space<vmem>>, vector<1x16xi32>,
      %get3A_879 = vector.shape_cast %get3A_878 : vector<1x16xi32> to vector<16xi32>
      %swap3A_880 = arith.constant 64 : index
      %swap3A_881 = tpu.vector_load %arg11[%swap3A_880] {strides = array<i32>} : memref<80xi32, #tpu.memory_space<vmem>>, vector<16xi32>,
      %swap3A_882 = vector.shape_cast %swap3A_881 : vector<16xi32> to vector<16xi32>
      %swap3A_883 = vector.shape_cast %get3A_879 : vector<16xi32> to vector<16xi32>
      tpu.vector_store %arg11[%swap3A_880], %swap3A_883 {strides = array<i32>} : memref<80xi32, #tpu.memory_space<vmem>>, vector<16xi32>,
      %add3A_884 = arith.constant 4 : i32
      %add3A_885 = arith.addi %mul3A_518, %add3A_884 : i32
      %add3A_886 = arith.constant 3 : i32
      %add3A_887 = arith.addi %add3A_885, %add3A_886 : i32
      %get3A_888 = arith.index_cast %add3A_887 : i32 to index
      %get3A_889 = arith.constant 0 : index
      %get3A_890 = tpu.vector_load %arg7[%get3A_888, %get3A_889] {strides = array<i32>} : memref<125x80xi32, #tpu.memory_space<vmem>>, vector<1x16xi32>,
      %get3A_891 = vector.shape_cast %get3A_890 : vector<1x16xi32> to vector<16xi32>
      %swap3A_892 = arith.constant 0 : index
      %swap3A_893 = tpu.vector_load %arg15[%swap3A_892] {strides = array<i32>} : memref<80xi32, #tpu.memory_space<vmem>>, vector<16xi32>,
      %swap3A_894 = vector.shape_cast %swap3A_893 : vector<16xi32> to vector<16xi32>
      %swap3A_895 = vector.shape_cast %get3A_891 : vector<16xi32> to vector<16xi32>
      tpu.vector_store %arg15[%swap3A_892], %swap3A_895 {strides = array<i32>} : memref<80xi32, #tpu.memory_space<vmem>>, vector<16xi32>,
      %get3A_896 = arith.index_cast %add3A_887 : i32 to index
      %get3A_897 = arith.constant 16 : index
      %get3A_898 = tpu.vector_load %arg7[%get3A_896, %get3A_897] {strides = array<i32>} : memref<125x80xi32, #tpu.memory_space<vmem>>, vector<1x16xi32>,
      %get3A_899 = vector.shape_cast %get3A_898 : vector<1x16xi32> to vector<16xi32>
      %swap3A_900 = arith.constant 16 : index
      %swap3A_901 = tpu.vector_load %arg15[%swap3A_900] {strides = array<i32>} : memref<80xi32, #tpu.memory_space<vmem>>, vector<16xi32>,
      %swap3A_902 = vector.shape_cast %swap3A_901 : vector<16xi32> to vector<16xi32>
      %swap3A_903 = vector.shape_cast %get3A_899 : vector<16xi32> to vector<16xi32>
      tpu.vector_store %arg15[%swap3A_900], %swap3A_903 {strides = array<i32>} : memref<80xi32, #tpu.memory_space<vmem>>, vector<16xi32>,
      %get3A_904 = arith.index_cast %add3A_887 : i32 to index
      %get3A_905 = arith.constant 32 : index
      %get3A_906 = tpu.vector_load %arg7[%get3A_904, %get3A_905] {strides = array<i32>} : memref<125x80xi32, #tpu.memory_space<vmem>>, vector<1x16xi32>,
      %get3A_907 = vector.shape_cast %get3A_906 : vector<1x16xi32> to vector<16xi32>
      %swap3A_908 = arith.constant 32 : index
      %swap3A_909 = tpu.vector_load %arg15[%swap3A_908] {strides = array<i32>} : memref<80xi32, #tpu.memory_space<vmem>>, vector<16xi32>,
      %swap3A_910 = vector.shape_cast %swap3A_909 : vector<16xi32> to vector<16xi32>
      %swap3A_911 = vector.shape_cast %get3A_907 : vector<16xi32> to vector<16xi32>
      tpu.vector_store %arg15[%swap3A_908], %swap3A_911 {strides = array<i32>} : memref<80xi32, #tpu.memory_space<vmem>>, vector<16xi32>,
      %get3A_912 = arith.index_cast %add3A_887 : i32 to index
      %get3A_913 = arith.constant 48 : index
      %get3A_914 = tpu.vector_load %arg7[%get3A_912, %get3A_913] {strides = array<i32>} : memref<125x80xi32, #tpu.memory_space<vmem>>, vector<1x16xi32>,
      %get3A_915 = vector.shape_cast %get3A_914 : vector<1x16xi32> to vector<16xi32>
      %swap3A_916 = arith.constant 48 : index
      %swap3A_917 = tpu.vector_load %arg15[%swap3A_916] {strides = array<i32>} : memref<80xi32, #tpu.memory_space<vmem>>, vector<16xi32>,
      %swap3A_918 = vector.shape_cast %swap3A_917 : vector<16xi32> to vector<16xi32>
      %swap3A_919 = vector.shape_cast %get3A_915 : vector<16xi32> to vector<16xi32>
      tpu.vector_store %arg15[%swap3A_916], %swap3A_919 {strides = array<i32>} : memref<80xi32, #tpu.memory_space<vmem>>, vector<16xi32>,
      %get3A_920 = arith.index_cast %add3A_887 : i32 to index
      %get3A_921 = arith.constant 64 : index
      %get3A_922 = tpu.vector_load %arg7[%get3A_920, %get3A_921] {strides = array<i32>} : memref<125x80xi32, #tpu.memory_space<vmem>>, vector<1x16xi32>,
      %get3A_923 = vector.shape_cast %get3A_922 : vector<1x16xi32> to vector<16xi32>
      %swap3A_924 = arith.constant 64 : index
      %swap3A_925 = tpu.vector_load %arg15[%swap3A_924] {strides = array<i32>} : memref<80xi32, #tpu.memory_space<vmem>>, vector<16xi32>,
      %swap3A_926 = vector.shape_cast %swap3A_925 : vector<16xi32> to vector<16xi32>
      %swap3A_927 = vector.shape_cast %get3A_923 : vector<16xi32> to vector<16xi32>
      tpu.vector_store %arg15[%swap3A_924], %swap3A_927 {strides = array<i32>} : memref<80xi32, #tpu.memory_space<vmem>>, vector<16xi32>,
      %add3A_928 = arith.constant 4 : i32
      %add3A_929 = arith.addi %mul3A_518, %add3A_928 : i32
      %add3A_930 = arith.constant 3 : i32
      %add3A_931 = arith.addi %add3A_929, %add3A_930 : i32
      %dma_start3A_932 = arith.constant 0 : i32
      %dma_start3A_933 = arith.constant 0 : i32
      %dma_start3A_934 = tpu.memref_slice %arg4[%dma_start3A_932, %dma_start3A_933] : memref<10240x16xf32, #tpu.memory_space<hbm>> -> memref<10240x16xf32, #tpu.memory_space<hbm>>
      tpu.enqueue_indirect_dma source(%dma_start3A_934 : memref<10240x16xf32, #tpu.memory_space<hbm>>) target(%arg19 : memref<80x16xf32, #tpu.memory_space<vmem>>) offsets(%arg11 : memref<80xi32, #tpu.memory_space<vmem>>) semaphore(%arg25 : memref<!tpu.dma_semaphore, #tpu.memory_space<semaphore_mem>>)
    }
    %scan3A_389 = arith.constant 30 : i32
    %dma_wait3A = arith.constant 0 : i32
    %dma_wait3A_390 = arith.constant 0 : i32
    %dma_wait3A_391 = tpu.memref_slice %arg4[%dma_wait3A, %dma_wait3A_390] : memref<10240x16xf32, #tpu.memory_space<hbm>> -> memref<10240x16xf32, #tpu.memory_space<hbm>>
    tpu.wait_indirect_dma semaphore(%arg22 : memref<!tpu.dma_semaphore, #tpu.memory_space<semaphore_mem>>) src(%dma_wait3A_391 : memref<10240x16xf32, #tpu.memory_space<hbm>>) dst(%arg16 : memref<80x16xf32, #tpu.memory_space<vmem>>)
    %dma_start3A_392 = arith.constant 0 : i32
    %dma_start3A_393 = arith.constant 0 : i32
    %dma_start3A_394 = tpu.memref_slice %arg21[%dma_start3A_392, %dma_start3A_393] : memref<10240x16xf32, #tpu.memory_space<vmem_shared>> -> memref<10240x16xf32, #tpu.memory_space<vmem_shared>>
    tpu.enqueue_indirect_dma source(%arg16 : memref<80x16xf32, #tpu.memory_space<vmem>>) target(%dma_start3A_394 : memref<10240x16xf32, #tpu.memory_space<vmem_shared>>) offsets(%arg12 : memref<80xi32, #tpu.memory_space<vmem>>) semaphore(%arg26 : memref<!tpu.dma_semaphore, #tpu.memory_space<semaphore_mem>>) {add = true}
    %dma_wait3A_395 = arith.constant 0 : i32
    %dma_wait3A_396 = arith.constant 0 : i32
    %dma_wait3A_397 = tpu.memref_slice %arg4[%dma_wait3A_395, %dma_wait3A_396] : memref<10240x16xf32, #tpu.memory_space<hbm>> -> memref<10240x16xf32, #tpu.memory_space<hbm>>
    tpu.wait_indirect_dma semaphore(%arg23 : memref<!tpu.dma_semaphore, #tpu.memory_space<semaphore_mem>>) src(%dma_wait3A_397 : memref<10240x16xf32, #tpu.memory_space<hbm>>) dst(%arg17 : memref<80x16xf32, #tpu.memory_space<vmem>>)
    %dma_start3A_398 = arith.constant 0 : i32
    %dma_start3A_399 = arith.constant 0 : i32
    %dma_start3A_400 = tpu.memref_slice %arg21[%dma_start3A_398, %dma_start3A_399] : memref<10240x16xf32, #tpu.memory_space<vmem_shared>> -> memref<10240x16xf32, #tpu.memory_space<vmem_shared>>
    tpu.enqueue_indirect_dma source(%arg17 : memref<80x16xf32, #tpu.memory_space<vmem>>) target(%dma_start3A_400 : memref<10240x16xf32, #tpu.memory_space<vmem_shared>>) offsets(%arg13 : memref<80xi32, #tpu.memory_space<vmem>>) semaphore(%arg27 : memref<!tpu.dma_semaphore, #tpu.memory_space<semaphore_mem>>) {add = true}
    %dma_wait3A_401 = arith.constant 0 : i32
    %dma_wait3A_402 = arith.constant 0 : i32
    %dma_wait3A_403 = tpu.memref_slice %arg4[%dma_wait3A_401, %dma_wait3A_402] : memref<10240x16xf32, #tpu.memory_space<hbm>> -> memref<10240x16xf32, #tpu.memory_space<hbm>>
    tpu.wait_indirect_dma semaphore(%arg24 : memref<!tpu.dma_semaphore, #tpu.memory_space<semaphore_mem>>) src(%dma_wait3A_403 : memref<10240x16xf32, #tpu.memory_space<hbm>>) dst(%arg18 : memref<80x16xf32, #tpu.memory_space<vmem>>)
    %dma_start3A_404 = arith.constant 0 : i32
    %dma_start3A_405 = arith.constant 0 : i32
    %dma_start3A_406 = tpu.memref_slice %arg21[%dma_start3A_404, %dma_start3A_405] : memref<10240x16xf32, #tpu.memory_space<vmem_shared>> -> memref<10240x16xf32, #tpu.memory_space<vmem_shared>>
    tpu.enqueue_indirect_dma source(%arg18 : memref<80x16xf32, #tpu.memory_space<vmem>>) target(%dma_start3A_406 : memref<10240x16xf32, #tpu.memory_space<vmem_shared>>) offsets(%arg14 : memref<80xi32, #tpu.memory_space<vmem>>) semaphore(%arg28 : memref<!tpu.dma_semaphore, #tpu.memory_space<semaphore_mem>>) {add = true}
    %dma_wait3A_407 = arith.constant 0 : i32
    %dma_wait3A_408 = arith.constant 0 : i32
    %dma_wait3A_409 = tpu.memref_slice %arg4[%dma_wait3A_407, %dma_wait3A_408] : memref<10240x16xf32, #tpu.memory_space<hbm>> -> memref<10240x16xf32, #tpu.memory_space<hbm>>
    tpu.wait_indirect_dma semaphore(%arg25 : memref<!tpu.dma_semaphore, #tpu.memory_space<semaphore_mem>>) src(%dma_wait3A_409 : memref<10240x16xf32, #tpu.memory_space<hbm>>) dst(%arg19 : memref<80x16xf32, #tpu.memory_space<vmem>>)
    %dma_start3A_410 = arith.constant 0 : i32
    %dma_start3A_411 = arith.constant 0 : i32
    %dma_start3A_412 = tpu.memref_slice %arg21[%dma_start3A_410, %dma_start3A_411] : memref<10240x16xf32, #tpu.memory_space<vmem_shared>> -> memref<10240x16xf32, #tpu.memory_space<vmem_shared>>
    tpu.enqueue_indirect_dma source(%arg19 : memref<80x16xf32, #tpu.memory_space<vmem>>) target(%dma_start3A_412 : memref<10240x16xf32, #tpu.memory_space<vmem_shared>>) offsets(%arg15 : memref<80xi32, #tpu.memory_space<vmem>>) semaphore(%arg29 : memref<!tpu.dma_semaphore, #tpu.memory_space<semaphore_mem>>) {add = true}
    %dma_wait3A_413 = arith.constant 0 : i32
    %dma_wait3A_414 = arith.constant 0 : i32
    %dma_wait3A_415 = tpu.memref_slice %arg21[%dma_wait3A_413, %dma_wait3A_414] : memref<10240x16xf32, #tpu.memory_space<vmem_shared>> -> memref<10240x16xf32, #tpu.memory_space<vmem_shared>>
    tpu.wait_indirect_dma semaphore(%arg26 : memref<!tpu.dma_semaphore, #tpu.memory_space<semaphore_mem>>) src(%arg16 : memref<80x16xf32, #tpu.memory_space<vmem>>) dst(%dma_wait3A_415 : memref<10240x16xf32, #tpu.memory_space<vmem_shared>>)
    %dma_wait3A_416 = arith.constant 0 : i32
    %dma_wait3A_417 = arith.constant 0 : i32
    %dma_wait3A_418 = tpu.memref_slice %arg21[%dma_wait3A_416, %dma_wait3A_417] : memref<10240x16xf32, #tpu.memory_space<vmem_shared>> -> memref<10240x16xf32, #tpu.memory_space<vmem_shared>>
    tpu.wait_indirect_dma semaphore(%arg27 : memref<!tpu.dma_semaphore, #tpu.memory_space<semaphore_mem>>) src(%arg17 : memref<80x16xf32, #tpu.memory_space<vmem>>) dst(%dma_wait3A_418 : memref<10240x16xf32, #tpu.memory_space<vmem_shared>>)
    %dma_wait3A_419 = arith.constant 0 : i32
    %dma_wait3A_420 = arith.constant 0 : i32
    %dma_wait3A_421 = tpu.memref_slice %arg21[%dma_wait3A_419, %dma_wait3A_420] : memref<10240x16xf32, #tpu.memory_space<vmem_shared>> -> memref<10240x16xf32, #tpu.memory_space<vmem_shared>>
    tpu.wait_indirect_dma semaphore(%arg28 : memref<!tpu.dma_semaphore, #tpu.memory_space<semaphore_mem>>) src(%arg18 : memref<80x16xf32, #tpu.memory_space<vmem>>) dst(%dma_wait3A_421 : memref<10240x16xf32, #tpu.memory_space<vmem_shared>>)
    %dma_wait3A_422 = arith.constant 0 : i32
    %dma_wait3A_423 = arith.constant 0 : i32
    %dma_wait3A_424 = tpu.memref_slice %arg21[%dma_wait3A_422, %dma_wait3A_423] : memref<10240x16xf32, #tpu.memory_space<vmem_shared>> -> memref<10240x16xf32, #tpu.memory_space<vmem_shared>>
    tpu.wait_indirect_dma semaphore(%arg29 : memref<!tpu.dma_semaphore, #tpu.memory_space<semaphore_mem>>) src(%arg19 : memref<80x16xf32, #tpu.memory_space<vmem>>) dst(%dma_wait3A_424 : memref<10240x16xf32, #tpu.memory_space<vmem_shared>>)
    %get3A_425 = arith.constant 124 : i32
    %get3A_426 = arith.index_cast %get3A_425 : i32 to index
    %get3A_427 = arith.constant 0 : index
    %get3A_428 = tpu.vector_load %arg6[%get3A_426, %get3A_427] {strides = array<i32>} : memref<125x80xi32, #tpu.memory_space<vmem>>, vector<1x16xi32>,
    %get3A_429 = vector.shape_cast %get3A_428 : vector<1x16xi32> to vector<16xi32>
    %swap3A_430 = arith.constant 0 : index
    %swap3A_431 = tpu.vector_load %arg8[%swap3A_430] {strides = array<i32>} : memref<80xi32, #tpu.memory_space<vmem>>, vector<16xi32>,
    %swap3A_432 = vector.shape_cast %swap3A_431 : vector<16xi32> to vector<16xi32>
    %swap3A_433 = vector.shape_cast %get3A_429 : vector<16xi32> to vector<16xi32>
    tpu.vector_store %arg8[%swap3A_430], %swap3A_433 {strides = array<i32>} : memref<80xi32, #tpu.memory_space<vmem>>, vector<16xi32>,
    %get3A_434 = arith.constant 124 : i32
    %get3A_435 = arith.index_cast %get3A_434 : i32 to index
    %get3A_436 = arith.constant 16 : index
    %get3A_437 = tpu.vector_load %arg6[%get3A_435, %get3A_436] {strides = array<i32>} : memref<125x80xi32, #tpu.memory_space<vmem>>, vector<1x16xi32>,
    %get3A_438 = vector.shape_cast %get3A_437 : vector<1x16xi32> to vector<16xi32>
    %swap3A_439 = arith.constant 16 : index
    %swap3A_440 = tpu.vector_load %arg8[%swap3A_439] {strides = array<i32>} : memref<80xi32, #tpu.memory_space<vmem>>, vector<16xi32>,
    %swap3A_441 = vector.shape_cast %swap3A_440 : vector<16xi32> to vector<16xi32>
    %swap3A_442 = vector.shape_cast %get3A_438 : vector<16xi32> to vector<16xi32>
    tpu.vector_store %arg8[%swap3A_439], %swap3A_442 {strides = array<i32>} : memref<80xi32, #tpu.memory_space<vmem>>, vector<16xi32>,
    %get3A_443 = arith.constant 124 : i32
    %get3A_444 = arith.index_cast %get3A_443 : i32 to index
    %get3A_445 = arith.constant 32 : index
    %get3A_446 = tpu.vector_load %arg6[%get3A_444, %get3A_445] {strides = array<i32>} : memref<125x80xi32, #tpu.memory_space<vmem>>, vector<1x16xi32>,
    %get3A_447 = vector.shape_cast %get3A_446 : vector<1x16xi32> to vector<16xi32>
    %swap3A_448 = arith.constant 32 : index
    %swap3A_449 = tpu.vector_load %arg8[%swap3A_448] {strides = array<i32>} : memref<80xi32, #tpu.memory_space<vmem>>, vector<16xi32>,
    %swap3A_450 = vector.shape_cast %swap3A_449 : vector<16xi32> to vector<16xi32>
    %swap3A_451 = vector.shape_cast %get3A_447 : vector<16xi32> to vector<16xi32>
    tpu.vector_store %arg8[%swap3A_448], %swap3A_451 {strides = array<i32>} : memref<80xi32, #tpu.memory_space<vmem>>, vector<16xi32>,
    %get3A_452 = arith.constant 124 : i32
    %get3A_453 = arith.index_cast %get3A_452 : i32 to index
    %get3A_454 = arith.constant 48 : index
    %get3A_455 = tpu.vector_load %arg6[%get3A_453, %get3A_454] {strides = array<i32>} : memref<125x80xi32, #tpu.memory_space<vmem>>, vector<1x16xi32>,
    %get3A_456 = vector.shape_cast %get3A_455 : vector<1x16xi32> to vector<16xi32>
    %swap3A_457 = arith.constant 48 : index
    %swap3A_458 = tpu.vector_load %arg8[%swap3A_457] {strides = array<i32>} : memref<80xi32, #tpu.memory_space<vmem>>, vector<16xi32>,
    %swap3A_459 = vector.shape_cast %swap3A_458 : vector<16xi32> to vector<16xi32>
    %swap3A_460 = vector.shape_cast %get3A_456 : vector<16xi32> to vector<16xi32>
    tpu.vector_store %arg8[%swap3A_457], %swap3A_460 {strides = array<i32>} : memref<80xi32, #tpu.memory_space<vmem>>, vector<16xi32>,
    %get3A_461 = arith.constant 124 : i32
    %get3A_462 = arith.index_cast %get3A_461 : i32 to index
    %get3A_463 = arith.constant 64 : index
    %get3A_464 = tpu.vector_load %arg6[%get3A_462, %get3A_463] {strides = array<i32>} : memref<125x80xi32, #tpu.memory_space<vmem>>, vector<1x16xi32>,
    %get3A_465 = vector.shape_cast %get3A_464 : vector<1x16xi32> to vector<16xi32>
    %swap3A_466 = arith.constant 64 : index
    %swap3A_467 = tpu.vector_load %arg8[%swap3A_466] {strides = array<i32>} : memref<80xi32, #tpu.memory_space<vmem>>, vector<16xi32>,
    %swap3A_468 = vector.shape_cast %swap3A_467 : vector<16xi32> to vector<16xi32>
    %swap3A_469 = vector.shape_cast %get3A_465 : vector<16xi32> to vector<16xi32>
    tpu.vector_store %arg8[%swap3A_466], %swap3A_469 {strides = array<i32>} : memref<80xi32, #tpu.memory_space<vmem>>, vector<16xi32>,
    %get3A_470 = arith.constant 124 : i32
    %get3A_471 = arith.index_cast %get3A_470 : i32 to index
    %get3A_472 = arith.constant 0 : index
    %get3A_473 = tpu.vector_load %arg7[%get3A_471, %get3A_472] {strides = array<i32>} : memref<125x80xi32, #tpu.memory_space<vmem>>, vector<1x16xi32>,
    %get3A_474 = vector.shape_cast %get3A_473 : vector<1x16xi32> to vector<16xi32>
    %swap3A_475 = arith.constant 0 : index
    %swap3A_476 = tpu.vector_load %arg12[%swap3A_475] {strides = array<i32>} : memref<80xi32, #tpu.memory_space<vmem>>, vector<16xi32>,
    %swap3A_477 = vector.shape_cast %swap3A_476 : vector<16xi32> to vector<16xi32>
    %swap3A_478 = vector.shape_cast %get3A_474 : vector<16xi32> to vector<16xi32>
    tpu.vector_store %arg12[%swap3A_475], %swap3A_478 {strides = array<i32>} : memref<80xi32, #tpu.memory_space<vmem>>, vector<16xi32>,
    %get3A_479 = arith.constant 124 : i32
    %get3A_480 = arith.index_cast %get3A_479 : i32 to index
    %get3A_481 = arith.constant 16 : index
    %get3A_482 = tpu.vector_load %arg7[%get3A_480, %get3A_481] {strides = array<i32>} : memref<125x80xi32, #tpu.memory_space<vmem>>, vector<1x16xi32>,
    %get3A_483 = vector.shape_cast %get3A_482 : vector<1x16xi32> to vector<16xi32>
    %swap3A_484 = arith.constant 16 : index
    %swap3A_485 = tpu.vector_load %arg12[%swap3A_484] {strides = array<i32>} : memref<80xi32, #tpu.memory_space<vmem>>, vector<16xi32>,
    %swap3A_486 = vector.shape_cast %swap3A_485 : vector<16xi32> to vector<16xi32>
    %swap3A_487 = vector.shape_cast %get3A_483 : vector<16xi32> to vector<16xi32>
    tpu.vector_store %arg12[%swap3A_484], %swap3A_487 {strides = array<i32>} : memref<80xi32, #tpu.memory_space<vmem>>, vector<16xi32>,
    %get3A_488 = arith.constant 124 : i32
    %get3A_489 = arith.index_cast %get3A_488 : i32 to index
    %get3A_490 = arith.constant 32 : index
    %get3A_491 = tpu.vector_load %arg7[%get3A_489, %get3A_490] {strides = array<i32>} : memref<125x80xi32, #tpu.memory_space<vmem>>, vector<1x16xi32>,
    %get3A_492 = vector.shape_cast %get3A_491 : vector<1x16xi32> to vector<16xi32>
    %swap3A_493 = arith.constant 32 : index
    %swap3A_494 = tpu.vector_load %arg12[%swap3A_493] {strides = array<i32>} : memref<80xi32, #tpu.memory_space<vmem>>, vector<16xi32>,
    %swap3A_495 = vector.shape_cast %swap3A_494 : vector<16xi32> to vector<16xi32>
    %swap3A_496 = vector.shape_cast %get3A_492 : vector<16xi32> to vector<16xi32>
    tpu.vector_store %arg12[%swap3A_493], %swap3A_496 {strides = array<i32>} : memref<80xi32, #tpu.memory_space<vmem>>, vector<16xi32>,
    %get3A_497 = arith.constant 124 : i32
    %get3A_498 = arith.index_cast %get3A_497 : i32 to index
    %get3A_499 = arith.constant 48 : index
    %get3A_500 = tpu.vector_load %arg7[%get3A_498, %get3A_499] {strides = array<i32>} : memref<125x80xi32, #tpu.memory_space<vmem>>, vector<1x16xi32>,
    %get3A_501 = vector.shape_cast %get3A_500 : vector<1x16xi32> to vector<16xi32>
    %swap3A_502 = arith.constant 48 : index
    %swap3A_503 = tpu.vector_load %arg12[%swap3A_502] {strides = array<i32>} : memref<80xi32, #tpu.memory_space<vmem>>, vector<16xi32>,
    %swap3A_504 = vector.shape_cast %swap3A_503 : vector<16xi32> to vector<16xi32>
    %swap3A_505 = vector.shape_cast %get3A_501 : vector<16xi32> to vector<16xi32>
    tpu.vector_store %arg12[%swap3A_502], %swap3A_505 {strides = array<i32>} : memref<80xi32, #tpu.memory_space<vmem>>, vector<16xi32>,
    %get3A_506 = arith.constant 124 : i32
    %get3A_507 = arith.index_cast %get3A_506 : i32 to index
    %get3A_508 = arith.constant 64 : index
    %get3A_509 = tpu.vector_load %arg7[%get3A_507, %get3A_508] {strides = array<i32>} : memref<125x80xi32, #tpu.memory_space<vmem>>, vector<1x16xi32>,
    %get3A_510 = vector.shape_cast %get3A_509 : vector<1x16xi32> to vector<16xi32>
    %swap3A_511 = arith.constant 64 : index
    %swap3A_512 = tpu.vector_load %arg12[%swap3A_511] {strides = array<i32>} : memref<80xi32, #tpu.memory_space<vmem>>, vector<16xi32>,
    %swap3A_513 = vector.shape_cast %swap3A_512 : vector<16xi32> to vector<16xi32>
    %swap3A_514 = vector.shape_cast %get3A_510 : vector<16xi32> to vector<16xi32>
    tpu.vector_store %arg12[%swap3A_511], %swap3A_514 {strides = array<i32>} : memref<80xi32, #tpu.memory_space<vmem>>, vector<16xi32>,
    "tpu.region"() ({
      %run_scoped3A = tpu.sem_alloc : memref<!tpu.dma_semaphore, #tpu.memory_space<semaphore_mem>>
      %dma_start3A_516 = arith.constant 0 : i32
      %dma_start3A_517 = arith.constant 0 : i32
      %dma_start3A_518 = tpu.memref_slice %arg4[%dma_start3A_516, %dma_start3A_517] : memref<10240x16xf32, #tpu.memory_space<hbm>> -> memref<10240x16xf32, #tpu.memory_space<hbm>>
      tpu.enqueue_indirect_dma source(%dma_start3A_518 : memref<10240x16xf32, #tpu.memory_space<hbm>>) target(%arg16 : memref<80x16xf32, #tpu.memory_space<vmem>>) offsets(%arg8 : memref<80xi32, #tpu.memory_space<vmem>>) semaphore(%run_scoped3A : memref<!tpu.dma_semaphore, #tpu.memory_space<semaphore_mem>>)
      %dma_wait3A_519 = arith.constant 0 : i32
      %dma_wait3A_520 = arith.constant 0 : i32
      %dma_wait3A_521 = tpu.memref_slice %arg4[%dma_wait3A_519, %dma_wait3A_520] : memref<10240x16xf32, #tpu.memory_space<hbm>> -> memref<10240x16xf32, #tpu.memory_space<hbm>>
      tpu.wait_indirect_dma semaphore(%run_scoped3A : memref<!tpu.dma_semaphore, #tpu.memory_space<semaphore_mem>>) src(%dma_wait3A_521 : memref<10240x16xf32, #tpu.memory_space<hbm>>) dst(%arg16 : memref<80x16xf32, #tpu.memory_space<vmem>>)
      tpu.yield
    }) : () -> ()
    "tpu.region"() ({
      %run_scoped3A = tpu.sem_alloc : memref<!tpu.dma_semaphore, #tpu.memory_space<semaphore_mem>>
      %dma_start3A_516 = arith.constant 0 : i32
      %dma_start3A_517 = arith.constant 0 : i32
      %dma_start3A_518 = tpu.memref_slice %arg21[%dma_start3A_516, %dma_start3A_517] : memref<10240x16xf32, #tpu.memory_space<vmem_shared>> -> memref<10240x16xf32, #tpu.memory_space<vmem_shared>>
      tpu.enqueue_indirect_dma source(%arg16 : memref<80x16xf32, #tpu.memory_space<vmem>>) target(%dma_start3A_518 : memref<10240x16xf32, #tpu.memory_space<vmem_shared>>) offsets(%arg12 : memref<80xi32, #tpu.memory_space<vmem>>) semaphore(%run_scoped3A : memref<!tpu.dma_semaphore, #tpu.memory_space<semaphore_mem>>) {add = true}
      %dma_wait3A_519 = arith.constant 0 : i32
      %dma_wait3A_520 = arith.constant 0 : i32
      %dma_wait3A_521 = tpu.memref_slice %arg21[%dma_wait3A_519, %dma_wait3A_520] : memref<10240x16xf32, #tpu.memory_space<vmem_shared>> -> memref<10240x16xf32, #tpu.memory_space<vmem_shared>>
      tpu.wait_indirect_dma semaphore(%run_scoped3A : memref<!tpu.dma_semaphore, #tpu.memory_space<semaphore_mem>>) src(%arg16 : memref<80x16xf32, #tpu.memory_space<vmem>>) dst(%dma_wait3A_521 : memref<10240x16xf32, #tpu.memory_space<vmem_shared>>)
      tpu.yield
    }) : () -> ()
    %barrier3A_515 = arith.constant 0 : index
    tpu.barrier barrier_id(%barrier3A_515)
    "tpu.region"() ({
      %run_scoped3A = tpu.sem_alloc : memref<!tpu.dma_semaphore, #tpu.memory_space<semaphore_mem>>
      %dma_start3A_516 = arith.constant 0 : i32
      %dma_start3A_517 = tpu.memref_slice %arg5[%arg0, %mul3A_2, %dma_start3A_516] : memref<2x10240x16xf32, #tpu.memory_space<hbm>> -> memref<1x640x16xf32, #tpu.memory_space<hbm>>
      %dma_start3A_518 = tpu.memref_squeeze %dma_start3A_517 : memref<1x640x16xf32, #tpu.memory_space<hbm>> -> memref<640x16xf32, #tpu.memory_space<hbm>>
      %dma_start3A_519 = arith.constant 0 : i32
      %dma_start3A_520 = tpu.memref_slice %arg21[%mul3A_2, %dma_start3A_519] : memref<10240x16xf32, #tpu.memory_space<vmem_shared>> -> memref<640x16xf32, #tpu.memory_space<vmem_shared>>
      tpu.enqueue_dma source(%dma_start3A_520 : memref<640x16xf32, #tpu.memory_space<vmem_shared>>) target(%dma_start3A_518 : memref<640x16xf32, #tpu.memory_space<hbm>>) target_semaphore(%run_scoped3A : memref<!tpu.dma_semaphore, #tpu.memory_space<semaphore_mem>>)
      %dma_wait3A_521 = arith.constant 0 : i32
      %dma_wait3A_522 = tpu.memref_slice %arg5[%arg0, %mul3A_2, %dma_wait3A_521] : memref<2x10240x16xf32, #tpu.memory_space<hbm>> -> memref<1x640x16xf32, #tpu.memory_space<hbm>>
      %dma_wait3A_523 = tpu.memref_squeeze %dma_wait3A_522 : memref<1x640x16xf32, #tpu.memory_space<hbm>> -> memref<640x16xf32, #tpu.memory_space<hbm>>
      %dma_wait3A_524 = arith.constant 0 : i32
      %dma_wait3A_525 = tpu.memref_slice %arg21[%mul3A_2, %dma_wait3A_524] : memref<10240x16xf32, #tpu.memory_space<vmem_shared>> -> memref<640x16xf32, #tpu.memory_space<vmem_shared>>
      tpu.wait_dma2 semaphore(%run_scoped3A : memref<!tpu.dma_semaphore, #tpu.memory_space<semaphore_mem>>) src(%dma_wait3A_525 : memref<640x16xf32, #tpu.memory_space<vmem_shared>>) dst(%dma_wait3A_523 : memref<640x16xf32, #tpu.memory_space<hbm>>)
      tpu.yield
    }) : () -> ()
    return
  }
}

module attributes {stable_mosaic.version = 14 : i64} {
  func.func @_u1_body(%arg0: i32, %arg1: memref<1024x128xf32, #tpu.memory_space<vmem>>, %arg2: memref<128x128xf32, #tpu.memory_space<vmem>>, %arg3: memref<1024x1xf32, #tpu.memory_space<vmem>>, %arg4: memref<1024x1xf32, #tpu.memory_space<vmem>>, %arg5: memref<2x1024x64xf32, #tpu.memory_space<vmem>>, %arg6: memref<1024x1xf32, #tpu.memory_space<vmem>>) attributes {dimension_semantics = [#tpu.dimension_semantics<arbitrary>], iteration_bounds = array<i64: 10>, scalar_prefetch = 0 : i64, scratch_operands = 0 : i64, tpu.core_type = #tpu.core_type<tc>, window_params = [{transform_indices = @transform_0, window_bounds = array<i64: 1024, 128>}, {pipeline_mode = #tpu.pipeline_mode<synchronous>, transform_indices = @transform_1, window_bounds = array<i64: 128, 128>}, {transform_indices = @transform_2, window_bounds = array<i64: 1024, 1>}, {transform_indices = @transform_3, window_bounds = array<i64: 1024, 1>}, {transform_indices = @transform_4, window_bounds = array<i64: 2, 1024, 64>}, {transform_indices = @transform_5, window_bounds = array<i64: 1024, 1>}]} {
    %get3A = arith.constant 0 : index
    %get3A_0 = arith.constant 0 : index
    %get3A_1 = vector.load %arg3[%get3A, %get3A_0] : memref<1024x1xf32, #tpu.memory_space<vmem>>, vector<1024x1xf32>
    %get3A_2 = arith.constant 0 : index
    %get3A_3 = arith.constant 0 : index
    %get3A_4 = vector.load %arg4[%get3A_2, %get3A_3] : memref<1024x1xf32, #tpu.memory_space<vmem>>, vector<1024x1xf32>
    %add3A = arith.addf %get3A_1, %get3A_4 : vector<1024x1xf32>
    %add3A_5 = arith.constant 1.000000e+00 : f32
    %add3A_6 = vector.broadcast %add3A_5 : f32 to vector<1024x1xf32>
    %add3A_7 = arith.addf %add3A, %add3A_6 : vector<1024x1xf32>
    %rsqrt3A = math.rsqrt %add3A_7 : vector<1024x1xf32>
    %get3A_8 = arith.constant 0 : index
    %get3A_9 = arith.constant 0 : index
    %get3A_10 = vector.load %arg1[%get3A_8, %get3A_9] : memref<1024x128xf32, #tpu.memory_space<vmem>>, vector<1024x128xf32>
    %get3A_11 = arith.constant 0 : index
    %get3A_12 = arith.constant 0 : index
    %get3A_13 = vector.load %arg2[%get3A_11, %get3A_12] : memref<128x128xf32, #tpu.memory_space<vmem>>, vector<128x128xf32>
    %dot_general3A = arith.constant dense<0.000000e+00> : vector<1024x128xf32>
    %dot_general3A_14 = tpu.matmul %get3A_10, %get3A_13, %dot_general3A {dimension_numbers = #tpu.dot_dimension_numbers<[1], [0], [0], [1], [0, 0, 1, 1], [], []>, transpose_lhs_hint = false} : vector<1024x128xf32>, vector<128x128xf32>, vector<1024x128xf32> -> vector<1024x128xf32>
    %mul3A = vector.broadcast %rsqrt3A : vector<1024x1xf32> to vector<1024x128xf32>
    %mul3A_15 = arith.mulf %dot_general3A_14, %mul3A : vector<1024x128xf32>
    %slice3A = vector.extract_strided_slice %mul3A_15 {offsets = [0, 0], sizes = [1024, 64], strides = [1, 1]} : vector<1024x128xf32> to vector<1024x64xf32>
    %swap3A = arith.constant 0 : index
    %swap3A_16 = arith.constant 0 : index
    %swap3A_17 = arith.constant 0 : index
    %swap3A_18 = vector.load %arg5[%swap3A, %swap3A_16, %swap3A_17] : memref<2x1024x64xf32, #tpu.memory_space<vmem>>, vector<1x1024x64xf32>
    %swap3A_19 = vector.shape_cast %swap3A_18 : vector<1x1024x64xf32> to vector<1024x64xf32>
    %swap3A_20 = vector.shape_cast %slice3A : vector<1024x64xf32> to vector<1x1024x64xf32>
    tpu.vector_store %arg5[%swap3A, %swap3A_16, %swap3A_17], %swap3A_20 {strides = array<i32>} : memref<2x1024x64xf32, #tpu.memory_space<vmem>>, vector<1x1024x64xf32>,
    %slice3A_21 = vector.extract_strided_slice %mul3A_15 {offsets = [0, 64], sizes = [1024, 64], strides = [1, 1]} : vector<1024x128xf32> to vector<1024x64xf32>
    %swap3A_22 = arith.constant 1 : index
    %swap3A_23 = arith.constant 0 : index
    %swap3A_24 = arith.constant 0 : index
    %swap3A_25 = vector.load %arg5[%swap3A_22, %swap3A_23, %swap3A_24] : memref<2x1024x64xf32, #tpu.memory_space<vmem>>, vector<1x1024x64xf32>
    %swap3A_26 = vector.shape_cast %swap3A_25 : vector<1x1024x64xf32> to vector<1024x64xf32>
    %swap3A_27 = vector.shape_cast %slice3A_21 : vector<1024x64xf32> to vector<1x1024x64xf32>
    tpu.vector_store %arg5[%swap3A_22, %swap3A_23, %swap3A_24], %swap3A_27 {strides = array<i32>} : memref<2x1024x64xf32, #tpu.memory_space<vmem>>, vector<1x1024x64xf32>,
    %swap3A_28 = arith.constant 0 : index
    %swap3A_29 = arith.constant 0 : index
    %swap3A_30 = vector.load %arg6[%swap3A_28, %swap3A_29] : memref<1024x1xf32, #tpu.memory_space<vmem>>, vector<1024x1xf32>
    tpu.vector_store %arg6[%swap3A_28, %swap3A_29], %rsqrt3A {strides = array<i32>} : memref<1024x1xf32, #tpu.memory_space<vmem>>, vector<1024x1xf32>,
    return
  }
  func.func @transform_0(%arg0: i32) -> (i32, i32) {
    %c0_i32 = arith.constant 0 : i32
    %c0_i32_0 = arith.constant 0 : i32
    return %arg0, %c0_i32 : i32, i32
  }
  func.func @transform_1(%arg0: i32) -> (i32, i32) {
    %c0_i32 = arith.constant 0 : i32
    %c0_i32_0 = arith.constant 0 : i32
    %c0_i32_1 = arith.constant 0 : i32
    return %c0_i32, %c0_i32_0 : i32, i32
  }
  func.func @transform_2(%arg0: i32) -> (i32, i32) {
    %c0_i32 = arith.constant 0 : i32
    %c0_i32_0 = arith.constant 0 : i32
    return %arg0, %c0_i32 : i32, i32
  }
  func.func @transform_3(%arg0: i32) -> (i32, i32) {
    %c0_i32 = arith.constant 0 : i32
    %c0_i32_0 = arith.constant 0 : i32
    return %arg0, %c0_i32 : i32, i32
  }
  func.func @transform_4(%arg0: i32) -> (i32, i32, i32) {
    %c0_i32 = arith.constant 0 : i32
    %c0_i32_0 = arith.constant 0 : i32
    %c0_i32_1 = arith.constant 0 : i32
    return %c0_i32, %arg0, %c0_i32_0 : i32, i32, i32
  }
  func.func @transform_5(%arg0: i32) -> (i32, i32) {
    %c0_i32 = arith.constant 0 : i32
    %c0_i32_0 = arith.constant 0 : i32
    return %arg0, %c0_i32 : i32, i32
  }
}

module attributes {stable_mosaic.version = 14 : i64} {
  func.func @_mid_body(%arg0: i32, %arg1: memref<2x1024x64xf32, #tpu.memory_space<vmem>>, %arg2: memref<2x1024x64xf32, #tpu.memory_space<vmem>>, %arg3: memref<1024x1xf32, #tpu.memory_space<vmem>>, %arg4: memref<1x128xf32, #tpu.memory_space<vmem>>, %arg5: memref<128x16xf32, #tpu.memory_space<vmem>>, %arg6: memref<1024x16xf32, #tpu.memory_space<vmem>>) attributes {dimension_semantics = [#tpu.dimension_semantics<arbitrary>], iteration_bounds = array<i64: 10>, scalar_prefetch = 0 : i64, scratch_operands = 0 : i64, tpu.core_type = #tpu.core_type<tc>, window_params = [{transform_indices = @transform_0, window_bounds = array<i64: 2, 1024, 64>}, {transform_indices = @transform_1, window_bounds = array<i64: 2, 1024, 64>}, {transform_indices = @transform_2, window_bounds = array<i64: 1024, 1>}, {pipeline_mode = #tpu.pipeline_mode<synchronous>, transform_indices = @transform_3, window_bounds = array<i64: 1, 128>}, {pipeline_mode = #tpu.pipeline_mode<synchronous>, transform_indices = @transform_4, window_bounds = array<i64: 128, 16>}, {transform_indices = @transform_5, window_bounds = array<i64: 1024, 16>}]} {
    %get3A = arith.constant 0 : index
    %get3A_0 = arith.constant 0 : index
    %get3A_1 = vector.load %arg3[%get3A, %get3A_0] : memref<1024x1xf32, #tpu.memory_space<vmem>>, vector<1024x1xf32>
    %get3A_2 = arith.constant 0 : index
    %get3A_3 = arith.constant 0 : index
    %get3A_4 = arith.constant 0 : index
    %get3A_5 = vector.load %arg1[%get3A_2, %get3A_3, %get3A_4] : memref<2x1024x64xf32, #tpu.memory_space<vmem>>, vector<1x1024x64xf32>
    %get3A_6 = vector.shape_cast %get3A_5 : vector<1x1024x64xf32> to vector<1024x64xf32>
    %get3A_7 = arith.constant 0 : index
    %get3A_8 = arith.constant 0 : index
    %get3A_9 = arith.constant 0 : index
    %get3A_10 = vector.load %arg2[%get3A_7, %get3A_8, %get3A_9] : memref<2x1024x64xf32, #tpu.memory_space<vmem>>, vector<1x1024x64xf32>
    %get3A_11 = vector.shape_cast %get3A_10 : vector<1x1024x64xf32> to vector<1024x64xf32>
    %add3A = arith.addf %get3A_6, %get3A_11 : vector<1024x64xf32>
    %mul3A = vector.broadcast %get3A_1 : vector<1024x1xf32> to vector<1024x64xf32>
    %mul3A_12 = arith.mulf %add3A, %mul3A : vector<1024x64xf32>
    %get3A_13 = arith.constant 0 : index
    %get3A_14 = arith.constant 0 : index
    %get3A_15 = vector.load %arg4[%get3A_13, %get3A_14] : memref<1x128xf32, #tpu.memory_space<vmem>>, vector<1x64xf32>
    %add3A_16 = vector.broadcast %get3A_15 : vector<1x64xf32> to vector<1024x64xf32>
    %add3A_17 = arith.addf %mul3A_12, %add3A_16 : vector<1024x64xf32>
    %max3A = arith.constant 0.000000e+00 : f32
    %max3A_18 = vector.broadcast %max3A : f32 to vector<1024x64xf32>
    %max3A_19 = arith.maximumf %add3A_17, %max3A_18 : vector<1024x64xf32>
    %get3A_20 = arith.constant 1 : index
    %get3A_21 = arith.constant 0 : index
    %get3A_22 = arith.constant 0 : index
    %get3A_23 = vector.load %arg1[%get3A_20, %get3A_21, %get3A_22] : memref<2x1024x64xf32, #tpu.memory_space<vmem>>, vector<1x1024x64xf32>
    %get3A_24 = vector.shape_cast %get3A_23 : vector<1x1024x64xf32> to vector<1024x64xf32>
    %get3A_25 = arith.constant 1 : index
    %get3A_26 = arith.constant 0 : index
    %get3A_27 = arith.constant 0 : index
    %get3A_28 = vector.load %arg2[%get3A_25, %get3A_26, %get3A_27] : memref<2x1024x64xf32, #tpu.memory_space<vmem>>, vector<1x1024x64xf32>
    %get3A_29 = vector.shape_cast %get3A_28 : vector<1x1024x64xf32> to vector<1024x64xf32>
    %add3A_30 = arith.addf %get3A_24, %get3A_29 : vector<1024x64xf32>
    %mul3A_31 = vector.broadcast %get3A_1 : vector<1024x1xf32> to vector<1024x64xf32>
    %mul3A_32 = arith.mulf %add3A_30, %mul3A_31 : vector<1024x64xf32>
    %get3A_33 = arith.constant 0 : index
    %get3A_34 = arith.constant 64 : index
    %get3A_35 = vector.load %arg4[%get3A_33, %get3A_34] : memref<1x128xf32, #tpu.memory_space<vmem>>, vector<1x64xf32>
    %add3A_36 = vector.broadcast %get3A_35 : vector<1x64xf32> to vector<1024x64xf32>
    %add3A_37 = arith.addf %mul3A_32, %add3A_36 : vector<1024x64xf32>
    %max3A_38 = arith.constant 0.000000e+00 : f32
    %max3A_39 = vector.broadcast %max3A_38 : f32 to vector<1024x64xf32>
    %max3A_40 = arith.maximumf %add3A_37, %max3A_39 : vector<1024x64xf32>
    %get3A_41 = arith.constant 0 : index
    %get3A_42 = arith.constant 0 : index
    %get3A_43 = vector.load %arg5[%get3A_41, %get3A_42] : memref<128x16xf32, #tpu.memory_space<vmem>>, vector<64x16xf32>
    %dot_general3A = arith.constant dense<0.000000e+00> : vector<1024x16xf32>
    %dot_general3A_44 = tpu.matmul %max3A_19, %get3A_43, %dot_general3A {dimension_numbers = #tpu.dot_dimension_numbers<[1], [0], [0], [1], [0, 0, 1, 1], [], []>, transpose_lhs_hint = false} : vector<1024x64xf32>, vector<64x16xf32>, vector<1024x16xf32> -> vector<1024x16xf32>
    %get3A_45 = arith.constant 64 : index
    %get3A_46 = arith.constant 0 : index
    %get3A_47 = vector.load %arg5[%get3A_45, %get3A_46] : memref<128x16xf32, #tpu.memory_space<vmem>>, vector<64x16xf32>
    %dot_general3A_48 = arith.constant dense<0.000000e+00> : vector<1024x16xf32>
    %dot_general3A_49 = tpu.matmul %max3A_40, %get3A_47, %dot_general3A_48 {dimension_numbers = #tpu.dot_dimension_numbers<[1], [0], [0], [1], [0, 0, 1, 1], [], []>, transpose_lhs_hint = false} : vector<1024x64xf32>, vector<64x16xf32>, vector<1024x16xf32> -> vector<1024x16xf32>
    %add3A_50 = arith.addf %dot_general3A_44, %dot_general3A_49 : vector<1024x16xf32>
    %mul3A_51 = vector.broadcast %get3A_1 : vector<1024x1xf32> to vector<1024x16xf32>
    %mul3A_52 = arith.mulf %add3A_50, %mul3A_51 : vector<1024x16xf32>
    %swap3A = arith.constant 0 : index
    %swap3A_53 = arith.constant 0 : index
    %swap3A_54 = vector.load %arg6[%swap3A, %swap3A_53] : memref<1024x16xf32, #tpu.memory_space<vmem>>, vector<1024x16xf32>
    tpu.vector_store %arg6[%swap3A, %swap3A_53], %mul3A_52 {strides = array<i32>} : memref<1024x16xf32, #tpu.memory_space<vmem>>, vector<1024x16xf32>,
    return
  }
  func.func @transform_0(%arg0: i32) -> (i32, i32, i32) {
    %c0_i32 = arith.constant 0 : i32
    %c0_i32_0 = arith.constant 0 : i32
    %c0_i32_1 = arith.constant 0 : i32
    return %c0_i32, %arg0, %c0_i32_0 : i32, i32, i32
  }
  func.func @transform_1(%arg0: i32) -> (i32, i32, i32) {
    %c0_i32 = arith.constant 0 : i32
    %c0_i32_0 = arith.constant 0 : i32
    %c0_i32_1 = arith.constant 0 : i32
    return %c0_i32, %arg0, %c0_i32_0 : i32, i32, i32
  }
  func.func @transform_2(%arg0: i32) -> (i32, i32) {
    %c0_i32 = arith.constant 0 : i32
    %c0_i32_0 = arith.constant 0 : i32
    return %arg0, %c0_i32 : i32, i32
  }
  func.func @transform_3(%arg0: i32) -> (i32, i32) {
    %c0_i32 = arith.constant 0 : i32
    %c0_i32_0 = arith.constant 0 : i32
    %c0_i32_1 = arith.constant 0 : i32
    return %c0_i32, %c0_i32_0 : i32, i32
  }
  func.func @transform_4(%arg0: i32) -> (i32, i32) {
    %c0_i32 = arith.constant 0 : i32
    %c0_i32_0 = arith.constant 0 : i32
    %c0_i32_1 = arith.constant 0 : i32
    return %c0_i32, %c0_i32_0 : i32, i32
  }
  func.func @transform_5(%arg0: i32) -> (i32, i32) {
    %c0_i32 = arith.constant 0 : i32
    %c0_i32_0 = arith.constant 0 : i32
    return %arg0, %c0_i32 : i32, i32
  }
}

module attributes {stable_mosaic.version = 14 : i64} {
  func.func @_out_body(%arg0: i32, %arg1: memref<2x1024x16xf32, #tpu.memory_space<vmem>>, %arg2: memref<1024x16xf32, #tpu.memory_space<vmem>>, %arg3: memref<1024x1xf32, #tpu.memory_space<vmem>>, %arg4: memref<1x16xf32, #tpu.memory_space<vmem>>, %arg5: memref<1024x16xf32, #tpu.memory_space<vmem>>) attributes {dimension_semantics = [#tpu.dimension_semantics<arbitrary>], iteration_bounds = array<i64: 10>, scalar_prefetch = 0 : i64, scratch_operands = 0 : i64, tpu.core_type = #tpu.core_type<tc>, window_params = [{transform_indices = @transform_0, window_bounds = array<i64: 2, 1024, 16>}, {transform_indices = @transform_1, window_bounds = array<i64: 1024, 16>}, {transform_indices = @transform_2, window_bounds = array<i64: 1024, 1>}, {pipeline_mode = #tpu.pipeline_mode<synchronous>, transform_indices = @transform_3, window_bounds = array<i64: 1, 16>}, {transform_indices = @transform_4, window_bounds = array<i64: 1024, 16>}]} {
    %get3A = arith.constant 0 : index
    %get3A_0 = arith.constant 0 : index
    %get3A_1 = arith.constant 0 : index
    %get3A_2 = vector.load %arg1[%get3A, %get3A_0, %get3A_1] : memref<2x1024x16xf32, #tpu.memory_space<vmem>>, vector<1x1024x16xf32>
    %get3A_3 = vector.shape_cast %get3A_2 : vector<1x1024x16xf32> to vector<1024x16xf32>
    %get3A_4 = arith.constant 1 : index
    %get3A_5 = arith.constant 0 : index
    %get3A_6 = arith.constant 0 : index
    %get3A_7 = vector.load %arg1[%get3A_4, %get3A_5, %get3A_6] : memref<2x1024x16xf32, #tpu.memory_space<vmem>>, vector<1x1024x16xf32>
    %get3A_8 = vector.shape_cast %get3A_7 : vector<1x1024x16xf32> to vector<1024x16xf32>
    %add3A = arith.addf %get3A_3, %get3A_8 : vector<1024x16xf32>
    %get3A_9 = arith.constant 0 : index
    %get3A_10 = arith.constant 0 : index
    %get3A_11 = vector.load %arg2[%get3A_9, %get3A_10] : memref<1024x16xf32, #tpu.memory_space<vmem>>, vector<1024x16xf32>
    %add3A_12 = arith.addf %add3A, %get3A_11 : vector<1024x16xf32>
    %get3A_13 = arith.constant 0 : index
    %get3A_14 = arith.constant 0 : index
    %get3A_15 = vector.load %arg3[%get3A_13, %get3A_14] : memref<1024x1xf32, #tpu.memory_space<vmem>>, vector<1024x1xf32>
    %mul3A = vector.broadcast %get3A_15 : vector<1024x1xf32> to vector<1024x16xf32>
    %mul3A_16 = arith.mulf %add3A_12, %mul3A : vector<1024x16xf32>
    %get3A_17 = arith.constant 0 : index
    %get3A_18 = arith.constant 0 : index
    %get3A_19 = vector.load %arg4[%get3A_17, %get3A_18] : memref<1x16xf32, #tpu.memory_space<vmem>>, vector<1x16xf32>
    %add3A_20 = vector.broadcast %get3A_19 : vector<1x16xf32> to vector<1024x16xf32>
    %add3A_21 = arith.addf %mul3A_16, %add3A_20 : vector<1024x16xf32>
    %reduce_max3A = arith.constant dense<0xFF800000> : vector<1024xf32>
    %reduce_max3A_22 = vector.multi_reduction <maximumf>, %add3A_21, %reduce_max3A [1] : vector<1024x16xf32> to vector<1024xf32>
    %broadcast_in_dim3A = vector.shape_cast %reduce_max3A_22 : vector<1024xf32> to vector<1024x1xf32>
    %sub3A = vector.broadcast %broadcast_in_dim3A : vector<1024x1xf32> to vector<1024x16xf32>
    %sub3A_23 = arith.subf %add3A_21, %sub3A : vector<1024x16xf32>
    %exp3A = math.exp %sub3A_23 : vector<1024x16xf32>
    %reduce_sum3A = arith.constant dense<0.000000e+00> : vector<1024xf32>
    %reduce_sum3A_24 = vector.multi_reduction <add>, %exp3A, %reduce_sum3A [1] : vector<1024x16xf32> to vector<1024xf32>
    %broadcast_in_dim3A_25 = vector.shape_cast %reduce_sum3A_24 : vector<1024xf32> to vector<1024x1xf32>
    %log3A = math.log %broadcast_in_dim3A_25 : vector<1024x1xf32>
    %add3A_26 = arith.addf %log3A, %broadcast_in_dim3A : vector<1024x1xf32>
    %sub3A_27 = vector.broadcast %add3A_26 : vector<1024x1xf32> to vector<1024x16xf32>
    %sub3A_28 = arith.subf %add3A_21, %sub3A_27 : vector<1024x16xf32>
    %swap3A = arith.constant 0 : index
    %swap3A_29 = arith.constant 0 : index
    %swap3A_30 = vector.load %arg5[%swap3A, %swap3A_29] : memref<1024x16xf32, #tpu.memory_space<vmem>>, vector<1024x16xf32>
    tpu.vector_store %arg5[%swap3A, %swap3A_29], %sub3A_28 {strides = array<i32>} : memref<1024x16xf32, #tpu.memory_space<vmem>>, vector<1024x16xf32>,
    return
  }
  func.func @transform_0(%arg0: i32) -> (i32, i32, i32) {
    %c0_i32 = arith.constant 0 : i32
    %c0_i32_0 = arith.constant 0 : i32
    %c0_i32_1 = arith.constant 0 : i32
    return %c0_i32, %arg0, %c0_i32_0 : i32, i32, i32
  }
  func.func @transform_1(%arg0: i32) -> (i32, i32) {
    %c0_i32 = arith.constant 0 : i32
    %c0_i32_0 = arith.constant 0 : i32
    return %arg0, %c0_i32 : i32, i32
  }
  func.func @transform_2(%arg0: i32) -> (i32, i32) {
    %c0_i32 = arith.constant 0 : i32
    %c0_i32_0 = arith.constant 0 : i32
    return %arg0, %c0_i32 : i32, i32
  }
  func.func @transform_3(%arg0: i32) -> (i32, i32) {
    %c0_i32 = arith.constant 0 : i32
    %c0_i32_0 = arith.constant 0 : i32
    %c0_i32_1 = arith.constant 0 : i32
    return %c0_i32, %c0_i32_0 : i32, i32
  }
  func.func @transform_4(%arg0: i32) -> (i32, i32) {
    %c0_i32 = arith.constant 0 : i32
    %c0_i32_0 = arith.constant 0 : i32
    return %arg0, %c0_i32 : i32, i32
  }
}

</mosaic_0001>

<sc_bundles>
// kernel: kernel.11.cloned.1.call-start
scs
__scs_entry_jumppad:
0x0: {  	(pc) =	sbr.rel $0x88, $3  }
0x1: {  	(tag) =	ssettag $0x0;
	lr =	simm.s32 $0x1  }
0x2: {  	[smem:$0x3F9B] =	sst lr;
	_ =	strace $0xD0000000  }
0x3: {  	_ = 	snop  }
0x4: {  	_ = 	snop  }
0x5: {  	_ = 	snop  }
0x6: {  	_ = 	snop  }
0x7: {  	_ = 	snop  }
__scs_overlays_trampoline_lowered:
0x8: {  	[smem:$0x3FAA] =	sst s0  }
0x9: {  	[smem:$0x3FAB] =	sst s1  }
0xa: {  	[smem:$0x3FAC] =	sst s2  }
0xb: {  	[smem:$0x3FAD] =	sst s3  }
0xc: {  	[smem:$0x3FAE] =	sst s4  }
0xd: {  	[smem:$0x3FAF] =	sst s5  }
0xe: {  	[smem:$0x3FB0] =	sst s6  }
0xf: {  	[smem:$0x3FB1] =	sst s7  }
0x10: {  	[smem:$0x3FB2] =	sst s8  }
0x11: {  	[smem:$0x3FB3] =	sst s9;
	s0 =	simm.s32 @!p0 $0x0  }
0x12: {  	s1 =	sld [smem:$0x3F99];
	s0 =	simm.s32 @p0 $0x1  }
0x13: {  	[smem:$0x3FB4] =	sst s0;
	s0 =	simm.s32 @!p1 $0x0  }
0x14: {  	s2 =	sld [smem:$0x3F98];
	s0 =	simm.s32 @p1 $0x1  }
0x15: {  	[smem:$0x3FB5] =	sst s0;
	s0 =	simm.s32 @!p2 $0x0  }
0x16: {  	s3 =	sld [smem:$0x3FDB];
	s0 =	simm.s32 @p2 $0x1  }
0x17: {  	s4 =	simm.s32 $0x1BF5;
	[smem:$0x3FB7] =	sst s0  }
0x18: {  	s0 =	sld [smem:$0x3F9A];
	_ =	swait.ge [sflag:s4], $0x0  }
0x19: {  	s7 =	sld [smem:$0x3F9B]  }
0x1a: {  	s8 =	sadd.s32 $0xFFFFE003, lr  }
0x1b: {  	s9 =	sadd.s32 $0xFFFFFEF7, lr;
	s5 =	simm.s32 $0xFFFFFFFF;
	p2 =	slt.u32 s8, $0xFFFFF086  }
0x1c: {  	p1 =	slt.u32 s9, $0xF7A;
	s5 =	simm.s32 @!p2 $0x0  }
0x1d: {  	s5 =	simm.s32 @p1 $0x1;
	p0 =	seq.s32 s7, s2  }
0x1e: {  	s7 =	smul.u32 @!p0 $0xF7A, s2;
	p2 =	seq.s32 @!p0 s5, $0x0  }
0x1f: {  	s9 =	smul.u32 $0xF7A, s1;
	s8 =	simm.s32 @!p0 $0x1BF5;
	p2 =	por !p2, p0  }
0x20: {  	[sflag:s8] =	ssyncset.s32 @!p0 $0xFFFFF086;
	s6 =	sadd.s32 @!p0 s3, s7;
	s7 =	simm.s32 @!p0 $0x108  }
0x21: {  	s3 =	sadd.s32 s3, s9;
	s6 =	sadd.s32 @!p0 $0x88, s6;
	s7 =	simm.s32 @p2 $0x1082  }
0x22: {  	[simem:s7], [sflag:s8] =	dma.local @!p0 [hbm:s6], $0xF7A  }
0x23: {  	s9 =	sor.u32 $0xD0000000, s2;
	s6 =	simm.s32 $0x108;
	_ =	swait.ge @!p0 [sflag:s8], $0x0  }
0x24: {  	s3 =	sadd.s32 $0x88, s3;
	s6 =	simm.s32 @!p1 $0x1082;
	[sflag:s4] =	ssyncset.s32 $0xFFFFF086  }
0x25: {  	[simem:s6], [sflag:s4] =	dma.local [hbm:s3], $0xF7A  }
0x26: {  	[smem:$0x3F9B] =	sst s1;
	(tag) =	ssettag s2;
	_ =	strace s9  }
0x27: {  	s1 =	sld [smem:$0x3FAB]  }
0x28: {  	s2 =	sld [smem:$0x3FAC]  }
0x29: {  	s4 =	sld [smem:$0x3FAE]  }
0x2a: {  	p0 =	seq.s32 s5, $0x0;
	s5 =	sld [smem:$0x3FAF]  }
0x2b: {  	s6 =	sld [smem:$0x3FB0]  }
0x2c: {  	s7 =	sld [smem:$0x3FB1]  }
0x2d: {  	s3 =	simm.s32 $0x108;
	s8 =	sld [smem:$0x3FB2]  }
0x2e: {  	s3 =	simm.s32 @!p0 $0x1082;
	s9 =	sld [smem:$0x3FB3]  }
0x2f: {  	lr =	sadd.s32 s0, s3;
	s0 =	sld [smem:$0x3FAA]  }
0x30: {  	s3 =	sld [smem:$0x3FAD]  }
0x31: {  	[smem:$0x3FB6] =	sst s10  }
0x32: {  	s10 =	sld [smem:$0x3FB4];
	_ =	sdelay $0x3  }
0x33: {  	p0 =	seq.s32 s10, $0x1;
	s10 =	sld [smem:$0x3FB6];
	_ =	sdelay $0x3  }
0x34: {  	[smem:$0x3FB6] =	sst s10  }
0x35: {  	s10 =	sld [smem:$0x3FB5];
	_ =	sdelay $0x3  }
0x36: {  	p1 =	seq.s32 s10, $0x1;
	s10 =	sld [smem:$0x3FB6];
	_ =	sdelay $0x3  }
0x37: {  	[smem:$0x3FB6] =	sst s10  }
0x38: {  	s10 =	sld [smem:$0x3FB7]  }
0x39: {  	_ = 	snop;
	(pc) =	sbr.ind lr, $3  }
0x3a: {  	_ = 	snop  }
0x3b: {  	_ = 	snop  }
0x3c: {  	p2 =	seq.s32 s10, $0x1;
	s10 =	sld [smem:$0x3FB6]  }
0x3d: {  	_ =	shalt  }
0x3e: {  	_ =	shalt  }
0x3f: {  	_ =	shalt  }
0x40: {  	_ =	shalt  }
0x41: {  	_ =	shalt  }
0x42: {  	_ =	shalt  }
0x43: {  	_ =	shalt  }
0x44: {  	_ =	shalt  }
0x45: {  	_ =	shalt  }
0x46: {  	_ =	shalt  }
0x47: {  	_ =	shalt  }
0x48: {  	_ =	shalt  }
0x49: {  	_ =	shalt  }
0x4a: {  	_ =	shalt  }
0x4b: {  	_ =	shalt  }
0x4c: {  	_ =	shalt  }
0x4d: {  	_ =	shalt  }
0x4e: {  	_ =	shalt  }
0x4f: {  	_ =	shalt  }
0x50: {  	_ =	shalt  }
0x51: {  	_ =	shalt  }
0x52: {  	_ =	shalt  }
0x53: {  	_ =	shalt  }
0x54: {  	_ =	shalt  }
0x55: {  	_ =	shalt  }
0x56: {  	_ =	shalt  }
0x57: {  	_ =	shalt  }
0x58: {  	_ =	shalt  }
0x59: {  	_ =	shalt  }
0x5a: {  	_ =	shalt  }
0x5b: {  	_ =	shalt  }
0x5c: {  	_ =	shalt  }
0x5d: {  	_ =	shalt  }
0x5e: {  	_ =	shalt  }
0x5f: {  	_ =	shalt  }
0x60: {  	_ =	shalt  }
0x61: {  	_ =	shalt  }
0x62: {  	_ =	shalt  }
0x63: {  	_ =	shalt  }
0x64: {  	_ =	shalt  }
0x65: {  	_ =	shalt  }
0x66: {  	_ =	shalt  }
0x67: {  	_ =	shalt  }
0x68: {  	_ =	shalt  }
0x69: {  	_ =	shalt  }
0x6a: {  	_ =	shalt  }
0x6b: {  	_ =	shalt  }
0x6c: {  	_ =	shalt  }
0x6d: {  	_ =	shalt  }
0x6e: {  	_ =	shalt  }
0x6f: {  	_ =	shalt  }
0x70: {  	_ =	shalt  }
0x71: {  	_ =	shalt  }
0x72: {  	_ =	shalt  }
0x73: {  	_ =	shalt  }
0x74: {  	_ =	shalt  }
0x75: {  	_ =	shalt  }
0x76: {  	_ =	shalt  }
0x77: {  	_ =	shalt  }
0x78: {  	_ =	shalt  }
0x79: {  	_ =	shalt  }
0x7a: {  	_ =	shalt  }
0x7b: {  	_ =	shalt  }
0x7c: {  	_ =	shalt  }
0x7d: {  	_ =	shalt  }
0x7e: {  	_ =	shalt  }
0x7f: {  	_ =	shalt  }
0x80: {  	_ =	shalt  }
0x81: {  	_ =	shalt  }
0x82: {  	_ =	shalt  }
0x83: {  	_ =	shalt  }
0x84: {  	_ =	shalt  }
0x85: {  	_ =	shalt  }
0x86: {  	_ =	shalt  }
0x87: {  	_ =	shalt  }
.Lfunc_end0:
.L_simem_size_0:
called_computation.1_lowered:
.L_overlay_start_0:
0x88: {  	s2 =	sld [smem:$0x3FD9]  }
0x89: {  	s3 =	sld [smem:$0x3FFE];
	_ =	sdelay $0x1  }
0x8a: {  	s1 =	srdreg.scid  }
0x8b: {  	s0 =	sand.u32 $0x1, s1  }
0x8c: {  	s16 =	sshll.u32 s0, $0xA;
	s2 =	sadd.s32 s3, s2  }
0x8d: {  	s2 =	sadd.s32 s2, s16  }
0x8e: {  	[smem:$0x3FC2] =	sst s2  }
0x8f: {  	_ = 	snop  }
0x90: {  	(tm) =	ssettm $0x1  }
0x91: {  	s17 =	sld [smem:$0x3FFB];
	_ =	sdelay $0x3  }
0x92: {  	_ =	strace s17  }
0x93: {  	s2 =	sld [smem:$0x3FFC];
	_ =	sdelay $0x3  }
0x94: {  	_ =	strace s2  }
0x95: {  	s2 =	sld [smem:$0x3FFD];
	_ =	sdelay $0x3  }
0x96: {  	_ =	strace s2  }
0x97: {  	_ =	strace $0x8FFFFFFF  }
0x98: {  	s18 =	sld [smem:$0x3FDB];
	_ =	sdelay $0x1  }
0x99: {  	s19 =	simm.s32 $_scs_section_size  }
0x9a: {  	s4 =	simm.s32 $_size__tile_overlayer_lowered;
	s5 =	simm.s32 $_tile_overlayer_lowered  }
0x9b: {  	s22 =	simm.s32 $0x1BFF;
	s21 =	sshll.u32 s5, $0x1;
	s2 =	sadd.s32 s19, s18  }
0x9c: {  	s6 =	simm.s32 $0x0;
	s20 =	sshll.u32 s4, $0x1;
	s4 =	sadd.s32 s21, s2  }
0x9d: {  	[timem:s6], [sflag:s22] =	dma.local [hbm:s4], s20  }
0x9e: {  	_ =	swait.ge [sflag:s22], s20  }
0x9f: {  	s3 =	ssub.s32 $0x0, s20;
	[sflag:s22] =	ssyncset.done $0x0  }
0xa0: {  	[sflag:s22] =	ssyncadd.s32 s3;
	_ =	sdelay $0x1  }
0xa1: {  	s23 =	simm.s32 $0x1B8B  }
0xa2: {  	_ =	swait.ge [sflag:s23], $0x1  }
0xa3: {  	[sflag:s23] =	ssyncset.done $0x0  }
0xa4: {  	s25 =	simm.s32 $0x1B8E;
	s24 =	sld [smem:$0x3FFE];
	[sflag:s23] =	ssyncadd.s32 $0xFFFFFFFF  }
0xa5: {  	s26 =	simm.s32 $execute0_lowered;
	[smem:$0x3FD2] =	sst s25  }
0xa6: {  	s4 =	sshll.u32 s26, $0x1;
	_ =	strace $0x80000049;
	[dreg:$0x1] =	wrdreg $0xFFFFFFFF  }
0xa7: {  	s28 =	simm.s32 $_size_execute0_lowered;
	s2 =	sadd.s32 s2, s4;
	[dreg:$0x0] =	wrdreg $0x0  }
0xa8: {  	s4 =	sshll.u32 s28, $0x1;
	[dreg:$0x2] =	wrdreg s2  }
0xa9: {  	[dreg:$0x3] =	wrdreg s4  }
0xaa: {  	[dreg:$0x4] =	wrdreg $0xC0  }
0xab: {  	_ =	task [dreg:s6], $0x5FFFF  }
0xac: {  	[dreg:$0x1] =	wrdreg $0xFFFFFFFF  }
0xad: {  	[dreg:$0x0] =	wrdreg $0x60  }
0xae: {  	[dreg:$0x2] =	wrdreg s24  }
0xaf: {  	[dreg:$0x3] =	wrdreg $0x123000  }
0xb0: {  	[dreg:$0x4] =	wrdreg $0x9  }
0xb1: {  	_ =	task.clear_ibuf [dreg:s6], $0x5FFFF;
	_ =	strace $0x90000049  }
0xb2: {  	s29 =	simm.s32 $0x9;
	_ =	strace $0x8000004B  }
0xb3: {  	_ =	swait.ge [sflag:s29], $0x1  }
0xb4: {  	[sflag:s29] =	ssyncadd.s32 $0xFFFFFFFF  }
0xb5: {  	_ =	strace $0x9000004B  }
0xb6: {  	_ =	sfence  }
0xb7: {  	s30 =	sld [smem:$0x0];
	_ =	sdelay $0x2  }
0xb8: {  	s31 =	sshll.u32 s1, $0xD;
	s1 =	sshrl.u32 s1, $0x2  }
0xb9: {  	s3 =	sand.u32 $0x4000, s31;
	s1 =	sadd.s32 s1, s30  }
0xba: {  	s0 =	sor.u32 s3, s0;
	s1 =	sshll.u32 s1, $0x11  }
0xbb: {  	s0 =	sor.u32 s1, s0  }
0xbc: {  	s0 =	sadd.s32 $0x8F2B, s0  }
0xbd: {  	[sflag:s0] =	ssyncadd.remote.s32 $0x1  }
0xbe: {  	_ =	sfence.sel $0xFFFF  }
0xbf: {  	[dreg:$0x0] =	wrdreg $0xFFFFFFFF;
	(pc) =	sbr.abs _section_cstart, $3  }
0xc0: {  	[dreg:$0x1] =	wrdreg $0xFFFFFFFF  }
0xc1: {  	_ =	task.clear_ibuf [dreg:s6], $0x2FFFF;
	_ =	strace $0x9FFFFFFF  }
0xc2: {  	(tm) =	ssettm $0x7FFFFFFF  }
0xc3: {  	_ =	shalt  }
tec
execute0_lowered:
.L_overlay_start_1:
0x0: {  	(tag) =	ssettag $0x1  }
0x1: {  	s0 =	rddreg [dreg:$0x0];
	s9 =	stileid.u32  }
0x2: {  	s1 =	srdreg.scid;
	s2 =	rddreg [dreg:$0x1]  }
0x3: {  	s4 =	simm.s32 $0x0;
	s10 =	simm.s32 $0x9;
	s12 =	simm.s32 $0x12100  }
0x4: {  	s13 =	simm.s32 $0x80;
	s14 =	simm.s32 $0x9D00;
	s15 =	simm.s32 $0xA100  }
0x5: {  	s16 =	simm.s32 $0x9D80;
	s17 =	simm.s32 $0xC100;
	s18 =	simm.s32 $0x9E00  }
0x6: {  	s19 =	simm.s32 $0xE100;
	s20 =	simm.s32 $0x9E80;
	s28 =	simm.s32 $0x3  }
0x7: {  	s29 =	simm.s32 $0xA000;
	s30 =	simm.s32 $0x4;
	s3 =	smul.u32 $0x9D0, s9  }
0x8: {  	s31 =	simm.s32 $0xA080;
	s11 =	simm.s32 $0x6;
	s6 =	smul.u32 $0xA000, s9  }
0x9: {  	s1 =	sand.u32 $0x1, s1;
	[smem:$0x7FF] =	sst s4;
	s9 =	smul.u32 $0x28000, s9  }
0xa: {  	s4 =	sadd.s32 $0x79400, s0;
	s5 =	smul.u32 $0xA0000, s1;
	s7 =	ssub.s32 $0x2, s1  }
0xb: {  	_ =	strace $0x8000004A;
	s3 =	sadd.s32 s3, s0;
	s8 =	sshrl.u32 s7, $0x1  }
0xc: {  	s24 =	sshrl.u32 s9, $0x2;
	s25 =	sadd.s32 s6, s2;
	s9 =	simm.s32 $0x4E80  }
0xd: {  	s5 =	sadd.s32 s6, s5;
	s21 =	ssub.s32 s7, s8;
	s8 =	smul.u32 $0x2800, s1  }
0xe: {  	s22 =	sadd.s32 $0x1F600, s3;
	s23 =	sadd.s32 $0x15800, s3;
	s7 =	sadd.s32 s24, s2  }
0xf: {  	s24 =	sshrl.u32 s25, $0x3;
	s25 =	simm.s32 $0x2;
	s1 =	simm.s32 $0x5  }
0x10: {  	s3 =	simm.s32 $0x8;
	s5 =	sshrl.u32 s5, $0x3;
	[dreg:$0x3] =	wrdreg s22  }
0x11: {  	[dreg:$0x4] =	wrdreg s23;
	s26 =	smax.u32 s21, $0x1;
	s21 =	simm.s32 $0x10100  }
0x12: {  	s22 =	simm.s32 $0x1;
	s23 =	simm.s32 $0x9F00;
	s0 =	sadd.s32 s5, s0  }
0x13: {  	[dreg:$0x6] =	wrdreg s26;
	s26 =	simm.s32 $0x9F80;
	s0 =	sadd.s32 $0xA1400, s0  }
0x14: {  	v1 =	vimm.f32 $0.0e+00;
	v0 =	vmov s8;
	s5 =	simm.s32 $0x0;
	[dreg:$0x5] =	wrdreg s0;
	s0 =	simm.s32 $0x7  }
.LBB2_1:
0x15: {  	s6 =	simm.s32 $0x0;
	s8 =	rddreg [dreg:$0x3]  }
0x16: {  	[tilespmem:s6], [sflag:$0x9] =	stream.linear.gather [hbm4b:s8+s6], $0x4E80, $0x38;
	[tilespmem:$0x1C300] =	vst v63  }
0x17: {  	_ =	swait.ge [sflag:s10], $0x4E80  }
0x18: {  	[sflag:s10] =	ssyncset.done $0x0  }
0x19: {  	s8 =	rddreg [dreg:$0x4];
	[sflag:s10] =	ssyncadd.s32 $0xFFFFB180  }
0x1a: {  	[tilespmem:s9], [sflag:$0x9] =	stream.linear.gather [hbm4b:s8+s6], $0x4E80, $0x38;
	[tilespmem:$0x1C300] =	vst v63  }
0x1b: {  	_ =	swait.ge [sflag:s10], $0x4E80  }
0x1c: {  	[sflag:s10] =	ssyncset.done $0x0  }
0x1d: {  	[sflag:s10] =	ssyncadd.s32 $0xFFFFB180  }
0x1e: {  	[tilespmem:$0x12100] =	vst v1  }
0x1f: {  	[tilespmem:$0x12110] =	vst v1  }
0x20: {  	[tilespmem:$0x12120] =	vst v1  }
0x21: {  	[tilespmem:$0x12130] =	vst v1  }
0x22: {  	[tilespmem:$0x12140] =	vst v1  }
0x23: {  	[tilespmem:$0x12150] =	vst v1  }
0x24: {  	[tilespmem:$0x12160] =	vst v1  }
0x25: {  	[tilespmem:$0x12170] =	vst v1  }
0x26: {  	[tilespmem:$0x12180] =	vst v1  }
0x27: {  	[tilespmem:$0x12190] =	vst v1  }
0x28: {  	[tilespmem:$0x121A0] =	vst v1  }
0x29: {  	[tilespmem:$0x121B0] =	vst v1  }
0x2a: {  	[tilespmem:$0x121C0] =	vst v1  }
0x2b: {  	[tilespmem:$0x121D0] =	vst v1  }
0x2c: {  	[tilespmem:$0x121E0] =	vst v1  }
0x2d: {  	[tilespmem:$0x121F0] =	vst v1  }
0x2e: {  	[tilespmem:$0x12200] =	vst v1  }
0x2f: {  	[tilespmem:$0x12210] =	vst v1  }
0x30: {  	[tilespmem:$0x12220] =	vst v1  }
0x31: {  	[tilespmem:$0x12230] =	vst v1  }
0x32: {  	[tilespmem:$0x12240] =	vst v1  }
0x33: {  	[tilespmem:$0x12250] =	vst v1  }
0x34: {  	[tilespmem:$0x12260] =	vst v1  }
0x35: {  	[tilespmem:$0x12270] =	vst v1  }
0x36: {  	[tilespmem:$0x12280] =	vst v1  }
0x37: {  	[tilespmem:$0x12290] =	vst v1  }
0x38: {  	[tilespmem:$0x122A0] =	vst v1  }
0x39: {  	[tilespmem:$0x122B0] =	vst v1  }
0x3a: {  	[tilespmem:$0x122C0] =	vst v1  }
0x3b: {  	[tilespmem:$0x122D0] =	vst v1  }
0x3c: {  	[tilespmem:$0x122E0] =	vst v1  }
0x3d: {  	s8 =	sadd.s32 $0x0, s7;
	[tilespmem:$0x122F0] =	vst v1  }
0x3e: {  	[spmem:s8] =	stream.linear.scatter [tilespmem:s12], [sflag:$0x9], $0x200, $0x38;
	[tilespmem:$0x1C300] =	vst v63  }
0x3f: {  	s6 =	simm.s32 $0x800;
	_ =	swait.ge [sflag:s10], $0x200  }
.LBB2_2:
0x40: {  	s8 =	sshra.s32 s6, $0x2;
	[sflag:s10] =	ssyncset.done $0x0;
	p0 =	sne.s32 s6, $0x27800  }
.Ltmp0:
0x41: {  	s8 =	sadd.s32 s8, s7;
	[sflag:s10] =	ssyncadd.s32 $0xFFFFFE00;
	(pc) =	sbr.rel @p0 .LBB2_2-.Ltmp0, $3  }
0x42: {  	[spmem:s8] =	stream.linear.scatter [tilespmem:s12], [sflag:$0x9], $0x200, $0x38;
	[tilespmem:$0x1C300] =	vst v63  }
0x43: {  	s6 =	sadd.s32 $0x800, s6;
	_ =	sdelay $0x1  }
0x44: {  	_ =	swait.ge [sflag:s10], $0x200  }
0x45: {  	[sflag:s10] =	ssyncset.done $0x0  }
0x46: {  	[sflag:s10] =	ssyncadd.s32 $0xFFFFFE00  }
0x47: {  	[bflag:$0x0] =	sbarrier.arrive $0xFFFF  }
0x48: {  	v2 =	vld [tilespmem:$0x0]  }
0x49: {  	v3 =	vld [tilespmem:$0x10]  }
0x4a: {  	v4 =	vld [tilespmem:$0x20]  }
0x4b: {  	v5 =	vld [tilespmem:$0x30]  }
0x4c: {  	v6 =	vld [tilespmem:$0x40]  }
0x4d: {  	v7 =	vld [tilespmem:$0x50];
	v2 =	vadd.s32 v0, v2  }
0x4e: {  	[tilespmem:$0x9D00] =	vst v2;
	v2 =	vadd.s32 v0, v3;
	v3 =	vld [tilespmem:$0x60]  }
0x4f: {  	v29 =	vld [tilespmem:$0x4E80];
	[tilespmem:$0x9D10] =	vst v2;
	v2 =	vadd.s32 v0, v4  }
0x50: {  	v30 =	vld [tilespmem:$0x4E90];
	[tilespmem:$0x9D20] =	vst v2;
	v2 =	vadd.s32 v0, v5  }
0x51: {  	v28 =	vld [tilespmem:$0x70];
	[tilespmem:$0x9D30] =	vst v2;
	v2 =	vadd.s32 v0, v6  }
0x52: {  	[tilespmem:$0x9D40] =	vst v2;
	v2 =	vadd.s32 v0, v7  }
0x53: {  	[tilespmem:$0x9D50] =	vst v2;
	v2 =	vadd.s32 v0, v3;
	v3 =	vld [tilespmem:$0x4EA0]  }
0x54: {  	v31 =	vld [tilespmem:$0x4EB0];
	[tilespmem:$0x9F00] =	vst v29  }
0x55: {  	v32 =	vld [tilespmem:$0x4ED0];
	[tilespmem:$0x9F10] =	vst v30  }
0x56: {  	v33 =	vld [tilespmem:$0x4EE0];
	[tilespmem:$0x9D60] =	vst v2;
	v2 =	vadd.s32 v0, v28  }
0x57: {  	[tilespmem:$0x9D70] =	vst v2;
	v2 =	vld [tilespmem:$0x4EC0]  }
0x58: {  	[tilespmem:$0x9F20] =	vst v3;
	v3 =	vld [tilespmem:$0x4EF0]  }
0x59: {  	[tilespmem:$0x9F30] =	vst v31  }
0x5a: {  	[tilespmem:$0x9F50] =	vst v32  }
0x5b: {  	[tilespmem:$0x9F60] =	vst v33  }
0x5c: {  	[tilespmem:$0x9F40] =	vst v2  }
0x5d: {  	[tilespmem:$0x9F70] =	vst v3  }
0x5e: {  	[tilespmem:s15], [sflag:$0x1] =	stream.indirect.gather [hbm4b:s4+s13], $0x40, s14, s13, $0xb8;
	[tilespmem:$0x1C300] =	vst v63  }
0x5f: {  	v2 =	vld [tilespmem:$0x80]  }
0x60: {  	v3 =	vld [tilespmem:$0x90]  }
0x61: {  	v34 =	vld [tilespmem:$0xA0]  }
0x62: {  	v35 =	vld [tilespmem:$0xB0]  }
0x63: {  	v36 =	vld [tilespmem:$0xC0]  }
0x64: {  	v37 =	vld [tilespmem:$0xD0];
	v2 =	vadd.s32 v0, v2  }
0x65: {  	[tilespmem:$0x9D80] =	vst v2;
	v2 =	vadd.s32 v0, v3;
	v3 =	vld [tilespmem:$0xE0]  }
0x66: {  	v39 =	vld [tilespmem:$0x4F00];
	[tilespmem:$0x9D90] =	vst v2;
	v2 =	vadd.s32 v0, v34  }
0x67: {  	v40 =	vld [tilespmem:$0x4F10];
	[tilespmem:$0x9DA0] =	vst v2;
	v2 =	vadd.s32 v0, v35  }
0x68: {  	v38 =	vld [tilespmem:$0xF0];
	[tilespmem:$0x9DB0] =	vst v2;
	v2 =	vadd.s32 v0, v36  }
0x69: {  	[tilespmem:$0x9DC0] =	vst v2;
	v2 =	vadd.s32 v0, v37  }
0x6a: {  	[tilespmem:$0x9DD0] =	vst v2;
	v2 =	vadd.s32 v0, v3;
	v3 =	vld [tilespmem:$0x4F20]  }
0x6b: {  	v41 =	vld [tilespmem:$0x4F30];
	[tilespmem:$0x9F80] =	vst v39  }
0x6c: {  	v42 =	vld [tilespmem:$0x4F50];
	[tilespmem:$0x9F90] =	vst v40  }
0x6d: {  	v43 =	vld [tilespmem:$0x4F60];
	[tilespmem:$0x9DE0] =	vst v2;
	v2 =	vadd.s32 v0, v38  }
0x6e: {  	[tilespmem:$0x9DF0] =	vst v2;
	v2 =	vld [tilespmem:$0x4F40]  }
0x6f: {  	[tilespmem:$0x9FA0] =	vst v3;
	v3 =	vld [tilespmem:$0x4F70]  }
0x70: {  	[tilespmem:$0x9FB0] =	vst v41  }
0x71: {  	[tilespmem:$0x9FD0] =	vst v42  }
0x72: {  	[tilespmem:$0x9FE0] =	vst v43  }
0x73: {  	[tilespmem:$0x9FC0] =	vst v2  }
0x74: {  	[tilespmem:$0x9FF0] =	vst v3  }
0x75: {  	[tilespmem:s17], [sflag:$0x2] =	stream.indirect.gather [hbm4b:s4+s13], $0x40, s16, s13, $0xb8;
	[tilespmem:$0x1C300] =	vst v63  }
0x76: {  	v2 =	vld [tilespmem:$0x100]  }
0x77: {  	v3 =	vld [tilespmem:$0x110]  }
0x78: {  	v44 =	vld [tilespmem:$0x120]  }
0x79: {  	v45 =	vld [tilespmem:$0x130]  }
0x7a: {  	v46 =	vld [tilespmem:$0x140]  }
0x7b: {  	v47 =	vld [tilespmem:$0x150];
	v2 =	vadd.s32 v0, v2  }
0x7c: {  	[tilespmem:$0x9E00] =	vst v2;
	v2 =	vadd.s32 v0, v3;
	v3 =	vld [tilespmem:$0x160]  }
0x7d: {  	v49 =	vld [tilespmem:$0x4F80];
	[tilespmem:$0x9E10] =	vst v2;
	v2 =	vadd.s32 v0, v44  }
0x7e: {  	v50 =	vld [tilespmem:$0x4F90];
	[tilespmem:$0x9E20] =	vst v2;
	v2 =	vadd.s32 v0, v45  }
0x7f: {  	v48 =	vld [tilespmem:$0x170];
	[tilespmem:$0x9E30] =	vst v2;
	v2 =	vadd.s32 v0, v46  }
0x80: {  	[tilespmem:$0x9E40] =	vst v2;
	v2 =	vadd.s32 v0, v47  }
0x81: {  	[tilespmem:$0x9E50] =	vst v2;
	v2 =	vadd.s32 v0, v3;
	v3 =	vld [tilespmem:$0x4FA0]  }
0x82: {  	v51 =	vld [tilespmem:$0x4FB0];
	[tilespmem:$0xA000] =	vst v49  }
0x83: {  	v52 =	vld [tilespmem:$0x4FD0];
	[tilespmem:$0xA010] =	vst v50  }
0x84: {  	v53 =	vld [tilespmem:$0x4FE0];
	[tilespmem:$0x9E60] =	vst v2;
	v2 =	vadd.s32 v0, v48  }
0x85: {  	[tilespmem:$0x9E70] =	vst v2;
	v2 =	vld [tilespmem:$0x4FC0]  }
0x86: {  	[tilespmem:$0xA020] =	vst v3;
	v3 =	vld [tilespmem:$0x4FF0]  }
0x87: {  	[tilespmem:$0xA030] =	vst v51  }
0x88: {  	[tilespmem:$0xA050] =	vst v52  }
0x89: {  	[tilespmem:$0xA060] =	vst v53  }
0x8a: {  	[tilespmem:$0xA040] =	vst v2  }
0x8b: {  	[tilespmem:$0xA070] =	vst v3  }
0x8c: {  	[tilespmem:s19], [sflag:$0x3] =	stream.indirect.gather [hbm4b:s4+s13], $0x40, s18, s13, $0xb8;
	[tilespmem:$0x1C300] =	vst v63  }
0x8d: {  	v2 =	vld [tilespmem:$0x180]  }
0x8e: {  	v3 =	vld [tilespmem:$0x190]  }
0x8f: {  	v54 =	vld [tilespmem:$0x1A0]  }
0x90: {  	v55 =	vld [tilespmem:$0x1B0]  }
0x91: {  	v56 =	vld [tilespmem:$0x1C0]  }
0x92: {  	v57 =	vld [tilespmem:$0x1D0];
	v2 =	vadd.s32 v0, v2  }
0x93: {  	[tilespmem:$0x9E80] =	vst v2;
	v2 =	vadd.s32 v0, v3;
	v3 =	vld [tilespmem:$0x1E0]  }
0x94: {  	v59 =	vld [tilespmem:$0x5000];
	[tilespmem:$0x9E90] =	vst v2;
	v2 =	vadd.s32 v0, v54  }
0x95: {  	v60 =	vld [tilespmem:$0x5010];
	[tilespmem:$0x9EA0] =	vst v2;
	v2 =	vadd.s32 v0, v55  }
0x96: {  	v58 =	vld [tilespmem:$0x1F0];
	[tilespmem:$0x9EB0] =	vst v2;
	v2 =	vadd.s32 v0, v56  }
0x97: {  	[tilespmem:$0x9EC0] =	vst v2;
	v2 =	vadd.s32 v0, v57  }
0x98: {  	[tilespmem:$0x9ED0] =	vst v2;
	v2 =	vadd.s32 v0, v3;
	v3 =	vld [tilespmem:$0x5020]  }
0x99: {  	v61 =	vld [tilespmem:$0x5030];
	[tilespmem:$0xA080] =	vst v59  }
0x9a: {  	v62 =	vld [tilespmem:$0x5050];
	[tilespmem:$0xA090] =	vst v60  }
0x9b: {  	v63 =	vld [tilespmem:$0x5060];
	[tilespmem:$0x9EE0] =	vst v2;
	v2 =	vadd.s32 v0, v58  }
0x9c: {  	[tilespmem:$0x9EF0] =	vst v2;
	v2 =	vld [tilespmem:$0x5040]  }
0x9d: {  	[tilespmem:$0xA0A0] =	vst v3;
	v3 =	vld [tilespmem:$0x5070]  }
0x9e: {  	[tilespmem:$0xA0B0] =	vst v61  }
0x9f: {  	[tilespmem:$0xA0D0] =	vst v62  }
0xa0: {  	[tilespmem:$0xA0E0] =	vst v63  }
0xa1: {  	[tilespmem:$0xA0C0] =	vst v2  }
0xa2: {  	s6 =	simm.s32 $0x0;
	[tilespmem:$0xA0F0] =	vst v3  }
0xa3: {  	[tilespmem:s21], [sflag:$0x4] =	stream.indirect.gather [hbm4b:s4+s13], $0x40, s20, s13, $0xb8;
	[tilespmem:$0x1C300] =	vst v63  }
.LBB2_4:
0xa4: {  	_ =	swait.ge [sflag:s22], $0x2000  }
0xa5: {  	[sflag:s22] =	ssyncset.done $0x0  }
0xa6: {  	[sflag:s22] =	ssyncadd.s32 $0xFFFFE000  }
0xa7: {  	[spmem:s2] =	stream.indirect.scatter.add.f32 [tilespmem:s15], [sflag:$0x5], $0x40, s23, s13, $0xb8;
	[tilespmem:$0x1C300] =	vst v63  }
0xa8: {  	_ =	swait.ge [sflag:s25], $0x2000  }
0xa9: {  	[sflag:s25] =	ssyncset.done $0x0  }
0xaa: {  	[sflag:s25] =	ssyncadd.s32 $0xFFFFE000  }
0xab: {  	[spmem:s2] =	stream.indirect.scatter.add.f32 [tilespmem:s17], [sflag:$0x6], $0x40, s26, s13, $0xb8;
	[tilespmem:$0x1C300] =	vst v63  }
0xac: {  	_ =	swait.ge [sflag:s28], $0x2000  }
0xad: {  	[sflag:s28] =	ssyncset.done $0x0  }
0xae: {  	[sflag:s28] =	ssyncadd.s32 $0xFFFFE000  }
0xaf: {  	[spmem:s2] =	stream.indirect.scatter.add.f32 [tilespmem:s19], [sflag:$0x7], $0x40, s29, s13, $0xb8;
	[tilespmem:$0x1C300] =	vst v63  }
0xb0: {  	_ =	swait.ge [sflag:s30], $0x2000  }
0xb1: {  	[sflag:s30] =	ssyncset.done $0x0  }
0xb2: {  	[sflag:s30] =	ssyncadd.s32 $0xFFFFE000  }
0xb3: {  	[spmem:s2] =	stream.indirect.scatter.add.f32 [tilespmem:s21], [sflag:$0x8], $0x40, s31, s13, $0xb8;
	[tilespmem:$0x1C300] =	vst v63  }
0xb4: {  	_ =	swait.ge [sflag:s1], $0x2000  }
0xb5: {  	[sflag:s1] =	ssyncset.done $0x0  }
0xb6: {  	s8 =	sshra.s32 s6, $0x2;
	[sflag:s1] =	ssyncadd.s32 $0xFFFFE000  }
0xb7: {  	v2 =	vld [tilespmem:s8+$0x200];
	_ =	sdelay $0x4  }
0xb8: {  	v2 =	vadd.s32 v0, v2  }
0xb9: {  	[tilespmem:$0x9D00] =	vst v2  }
0xba: {  	v2 =	vld [tilespmem:s8+$0x210];
	_ =	sdelay $0x4  }
0xbb: {  	v2 =	vadd.s32 v0, v2  }
0xbc: {  	[tilespmem:$0x9D10] =	vst v2  }
0xbd: {  	v2 =	vld [tilespmem:s8+$0x220];
	_ =	sdelay $0x4  }
0xbe: {  	v2 =	vadd.s32 v0, v2  }
0xbf: {  	[tilespmem:$0x9D20] =	vst v2  }
0xc0: {  	v2 =	vld [tilespmem:s8+$0x230];
	_ =	sdelay $0x4  }
0xc1: {  	v2 =	vadd.s32 v0, v2  }
0xc2: {  	[tilespmem:$0x9D30] =	vst v2  }
0xc3: {  	v2 =	vld [tilespmem:s8+$0x240];
	_ =	sdelay $0x4  }
0xc4: {  	v2 =	vadd.s32 v0, v2  }
0xc5: {  	[tilespmem:$0x9D40] =	vst v2  }
0xc6: {  	v2 =	vld [tilespmem:s8+$0x250];
	_ =	sdelay $0x4  }
0xc7: {  	v2 =	vadd.s32 v0, v2  }
0xc8: {  	[tilespmem:$0x9D50] =	vst v2  }
0xc9: {  	v2 =	vld [tilespmem:s8+$0x260];
	_ =	sdelay $0x4  }
0xca: {  	v2 =	vadd.s32 v0, v2  }
0xcb: {  	[tilespmem:$0x9D60] =	vst v2  }
0xcc: {  	v2 =	vld [tilespmem:s8+$0x270];
	_ =	sdelay $0x4  }
0xcd: {  	v2 =	vadd.s32 v0, v2  }
0xce: {  	[tilespmem:$0x9D70] =	vst v2  }
0xcf: {  	v2 =	vld [tilespmem:s8+$0x5080];
	_ =	sdelay $0x4  }
0xd0: {  	[tilespmem:$0x9F00] =	vst v2  }
0xd1: {  	v2 =	vld [tilespmem:s8+$0x5090];
	_ =	sdelay $0x4  }
0xd2: {  	[tilespmem:$0x9F10] =	vst v2  }
0xd3: {  	v2 =	vld [tilespmem:s8+$0x50A0];
	_ =	sdelay $0x4  }
0xd4: {  	[tilespmem:$0x9F20] =	vst v2  }
0xd5: {  	v2 =	vld [tilespmem:s8+$0x50B0];
	_ =	sdelay $0x4  }
0xd6: {  	[tilespmem:$0x9F30] =	vst v2  }
0xd7: {  	v2 =	vld [tilespmem:s8+$0x50C0];
	_ =	sdelay $0x4  }
0xd8: {  	[tilespmem:$0x9F40] =	vst v2  }
0xd9: {  	v2 =	vld [tilespmem:s8+$0x50D0];
	_ =	sdelay $0x4  }
0xda: {  	[tilespmem:$0x9F50] =	vst v2  }
0xdb: {  	v2 =	vld [tilespmem:s8+$0x50E0];
	_ =	sdelay $0x4  }
0xdc: {  	[tilespmem:$0x9F60] =	vst v2  }
0xdd: {  	v2 =	vld [tilespmem:s8+$0x50F0];
	_ =	sdelay $0x4  }
0xde: {  	[tilespmem:$0x9F70] =	vst v2  }
0xdf: {  	[tilespmem:s15], [sflag:$0x1] =	stream.indirect.gather [hbm4b:s4+s13], $0x40, s14, s13, $0xb8;
	[tilespmem:$0x1C300] =	vst v63  }
0xe0: {  	_ =	swait.ge [sflag:s11], $0x2000  }
0xe1: {  	[sflag:s11] =	ssyncset.done $0x0  }
0xe2: {  	[sflag:s11] =	ssyncadd.s32 $0xFFFFE000  }
0xe3: {  	v2 =	vld [tilespmem:s8+$0x280];
	_ =	sdelay $0x4  }
0xe4: {  	v2 =	vadd.s32 v0, v2  }
0xe5: {  	[tilespmem:$0x9D80] =	vst v2  }
0xe6: {  	v2 =	vld [tilespmem:s8+$0x290];
	_ =	sdelay $0x4  }
0xe7: {  	v2 =	vadd.s32 v0, v2  }
0xe8: {  	[tilespmem:$0x9D90] =	vst v2  }
0xe9: {  	v2 =	vld [tilespmem:s8+$0x2A0];
	_ =	sdelay $0x4  }
0xea: {  	v2 =	vadd.s32 v0, v2  }
0xeb: {  	[tilespmem:$0x9DA0] =	vst v2  }
0xec: {  	v2 =	vld [tilespmem:s8+$0x2B0];
	_ =	sdelay $0x4  }
0xed: {  	v2 =	vadd.s32 v0, v2  }
0xee: {  	[tilespmem:$0x9DB0] =	vst v2  }
0xef: {  	v2 =	vld [tilespmem:s8+$0x2C0];
	_ =	sdelay $0x4  }
0xf0: {  	v2 =	vadd.s32 v0, v2  }
0xf1: {  	[tilespmem:$0x9DC0] =	vst v2  }
0xf2: {  	v2 =	vld [tilespmem:s8+$0x2D0];
	_ =	sdelay $0x4  }
0xf3: {  	v2 =	vadd.s32 v0, v2  }
0xf4: {  	[tilespmem:$0x9DD0] =	vst v2  }
0xf5: {  	v2 =	vld [tilespmem:s8+$0x2E0];
	_ =	sdelay $0x4  }
0xf6: {  	v2 =	vadd.s32 v0, v2  }
0xf7: {  	[tilespmem:$0x9DE0] =	vst v2  }
0xf8: {  	v2 =	vld [tilespmem:s8+$0x2F0];
	_ =	sdelay $0x4  }
0xf9: {  	v2 =	vadd.s32 v0, v2  }
0xfa: {  	[tilespmem:$0x9DF0] =	vst v2  }
0xfb: {  	v2 =	vld [tilespmem:s8+$0x5100];
	_ =	sdelay $0x4  }
0xfc: {  	[tilespmem:$0x9F80] =	vst v2  }
0xfd: {  	v2 =	vld [tilespmem:s8+$0x5110];
	_ =	sdelay $0x4  }
0xfe: {  	[tilespmem:$0x9F90] =	vst v2  }
0xff: {  	v2 =	vld [tilespmem:s8+$0x5120];
	_ =	sdelay $0x4  }
0x100: {  	[tilespmem:$0x9FA0] =	vst v2  }
0x101: {  	v2 =	vld [tilespmem:s8+$0x5130];
	_ =	sdelay $0x4  }
0x102: {  	[tilespmem:$0x9FB0] =	vst v2  }
0x103: {  	v2 =	vld [tilespmem:s8+$0x5140];
	_ =	sdelay $0x4  }
0x104: {  	[tilespmem:$0x9FC0] =	vst v2  }
0x105: {  	v2 =	vld [tilespmem:s8+$0x5150];
	_ =	sdelay $0x4  }
0x106: {  	[tilespmem:$0x9FD0] =	vst v2  }
0x107: {  	v2 =	vld [tilespmem:s8+$0x5160];
	_ =	sdelay $0x4  }
0x108: {  	[tilespmem:$0x9FE0] =	vst v2  }
0x109: {  	v2 =	vld [tilespmem:s8+$0x5170];
	_ =	sdelay $0x4  }
0x10a: {  	[tilespmem:$0x9FF0] =	vst v2  }
0x10b: {  	[tilespmem:s17], [sflag:$0x2] =	stream.indirect.gather [hbm4b:s4+s13], $0x40, s16, s13, $0xb8;
	[tilespmem:$0x1C300] =	vst v63  }
0x10c: {  	_ =	swait.ge [sflag:s0], $0x2000  }
0x10d: {  	[sflag:s0] =	ssyncset.done $0x0  }
0x10e: {  	[sflag:s0] =	ssyncadd.s32 $0xFFFFE000  }
0x10f: {  	v2 =	vld [tilespmem:s8+$0x300];
	_ =	sdelay $0x4  }
0x110: {  	v2 =	vadd.s32 v0, v2  }
0x111: {  	[tilespmem:$0x9E00] =	vst v2  }
0x112: {  	v2 =	vld [tilespmem:s8+$0x310];
	_ =	sdelay $0x4  }
0x113: {  	v2 =	vadd.s32 v0, v2  }
0x114: {  	[tilespmem:$0x9E10] =	vst v2  }
0x115: {  	v2 =	vld [tilespmem:s8+$0x320];
	_ =	sdelay $0x4  }
0x116: {  	v2 =	vadd.s32 v0, v2  }
0x117: {  	[tilespmem:$0x9E20] =	vst v2  }
0x118: {  	v2 =	vld [tilespmem:s8+$0x330];
	_ =	sdelay $0x4  }
0x119: {  	v2 =	vadd.s32 v0, v2  }
0x11a: {  	[tilespmem:$0x9E30] =	vst v2  }
0x11b: {  	v2 =	vld [tilespmem:s8+$0x340];
	_ =	sdelay $0x4  }
0x11c: {  	v2 =	vadd.s32 v0, v2  }
0x11d: {  	[tilespmem:$0x9E40] =	vst v2  }
0x11e: {  	v2 =	vld [tilespmem:s8+$0x350];
	_ =	sdelay $0x4  }
0x11f: {  	v2 =	vadd.s32 v0, v2  }
0x120: {  	[tilespmem:$0x9E50] =	vst v2  }
0x121: {  	v2 =	vld [tilespmem:s8+$0x360];
	_ =	sdelay $0x4  }
0x122: {  	v2 =	vadd.s32 v0, v2  }
0x123: {  	[tilespmem:$0x9E60] =	vst v2  }
0x124: {  	v2 =	vld [tilespmem:s8+$0x370];
	_ =	sdelay $0x4  }
0x125: {  	v2 =	vadd.s32 v0, v2  }
0x126: {  	[tilespmem:$0x9E70] =	vst v2  }
0x127: {  	v2 =	vld [tilespmem:s8+$0x5180];
	_ =	sdelay $0x4  }
0x128: {  	[tilespmem:$0xA000] =	vst v2  }
0x129: {  	v2 =	vld [tilespmem:s8+$0x5190];
	_ =	sdelay $0x4  }
0x12a: {  	[tilespmem:$0xA010] =	vst v2  }
0x12b: {  	v2 =	vld [tilespmem:s8+$0x51A0];
	_ =	sdelay $0x4  }
0x12c: {  	[tilespmem:$0xA020] =	vst v2  }
0x12d: {  	v2 =	vld [tilespmem:s8+$0x51B0];
	_ =	sdelay $0x4  }
0x12e: {  	[tilespmem:$0xA030] =	vst v2  }
0x12f: {  	v2 =	vld [tilespmem:s8+$0x51C0];
	_ =	sdelay $0x4  }
0x130: {  	[tilespmem:$0xA040] =	vst v2  }
0x131: {  	v2 =	vld [tilespmem:s8+$0x51D0];
	_ =	sdelay $0x4  }
0x132: {  	[tilespmem:$0xA050] =	vst v2  }
0x133: {  	v2 =	vld [tilespmem:s8+$0x51E0];
	_ =	sdelay $0x4  }
0x134: {  	[tilespmem:$0xA060] =	vst v2  }
0x135: {  	v2 =	vld [tilespmem:s8+$0x51F0];
	_ =	sdelay $0x4  }
0x136: {  	[tilespmem:$0xA070] =	vst v2  }
0x137: {  	[tilespmem:s19], [sflag:$0x3] =	stream.indirect.gather [hbm4b:s4+s13], $0x40, s18, s13, $0xb8;
	[tilespmem:$0x1C300] =	vst v63  }
0x138: {  	_ =	swait.ge [sflag:s3], $0x2000  }
0x139: {  	[sflag:s3] =	ssyncset.done $0x0  }
0x13a: {  	[sflag:s3] =	ssyncadd.s32 $0xFFFFE000  }
0x13b: {  	v2 =	vld [tilespmem:s8+$0x380];
	_ =	sdelay $0x4  }
0x13c: {  	v2 =	vadd.s32 v0, v2  }
0x13d: {  	[tilespmem:$0x9E80] =	vst v2  }
0x13e: {  	v2 =	vld [tilespmem:s8+$0x390];
	_ =	sdelay $0x4  }
0x13f: {  	v2 =	vadd.s32 v0, v2  }
0x140: {  	[tilespmem:$0x9E90] =	vst v2  }
0x141: {  	v2 =	vld [tilespmem:s8+$0x3A0];
	_ =	sdelay $0x4  }
0x142: {  	v2 =	vadd.s32 v0, v2  }
0x143: {  	[tilespmem:$0x9EA0] =	vst v2  }
0x144: {  	v2 =	vld [tilespmem:s8+$0x3B0];
	_ =	sdelay $0x4  }
0x145: {  	v2 =	vadd.s32 v0, v2  }
0x146: {  	[tilespmem:$0x9EB0] =	vst v2  }
0x147: {  	v2 =	vld [tilespmem:s8+$0x3C0];
	_ =	sdelay $0x4  }
0x148: {  	v2 =	vadd.s32 v0, v2  }
0x149: {  	[tilespmem:$0x9EC0] =	vst v2  }
0x14a: {  	v2 =	vld [tilespmem:s8+$0x3D0];
	_ =	sdelay $0x4  }
0x14b: {  	v2 =	vadd.s32 v0, v2  }
0x14c: {  	[tilespmem:$0x9ED0] =	vst v2  }
0x14d: {  	v2 =	vld [tilespmem:s8+$0x3E0];
	_ =	sdelay $0x4  }
0x14e: {  	v2 =	vadd.s32 v0, v2  }
0x14f: {  	[tilespmem:$0x9EE0] =	vst v2  }
0x150: {  	v2 =	vld [tilespmem:s8+$0x3F0];
	_ =	sdelay $0x4  }
0x151: {  	v2 =	vadd.s32 v0, v2  }
0x152: {  	[tilespmem:$0x9EF0] =	vst v2  }
0x153: {  	v2 =	vld [tilespmem:s8+$0x5200];
	_ =	sdelay $0x4  }
0x154: {  	[tilespmem:$0xA080] =	vst v2  }
0x155: {  	v2 =	vld [tilespmem:s8+$0x5210];
	_ =	sdelay $0x4  }
0x156: {  	[tilespmem:$0xA090] =	vst v2  }
0x157: {  	v2 =	vld [tilespmem:s8+$0x5220];
	_ =	sdelay $0x4  }
0x158: {  	[tilespmem:$0xA0A0] =	vst v2  }
0x159: {  	v2 =	vld [tilespmem:s8+$0x5230];
	_ =	sdelay $0x4  }
0x15a: {  	[tilespmem:$0xA0B0] =	vst v2  }
0x15b: {  	v2 =	vld [tilespmem:s8+$0x5240];
	_ =	sdelay $0x4  }
0x15c: {  	[tilespmem:$0xA0C0] =	vst v2  }
0x15d: {  	v2 =	vld [tilespmem:s8+$0x5250];
	_ =	sdelay $0x4  }
0x15e: {  	[tilespmem:$0xA0D0] =	vst v2  }
0x15f: {  	v2 =	vld [tilespmem:s8+$0x5260];
	_ =	sdelay $0x4  }
0x160: {  	[tilespmem:$0xA0E0] =	vst v2  }
0x161: {  	v2 =	vld [tilespmem:s8+$0x5270]  }
0x162: {  	p0 =	sne.s32 s6, $0x12800  }
.Ltmp1:
0x163: {  	_ = 	snop;
	(pc) =	sbr.rel @p0 .LBB2_4-.Ltmp1, $3  }
0x164: {  	_ =	sdelay $0x1  }
0x165: {  	s6 =	sadd.s32 $0x800, s6;
	[tilespmem:$0xA0F0] =	vst v2  }
0x166: {  	[tilespmem:s21], [sflag:$0x4] =	stream.indirect.gather [hbm4b:s4+s13], $0x40, s20, s13, $0xb8;
	[tilespmem:$0x1C300] =	vst v63  }
0x167: {  	_ =	swait.ge [sflag:s22], $0x2000  }
0x168: {  	[sflag:s22] =	ssyncset.done $0x0  }
0x169: {  	[sflag:s22] =	ssyncadd.s32 $0xFFFFE000  }
0x16a: {  	[spmem:s2] =	stream.indirect.scatter.add.f32 [tilespmem:s15], [sflag:$0x5], $0x40, s23, s13, $0xb8;
	[tilespmem:$0x1C300] =	vst v63  }
0x16b: {  	_ =	swait.ge [sflag:s25], $0x2000  }
0x16c: {  	[sflag:s25] =	ssyncset.done $0x0  }
0x16d: {  	[sflag:s25] =	ssyncadd.s32 $0xFFFFE000  }
0x16e: {  	[spmem:s2] =	stream.indirect.scatter.add.f32 [tilespmem:s17], [sflag:$0x6], $0x40, s26, s13, $0xb8;
	[tilespmem:$0x1C300] =	vst v63  }
0x16f: {  	_ =	swait.ge [sflag:s28], $0x2000  }
0x170: {  	[sflag:s28] =	ssyncset.done $0x0  }
0x171: {  	[sflag:s28] =	ssyncadd.s32 $0xFFFFE000  }
0x172: {  	[spmem:s2] =	stream.indirect.scatter.add.f32 [tilespmem:s19], [sflag:$0x7], $0x40, s29, s13, $0xb8;
	[tilespmem:$0x1C300] =	vst v63  }
0x173: {  	_ =	swait.ge [sflag:s30], $0x2000  }
0x174: {  	[sflag:s30] =	ssyncset.done $0x0  }
0x175: {  	[sflag:s30] =	ssyncadd.s32 $0xFFFFE000  }
0x176: {  	[spmem:s2] =	stream.indirect.scatter.add.f32 [tilespmem:s21], [sflag:$0x8], $0x40, s31, s13, $0xb8;
	[tilespmem:$0x1C300] =	vst v63  }
0x177: {  	_ =	swait.ge [sflag:s1], $0x2000  }
0x178: {  	[sflag:s1] =	ssyncset.done $0x0  }
0x179: {  	[sflag:s1] =	ssyncadd.s32 $0xFFFFE000  }
0x17a: {  	_ =	swait.ge [sflag:s11], $0x2000  }
0x17b: {  	[sflag:s11] =	ssyncset.done $0x0  }
0x17c: {  	[sflag:s11] =	ssyncadd.s32 $0xFFFFE000  }
0x17d: {  	_ =	swait.ge [sflag:s0], $0x2000  }
0x17e: {  	[sflag:s0] =	ssyncset.done $0x0  }
0x17f: {  	[sflag:s0] =	ssyncadd.s32 $0xFFFFE000  }
0x180: {  	_ =	swait.ge [sflag:s3], $0x2000  }
0x181: {  	[sflag:s3] =	ssyncset.done $0x0  }
0x182: {  	[sflag:s3] =	ssyncadd.s32 $0xFFFFE000  }
0x183: {  	v2 =	vld [tilespmem:$0x4E00]  }
0x184: {  	v3 =	vld [tilespmem:$0x4E10]  }
0x185: {  	v4 =	vld [tilespmem:$0x4E20]  }
0x186: {  	v5 =	vld [tilespmem:$0x4E30]  }
0x187: {  	v6 =	vld [tilespmem:$0x4E40]  }
0x188: {  	v7 =	vld [tilespmem:$0x4E50];
	v2 =	vadd.s32 v0, v2  }
0x189: {  	[tilespmem:$0x9D00] =	vst v2;
	v2 =	vadd.s32 v0, v3;
	v3 =	vld [tilespmem:$0x4E60]  }
0x18a: {  	v59 =	vld [tilespmem:$0x9C80];
	[tilespmem:$0x9D10] =	vst v2;
	v2 =	vadd.s32 v0, v4  }
0x18b: {  	v60 =	vld [tilespmem:$0x9C90];
	[tilespmem:$0x9D20] =	vst v2;
	v2 =	vadd.s32 v0, v5  }
0x18c: {  	v58 =	vld [tilespmem:$0x4E70];
	[tilespmem:$0x9D30] =	vst v2;
	v2 =	vadd.s32 v0, v6  }
0x18d: {  	[tilespmem:$0x9D40] =	vst v2;
	v2 =	vadd.s32 v0, v7  }
0x18e: {  	[tilespmem:$0x9D50] =	vst v2;
	v2 =	vadd.s32 v0, v3;
	v3 =	vld [tilespmem:$0x9CA0]  }
0x18f: {  	v61 =	vld [tilespmem:$0x9CB0];
	[tilespmem:$0x9F00] =	vst v59  }
0x190: {  	v62 =	vld [tilespmem:$0x9CD0];
	[tilespmem:$0x9F10] =	vst v60  }
0x191: {  	v63 =	vld [tilespmem:$0x9CE0];
	[tilespmem:$0x9D60] =	vst v2;
	v2 =	vadd.s32 v0, v58  }
0x192: {  	[tilespmem:$0x9D70] =	vst v2;
	v2 =	vld [tilespmem:$0x9CC0]  }
0x193: {  	[tilespmem:$0x9F20] =	vst v3;
	v3 =	vld [tilespmem:$0x9CF0]  }
0x194: {  	[tilespmem:$0x9F30] =	vst v61  }
0x195: {  	[tilespmem:$0x9F50] =	vst v62  }
0x196: {  	[tilespmem:$0x9F60] =	vst v63  }
0x197: {  	[tilespmem:$0x9F40] =	vst v2  }
0x198: {  	[tilespmem:$0x9F70] =	vst v3  }
0x199: {  	[tilespmem:s15], [sflag:$0x9] =	stream.indirect.gather [hbm4b:s4+s13], $0x40, s14, s13, $0xb8;
	[tilespmem:$0x1C300] =	vst v63  }
0x19a: {  	_ =	swait.ge [sflag:s10], $0x2000  }
0x19b: {  	[sflag:s10] =	ssyncset.done $0x0  }
0x19c: {  	[sflag:s10] =	ssyncadd.s32 $0xFFFFE000  }
0x19d: {  	[spmem:s2] =	stream.indirect.scatter.add.f32 [tilespmem:s15], [sflag:$0x9], $0x40, s23, s13, $0xb8;
	[tilespmem:$0x1C300] =	vst v63  }
0x19e: {  	_ =	swait.ge [sflag:s10], $0x2000  }
0x19f: {  	[sflag:s10] =	ssyncset.done $0x0  }
0x1a0: {  	s6 =	stileid.u32;
	[sflag:s10] =	ssyncadd.s32 $0xFFFFE000  }
0x1a1: {  	s6 =	sshll.u32 s6, $0x6;
	[bflag:$0x0] =	sbarrier.arrive $0xFFFF  }
0x1a2: {  	s6 =	sor.u32 $0x1C09, s6;
	s8 =	rddreg [dreg:$0x5]  }
0x1a3: {  	[hbm:s8], [sflag:s6] =	dma.local [spmem:s24], $0x1400  }
0x1a4: {  	_ =	swait.ge [sflag:s10], $0x1400  }
0x1a5: {  	s5 =	sadd.s32 $0x1, s5;
	s8 =	rddreg [dreg:$0x6]  }
0x1a6: {  	p0 =	sne.s32 s5, s8  }
.Ltmp2:
0x1a7: {  	_ = 	snop;
	(pc) =	sbr.rel @p0 .LBB2_1-.Ltmp2, $3  }
0x1a8: {  	_ =	sdelay $0x1  }
0x1a9: {  	[sflag:s10] =	ssyncset.done $0x0  }
0x1aa: {  	[sflag:s10] =	ssyncadd.s32 $0xFFFFEC00  }
0x1ab: {  	_ =	sfence.sel $0x180000  }
0x1ac: {  	[bflag:$0x0] =	sbarrier.arrive $0xFFFF  }
0x1ad: {  	_ =	strace $0x9000004A  }
0x1ae: {  	s0 =	stileid.u32;
	[bflag:$0x2] =	sbarrier.arrive $0xFFFF  }
0x1af: {  	p0 =	sne.s32 s0, $0x0;
	s0 =	rddreg [dreg:$0x2]  }
0x1b0: {  	s0 =	sadd.s32 @!p0 $0x100000, s0  }
0x1b1: {  	[sflag:s0] =	ssyncadd.tile.s32 @!p0 $0x1;
	_ =	shalt  }
.Lfunc_end2:
_tile_overlayer_lowered:
.L_overlay_start_2:
0x1b2: {  	(tag) =	ssettag $0x2  }
0x1b3: {  	s0 =	rddreg [dreg:$0x0];
	s2 =	stileid.u32  }
0x1b4: {  	s1 =	rddreg [dreg:$0x1];
	p0 =	sne.s32 s2, $0x0  }
0x1b5: {  	s3 =	rddreg [dreg:$0x2];
	[bflag:$0x3] =	sbarrier.arrive $0xFFFF;
	s2 =	simm.s32 @!p0 $0x1C09  }
0x1b6: {  	[timem:s3], [sflag:s2] =	dma.local @!p0 [hbm:s0], s1  }
0x1b7: {  	s0 =	simm.s32 @!p0 $0x9  }
0x1b8: {  	_ =	swait.ge @!p0 [sflag:s0], s1  }
0x1b9: {  	s1 =	ssub.s32 @!p0 $0x0, s1;
	[sflag:s0] =	ssyncset.done @!p0 $0x0  }
0x1ba: {  	[sflag:s0] =	ssyncadd.s32 @!p0 s1  }
0x1bb: {  	[bflag:$0x3] =	sbarrier.arrive $0xFFFF  }
0x1bc: {  	_ =	shalt  }

// kernel: kernel.14.cloned.1.call-start
scs
__scs_entry_jumppad:
0x0: {  	(pc) =	sbr.rel $0x88, $3  }
0x1: {  	(tag) =	ssettag $0x0;
	lr =	simm.s32 $0x1  }
0x2: {  	[smem:$0x3F9B] =	sst lr;
	_ =	strace $0xD0000000  }
0x3: {  	_ = 	snop  }
0x4: {  	_ = 	snop  }
0x5: {  	_ = 	snop  }
0x6: {  	_ = 	snop  }
0x7: {  	_ = 	snop  }
__scs_overlays_trampoline_lowered:
0x8: {  	[smem:$0x3FAA] =	sst s0  }
0x9: {  	[smem:$0x3FAB] =	sst s1  }
0xa: {  	[smem:$0x3FAC] =	sst s2  }
0xb: {  	[smem:$0x3FAD] =	sst s3  }
0xc: {  	[smem:$0x3FAE] =	sst s4  }
0xd: {  	[smem:$0x3FAF] =	sst s5  }
0xe: {  	[smem:$0x3FB0] =	sst s6  }
0xf: {  	[smem:$0x3FB1] =	sst s7  }
0x10: {  	[smem:$0x3FB2] =	sst s8  }
0x11: {  	[smem:$0x3FB3] =	sst s9;
	s0 =	simm.s32 @!p0 $0x0  }
0x12: {  	s1 =	sld [smem:$0x3F99];
	s0 =	simm.s32 @p0 $0x1  }
0x13: {  	[smem:$0x3FB4] =	sst s0;
	s0 =	simm.s32 @!p1 $0x0  }
0x14: {  	s2 =	sld [smem:$0x3F98];
	s0 =	simm.s32 @p1 $0x1  }
0x15: {  	[smem:$0x3FB5] =	sst s0;
	s0 =	simm.s32 @!p2 $0x0  }
0x16: {  	s3 =	sld [smem:$0x3FDB];
	s0 =	simm.s32 @p2 $0x1  }
0x17: {  	s4 =	simm.s32 $0x1BF5;
	[smem:$0x3FB7] =	sst s0  }
0x18: {  	s0 =	sld [smem:$0x3F9A];
	_ =	swait.ge [sflag:s4], $0x0  }
0x19: {  	s7 =	sld [smem:$0x3F9B]  }
0x1a: {  	s8 =	sadd.s32 $0xFFFFE003, lr  }
0x1b: {  	s9 =	sadd.s32 $0xFFFFFEF7, lr;
	s5 =	simm.s32 $0xFFFFFFFF;
	p2 =	slt.u32 s8, $0xFFFFF086  }
0x1c: {  	p1 =	slt.u32 s9, $0xF7A;
	s5 =	simm.s32 @!p2 $0x0  }
0x1d: {  	s5 =	simm.s32 @p1 $0x1;
	p0 =	seq.s32 s7, s2  }
0x1e: {  	s7 =	smul.u32 @!p0 $0xF7A, s2;
	p2 =	seq.s32 @!p0 s5, $0x0  }
0x1f: {  	s9 =	smul.u32 $0xF7A, s1;
	s8 =	simm.s32 @!p0 $0x1BF5;
	p2 =	por !p2, p0  }
0x20: {  	[sflag:s8] =	ssyncset.s32 @!p0 $0xFFFFF086;
	s6 =	sadd.s32 @!p0 s3, s7;
	s7 =	simm.s32 @!p0 $0x108  }
0x21: {  	s3 =	sadd.s32 s3, s9;
	s6 =	sadd.s32 @!p0 $0x88, s6;
	s7 =	simm.s32 @p2 $0x1082  }
0x22: {  	[simem:s7], [sflag:s8] =	dma.local @!p0 [hbm:s6], $0xF7A  }
0x23: {  	s9 =	sor.u32 $0xD0000000, s2;
	s6 =	simm.s32 $0x108;
	_ =	swait.ge @!p0 [sflag:s8], $0x0  }
0x24: {  	s3 =	sadd.s32 $0x88, s3;
	s6 =	simm.s32 @!p1 $0x1082;
	[sflag:s4] =	ssyncset.s32 $0xFFFFF086  }
0x25: {  	[simem:s6], [sflag:s4] =	dma.local [hbm:s3], $0xF7A  }
0x26: {  	[smem:$0x3F9B] =	sst s1;
	(tag) =	ssettag s2;
	_ =	strace s9  }
0x27: {  	s1 =	sld [smem:$0x3FAB]  }
0x28: {  	s2 =	sld [smem:$0x3FAC]  }
0x29: {  	s4 =	sld [smem:$0x3FAE]  }
0x2a: {  	p0 =	seq.s32 s5, $0x0;
	s5 =	sld [smem:$0x3FAF]  }
0x2b: {  	s6 =	sld [smem:$0x3FB0]  }
0x2c: {  	s7 =	sld [smem:$0x3FB1]  }
0x2d: {  	s3 =	simm.s32 $0x108;
	s8 =	sld [smem:$0x3FB2]  }
0x2e: {  	s3 =	simm.s32 @!p0 $0x1082;
	s9 =	sld [smem:$0x3FB3]  }
0x2f: {  	lr =	sadd.s32 s0, s3;
	s0 =	sld [smem:$0x3FAA]  }
0x30: {  	s3 =	sld [smem:$0x3FAD]  }
0x31: {  	[smem:$0x3FB6] =	sst s10  }
0x32: {  	s10 =	sld [smem:$0x3FB4];
	_ =	sdelay $0x3  }
0x33: {  	p0 =	seq.s32 s10, $0x1;
	s10 =	sld [smem:$0x3FB6];
	_ =	sdelay $0x3  }
0x34: {  	[smem:$0x3FB6] =	sst s10  }
0x35: {  	s10 =	sld [smem:$0x3FB5];
	_ =	sdelay $0x3  }
0x36: {  	p1 =	seq.s32 s10, $0x1;
	s10 =	sld [smem:$0x3FB6];
	_ =	sdelay $0x3  }
0x37: {  	[smem:$0x3FB6] =	sst s10  }
0x38: {  	s10 =	sld [smem:$0x3FB7]  }
0x39: {  	_ = 	snop;
	(pc) =	sbr.ind lr, $3  }
0x3a: {  	_ = 	snop  }
0x3b: {  	_ = 	snop  }
0x3c: {  	p2 =	seq.s32 s10, $0x1;
	s10 =	sld [smem:$0x3FB6]  }
0x3d: {  	_ =	shalt  }
0x3e: {  	_ =	shalt  }
0x3f: {  	_ =	shalt  }
0x40: {  	_ =	shalt  }
0x41: {  	_ =	shalt  }
0x42: {  	_ =	shalt  }
0x43: {  	_ =	shalt  }
0x44: {  	_ =	shalt  }
0x45: {  	_ =	shalt  }
0x46: {  	_ =	shalt  }
0x47: {  	_ =	shalt  }
0x48: {  	_ =	shalt  }
0x49: {  	_ =	shalt  }
0x4a: {  	_ =	shalt  }
0x4b: {  	_ =	shalt  }
0x4c: {  	_ =	shalt  }
0x4d: {  	_ =	shalt  }
0x4e: {  	_ =	shalt  }
0x4f: {  	_ =	shalt  }
0x50: {  	_ =	shalt  }
0x51: {  	_ =	shalt  }
0x52: {  	_ =	shalt  }
0x53: {  	_ =	shalt  }
0x54: {  	_ =	shalt  }
0x55: {  	_ =	shalt  }
0x56: {  	_ =	shalt  }
0x57: {  	_ =	shalt  }
0x58: {  	_ =	shalt  }
0x59: {  	_ =	shalt  }
0x5a: {  	_ =	shalt  }
0x5b: {  	_ =	shalt  }
0x5c: {  	_ =	shalt  }
0x5d: {  	_ =	shalt  }
0x5e: {  	_ =	shalt  }
0x5f: {  	_ =	shalt  }
0x60: {  	_ =	shalt  }
0x61: {  	_ =	shalt  }
0x62: {  	_ =	shalt  }
0x63: {  	_ =	shalt  }
0x64: {  	_ =	shalt  }
0x65: {  	_ =	shalt  }
0x66: {  	_ =	shalt  }
0x67: {  	_ =	shalt  }
0x68: {  	_ =	shalt  }
0x69: {  	_ =	shalt  }
0x6a: {  	_ =	shalt  }
0x6b: {  	_ =	shalt  }
0x6c: {  	_ =	shalt  }
0x6d: {  	_ =	shalt  }
0x6e: {  	_ =	shalt  }
0x6f: {  	_ =	shalt  }
0x70: {  	_ =	shalt  }
0x71: {  	_ =	shalt  }
0x72: {  	_ =	shalt  }
0x73: {  	_ =	shalt  }
0x74: {  	_ =	shalt  }
0x75: {  	_ =	shalt  }
0x76: {  	_ =	shalt  }
0x77: {  	_ =	shalt  }
0x78: {  	_ =	shalt  }
0x79: {  	_ =	shalt  }
0x7a: {  	_ =	shalt  }
0x7b: {  	_ =	shalt  }
0x7c: {  	_ =	shalt  }
0x7d: {  	_ =	shalt  }
0x7e: {  	_ =	shalt  }
0x7f: {  	_ =	shalt  }
0x80: {  	_ =	shalt  }
0x81: {  	_ =	shalt  }
0x82: {  	_ =	shalt  }
0x83: {  	_ =	shalt  }
0x84: {  	_ =	shalt  }
0x85: {  	_ =	shalt  }
0x86: {  	_ =	shalt  }
0x87: {  	_ =	shalt  }
.Lfunc_end0:
.L_simem_size_0:
called_computation.2_lowered:
.L_overlay_start_0:
0x88: {  	s2 =	sld [smem:$0x3FD9]  }
0x89: {  	s3 =	sld [smem:$0x3FFE];
	_ =	sdelay $0x1  }
0x8a: {  	s1 =	srdreg.scid  }
0x8b: {  	s0 =	sand.u32 $0x1, s1  }
0x8c: {  	s16 =	sshll.u32 s0, $0xA;
	s2 =	sadd.s32 s3, s2  }
0x8d: {  	s2 =	sadd.s32 s2, s16  }
0x8e: {  	[smem:$0x3FC2] =	sst s2  }
0x8f: {  	_ = 	snop  }
0x90: {  	(tm) =	ssettm $0x1  }
0x91: {  	s17 =	sld [smem:$0x3FFB];
	_ =	sdelay $0x3  }
0x92: {  	_ =	strace s17  }
0x93: {  	s2 =	sld [smem:$0x3FFC];
	_ =	sdelay $0x3  }
0x94: {  	_ =	strace s2  }
0x95: {  	s2 =	sld [smem:$0x3FFD];
	_ =	sdelay $0x3  }
0x96: {  	_ =	strace s2  }
0x97: {  	_ =	strace $0x8FFFFFFF  }
0x98: {  	s18 =	sld [smem:$0x3FDB];
	_ =	sdelay $0x1  }
0x99: {  	s19 =	simm.s32 $_scs_section_size  }
0x9a: {  	s4 =	simm.s32 $_size__tile_overlayer_lowered;
	s5 =	simm.s32 $_tile_overlayer_lowered  }
0x9b: {  	s22 =	simm.s32 $0x1BFF;
	s21 =	sshll.u32 s5, $0x1;
	s2 =	sadd.s32 s19, s18  }
0x9c: {  	s6 =	simm.s32 $0x0;
	s20 =	sshll.u32 s4, $0x1;
	s4 =	sadd.s32 s21, s2  }
0x9d: {  	[timem:s6], [sflag:s22] =	dma.local [hbm:s4], s20  }
0x9e: {  	_ =	swait.ge [sflag:s22], s20  }
0x9f: {  	s3 =	ssub.s32 $0x0, s20;
	[sflag:s22] =	ssyncset.done $0x0  }
0xa0: {  	[sflag:s22] =	ssyncadd.s32 s3;
	_ =	sdelay $0x1  }
0xa1: {  	s23 =	simm.s32 $0x1B8B  }
0xa2: {  	_ =	swait.ge [sflag:s23], $0x1  }
0xa3: {  	[sflag:s23] =	ssyncset.done $0x0  }
0xa4: {  	s25 =	simm.s32 $0x1B8E;
	s24 =	sld [smem:$0x3FFE];
	[sflag:s23] =	ssyncadd.s32 $0xFFFFFFFF  }
0xa5: {  	s26 =	simm.s32 $execute0_lowered;
	[smem:$0x3FD2] =	sst s25  }
0xa6: {  	s4 =	sshll.u32 s26, $0x1;
	_ =	strace $0x8000004C;
	[dreg:$0x1] =	wrdreg $0xFFFFFFFF  }
0xa7: {  	s28 =	simm.s32 $_size_execute0_lowered;
	s2 =	sadd.s32 s2, s4;
	[dreg:$0x0] =	wrdreg $0x0  }
0xa8: {  	s4 =	sshll.u32 s28, $0x1;
	[dreg:$0x2] =	wrdreg s2  }
0xa9: {  	[dreg:$0x3] =	wrdreg s4  }
0xaa: {  	[dreg:$0x4] =	wrdreg $0xC0  }
0xab: {  	_ =	task [dreg:s6], $0x5FFFF  }
0xac: {  	[dreg:$0x1] =	wrdreg $0xFFFFFFFF  }
0xad: {  	[dreg:$0x0] =	wrdreg $0x60  }
0xae: {  	[dreg:$0x2] =	wrdreg s24  }
0xaf: {  	[dreg:$0x3] =	wrdreg $0x65200  }
0xb0: {  	[dreg:$0x4] =	wrdreg $0x9  }
0xb1: {  	_ =	task.clear_ibuf [dreg:s6], $0x5FFFF;
	_ =	strace $0x9000004C  }
0xb2: {  	s29 =	simm.s32 $0x9;
	_ =	strace $0x8000004E  }
0xb3: {  	_ =	swait.ge [sflag:s29], $0x1  }
0xb4: {  	[sflag:s29] =	ssyncadd.s32 $0xFFFFFFFF  }
0xb5: {  	_ =	strace $0x9000004E  }
0xb6: {  	_ =	sfence  }
0xb7: {  	s30 =	sld [smem:$0x0];
	_ =	sdelay $0x2  }
0xb8: {  	s31 =	sshll.u32 s1, $0xD;
	s1 =	sshrl.u32 s1, $0x2  }
0xb9: {  	s3 =	sand.u32 $0x4000, s31;
	s1 =	sadd.s32 s1, s30  }
0xba: {  	s0 =	sor.u32 s3, s0;
	s1 =	sshll.u32 s1, $0x11  }
0xbb: {  	s0 =	sor.u32 s1, s0  }
0xbc: {  	s0 =	sadd.s32 $0x8F2B, s0  }
0xbd: {  	[sflag:s0] =	ssyncadd.remote.s32 $0x1  }
0xbe: {  	_ =	sfence.sel $0xFFFF  }
0xbf: {  	[dreg:$0x0] =	wrdreg $0xFFFFFFFF;
	(pc) =	sbr.abs _section_cstart, $3  }
0xc0: {  	[dreg:$0x1] =	wrdreg $0xFFFFFFFF  }
0xc1: {  	_ =	task.clear_ibuf [dreg:s6], $0x2FFFF;
	_ =	strace $0x9FFFFFFF  }
0xc2: {  	(tm) =	ssettm $0x7FFFFFFF  }
0xc3: {  	_ =	shalt  }
tec
execute0_lowered:
.L_overlay_start_1:
0x0: {  	(tag) =	ssettag $0x1  }
0x1: {  	s0 =	srdreg.scid;
	s3 =	rddreg [dreg:$0x0]  }
0x2: {  	s8 =	stileid.u32;
	s2 =	rddreg [dreg:$0x1];
	s5 =	simm.s32 $0x0  }
0x3: {  	s10 =	simm.s32 $0x9;
	s12 =	simm.s32 $0x64A0;
	s13 =	simm.s32 $0x50  }
0x4: {  	s14 =	simm.s32 $0x4E20;
	s15 =	simm.s32 $0x50A0;
	s16 =	simm.s32 $0x4E70  }
0x5: {  	s17 =	simm.s32 $0x55A0;
	s18 =	simm.s32 $0x4EC0;
	s19 =	simm.s32 $0x5AA0  }
0x6: {  	s20 =	simm.s32 $0x4F10;
	s21 =	simm.s32 $0x5FA0;
	s28 =	simm.s32 $0x3  }
0x7: {  	s29 =	simm.s32 $0x5000;
	s30 =	simm.s32 $0x4;
	s31 =	simm.s32 $0x5050  }
0x8: {  	s11 =	simm.s32 $0x6;
	s9 =	simm.s32 $0x2710;
	s0 =	sand.u32 $0x1, s0  }
0x9: {  	[smem:$0x7FF] =	sst s5;
	s22 =	smul.u32 $0x2800, s8;
	s5 =	simm.s32 $0x0  }
0xa: {  	s1 =	sshll.u32 s0, $0x4;
	s4 =	smul.u32 $0x28000, s0;
	_ =	strace $0x8000004D  }
0xb: {  	s0 =	ssub.s32 $0x2, s0;
	s1 =	sor.u32 s8, s1;
	s8 =	smul.u32 $0xA000, s8  }
0xc: {  	s7 =	sshrl.u32 s0, $0x1;
	s26 =	sadd.s32 s22, s2;
	s1 =	smul.u32 $0x4E2, s1  }
0xd: {  	s4 =	sadd.s32 s22, s4;
	s0 =	ssub.s32 s0, s7;
	s22 =	simm.s32 $0x1  }
0xe: {  	s6 =	sshrl.u32 s4, $0x3;
	s4 =	sadd.s32 $0x15800, s3;
	s24 =	sshrl.u32 s8, $0x2  }
0xf: {  	s0 =	smax.u32 s0, $0x1;
	s1 =	sadd.s32 s1, s3;
	s3 =	sadd.s32 s6, s3  }
0x10: {  	s7 =	sadd.s32 s24, s2;
	[dreg:$0x6] =	wrdreg s0;
	s23 =	sadd.s32 $0xBA00, s1  }
0x11: {  	s24 =	simm.s32 $0x2;
	s1 =	sadd.s32 $0x1C00, s1;
	[dreg:$0x3] =	wrdreg s23  }
0x12: {  	s0 =	simm.s32 $0x7;
	s25 =	sadd.s32 $0x1A800, s3;
	[dreg:$0x4] =	wrdreg s1  }
0x13: {  	s3 =	simm.s32 $0x8;
	[dreg:$0x5] =	wrdreg s25;
	s23 =	simm.s32 $0x4F60  }
0x14: {  	v0 =	vimm.f32 $0.0e+00;
	s25 =	sshrl.u32 s26, $0x3;
	s26 =	simm.s32 $0x4FB0;
	s1 =	simm.s32 $0x5  }
.LBB2_1:
0x15: {  	s6 =	simm.s32 $0x0;
	s8 =	rddreg [dreg:$0x3]  }
0x16: {  	[tilespmem:s6], [sflag:$0x9] =	stream.linear.gather [hbm4b:s8+s6], $0x2710, $0x38;
	[tilespmem:$0x8D20] =	vst v63  }
0x17: {  	_ =	swait.ge [sflag:s10], $0x2710  }
0x18: {  	[sflag:s10] =	ssyncset.done $0x0  }
0x19: {  	s8 =	rddreg [dreg:$0x4];
	[sflag:s10] =	ssyncadd.s32 $0xFFFFD8F0  }
0x1a: {  	[tilespmem:s9], [sflag:$0x9] =	stream.linear.gather [hbm4b:s8+s6], $0x2710, $0x38;
	[tilespmem:$0x8D20] =	vst v63  }
0x1b: {  	_ =	swait.ge [sflag:s10], $0x2710  }
0x1c: {  	[sflag:s10] =	ssyncset.done $0x0  }
0x1d: {  	[sflag:s10] =	ssyncadd.s32 $0xFFFFD8F0  }
0x1e: {  	[tilespmem:$0x64A0] =	vst v0  }
0x1f: {  	[tilespmem:$0x64B0] =	vst v0  }
0x20: {  	[tilespmem:$0x64C0] =	vst v0  }
0x21: {  	[tilespmem:$0x64D0] =	vst v0  }
0x22: {  	[tilespmem:$0x64E0] =	vst v0  }
0x23: {  	[tilespmem:$0x64F0] =	vst v0  }
0x24: {  	[tilespmem:$0x6500] =	vst v0  }
0x25: {  	s8 =	sadd.s32 $0x0, s7;
	[tilespmem:$0x6510] =	vst v0  }
0x26: {  	[spmem:s8] =	stream.linear.scatter [tilespmem:s12], [sflag:$0x9], $0x80, $0x38;
	[tilespmem:$0x8D20] =	vst v63  }
0x27: {  	s6 =	simm.s32 $0x200;
	_ =	swait.ge [sflag:s10], $0x80  }
.LBB2_2:
0x28: {  	s8 =	sshra.s32 s6, $0x2;
	[sflag:s10] =	ssyncset.done $0x0;
	p0 =	sne.s32 s6, $0x9E00  }
.Ltmp0:
0x29: {  	s8 =	sadd.s32 s8, s7;
	[sflag:s10] =	ssyncadd.s32 $0xFFFFFF80;
	(pc) =	sbr.rel @p0 .LBB2_2-.Ltmp0, $3  }
0x2a: {  	[spmem:s8] =	stream.linear.scatter [tilespmem:s12], [sflag:$0x9], $0x80, $0x38;
	[tilespmem:$0x8D20] =	vst v63  }
0x2b: {  	s6 =	sadd.s32 $0x200, s6;
	_ =	sdelay $0x1  }
0x2c: {  	_ =	swait.ge [sflag:s10], $0x80  }
0x2d: {  	[sflag:s10] =	ssyncset.done $0x0  }
0x2e: {  	[sflag:s10] =	ssyncadd.s32 $0xFFFFFF80  }
0x2f: {  	[bflag:$0x0] =	sbarrier.arrive $0xFFFF  }
0x30: {  	v1 =	vld [tilespmem:$0x0]  }
0x31: {  	v2 =	vld [tilespmem:$0x10]  }
0x32: {  	v3 =	vld [tilespmem:$0x20]  }
0x33: {  	v4 =	vld [tilespmem:$0x30]  }
0x34: {  	v5 =	vld [tilespmem:$0x40]  }
0x35: {  	v50 =	vld [tilespmem:$0x2740];
	[tilespmem:$0x4E20] =	vst v1  }
0x36: {  	v51 =	vld [tilespmem:$0x2750];
	[tilespmem:$0x4E30] =	vst v2  }
0x37: {  	v1 =	vld [tilespmem:$0x2710];
	[tilespmem:$0x4E40] =	vst v3  }
0x38: {  	v2 =	vld [tilespmem:$0x2720];
	[tilespmem:$0x4E50] =	vst v4  }
0x39: {  	v3 =	vld [tilespmem:$0x2730];
	[tilespmem:$0x4E60] =	vst v5  }
0x3a: {  	[tilespmem:$0x4F90] =	vst v50  }
0x3b: {  	[tilespmem:$0x4FA0] =	vst v51  }
0x3c: {  	[tilespmem:$0x4F60] =	vst v1  }
0x3d: {  	[tilespmem:$0x4F70] =	vst v2  }
0x3e: {  	[tilespmem:$0x4F80] =	vst v3  }
0x3f: {  	[tilespmem:s15], [sflag:$0x1] =	stream.indirect.gather [hbm4b:s4+s13], $0x10, s14, s13, $0xb8;
	[tilespmem:$0x8D20] =	vst v63  }
0x40: {  	v1 =	vld [tilespmem:$0x50]  }
0x41: {  	v2 =	vld [tilespmem:$0x60]  }
0x42: {  	v3 =	vld [tilespmem:$0x70]  }
0x43: {  	v52 =	vld [tilespmem:$0x80]  }
0x44: {  	v53 =	vld [tilespmem:$0x90]  }
0x45: {  	v54 =	vld [tilespmem:$0x2790];
	[tilespmem:$0x4E70] =	vst v1  }
0x46: {  	v55 =	vld [tilespmem:$0x27A0];
	[tilespmem:$0x4E80] =	vst v2  }
0x47: {  	v1 =	vld [tilespmem:$0x2760];
	[tilespmem:$0x4E90] =	vst v3  }
0x48: {  	v2 =	vld [tilespmem:$0x2770];
	[tilespmem:$0x4EA0] =	vst v52  }
0x49: {  	v3 =	vld [tilespmem:$0x2780];
	[tilespmem:$0x4EB0] =	vst v53  }
0x4a: {  	[tilespmem:$0x4FE0] =	vst v54  }
0x4b: {  	[tilespmem:$0x4FF0] =	vst v55  }
0x4c: {  	[tilespmem:$0x4FB0] =	vst v1  }
0x4d: {  	[tilespmem:$0x4FC0] =	vst v2  }
0x4e: {  	[tilespmem:$0x4FD0] =	vst v3  }
0x4f: {  	[tilespmem:s17], [sflag:$0x2] =	stream.indirect.gather [hbm4b:s4+s13], $0x10, s16, s13, $0xb8;
	[tilespmem:$0x8D20] =	vst v63  }
0x50: {  	v1 =	vld [tilespmem:$0xA0]  }
0x51: {  	v2 =	vld [tilespmem:$0xB0]  }
0x52: {  	v3 =	vld [tilespmem:$0xC0]  }
0x53: {  	v56 =	vld [tilespmem:$0xD0]  }
0x54: {  	v57 =	vld [tilespmem:$0xE0]  }
0x55: {  	v58 =	vld [tilespmem:$0x27E0];
	[tilespmem:$0x4EC0] =	vst v1  }
0x56: {  	v59 =	vld [tilespmem:$0x27F0];
	[tilespmem:$0x4ED0] =	vst v2  }
0x57: {  	v1 =	vld [tilespmem:$0x27B0];
	[tilespmem:$0x4EE0] =	vst v3  }
0x58: {  	v2 =	vld [tilespmem:$0x27C0];
	[tilespmem:$0x4EF0] =	vst v56  }
0x59: {  	v3 =	vld [tilespmem:$0x27D0];
	[tilespmem:$0x4F00] =	vst v57  }
0x5a: {  	[tilespmem:$0x5030] =	vst v58  }
0x5b: {  	[tilespmem:$0x5040] =	vst v59  }
0x5c: {  	[tilespmem:$0x5000] =	vst v1  }
0x5d: {  	[tilespmem:$0x5010] =	vst v2  }
0x5e: {  	[tilespmem:$0x5020] =	vst v3  }
0x5f: {  	[tilespmem:s19], [sflag:$0x3] =	stream.indirect.gather [hbm4b:s4+s13], $0x10, s18, s13, $0xb8;
	[tilespmem:$0x8D20] =	vst v63  }
0x60: {  	v1 =	vld [tilespmem:$0xF0]  }
0x61: {  	v2 =	vld [tilespmem:$0x100]  }
0x62: {  	v3 =	vld [tilespmem:$0x110]  }
0x63: {  	v60 =	vld [tilespmem:$0x120]  }
0x64: {  	v61 =	vld [tilespmem:$0x130]  }
0x65: {  	v62 =	vld [tilespmem:$0x2830];
	[tilespmem:$0x4F10] =	vst v1  }
0x66: {  	v63 =	vld [tilespmem:$0x2840];
	[tilespmem:$0x4F20] =	vst v2  }
0x67: {  	v1 =	vld [tilespmem:$0x2800];
	[tilespmem:$0x4F30] =	vst v3  }
0x68: {  	v2 =	vld [tilespmem:$0x2810];
	[tilespmem:$0x4F40] =	vst v60  }
0x69: {  	v3 =	vld [tilespmem:$0x2820];
	[tilespmem:$0x4F50] =	vst v61  }
0x6a: {  	[tilespmem:$0x5080] =	vst v62  }
0x6b: {  	[tilespmem:$0x5090] =	vst v63  }
0x6c: {  	[tilespmem:$0x5050] =	vst v1  }
0x6d: {  	[tilespmem:$0x5060] =	vst v2  }
0x6e: {  	[tilespmem:$0x5070] =	vst v3  }
0x6f: {  	[tilespmem:s21], [sflag:$0x4] =	stream.indirect.gather [hbm4b:s4+s13], $0x10, s20, s13, $0xb8;
	[tilespmem:$0x8D20] =	vst v63  }
0x70: {  	_ =	swait.ge [sflag:s22], $0x500  }
0x71: {  	[sflag:s22] =	ssyncset.done $0x0  }
0x72: {  	[sflag:s22] =	ssyncadd.s32 $0xFFFFFB00  }
0x73: {  	[spmem:s2] =	stream.indirect.scatter.add.f32 [tilespmem:s15], [sflag:$0x5], $0x10, s23, s13, $0xb8;
	[tilespmem:$0x8D20] =	vst v63  }
0x74: {  	_ =	swait.ge [sflag:s24], $0x500  }
0x75: {  	[sflag:s24] =	ssyncset.done $0x0  }
0x76: {  	[sflag:s24] =	ssyncadd.s32 $0xFFFFFB00  }
0x77: {  	[spmem:s2] =	stream.indirect.scatter.add.f32 [tilespmem:s17], [sflag:$0x6], $0x10, s26, s13, $0xb8;
	[tilespmem:$0x8D20] =	vst v63  }
0x78: {  	_ =	swait.ge [sflag:s28], $0x500  }
0x79: {  	[sflag:s28] =	ssyncset.done $0x0  }
0x7a: {  	[sflag:s28] =	ssyncadd.s32 $0xFFFFFB00  }
0x7b: {  	[spmem:s2] =	stream.indirect.scatter.add.f32 [tilespmem:s19], [sflag:$0x7], $0x10, s29, s13, $0xb8;
	[tilespmem:$0x8D20] =	vst v63  }
0x7c: {  	_ =	swait.ge [sflag:s30], $0x500  }
0x7d: {  	[sflag:s30] =	ssyncset.done $0x0  }
0x7e: {  	[sflag:s30] =	ssyncadd.s32 $0xFFFFFB00  }
0x7f: {  	[spmem:s2] =	stream.indirect.scatter.add.f32 [tilespmem:s21], [sflag:$0x8], $0x10, s31, s13, $0xb8;
	[tilespmem:$0x8D20] =	vst v63  }
0x80: {  	_ =	swait.ge [sflag:s1], $0x500  }
0x81: {  	[sflag:s1] =	ssyncset.done $0x0  }
0x82: {  	s6 =	simm.s32 $0x270;
	[sflag:s1] =	ssyncadd.s32 $0xFFFFFB00  }
0x83: {  	v1 =	vld [tilespmem:s6+$0xFFFFFED0];
	_ =	sdelay $0x4  }
0x84: {  	[tilespmem:$0x4E20] =	vst v1  }
0x85: {  	v1 =	vld [tilespmem:s6+$0xFFFFFEE0];
	_ =	sdelay $0x4  }
0x86: {  	[tilespmem:$0x4E30] =	vst v1  }
0x87: {  	v1 =	vld [tilespmem:s6+$0xFFFFFEF0];
	_ =	sdelay $0x4  }
0x88: {  	[tilespmem:$0x4E40] =	vst v1  }
0x89: {  	v1 =	vld [tilespmem:s6+$0xFFFFFF00];
	_ =	sdelay $0x4  }
0x8a: {  	[tilespmem:$0x4E50] =	vst v1  }
0x8b: {  	v1 =	vld [tilespmem:s6+$0xFFFFFF10];
	_ =	sdelay $0x4  }
0x8c: {  	[tilespmem:$0x4E60] =	vst v1  }
0x8d: {  	v1 =	vld [tilespmem:s6+$0x25E0];
	_ =	sdelay $0x4  }
0x8e: {  	[tilespmem:$0x4F60] =	vst v1  }
0x8f: {  	v1 =	vld [tilespmem:s6+$0x25F0];
	_ =	sdelay $0x4  }
0x90: {  	[tilespmem:$0x4F70] =	vst v1  }
0x91: {  	v1 =	vld [tilespmem:s6+$0x2600];
	_ =	sdelay $0x4  }
0x92: {  	[tilespmem:$0x4F80] =	vst v1  }
0x93: {  	v1 =	vld [tilespmem:s6+$0x2610];
	_ =	sdelay $0x4  }
0x94: {  	[tilespmem:$0x4F90] =	vst v1  }
0x95: {  	v1 =	vld [tilespmem:s6+$0x2620];
	_ =	sdelay $0x4  }
0x96: {  	[tilespmem:$0x4FA0] =	vst v1  }
0x97: {  	[tilespmem:s15], [sflag:$0x1] =	stream.indirect.gather [hbm4b:s4+s13], $0x10, s14, s13, $0xb8;
	[tilespmem:$0x8D20] =	vst v63  }
0x98: {  	_ =	swait.ge [sflag:s11], $0x500  }
0x99: {  	[sflag:s11] =	ssyncset.done $0x0  }
0x9a: {  	[sflag:s11] =	ssyncadd.s32 $0xFFFFFB00  }
0x9b: {  	v1 =	vld [tilespmem:s6+$0xFFFFFF20];
	_ =	sdelay $0x4  }
0x9c: {  	[tilespmem:$0x4E70] =	vst v1  }
0x9d: {  	v1 =	vld [tilespmem:s6+$0xFFFFFF30];
	_ =	sdelay $0x4  }
0x9e: {  	[tilespmem:$0x4E80] =	vst v1  }
0x9f: {  	v1 =	vld [tilespmem:s6+$0xFFFFFF40];
	_ =	sdelay $0x4  }
0xa0: {  	[tilespmem:$0x4E90] =	vst v1  }
0xa1: {  	v1 =	vld [tilespmem:s6+$0xFFFFFF50];
	_ =	sdelay $0x4  }
0xa2: {  	[tilespmem:$0x4EA0] =	vst v1  }
0xa3: {  	v1 =	vld [tilespmem:s6+$0xFFFFFF60];
	_ =	sdelay $0x4  }
0xa4: {  	[tilespmem:$0x4EB0] =	vst v1  }
0xa5: {  	v1 =	vld [tilespmem:s6+$0x2630];
	_ =	sdelay $0x4  }
0xa6: {  	[tilespmem:$0x4FB0] =	vst v1  }
0xa7: {  	v1 =	vld [tilespmem:s6+$0x2640];
	_ =	sdelay $0x4  }
0xa8: {  	[tilespmem:$0x4FC0] =	vst v1  }
0xa9: {  	v1 =	vld [tilespmem:s6+$0x2650];
	_ =	sdelay $0x4  }
0xaa: {  	[tilespmem:$0x4FD0] =	vst v1  }
0xab: {  	v1 =	vld [tilespmem:s6+$0x2660];
	_ =	sdelay $0x4  }
0xac: {  	[tilespmem:$0x4FE0] =	vst v1  }
0xad: {  	v1 =	vld [tilespmem:s6+$0x2670];
	_ =	sdelay $0x4  }
0xae: {  	[tilespmem:$0x4FF0] =	vst v1  }
0xaf: {  	[tilespmem:s17], [sflag:$0x2] =	stream.indirect.gather [hbm4b:s4+s13], $0x10, s16, s13, $0xb8;
	[tilespmem:$0x8D20] =	vst v63  }
0xb0: {  	_ =	swait.ge [sflag:s0], $0x500  }
0xb1: {  	[sflag:s0] =	ssyncset.done $0x0  }
0xb2: {  	[sflag:s0] =	ssyncadd.s32 $0xFFFFFB00  }
0xb3: {  	v1 =	vld [tilespmem:s6+$0xFFFFFF70];
	_ =	sdelay $0x4  }
0xb4: {  	[tilespmem:$0x4EC0] =	vst v1  }
0xb5: {  	v1 =	vld [tilespmem:s6+$0xFFFFFF80];
	_ =	sdelay $0x4  }
0xb6: {  	[tilespmem:$0x4ED0] =	vst v1  }
0xb7: {  	v1 =	vld [tilespmem:s6+$0xFFFFFF90];
	_ =	sdelay $0x4  }
0xb8: {  	[tilespmem:$0x4EE0] =	vst v1  }
0xb9: {  	v1 =	vld [tilespmem:s6+$0xFFFFFFA0];
	_ =	sdelay $0x4  }
0xba: {  	[tilespmem:$0x4EF0] =	vst v1  }
0xbb: {  	v1 =	vld [tilespmem:s6+$0xFFFFFFB0];
	_ =	sdelay $0x4  }
0xbc: {  	[tilespmem:$0x4F00] =	vst v1  }
0xbd: {  	v1 =	vld [tilespmem:s6+$0x2680];
	_ =	sdelay $0x4  }
0xbe: {  	[tilespmem:$0x5000] =	vst v1  }
0xbf: {  	v1 =	vld [tilespmem:s6+$0x2690];
	_ =	sdelay $0x4  }
0xc0: {  	[tilespmem:$0x5010] =	vst v1  }
0xc1: {  	v1 =	vld [tilespmem:s6+$0x26A0];
	_ =	sdelay $0x4  }
0xc2: {  	[tilespmem:$0x5020] =	vst v1  }
0xc3: {  	v1 =	vld [tilespmem:s6+$0x26B0];
	_ =	sdelay $0x4  }
0xc4: {  	[tilespmem:$0x5030] =	vst v1  }
0xc5: {  	v1 =	vld [tilespmem:s6+$0x26C0];
	_ =	sdelay $0x4  }
0xc6: {  	[tilespmem:$0x5040] =	vst v1  }
0xc7: {  	[tilespmem:s19], [sflag:$0x3] =	stream.indirect.gather [hbm4b:s4+s13], $0x10, s18, s13, $0xb8;
	[tilespmem:$0x8D20] =	vst v63  }
0xc8: {  	_ =	swait.ge [sflag:s3], $0x500  }
0xc9: {  	[sflag:s3] =	ssyncset.done $0x0  }
0xca: {  	[sflag:s3] =	ssyncadd.s32 $0xFFFFFB00  }
0xcb: {  	v1 =	vld [tilespmem:s6+$0xFFFFFFC0];
	_ =	sdelay $0x4  }
0xcc: {  	[tilespmem:$0x4F10] =	vst v1  }
0xcd: {  	v1 =	vld [tilespmem:s6+$0xFFFFFFD0];
	_ =	sdelay $0x4  }
0xce: {  	[tilespmem:$0x4F20] =	vst v1  }
0xcf: {  	v1 =	vld [tilespmem:s6+$0xFFFFFFE0];
	_ =	sdelay $0x4  }
0xd0: {  	[tilespmem:$0x4F30] =	vst v1  }
0xd1: {  	v1 =	vld [tilespmem:s6+$0xFFFFFFF0];
	_ =	sdelay $0x4  }
0xd2: {  	[tilespmem:$0x4F40] =	vst v1  }
0xd3: {  	v1 =	vld [tilespmem:s6+$0x0];
	_ =	sdelay $0x4  }
0xd4: {  	[tilespmem:$0x4F50] =	vst v1  }
0xd5: {  	v1 =	vld [tilespmem:s6+$0x26D0];
	_ =	sdelay $0x4  }
0xd6: {  	[tilespmem:$0x5050] =	vst v1  }
0xd7: {  	v1 =	vld [tilespmem:s6+$0x26E0];
	_ =	sdelay $0x4  }
0xd8: {  	[tilespmem:$0x5060] =	vst v1  }
0xd9: {  	v1 =	vld [tilespmem:s6+$0x26F0];
	_ =	sdelay $0x4  }
0xda: {  	[tilespmem:$0x5070] =	vst v1  }
0xdb: {  	v1 =	vld [tilespmem:s6+$0x2700];
	_ =	sdelay $0x4  }
0xdc: {  	[tilespmem:$0x5080] =	vst v1  }
0xdd: {  	v1 =	vld [tilespmem:s6+$0x2710];
	_ =	sdelay $0x4  }
0xde: {  	s6 =	simm.s32 $0xEC0;
	[tilespmem:$0x5090] =	vst v1  }
.LBB2_4:
0xdf: {  	[tilespmem:s21], [sflag:$0x4] =	stream.indirect.gather [hbm4b:s4+s13], $0x10, s20, s13, $0xb8;
	[tilespmem:$0x8D20] =	vst v63  }
0xe0: {  	s8 =	smov.u32 s6  }
0xe1: {  	p0 =	sne.s32 s6, $0x9AC0;
	s6 =	sadd.s32 $0x500, s6;
	_ =	swait.ge [sflag:s22], $0x500  }
0xe2: {  	[sflag:s22] =	ssyncset.done $0x0  }
0xe3: {  	[sflag:s22] =	ssyncadd.s32 $0xFFFFFB00  }
0xe4: {  	[spmem:s2] =	stream.indirect.scatter.add.f32 [tilespmem:s15], [sflag:$0x5], $0x10, s23, s13, $0xb8;
	[tilespmem:$0x8D20] =	vst v63  }
0xe5: {  	_ =	swait.ge [sflag:s24], $0x500  }
0xe6: {  	[sflag:s24] =	ssyncset.done $0x0  }
0xe7: {  	[sflag:s24] =	ssyncadd.s32 $0xFFFFFB00  }
0xe8: {  	[spmem:s2] =	stream.indirect.scatter.add.f32 [tilespmem:s17], [sflag:$0x6], $0x10, s26, s13, $0xb8;
	[tilespmem:$0x8D20] =	vst v63  }
0xe9: {  	_ =	swait.ge [sflag:s28], $0x500  }
0xea: {  	[sflag:s28] =	ssyncset.done $0x0  }
0xeb: {  	[sflag:s28] =	ssyncadd.s32 $0xFFFFFB00  }
0xec: {  	[spmem:s2] =	stream.indirect.scatter.add.f32 [tilespmem:s19], [sflag:$0x7], $0x10, s29, s13, $0xb8;
	[tilespmem:$0x8D20] =	vst v63  }
0xed: {  	_ =	swait.ge [sflag:s30], $0x500  }
0xee: {  	[sflag:s30] =	ssyncset.done $0x0  }
0xef: {  	[sflag:s30] =	ssyncadd.s32 $0xFFFFFB00  }
0xf0: {  	[spmem:s2] =	stream.indirect.scatter.add.f32 [tilespmem:s21], [sflag:$0x8], $0x10, s31, s13, $0xb8;
	[tilespmem:$0x8D20] =	vst v63  }
0xf1: {  	_ =	swait.ge [sflag:s1], $0x500  }
0xf2: {  	[sflag:s1] =	ssyncset.done $0x0  }
0xf3: {  	s8 =	sshra.s32 s8, $0x2;
	[sflag:s1] =	ssyncadd.s32 $0xFFFFFB00  }
0xf4: {  	v1 =	vld [tilespmem:s8+$0xFFFFFED0];
	_ =	sdelay $0x4  }
0xf5: {  	[tilespmem:$0x4E20] =	vst v1  }
0xf6: {  	v1 =	vld [tilespmem:s8+$0xFFFFFEE0];
	_ =	sdelay $0x4  }
0xf7: {  	[tilespmem:$0x4E30] =	vst v1  }
0xf8: {  	v1 =	vld [tilespmem:s8+$0xFFFFFEF0];
	_ =	sdelay $0x4  }
0xf9: {  	[tilespmem:$0x4E40] =	vst v1  }
0xfa: {  	v1 =	vld [tilespmem:s8+$0xFFFFFF00];
	_ =	sdelay $0x4  }
0xfb: {  	[tilespmem:$0x4E50] =	vst v1  }
0xfc: {  	v1 =	vld [tilespmem:s8+$0xFFFFFF10];
	_ =	sdelay $0x4  }
0xfd: {  	[tilespmem:$0x4E60] =	vst v1  }
0xfe: {  	v1 =	vld [tilespmem:s8+$0x25E0];
	_ =	sdelay $0x4  }
0xff: {  	[tilespmem:$0x4F60] =	vst v1  }
0x100: {  	v1 =	vld [tilespmem:s8+$0x25F0];
	_ =	sdelay $0x4  }
0x101: {  	[tilespmem:$0x4F70] =	vst v1  }
0x102: {  	v1 =	vld [tilespmem:s8+$0x2600];
	_ =	sdelay $0x4  }
0x103: {  	[tilespmem:$0x4F80] =	vst v1  }
0x104: {  	v1 =	vld [tilespmem:s8+$0x2610];
	_ =	sdelay $0x4  }
0x105: {  	[tilespmem:$0x4F90] =	vst v1  }
0x106: {  	v1 =	vld [tilespmem:s8+$0x2620];
	_ =	sdelay $0x4  }
0x107: {  	[tilespmem:$0x4FA0] =	vst v1  }
0x108: {  	[tilespmem:s15], [sflag:$0x1] =	stream.indirect.gather [hbm4b:s4+s13], $0x10, s14, s13, $0xb8;
	[tilespmem:$0x8D20] =	vst v63  }
0x109: {  	_ =	swait.ge [sflag:s11], $0x500  }
0x10a: {  	[sflag:s11] =	ssyncset.done $0x0  }
0x10b: {  	[sflag:s11] =	ssyncadd.s32 $0xFFFFFB00  }
0x10c: {  	v1 =	vld [tilespmem:s8+$0xFFFFFF20];
	_ =	sdelay $0x4  }
0x10d: {  	[tilespmem:$0x4E70] =	vst v1  }
0x10e: {  	v1 =	vld [tilespmem:s8+$0xFFFFFF30];
	_ =	sdelay $0x4  }
0x10f: {  	[tilespmem:$0x4E80] =	vst v1  }
0x110: {  	v1 =	vld [tilespmem:s8+$0xFFFFFF40];
	_ =	sdelay $0x4  }
0x111: {  	[tilespmem:$0x4E90] =	vst v1  }
0x112: {  	v1 =	vld [tilespmem:s8+$0xFFFFFF50];
	_ =	sdelay $0x4  }
0x113: {  	[tilespmem:$0x4EA0] =	vst v1  }
0x114: {  	v1 =	vld [tilespmem:s8+$0xFFFFFF60];
	_ =	sdelay $0x4  }
0x115: {  	[tilespmem:$0x4EB0] =	vst v1  }
0x116: {  	v1 =	vld [tilespmem:s8+$0x2630];
	_ =	sdelay $0x4  }
0x117: {  	[tilespmem:$0x4FB0] =	vst v1  }
0x118: {  	v1 =	vld [tilespmem:s8+$0x2640];
	_ =	sdelay $0x4  }
0x119: {  	[tilespmem:$0x4FC0] =	vst v1  }
0x11a: {  	v1 =	vld [tilespmem:s8+$0x2650];
	_ =	sdelay $0x4  }
0x11b: {  	[tilespmem:$0x4FD0] =	vst v1  }
0x11c: {  	v1 =	vld [tilespmem:s8+$0x2660];
	_ =	sdelay $0x4  }
0x11d: {  	[tilespmem:$0x4FE0] =	vst v1  }
0x11e: {  	v1 =	vld [tilespmem:s8+$0x2670];
	_ =	sdelay $0x4  }
0x11f: {  	[tilespmem:$0x4FF0] =	vst v1  }
0x120: {  	[tilespmem:s17], [sflag:$0x2] =	stream.indirect.gather [hbm4b:s4+s13], $0x10, s16, s13, $0xb8;
	[tilespmem:$0x8D20] =	vst v63  }
0x121: {  	_ =	swait.ge [sflag:s0], $0x500  }
0x122: {  	[sflag:s0] =	ssyncset.done $0x0  }
0x123: {  	[sflag:s0] =	ssyncadd.s32 $0xFFFFFB00  }
0x124: {  	v1 =	vld [tilespmem:s8+$0xFFFFFF70];
	_ =	sdelay $0x4  }
0x125: {  	[tilespmem:$0x4EC0] =	vst v1  }
0x126: {  	v1 =	vld [tilespmem:s8+$0xFFFFFF80];
	_ =	sdelay $0x4  }
0x127: {  	[tilespmem:$0x4ED0] =	vst v1  }
0x128: {  	v1 =	vld [tilespmem:s8+$0xFFFFFF90];
	_ =	sdelay $0x4  }
0x129: {  	[tilespmem:$0x4EE0] =	vst v1  }
0x12a: {  	v1 =	vld [tilespmem:s8+$0xFFFFFFA0];
	_ =	sdelay $0x4  }
0x12b: {  	[tilespmem:$0x4EF0] =	vst v1  }
0x12c: {  	v1 =	vld [tilespmem:s8+$0xFFFFFFB0];
	_ =	sdelay $0x4  }
0x12d: {  	[tilespmem:$0x4F00] =	vst v1  }
0x12e: {  	v1 =	vld [tilespmem:s8+$0x2680];
	_ =	sdelay $0x4  }
0x12f: {  	[tilespmem:$0x5000] =	vst v1  }
0x130: {  	v1 =	vld [tilespmem:s8+$0x2690];
	_ =	sdelay $0x4  }
0x131: {  	[tilespmem:$0x5010] =	vst v1  }
0x132: {  	v1 =	vld [tilespmem:s8+$0x26A0];
	_ =	sdelay $0x4  }
0x133: {  	[tilespmem:$0x5020] =	vst v1  }
0x134: {  	v1 =	vld [tilespmem:s8+$0x26B0];
	_ =	sdelay $0x4  }
0x135: {  	[tilespmem:$0x5030] =	vst v1  }
0x136: {  	v1 =	vld [tilespmem:s8+$0x26C0];
	_ =	sdelay $0x4  }
0x137: {  	[tilespmem:$0x5040] =	vst v1  }
0x138: {  	[tilespmem:s19], [sflag:$0x3] =	stream.indirect.gather [hbm4b:s4+s13], $0x10, s18, s13, $0xb8;
	[tilespmem:$0x8D20] =	vst v63  }
0x139: {  	_ =	swait.ge [sflag:s3], $0x500  }
0x13a: {  	[sflag:s3] =	ssyncset.done $0x0  }
0x13b: {  	[sflag:s3] =	ssyncadd.s32 $0xFFFFFB00  }
0x13c: {  	v1 =	vld [tilespmem:s8+$0xFFFFFFC0];
	_ =	sdelay $0x4  }
0x13d: {  	[tilespmem:$0x4F10] =	vst v1  }
0x13e: {  	v1 =	vld [tilespmem:s8+$0xFFFFFFD0];
	_ =	sdelay $0x4  }
0x13f: {  	[tilespmem:$0x4F20] =	vst v1  }
0x140: {  	v1 =	vld [tilespmem:s8+$0xFFFFFFE0];
	_ =	sdelay $0x4  }
0x141: {  	[tilespmem:$0x4F30] =	vst v1  }
0x142: {  	v1 =	vld [tilespmem:s8+$0xFFFFFFF0];
	_ =	sdelay $0x4  }
0x143: {  	[tilespmem:$0x4F40] =	vst v1  }
0x144: {  	v1 =	vld [tilespmem:s8+$0x0];
	_ =	sdelay $0x4  }
0x145: {  	[tilespmem:$0x4F50] =	vst v1  }
0x146: {  	v1 =	vld [tilespmem:s8+$0x26D0];
	_ =	sdelay $0x4  }
0x147: {  	[tilespmem:$0x5050] =	vst v1  }
0x148: {  	v1 =	vld [tilespmem:s8+$0x26E0];
	_ =	sdelay $0x4  }
0x149: {  	[tilespmem:$0x5060] =	vst v1  }
0x14a: {  	v1 =	vld [tilespmem:s8+$0x26F0];
	_ =	sdelay $0x4  }
0x14b: {  	[tilespmem:$0x5070] =	vst v1  }
0x14c: {  	v1 =	vld [tilespmem:s8+$0x2700];
	_ =	sdelay $0x4  }
0x14d: {  	[tilespmem:$0x5080] =	vst v1  }
0x14e: {  	v1 =	vld [tilespmem:s8+$0x2710]  }
.Ltmp1:
0x14f: {  	(pc) =	sbr.rel @p0 .LBB2_4-.Ltmp1, $2  }
0x150: {  	_ =	sdelay $0x2  }
0x151: {  	[tilespmem:$0x5090] =	vst v1  }
0x152: {  	[tilespmem:s21], [sflag:$0x4] =	stream.indirect.gather [hbm4b:s4+s13], $0x10, s20, s13, $0xb8;
	[tilespmem:$0x8D20] =	vst v63  }
0x153: {  	_ =	swait.ge [sflag:s22], $0x500  }
0x154: {  	[sflag:s22] =	ssyncset.done $0x0  }
0x155: {  	[sflag:s22] =	ssyncadd.s32 $0xFFFFFB00  }
0x156: {  	[spmem:s2] =	stream.indirect.scatter.add.f32 [tilespmem:s15], [sflag:$0x5], $0x10, s23, s13, $0xb8;
	[tilespmem:$0x8D20] =	vst v63  }
0x157: {  	_ =	swait.ge [sflag:s24], $0x500  }
0x158: {  	[sflag:s24] =	ssyncset.done $0x0  }
0x159: {  	[sflag:s24] =	ssyncadd.s32 $0xFFFFFB00  }
0x15a: {  	[spmem:s2] =	stream.indirect.scatter.add.f32 [tilespmem:s17], [sflag:$0x6], $0x10, s26, s13, $0xb8;
	[tilespmem:$0x8D20] =	vst v63  }
0x15b: {  	_ =	swait.ge [sflag:s28], $0x500  }
0x15c: {  	[sflag:s28] =	ssyncset.done $0x0  }
0x15d: {  	[sflag:s28] =	ssyncadd.s32 $0xFFFFFB00  }
0x15e: {  	[spmem:s2] =	stream.indirect.scatter.add.f32 [tilespmem:s19], [sflag:$0x7], $0x10, s29, s13, $0xb8;
	[tilespmem:$0x8D20] =	vst v63  }
0x15f: {  	_ =	swait.ge [sflag:s30], $0x500  }
0x160: {  	[sflag:s30] =	ssyncset.done $0x0  }
0x161: {  	[sflag:s30] =	ssyncadd.s32 $0xFFFFFB00  }
0x162: {  	[spmem:s2] =	stream.indirect.scatter.add.f32 [tilespmem:s21], [sflag:$0x8], $0x10, s31, s13, $0xb8;
	[tilespmem:$0x8D20] =	vst v63  }
0x163: {  	_ =	swait.ge [sflag:s1], $0x500  }
0x164: {  	[sflag:s1] =	ssyncset.done $0x0  }
0x165: {  	[sflag:s1] =	ssyncadd.s32 $0xFFFFFB00  }
0x166: {  	_ =	swait.ge [sflag:s11], $0x500  }
0x167: {  	[sflag:s11] =	ssyncset.done $0x0  }
0x168: {  	[sflag:s11] =	ssyncadd.s32 $0xFFFFFB00  }
0x169: {  	_ =	swait.ge [sflag:s0], $0x500  }
0x16a: {  	[sflag:s0] =	ssyncset.done $0x0  }
0x16b: {  	[sflag:s0] =	ssyncadd.s32 $0xFFFFFB00  }
0x16c: {  	_ =	swait.ge [sflag:s3], $0x500  }
0x16d: {  	[sflag:s3] =	ssyncset.done $0x0  }
0x16e: {  	[sflag:s3] =	ssyncadd.s32 $0xFFFFFB00  }
0x16f: {  	v1 =	vld [tilespmem:$0x26C0]  }
0x170: {  	v2 =	vld [tilespmem:$0x26D0]  }
0x171: {  	v3 =	vld [tilespmem:$0x26E0]  }
0x172: {  	v4 =	vld [tilespmem:$0x26F0]  }
0x173: {  	v5 =	vld [tilespmem:$0x2700]  }
0x174: {  	v62 =	vld [tilespmem:$0x4E00];
	[tilespmem:$0x4E20] =	vst v1  }
0x175: {  	v63 =	vld [tilespmem:$0x4E10];
	[tilespmem:$0x4E30] =	vst v2  }
0x176: {  	v1 =	vld [tilespmem:$0x4DD0];
	[tilespmem:$0x4E40] =	vst v3  }
0x177: {  	v2 =	vld [tilespmem:$0x4DE0];
	[tilespmem:$0x4E50] =	vst v4  }
0x178: {  	v3 =	vld [tilespmem:$0x4DF0];
	[tilespmem:$0x4E60] =	vst v5  }
0x179: {  	[tilespmem:$0x4F90] =	vst v62  }
0x17a: {  	[tilespmem:$0x4FA0] =	vst v63  }
0x17b: {  	[tilespmem:$0x4F60] =	vst v1  }
0x17c: {  	[tilespmem:$0x4F70] =	vst v2  }
0x17d: {  	[tilespmem:$0x4F80] =	vst v3  }
0x17e: {  	[tilespmem:s15], [sflag:$0x9] =	stream.indirect.gather [hbm4b:s4+s13], $0x10, s14, s13, $0xb8;
	[tilespmem:$0x8D20] =	vst v63  }
0x17f: {  	_ =	swait.ge [sflag:s10], $0x500  }
0x180: {  	[sflag:s10] =	ssyncset.done $0x0  }
0x181: {  	[sflag:s10] =	ssyncadd.s32 $0xFFFFFB00  }
0x182: {  	[spmem:s2] =	stream.indirect.scatter.add.f32 [tilespmem:s15], [sflag:$0x9], $0x10, s23, s13, $0xb8;
	[tilespmem:$0x8D20] =	vst v63  }
0x183: {  	_ =	swait.ge [sflag:s10], $0x500  }
0x184: {  	[sflag:s10] =	ssyncset.done $0x0  }
0x185: {  	s6 =	stileid.u32;
	[sflag:s10] =	ssyncadd.s32 $0xFFFFFB00  }
0x186: {  	s6 =	sshll.u32 s6, $0x6;
	[bflag:$0x0] =	sbarrier.arrive $0xFFFF  }
0x187: {  	s6 =	sor.u32 $0x1C09, s6;
	s8 =	rddreg [dreg:$0x5]  }
0x188: {  	[hbm:s8], [sflag:s6] =	dma.local [spmem:s25], $0x500  }
0x189: {  	_ =	swait.ge [sflag:s10], $0x500  }
0x18a: {  	s5 =	sadd.s32 $0x1, s5;
	s8 =	rddreg [dreg:$0x6]  }
0x18b: {  	p0 =	sne.s32 s5, s8  }
.Ltmp2:
0x18c: {  	_ = 	snop;
	(pc) =	sbr.rel @p0 .LBB2_1-.Ltmp2, $3  }
0x18d: {  	_ =	sdelay $0x1  }
0x18e: {  	[sflag:s10] =	ssyncset.done $0x0  }
0x18f: {  	[sflag:s10] =	ssyncadd.s32 $0xFFFFFB00  }
0x190: {  	_ =	sfence.sel $0x180000  }
0x191: {  	[bflag:$0x0] =	sbarrier.arrive $0xFFFF  }
0x192: {  	_ =	strace $0x9000004D  }
0x193: {  	s0 =	stileid.u32;
	[bflag:$0x2] =	sbarrier.arrive $0xFFFF  }
0x194: {  	p0 =	sne.s32 s0, $0x0;
	s0 =	rddreg [dreg:$0x2]  }
0x195: {  	s0 =	sadd.s32 @!p0 $0x100000, s0  }
0x196: {  	[sflag:s0] =	ssyncadd.tile.s32 @!p0 $0x1;
	_ =	shalt  }
.Lfunc_end2:
_tile_overlayer_lowered:
.L_overlay_start_2:
0x197: {  	(tag) =	ssettag $0x2  }
0x198: {  	s0 =	rddreg [dreg:$0x0];
	s2 =	stileid.u32  }
0x199: {  	s1 =	rddreg [dreg:$0x1];
	p0 =	sne.s32 s2, $0x0  }
0x19a: {  	s3 =	rddreg [dreg:$0x2];
	[bflag:$0x3] =	sbarrier.arrive $0xFFFF;
	s2 =	simm.s32 @!p0 $0x1C09  }
0x19b: {  	[timem:s3], [sflag:s2] =	dma.local @!p0 [hbm:s0], s1  }
0x19c: {  	s0 =	simm.s32 @!p0 $0x9  }
0x19d: {  	_ =	swait.ge @!p0 [sflag:s0], s1  }
0x19e: {  	s1 =	ssub.s32 @!p0 $0x0, s1;
	[sflag:s0] =	ssyncset.done @!p0 $0x0  }
0x19f: {  	[sflag:s0] =	ssyncadd.s32 @!p0 s1  }
0x1a0: {  	[bflag:$0x3] =	sbarrier.arrive $0xFFFF  }
0x1a1: {  	_ =	shalt  }

// kernel: kernel.8.cloned.1.call-start
scs
__scs_entry_jumppad:
0x0: {  	(pc) =	sbr.rel $0x88, $3  }
0x1: {  	(tag) =	ssettag $0x0;
	lr =	simm.s32 $0x1  }
0x2: {  	[smem:$0x3F9B] =	sst lr;
	_ =	strace $0xD0000000  }
0x3: {  	_ = 	snop  }
0x4: {  	_ = 	snop  }
0x5: {  	_ = 	snop  }
0x6: {  	_ = 	snop  }
0x7: {  	_ = 	snop  }
__scs_overlays_trampoline_lowered:
0x8: {  	[smem:$0x3FAA] =	sst s0  }
0x9: {  	[smem:$0x3FAB] =	sst s1  }
0xa: {  	[smem:$0x3FAC] =	sst s2  }
0xb: {  	[smem:$0x3FAD] =	sst s3  }
0xc: {  	[smem:$0x3FAE] =	sst s4  }
0xd: {  	[smem:$0x3FAF] =	sst s5  }
0xe: {  	[smem:$0x3FB0] =	sst s6  }
0xf: {  	[smem:$0x3FB1] =	sst s7  }
0x10: {  	[smem:$0x3FB2] =	sst s8  }
0x11: {  	[smem:$0x3FB3] =	sst s9;
	s0 =	simm.s32 @!p0 $0x0  }
0x12: {  	s1 =	sld [smem:$0x3F99];
	s0 =	simm.s32 @p0 $0x1  }
0x13: {  	[smem:$0x3FB4] =	sst s0;
	s0 =	simm.s32 @!p1 $0x0  }
0x14: {  	s2 =	sld [smem:$0x3F98];
	s0 =	simm.s32 @p1 $0x1  }
0x15: {  	[smem:$0x3FB5] =	sst s0;
	s0 =	simm.s32 @!p2 $0x0  }
0x16: {  	s3 =	sld [smem:$0x3FDB];
	s0 =	simm.s32 @p2 $0x1  }
0x17: {  	s4 =	simm.s32 $0x1BF5;
	[smem:$0x3FB7] =	sst s0  }
0x18: {  	s0 =	sld [smem:$0x3F9A];
	_ =	swait.ge [sflag:s4], $0x0  }
0x19: {  	s7 =	sld [smem:$0x3F9B]  }
0x1a: {  	s8 =	sadd.s32 $0xFFFFE003, lr  }
0x1b: {  	s9 =	sadd.s32 $0xFFFFFEF7, lr;
	s5 =	simm.s32 $0xFFFFFFFF;
	p2 =	slt.u32 s8, $0xFFFFF086  }
0x1c: {  	p1 =	slt.u32 s9, $0xF7A;
	s5 =	simm.s32 @!p2 $0x0  }
0x1d: {  	s5 =	simm.s32 @p1 $0x1;
	p0 =	seq.s32 s7, s2  }
0x1e: {  	s7 =	smul.u32 @!p0 $0xF7A, s2;
	p2 =	seq.s32 @!p0 s5, $0x0  }
0x1f: {  	s9 =	smul.u32 $0xF7A, s1;
	s8 =	simm.s32 @!p0 $0x1BF5;
	p2 =	por !p2, p0  }
0x20: {  	[sflag:s8] =	ssyncset.s32 @!p0 $0xFFFFF086;
	s6 =	sadd.s32 @!p0 s3, s7;
	s7 =	simm.s32 @!p0 $0x108  }
0x21: {  	s3 =	sadd.s32 s3, s9;
	s6 =	sadd.s32 @!p0 $0x88, s6;
	s7 =	simm.s32 @p2 $0x1082  }
0x22: {  	[simem:s7], [sflag:s8] =	dma.local @!p0 [hbm:s6], $0xF7A  }
0x23: {  	s9 =	sor.u32 $0xD0000000, s2;
	s6 =	simm.s32 $0x108;
	_ =	swait.ge @!p0 [sflag:s8], $0x0  }
0x24: {  	s3 =	sadd.s32 $0x88, s3;
	s6 =	simm.s32 @!p1 $0x1082;
	[sflag:s4] =	ssyncset.s32 $0xFFFFF086  }
0x25: {  	[simem:s6], [sflag:s4] =	dma.local [hbm:s3], $0xF7A  }
0x26: {  	[smem:$0x3F9B] =	sst s1;
	(tag) =	ssettag s2;
	_ =	strace s9  }
0x27: {  	s1 =	sld [smem:$0x3FAB]  }
0x28: {  	s2 =	sld [smem:$0x3FAC]  }
0x29: {  	s4 =	sld [smem:$0x3FAE]  }
0x2a: {  	p0 =	seq.s32 s5, $0x0;
	s5 =	sld [smem:$0x3FAF]  }
0x2b: {  	s6 =	sld [smem:$0x3FB0]  }
0x2c: {  	s7 =	sld [smem:$0x3FB1]  }
0x2d: {  	s3 =	simm.s32 $0x108;
	s8 =	sld [smem:$0x3FB2]  }
0x2e: {  	s3 =	simm.s32 @!p0 $0x1082;
	s9 =	sld [smem:$0x3FB3]  }
0x2f: {  	lr =	sadd.s32 s0, s3;
	s0 =	sld [smem:$0x3FAA]  }
0x30: {  	s3 =	sld [smem:$0x3FAD]  }
0x31: {  	[smem:$0x3FB6] =	sst s10  }
0x32: {  	s10 =	sld [smem:$0x3FB4];
	_ =	sdelay $0x3  }
0x33: {  	p0 =	seq.s32 s10, $0x1;
	s10 =	sld [smem:$0x3FB6];
	_ =	sdelay $0x3  }
0x34: {  	[smem:$0x3FB6] =	sst s10  }
0x35: {  	s10 =	sld [smem:$0x3FB5];
	_ =	sdelay $0x3  }
0x36: {  	p1 =	seq.s32 s10, $0x1;
	s10 =	sld [smem:$0x3FB6];
	_ =	sdelay $0x3  }
0x37: {  	[smem:$0x3FB6] =	sst s10  }
0x38: {  	s10 =	sld [smem:$0x3FB7]  }
0x39: {  	_ = 	snop;
	(pc) =	sbr.ind lr, $3  }
0x3a: {  	_ = 	snop  }
0x3b: {  	_ = 	snop  }
0x3c: {  	p2 =	seq.s32 s10, $0x1;
	s10 =	sld [smem:$0x3FB6]  }
0x3d: {  	_ =	shalt  }
0x3e: {  	_ =	shalt  }
0x3f: {  	_ =	shalt  }
0x40: {  	_ =	shalt  }
0x41: {  	_ =	shalt  }
0x42: {  	_ =	shalt  }
0x43: {  	_ =	shalt  }
0x44: {  	_ =	shalt  }
0x45: {  	_ =	shalt  }
0x46: {  	_ =	shalt  }
0x47: {  	_ =	shalt  }
0x48: {  	_ =	shalt  }
0x49: {  	_ =	shalt  }
0x4a: {  	_ =	shalt  }
0x4b: {  	_ =	shalt  }
0x4c: {  	_ =	shalt  }
0x4d: {  	_ =	shalt  }
0x4e: {  	_ =	shalt  }
0x4f: {  	_ =	shalt  }
0x50: {  	_ =	shalt  }
0x51: {  	_ =	shalt  }
0x52: {  	_ =	shalt  }
0x53: {  	_ =	shalt  }
0x54: {  	_ =	shalt  }
0x55: {  	_ =	shalt  }
0x56: {  	_ =	shalt  }
0x57: {  	_ =	shalt  }
0x58: {  	_ =	shalt  }
0x59: {  	_ =	shalt  }
0x5a: {  	_ =	shalt  }
0x5b: {  	_ =	shalt  }
0x5c: {  	_ =	shalt  }
0x5d: {  	_ =	shalt  }
0x5e: {  	_ =	shalt  }
0x5f: {  	_ =	shalt  }
0x60: {  	_ =	shalt  }
0x61: {  	_ =	shalt  }
0x62: {  	_ =	shalt  }
0x63: {  	_ =	shalt  }
0x64: {  	_ =	shalt  }
0x65: {  	_ =	shalt  }
0x66: {  	_ =	shalt  }
0x67: {  	_ =	shalt  }
0x68: {  	_ =	shalt  }
0x69: {  	_ =	shalt  }
0x6a: {  	_ =	shalt  }
0x6b: {  	_ =	shalt  }
0x6c: {  	_ =	shalt  }
0x6d: {  	_ =	shalt  }
0x6e: {  	_ =	shalt  }
0x6f: {  	_ =	shalt  }
0x70: {  	_ =	shalt  }
0x71: {  	_ =	shalt  }
0x72: {  	_ =	shalt  }
0x73: {  	_ =	shalt  }
0x74: {  	_ =	shalt  }
0x75: {  	_ =	shalt  }
0x76: {  	_ =	shalt  }
0x77: {  	_ =	shalt  }
0x78: {  	_ =	shalt  }
0x79: {  	_ =	shalt  }
0x7a: {  	_ =	shalt  }
0x7b: {  	_ =	shalt  }
0x7c: {  	_ =	shalt  }
0x7d: {  	_ =	shalt  }
0x7e: {  	_ =	shalt  }
0x7f: {  	_ =	shalt  }
0x80: {  	_ =	shalt  }
0x81: {  	_ =	shalt  }
0x82: {  	_ =	shalt  }
0x83: {  	_ =	shalt  }
0x84: {  	_ =	shalt  }
0x85: {  	_ =	shalt  }
0x86: {  	_ =	shalt  }
0x87: {  	_ =	shalt  }
.Lfunc_end0:
.L_simem_size_0:
called_computation_lowered:
.L_overlay_start_0:
0x88: {  	s2 =	sld [smem:$0x3FD9]  }
0x89: {  	s3 =	sld [smem:$0x3FFE];
	_ =	sdelay $0x1  }
0x8a: {  	s1 =	srdreg.scid  }
0x8b: {  	s0 =	sand.u32 $0x1, s1  }
0x8c: {  	s17 =	sshll.u32 s0, $0xA;
	s2 =	sadd.s32 s3, s2  }
0x8d: {  	s2 =	sadd.s32 s2, s17  }
0x8e: {  	[smem:$0x3FC2] =	sst s2  }
0x8f: {  	_ = 	snop  }
0x90: {  	s2 =	sld [smem:$0x3FD0];
	(tm) =	ssettm $0x1  }
0x91: {  	s18 =	sld [smem:$0x3FFB];
	_ =	sdelay $0x3  }
0x92: {  	_ =	strace s18  }
0x93: {  	s3 =	sld [smem:$0x3FFC];
	_ =	sdelay $0x3  }
0x94: {  	_ =	strace s3  }
0x95: {  	s3 =	sld [smem:$0x3FFD];
	_ =	sdelay $0x3  }
0x96: {  	_ =	strace s3  }
0x97: {  	_ =	strace $0x8FFFFFFF  }
0x98: {  	s19 =	sld [smem:$0x3FDB];
	_ =	sdelay $0x1  }
0x99: {  	s4 =	simm.s32 $_scs_section_size  }
0x9a: {  	s5 =	simm.s32 $_size__tile_overlayer_lowered;
	s6 =	simm.s32 $_tile_overlayer_lowered  }
0x9b: {  	s22 =	simm.s32 $0x1BFF;
	s21 =	sshll.u32 s6, $0x1;
	s3 =	sadd.s32 s4, s19  }
0x9c: {  	s7 =	simm.s32 $0x0;
	s20 =	sshll.u32 s5, $0x1;
	s5 =	sadd.s32 s21, s3  }
0x9d: {  	[timem:s7], [sflag:s22] =	dma.local [hbm:s5], s20  }
0x9e: {  	_ =	swait.ge [sflag:s22], s20  }
0x9f: {  	s4 =	ssub.s32 $0x0, s20;
	[sflag:s22] =	ssyncset.done $0x0  }
0xa0: {  	[sflag:s22] =	ssyncadd.s32 s4;
	_ =	sdelay $0x1  }
0xa1: {  	s23 =	simm.s32 $0x1B8B  }
0xa2: {  	_ =	swait.ge [sflag:s23], $0x1  }
0xa3: {  	[sflag:s23] =	ssyncset.done $0x0  }
0xa4: {  	s25 =	simm.s32 $0x1B8E;
	s24 =	sld [smem:$0x3FFE];
	[sflag:s23] =	ssyncadd.s32 $0xFFFFFFFF  }
0xa5: {  	s26 =	simm.s32 $execute0_lowered;
	[smem:$0x3FD2] =	sst s25  }
0xa6: {  	s5 =	sshll.u32 s26, $0x1;
	_ =	strace $0x80000046;
	[dreg:$0x1] =	wrdreg $0xFFFFFFFF  }
0xa7: {  	s28 =	simm.s32 $_size_execute0_lowered;
	s3 =	sadd.s32 s3, s5;
	[dreg:$0x0] =	wrdreg $0x0  }
0xa8: {  	s5 =	sshll.u32 s28, $0x1;
	[dreg:$0x2] =	wrdreg s3  }
0xa9: {  	[dreg:$0x3] =	wrdreg s5  }
0xaa: {  	[dreg:$0x4] =	wrdreg $0xC0  }
0xab: {  	_ =	task [dreg:s7], $0x5FFFF  }
0xac: {  	[dreg:$0x1] =	wrdreg $0xFFFFFFFF  }
0xad: {  	[dreg:$0x0] =	wrdreg $0x60  }
0xae: {  	[dreg:$0x2] =	wrdreg s24  }
0xaf: {  	[dreg:$0x3] =	wrdreg s2  }
0xb0: {  	[dreg:$0x4] =	wrdreg $0x2A300  }
0xb1: {  	[dreg:$0x5] =	wrdreg $0x9  }
0xb2: {  	_ =	task.clear_ibuf [dreg:s7], $0x6FFFF;
	_ =	strace $0x90000046  }
0xb3: {  	s29 =	simm.s32 $0x9;
	_ =	strace $0x80000048  }
0xb4: {  	_ =	swait.ge [sflag:s29], $0x1  }
0xb5: {  	[sflag:s29] =	ssyncadd.s32 $0xFFFFFFFF  }
0xb6: {  	_ =	strace $0x90000048  }
0xb7: {  	_ =	sfence  }
0xb8: {  	s30 =	sld [smem:$0x0];
	_ =	sdelay $0x2  }
0xb9: {  	s31 =	sshll.u32 s1, $0xD;
	s1 =	sshrl.u32 s1, $0x2  }
0xba: {  	s3 =	sand.u32 $0x4000, s31;
	s1 =	sadd.s32 s1, s30  }
0xbb: {  	s0 =	sor.u32 s3, s0;
	s1 =	sshll.u32 s1, $0x11  }
0xbc: {  	s0 =	sor.u32 s1, s0  }
0xbd: {  	s0 =	sadd.s32 $0x8F2B, s0  }
0xbe: {  	[sflag:s0] =	ssyncadd.remote.s32 $0x1  }
0xbf: {  	_ =	sfence.sel $0xFFFF  }
0xc0: {  	[dreg:$0x0] =	wrdreg $0xFFFFFFFF;
	(pc) =	sbr.abs _section_cstart, $3  }
0xc1: {  	[dreg:$0x1] =	wrdreg $0xFFFFFFFF  }
0xc2: {  	_ =	task.clear_ibuf [dreg:s7], $0x2FFFF;
	_ =	strace $0x9FFFFFFF  }
0xc3: {  	(tm) =	ssettm $0x7FFFFFFF  }
tec
execute0_lowered:
.L_overlay_start_1:
0x0: {  	(tag) =	ssettag $0x1  }
0x1: {  	s5 =	rddreg [dreg:$0x0]  }
0x2: {  	s6 =	rddreg [dreg:$0x1]  }
0x3: {  	s0 =	srdreg.scid;
	s2 =	rddreg [dreg:$0x2]  }
0x4: {  	s3 =	simm.s32 $0x0;
	s10 =	simm.s32 $0x50;
	s11 =	simm.s32 $0x2710  }
0x5: {  	s12 =	simm.s32 $0x2760;
	s4 =	sand.u32 $0x1, s0;
	s0 =	stileid.u32  }
0x6: {  	s15 =	simm.s32 $0x0;
	[smem:$0x7FF] =	sst s3;
	s8 =	smul.u32 $0x280, s0  }
0x7: {  	s1 =	sshll.u32 s4, $0x4;
	s9 =	smul.u32 $0x2800, s4;
	s4 =	ssub.s32 $0x2, s4  }
0x8: {  	s13 =	sshll.u32 s0, $0x6;
	s1 =	sor.u32 s0, s1;
	s31 =	sshrl.u32 s4, $0x1  }
0x9: {  	s13 =	sor.u32 $0x1C01, s13;
	s7 =	smul.u32 $0x4E2, s1;
	s9 =	sadd.s32 s8, s9  }
0xa: {  	s1 =	rddreg [dreg:$0x3];
	_ =	strace $0x80000047;
	s9 =	sshrl.u32 s9, $0x3  }
0xb: {  	s5 =	sadd.s32 s7, s5;
	s7 =	ssub.s32 s4, s31;
	s6 =	sadd.s32 s6, s9  }
0xc: {  	s9 =	simm.s32 $0x27B0;
	s4 =	sadd.s32 $0x1C00, s5;
	s5 =	sadd.s32 s8, s2  }
0xd: {  	v0 =	vimm.f32 $1.000000000e+00;
	v1 =	vimm.f32 $0.0e+00;
	s7 =	smax.u32 s7, $0x1;
	s8 =	simm.s32 $0x1;
	s14 =	sshrl.u32 s5, $0x3  }
.LBB2_1:
0xe: {  	[tilespmem:$0x2760] =	vst v0  }
0xf: {  	[tilespmem:$0x2770] =	vst v0  }
0x10: {  	[tilespmem:$0x2780] =	vst v0  }
0x11: {  	[tilespmem:$0x2790] =	vst v0  }
0x12: {  	[tilespmem:$0x27A0] =	vst v0  }
0x13: {  	[tilespmem:$0x27B0] =	vst v1  }
0x14: {  	[tilespmem:$0x27C0] =	vst v1  }
0x15: {  	[tilespmem:$0x27D0] =	vst v1  }
0x16: {  	[tilespmem:$0x27E0] =	vst v1  }
0x17: {  	[tilespmem:$0x27F0] =	vst v1  }
0x18: {  	[tilespmem:$0x2800] =	vst v1  }
0x19: {  	[tilespmem:$0x2810] =	vst v1  }
0x1a: {  	[tilespmem:$0x2820] =	vst v1  }
0x1b: {  	[tilespmem:$0x2830] =	vst v1  }
0x1c: {  	[tilespmem:$0x2840] =	vst v1  }
0x1d: {  	[tilespmem:$0x2850] =	vst v1  }
0x1e: {  	[tilespmem:$0x2860] =	vst v1  }
0x1f: {  	[tilespmem:$0x2870] =	vst v1  }
0x20: {  	[tilespmem:$0x2880] =	vst v1  }
0x21: {  	[tilespmem:$0x2890] =	vst v1  }
0x22: {  	[tilespmem:$0x28A0] =	vst v1  }
0x23: {  	[tilespmem:$0x28B0] =	vst v1  }
0x24: {  	[tilespmem:$0x28C0] =	vst v1  }
0x25: {  	[tilespmem:$0x28D0] =	vst v1  }
0x26: {  	[tilespmem:$0x28E0] =	vst v1  }
0x27: {  	[tilespmem:$0x28F0] =	vst v1  }
0x28: {  	[tilespmem:$0x2900] =	vst v1  }
0x29: {  	[tilespmem:$0x2910] =	vst v1  }
0x2a: {  	[tilespmem:$0x2920] =	vst v1  }
0x2b: {  	[tilespmem:$0x2930] =	vst v1  }
0x2c: {  	[tilespmem:$0x2940] =	vst v1  }
0x2d: {  	[tilespmem:$0x2950] =	vst v1  }
0x2e: {  	[tilespmem:$0x2960] =	vst v1  }
0x2f: {  	[tilespmem:$0x2970] =	vst v1  }
0x30: {  	[tilespmem:$0x2980] =	vst v1  }
0x31: {  	[tilespmem:$0x2990] =	vst v1  }
0x32: {  	[tilespmem:$0x29A0] =	vst v1  }
0x33: {  	[tilespmem:$0x29B0] =	vst v1  }
0x34: {  	[tilespmem:$0x29C0] =	vst v1  }
0x35: {  	[tilespmem:$0x29D0] =	vst v1  }
0x36: {  	[tilespmem:$0x29E0] =	vst v1  }
0x37: {  	[tilespmem:$0x29F0] =	vst v1  }
0x38: {  	[tilespmem:$0x2A00] =	vst v1  }
0x39: {  	[tilespmem:$0x2A10] =	vst v1  }
0x3a: {  	[tilespmem:$0x2A20] =	vst v1  }
0x3b: {  	[tilespmem:s3], [sflag:$0x1] =	stream.linear.gather [hbm4b:s4+s3], $0x2710, $0x38;
	[tilespmem:$0x2CB0] =	vst v63  }
0x3c: {  	_ =	swait.ge [sflag:s8], $0x2710  }
0x3d: {  	[sflag:s8] =	ssyncset.done $0x0  }
0x3e: {  	[sflag:s8] =	ssyncadd.s32 $0xFFFFD8F0  }
0x3f: {  	[spmem:s5] =	stream.linear.scatter [tilespmem:s9], [sflag:$0x1], $0x280, $0x38;
	[tilespmem:$0x2CB0] =	vst v63  }
0x40: {  	_ =	swait.ge [sflag:s8], $0x280  }
0x41: {  	[sflag:s8] =	ssyncset.done $0x0  }
0x42: {  	[sflag:s8] =	ssyncadd.s32 $0xFFFFFD80  }
0x43: {  	s16 =	simm.s32 $0x0;
	[bflag:$0x0] =	sbarrier.arrive $0xFFFF  }
0x44: {  	v2 =	vld [tilespmem:s16+$0x0];
	_ =	sdelay $0x4  }
0x45: {  	[tilespmem:$0x2710] =	vst v2  }
0x46: {  	v2 =	vld [tilespmem:s16+$0x10];
	_ =	sdelay $0x4  }
0x47: {  	[tilespmem:$0x2720] =	vst v2  }
0x48: {  	v2 =	vld [tilespmem:s16+$0x20];
	_ =	sdelay $0x4  }
0x49: {  	[tilespmem:$0x2730] =	vst v2  }
0x4a: {  	v2 =	vld [tilespmem:s16+$0x30];
	_ =	sdelay $0x4  }
0x4b: {  	[tilespmem:$0x2740] =	vst v2  }
0x4c: {  	v2 =	vld [tilespmem:s16+$0x40];
	_ =	sdelay $0x4  }
0x4d: {  	[tilespmem:$0x2750] =	vst v2  }
0x4e: {  	[spmem:s2] =	stream.indirect.scatter.add.f32 [tilespmem:s12], [sflag:$0x1], $0x1, s11, s10, $0xb8;
	[tilespmem:$0x2CB0] =	vst v63  }
0x4f: {  	_ =	swait.ge [sflag:s8], $0x50  }
0x50: {  	s17 =	simm.s32 $0x280;
	s16 =	simm.s32 $0x140;
	[sflag:s8] =	ssyncset.done $0x0  }
.LBB2_2:
0x51: {  	s18 =	sshra.s32 s16, $0x2  }
0x52: {  	[sflag:s8] =	ssyncadd.s32 $0xFFFFFFB0;
	s16 =	smov.u32 s17;
	s19 =	sadd.s32 $0x140, s17  }
0x53: {  	p0 =	sne.s32 s17, $0x9B00;
	v2 =	vld [tilespmem:s18+$0x0];
	_ =	sdelay $0x4  }
0x54: {  	[tilespmem:$0x2710] =	vst v2  }
0x55: {  	v2 =	vld [tilespmem:s18+$0x10];
	_ =	sdelay $0x4  }
0x56: {  	[tilespmem:$0x2720] =	vst v2  }
0x57: {  	v2 =	vld [tilespmem:s18+$0x20];
	_ =	sdelay $0x4  }
0x58: {  	[tilespmem:$0x2730] =	vst v2  }
0x59: {  	v2 =	vld [tilespmem:s18+$0x30];
	_ =	sdelay $0x4  }
0x5a: {  	[tilespmem:$0x2740] =	vst v2  }
0x5b: {  	v2 =	vld [tilespmem:s18+$0x40];
	_ =	sdelay $0x3  }
.Ltmp0:
0x5c: {  	(pc) =	sbr.rel @p0 .LBB2_2-.Ltmp0, $4  }
0x5d: {  	[tilespmem:$0x2750] =	vst v2  }
0x5e: {  	[spmem:s2] =	stream.indirect.scatter.add.f32 [tilespmem:s12], [sflag:$0x1], $0x1, s11, s10, $0xb8;
	[tilespmem:$0x2CB0] =	vst v63  }
0x5f: {  	_ =	swait.ge [sflag:s8], $0x50  }
0x60: {  	s17 =	smov.u32 s19;
	[sflag:s8] =	ssyncset.done $0x0  }
0x61: {  	s16 =	sshra.s32 s16, $0x2;
	[sflag:s8] =	ssyncadd.s32 $0xFFFFFFB0  }
0x62: {  	v2 =	vld [tilespmem:s16+$0x0];
	_ =	sdelay $0x4  }
0x63: {  	[tilespmem:$0x2710] =	vst v2  }
0x64: {  	v2 =	vld [tilespmem:s16+$0x10];
	_ =	sdelay $0x4  }
0x65: {  	[tilespmem:$0x2720] =	vst v2  }
0x66: {  	v2 =	vld [tilespmem:s16+$0x20];
	_ =	sdelay $0x4  }
0x67: {  	[tilespmem:$0x2730] =	vst v2  }
0x68: {  	v2 =	vld [tilespmem:s16+$0x30];
	_ =	sdelay $0x4  }
0x69: {  	[tilespmem:$0x2740] =	vst v2  }
0x6a: {  	v2 =	vld [tilespmem:s16+$0x40];
	_ =	sdelay $0x4  }
0x6b: {  	[tilespmem:$0x2750] =	vst v2  }
0x6c: {  	[spmem:s2] =	stream.indirect.scatter.add.f32 [tilespmem:s12], [sflag:$0x1], $0x1, s11, s10, $0xb8;
	[tilespmem:$0x2CB0] =	vst v63  }
0x6d: {  	_ =	swait.ge [sflag:s8], $0x50  }
0x6e: {  	s15 =	sadd.s32 $0x1, s15;
	[sflag:s8] =	ssyncset.done $0x0  }
0x6f: {  	p0 =	sne.s32 s15, s7;
	[sflag:s8] =	ssyncadd.s32 $0xFFFFFFB0  }
.Ltmp1:
0x70: {  	[bflag:$0x0] =	sbarrier.arrive $0xFFFF;
	(pc) =	sbr.rel @p0 .LBB2_1-.Ltmp1, $4  }
0x71: {  	[hbm:s6], [sflag:s13] =	dma.local [spmem:s14], $0x50  }
0x72: {  	_ =	swait.ge [sflag:s8], $0x50  }
0x73: {  	[sflag:s8] =	ssyncset.done $0x0  }
0x74: {  	[sflag:s8] =	ssyncadd.s32 $0xFFFFFFB0  }
0x75: {  	_ =	sfence.sel $0x180000  }
0x76: {  	[bflag:$0x0] =	sbarrier.arrive $0xFFFF  }
0x77: {  	p0 =	sne.s32 s0, $0x0;
	_ =	strace $0x90000047  }
0x78: {  	s0 =	sadd.s32 @!p0 $0x100000, s1;
	[bflag:$0x2] =	sbarrier.arrive $0xFFFF  }
0x79: {  	[sflag:s0] =	ssyncadd.tile.s32 @!p0 $0x1;
	_ =	shalt  }
.Lfunc_end2:
_tile_overlayer_lowered:
.L_overlay_start_2:
0x7a: {  	(tag) =	ssettag $0x2  }
0x7b: {  	s0 =	rddreg [dreg:$0x0];
	s2 =	stileid.u32  }
0x7c: {  	s1 =	rddreg [dreg:$0x1];
	p0 =	sne.s32 s2, $0x0  }
0x7d: {  	s3 =	rddreg [dreg:$0x2];
	[bflag:$0x3] =	sbarrier.arrive $0xFFFF;
	s2 =	simm.s32 @!p0 $0x1C01  }
0x7e: {  	[timem:s3], [sflag:s2] =	dma.local @!p0 [hbm:s0], s1  }
0x7f: {  	s0 =	simm.s32 @!p0 $0x1  }
0x80: {  	_ =	swait.ge @!p0 [sflag:s0], s1  }
0x81: {  	s1 =	ssub.s32 @!p0 $0x0, s1;
	[sflag:s0] =	ssyncset.done @!p0 $0x0  }
0x82: {  	[sflag:s0] =	ssyncadd.s32 @!p0 s1  }
0x83: {  	[bflag:$0x3] =	sbarrier.arrive $0xFFFF  }
0x84: {  	_ =	shalt  }

</sc_bundles>
